<compile_context>
chip_gen: v7x
topology: tpu7x:2x2x1
jax: 0.10.2.dev20260603
libtpu: 0.0.44.dev20260713+nightly
codegen_flags: <defaults>
</compile_context>

<pallas_src>
import functools

import jax
import jax.numpy as jnp
from jax import lax
from jax.experimental import pallas as pl
from jax.experimental.pallas import tpu as pltpu
from jax.experimental.pallas import tpu_sc as plsc

N = 100000
NP = 100352
E = 1600000
EP = 1605632
G = 64
ROWS = EP // 128
SLAB = NP // 16

_MESH = plsc.VectorSubcoreMesh(core_axis_name="c", subcore_axis_name="s")
_F32 = jnp.float32


def _zero_vmem(ref, nrows):
    if len(ref.shape) == 2:
        def zf(i, carry):
            ref[i, :] = jnp.zeros((16,), _F32)
            return carry
        lax.fori_loop(0, nrows, zf, 0)
    else:
        def zf(i, carry):
            ref[pl.ds(i * 16, 16)] = jnp.zeros((16,), _F32)
            return carry
        lax.fori_loop(0, nrows, zf, 0)


@functools.partial(
    pl.kernel,
    out_type=jax.ShapeDtypeStruct((2, NP), _F32),
    mesh=_MESH,
    compiler_params=pltpu.CompilerParams(use_tc_tiling_on_sc=False),
    scratch_types=[
        pltpu.VMEM_SHARED((NP,), _F32),
        pltpu.VMEM((3584,), _F32),
        pltpu.VMEM((3584,), jnp.int32),
    ],
)
def _sc_deg(dst_hbm, out_hbm, acc, onesb, dstb):
    c = lax.axis_index("c")
    s = lax.axis_index("s")
    def zf(i, carry):
        onesb[pl.ds(i * 16, 16)] = jnp.zeros((16,), _F32)
        return carry
    lax.fori_loop(0, 224, zf, 0)
    pltpu.sync_copy(onesb, acc.at[pl.ds(s * SLAB, 3584)])
    pltpu.sync_copy(onesb.at[pl.ds(0, 2688)], acc.at[pl.ds(s * SLAB + 3584, 2688)])
    def of(i, carry):
        onesb[pl.ds(i * 16, 16)] = jnp.full((16,), 1.0, _F32)
        return carry
    lax.fori_loop(0, 224, of, 0)
    plsc.subcore_barrier()
    base = (c * 16 + s) * 50176
    def win(w, carry):
        pltpu.sync_copy(dst_hbm.at[pl.ds(base + w * 3584, 3584)], dstb)
        pltpu.sync_copy(onesb, acc.at[dstb], add=True)
        return carry
    lax.fori_loop(0, 14, win, 0)
    plsc.subcore_barrier()
    pltpu.sync_copy(acc.at[pl.ds(s * SLAB, SLAB)], out_hbm.at[c, pl.ds(s * SLAB, SLAB)])


@functools.partial(
    pl.kernel,
    out_type=jax.ShapeDtypeStruct((2, NP), _F32),
    mesh=_MESH,
    compiler_params=pltpu.CompilerParams(use_tc_tiling_on_sc=False),
    scratch_types=[
        pltpu.VMEM_SHARED((NP,), _F32),
        pltpu.VMEM((3584,), jnp.int32), pltpu.VMEM((3584,), jnp.int32),
        pltpu.VMEM((3584,), jnp.int32), pltpu.VMEM((3584,), jnp.int32),
        pltpu.VMEM((3584,), _F32), pltpu.VMEM((3584,), _F32),
        pltpu.SemaphoreType.DMA, pltpu.SemaphoreType.DMA,
    ],
)
def _sc_seg1(vals_hbm, src_hbm, dst_hbm, out_hbm, acc,
             idx0, idx1, dst0, dst1, row0, row1, sem0, sem1):
    c = lax.axis_index("c")
    s = lax.axis_index("s")
    idxb = (idx0, idx1)
    dstb = (dst0, dst1)
    rowb = (row0, row1)
    sems = (sem0, sem1)
    def zf(i, carry):
        row0[pl.ds(i * 16, 16)] = jnp.zeros((16,), _F32)
        return carry
    lax.fori_loop(0, 224, zf, 0)
    pltpu.sync_copy(row0, acc.at[pl.ds(s * SLAB, 3584)])
    pltpu.sync_copy(row0.at[pl.ds(0, 2688)], acc.at[pl.ds(s * SLAB + 3584, 2688)])
    plsc.subcore_barrier()
    base = (c * 16 + s) * 50176
    NW = 14
    pltpu.sync_copy(src_hbm.at[pl.ds(base, 3584)], idx0)
    pltpu.sync_copy(dst_hbm.at[pl.ds(base, 3584)], dst0)
    pltpu.async_copy(vals_hbm.at[idx0], row0, sem0)
    def pair(p, carry):
        for b in (0, 1):
            w = p * 2 + b
            nb = 1 - b
            @pl.when(w + 1 < NW)
            def _():
                e1 = base + (w + 1) * 3584
                pltpu.sync_copy(src_hbm.at[pl.ds(e1, 3584)], idxb[nb])
                pltpu.sync_copy(dst_hbm.at[pl.ds(e1, 3584)], dstb[nb])
                pltpu.async_copy(vals_hbm.at[idxb[nb]], rowb[nb], sems[nb])
            pltpu.make_async_copy(vals_hbm.at[idxb[b]], rowb[b], sems[b]).wait()
            pltpu.sync_copy(rowb[b], acc.at[dstb[b]], add=True)
        return carry
    lax.fori_loop(0, NW // 2, pair, 0)
    plsc.subcore_barrier()
    pltpu.sync_copy(acc.at[pl.ds(s * SLAB, SLAB)], out_hbm.at[c, pl.ds(s * SLAB, SLAB)])


@functools.partial(
    pl.kernel,
    out_type=jax.ShapeDtypeStruct((NP, 64), _F32),
    mesh=_MESH,
    compiler_params=pltpu.CompilerParams(use_tc_tiling_on_sc=False),
    scratch_types=[
        pltpu.VMEM_SHARED((NP, 16), _F32),
        pltpu.VMEM((512,), jnp.int32), pltpu.VMEM((512,), jnp.int32),
        pltpu.VMEM((512,), jnp.int32), pltpu.VMEM((512,), jnp.int32),
        pltpu.VMEM((512, 16), _F32), pltpu.VMEM((512, 16), _F32),
        pltpu.SemaphoreType.DMA, pltpu.SemaphoreType.DMA,
    ],
)
def _sc_seg16(s_hbm, srcq_hbm, dst_hbm, out_hbm, acc,
              idx0, idx1, dst0, dst1, row0, row1, sem0, sem1):
    c = lax.axis_index("c")
    s = lax.axis_index("s")
    idxb = (idx0, idx1)
    dstb = (dst0, dst1)
    rowb = (row0, row1)
    sems = (sem0, sem1)
    base = s * 100352
    NW = 196

    def load_idx(nb, e0, chunk):
        pltpu.sync_copy(srcq_hbm.at[chunk, pl.ds(e0, 512)], idxb[nb])
        pltpu.sync_copy(dst_hbm.at[pl.ds(e0, 512)], dstb[nb])

    for ch in range(2):
        chunk = c * 2 + ch
        col = chunk * 16
        def zf(i, carry):
            row0[i, :] = jnp.zeros((16,), _F32)
            return carry
        lax.fori_loop(0, 512, zf, 0)
        for q in range(12):
            pltpu.sync_copy(row0, acc.at[pl.ds(s * SLAB + q * 512, 512)])
        pltpu.sync_copy(row0.at[pl.ds(0, 128)],
                        acc.at[pl.ds(s * SLAB + 6144, 128)])
        plsc.subcore_barrier()
        load_idx(0, base, chunk)
        pltpu.async_copy(s_hbm.at[idx0], row0, sem0)
        def pair(p, carry):
            for b in (0, 1):
                w = p * 2 + b
                nb = 1 - b
                @pl.when(w + 1 < NW)
                def _():
                    load_idx(nb, base + (w + 1) * 512, chunk)
                    pltpu.async_copy(s_hbm.at[idxb[nb]], rowb[nb], sems[nb])
                pltpu.make_async_copy(s_hbm.at[idxb[b]], rowb[b], sems[b]).wait()
                pltpu.sync_copy(rowb[b], acc.at[dstb[b]], add=True)
            return carry
        lax.fori_loop(0, NW // 2, pair, 0)
        plsc.subcore_barrier()
        pltpu.sync_copy(acc.at[pl.ds(s * SLAB, SLAB)],
                        out_hbm.at[pl.ds(s * SLAB, SLAB), pl.ds(col, 16)])
        plsc.subcore_barrier()


_BS = lambda shp, idx: pl.BlockSpec(shp, idx)
_COL = _BS((1024, 1), lambda i: (i, 0))
_M64 = _BS((1024, 64), lambda i: (i, 0))
_C16 = _BS((4, 1024, 16), lambda i: (0, i, 0))
_GRID = 98


def _tc1(d0, d1, x, dis_o, s0_o, xod_o):
    deg = d0[...] + d1[...] + 1.0
    dis = lax.rsqrt(deg)
    dis_o[...] = dis
    s0_o[...] = dis * x[...]
    xod_o[...] = x[...] / deg


_tc1_call = pl.pallas_call(
    _tc1, grid=(_GRID,),
    in_specs=[_COL] * 3,
    out_specs=[_COL] * 3,
    out_shape=[jax.ShapeDtypeStruct((NP, 1), _F32)] * 3,
)


def _tc2(t00, t01, dis, xod, W1, b1, s1c_o, h1od_o):
    p0 = dis[...] * (t00[...] + t01[...]) + xod[...]
    h1 = jnp.maximum(p0 * W1[...] + b1[...], 0.0)
    d = dis[...]
    s1c_o[...] = d * h1
    h1od_o[...] = (d * d) * h1


_tc2_call = pl.pallas_call(
    _tc2, grid=(_GRID,),
    in_specs=[_COL] * 4 + [_BS((1, 64), lambda i: (0, 0))] * 2,
    out_specs=[_M64, _M64],
    out_shape=[jax.ShapeDtypeStruct((NP, 64), _F32),
               jax.ShapeDtypeStruct((NP, 64), _F32)],
)


def _tc3(t1c, dis, h1od, W2, b2, W3, s2c_o, god_o):
    t1 = t1c[...]
    d = dis[...]
    q1 = d * t1 + h1od[...]
    h2 = jnp.maximum(
        jnp.dot(q1, W2[...], preferred_element_type=_F32) + b2[...], 0.0)
    g = jnp.dot(h2, W3[...], preferred_element_type=_F32)
    s2c_o[...] = d * g
    god_o[...] = (d * d) * g


_tc3_call = pl.pallas_call(
    _tc3, grid=(_GRID,),
    in_specs=[_M64, _COL, _M64,
              _BS((64, 128), lambda i: (0, 0)),
              _BS((1, 128), lambda i: (0, 0)),
              _BS((128, 64), lambda i: (0, 0))],
    out_specs=[_M64, _M64],
    out_shape=[jax.ShapeDtypeStruct((NP, 64), _F32),
               jax.ShapeDtypeStruct((NP, 64), _F32)],
)


def _tc4(t2c, dis, god, b3, W4, s3_o, yod_o):
    t2 = t2c[...]
    d = dis[...]
    q2 = d * t2 + god[...]
    h3 = jnp.maximum(q2 + b3[...], 0.0)
    y = jnp.dot(h3, W4[...], preferred_element_type=_F32)
    s3_o[...] = d * y
    yod_o[...] = (d * d) * y


_tc4_call = pl.pallas_call(
    _tc4, grid=(_GRID,),
    in_specs=[_M64, _COL, _M64,
              _BS((1, 64), lambda i: (0, 0)),
              _BS((64, 1), lambda i: (0, 0))],
    out_specs=[_COL, _COL],
    out_shape=[jax.ShapeDtypeStruct((NP, 1), _F32)] * 2,
)


def _tc5(t30, t31, dis, yod, b4, batch, out_o, macc, cacc):
    i = pl.program_id(0)
    h4 = dis[...] * (t30[...] + t31[...]) + yod[...] + b4[0, 0]
    gids = lax.broadcasted_iota(jnp.int32, (1024, G), 1)
    onehot = (batch[...] == gids).astype(_F32)
    dnum = (((0,), (0,)), ((), ()))
    contrib = lax.dot_general(onehot, h4, dimension_numbers=dnum,
                              preferred_element_type=_F32)
    cnt = lax.dot_general(onehot, jnp.ones((1024, 1), _F32),
                          dimension_numbers=dnum,
                          preferred_element_type=_F32)

    @pl.when(i == 0)
    def _():
        macc[...] = jnp.zeros_like(macc)
        cacc[...] = jnp.zeros_like(cacc)

    macc[...] += contrib
    cacc[...] += cnt

    @pl.when(i == _GRID - 1)
    def _():
        out_o[...] = macc[...] / jnp.maximum(cacc[...], 1.0)


_tc5_call = pl.pallas_call(
    _tc5, grid=(_GRID,),
    in_specs=[_COL, _COL, _COL, _COL,
              _BS((1, 1), lambda i: (0, 0)),
              _COL],
    out_specs=pl.BlockSpec((G, 1), lambda i: (0, 0)),
    out_shape=jax.ShapeDtypeStruct((G, 1), _F32),
    scratch_shapes=[pltpu.VMEM((G, 1), _F32), pltpu.VMEM((G, 1), _F32)],
)


def kernel(x, edge_index, batch, W1, b1, W2, b2, W3, b3, W4, b4):
    src = edge_index[0]
    dst = edge_index[1]
    pad_e = EP - E
    pad_n = NP - N
    src_p = jnp.concatenate([src, jnp.full((pad_e,), N, jnp.int32)])
    srcq = (src_p * 4)[None, :] + jnp.arange(4, dtype=jnp.int32)[:, None]
    dst_p = jnp.concatenate([dst, jnp.full((pad_e,), N, jnp.int32)])
    x_p = jnp.concatenate([x[:, 0], jnp.zeros((pad_n,), _F32)]).reshape(NP, 1)
    batch_p = jnp.concatenate(
        [batch, jnp.full((pad_n,), -1, jnp.int32)]).reshape(NP, 1)

    degp = _sc_deg(dst_p)
    dis, s0, xod = _tc1_call(degp[0].reshape(NP, 1),
                             degp[1].reshape(NP, 1), x_p)
    t0p = _sc_seg1(s0.reshape(NP), src_p, dst_p)
    s1c, h1od = _tc2_call(t0p[0].reshape(NP, 1), t0p[1].reshape(NP, 1),
                          dis, xod, W1, b1.reshape(1, 64))
    t1c = _sc_seg16(s1c.reshape(NP * 4, 16), srcq, dst_p)
    s2c, god = _tc3_call(t1c, dis, h1od, W2, b2.reshape(1, 128), W3)
    t2c = _sc_seg16(s2c.reshape(NP * 4, 16), srcq, dst_p)
    s3, yod = _tc4_call(t2c, dis, god, b3.reshape(1, 64), W4)
    t3p = _sc_seg1(s3.reshape(NP), src_p, dst_p)
    return _tc5_call(t3p[0].reshape(NP, 1), t3p[1].reshape(NP, 1),
                     dis, yod, b4.reshape(1, 1), batch_p)

# --- scband reference (transcript-rebuilt; emitter-appended) ---
"""Pipeline reference for scband-enhanced-gnn-72765335929106 (READ-ONLY COPY).

The authoritative reference and input builder live on the scoring server;
editing this copy changes nothing except your own understanding.
"""

import jax, jax.numpy as jnp
import numpy as np

N = 100000
E = 1600000
G = 64


def _gcn_conv(x, src, dst, norm, W, b, n):
    # GCNConv: x' = D^{-1/2} (A+I) D^{-1/2} X W + b (self-loops already in src/dst)
    h = x @ W
    msg = h[src] * norm[:, None]
    out = jax.ops.segment_sum(msg, dst, num_segments=n)
    return out + b


def setup_inputs(seed: int = 0) -> dict:
    key = jax.random.key(seed)
    ks = jax.random.split(key, 12)
    x = jax.random.normal(ks[0], (N, 1), dtype=jnp.float32)
    edge_index = jax.random.randint(ks[1], (2, E), 0, N, dtype=jnp.int32)
    batch = jnp.sort(jax.random.randint(ks[2], (N,), 0, G, dtype=jnp.int32))
    W1 = jax.random.normal(ks[3], (1, 64), dtype=jnp.float32) * 0.1
    b1 = jnp.zeros((64,), dtype=jnp.float32)
    W2 = jax.random.normal(ks[4], (64, 128), dtype=jnp.float32) * 0.1
    b2 = jnp.zeros((128,), dtype=jnp.float32)
    W3 = jax.random.normal(ks[5], (128, 64), dtype=jnp.float32) * 0.1
    b3 = jnp.zeros((64,), dtype=jnp.float32)
    W4 = jax.random.normal(ks[6], (64, 1), dtype=jnp.float32) * 0.1
    b4 = jnp.zeros((1,), dtype=jnp.float32)
    return {"x": x, "edge_index": edge_index, "batch": batch,
            "W1": W1, "b1": b1, "W2": W2, "b2": b2,
            "W3": W3, "b3": b3, "W4": W4, "b4": b4}


def reference(x, edge_index, batch, W1, b1, W2, b2, W3, b3, W4, b4):
    n = x.shape[0]
    loop = jnp.arange(n, dtype=edge_index.dtype)
    src = jnp.concatenate([edge_index[0], loop])
    dst = jnp.concatenate([edge_index[1], loop])
    deg = jax.ops.segment_sum(jnp.ones_like(dst, dtype=x.dtype), dst, num_segments=n)
    dis = jnp.where(deg > 0, 1.0 / jnp.sqrt(deg), 0.0)
    norm = dis[src] * dis[dst]
    h = jax.nn.relu(_gcn_conv(x, src, dst, norm, W1, b1, n))
    # dropout is identity in eval mode
    h = jax.nn.relu(_gcn_conv(h, src, dst, norm, W2, b2, n))
    h = jax.nn.relu(_gcn_conv(h, src, dst, norm, W3, b3, n))
    h = _gcn_conv(h, src, dst, norm, W4, b4, n)
    counts = jax.ops.segment_sum(jnp.ones((n,), dtype=h.dtype), batch, num_segments=G)
    pooled = jax.ops.segment_sum(h, batch, num_segments=G) / jnp.maximum(counts, 1.0)[:, None]
    return pooled

if __name__ == "__main__":
    import jax
    _d = setup_inputs()
    print(jax.jit(kernel)(*tuple(_d.values())))

</pallas_src>

<mosaic_0001>
#map = affine_map<(d0, d1) -> (0, 0)>
#map1 = affine_map<(d0, d1) -> (0)>
module attributes {stable_mosaic.version = 14 : i64} {
  func.func @_sc_seg16(%arg0: i32, %arg1: i32, %arg2: memref<401408x16xf32, #tpu.memory_space<hbm>>, %arg3: memref<4x1605632xi32, #tpu.memory_space<hbm>>, %arg4: memref<1605632xi32, #tpu.memory_space<hbm>>, %arg5: memref<100352x64xf32, #tpu.memory_space<hbm>>, %arg6: memref<100352x16xf32, #tpu.memory_space<vmem_shared>>, %arg7: memref<512xi32, #tpu.memory_space<vmem>>, %arg8: memref<512xi32, #tpu.memory_space<vmem>>, %arg9: memref<512xi32, #tpu.memory_space<vmem>>, %arg10: memref<512xi32, #tpu.memory_space<vmem>>, %arg11: memref<512x16xf32, #tpu.memory_space<vmem>>, %arg12: memref<512x16xf32, #tpu.memory_space<vmem>>, %arg13: memref<!tpu.dma_semaphore, #tpu.memory_space<semaphore_mem>>, %arg14: memref<!tpu.dma_semaphore, #tpu.memory_space<semaphore_mem>>) attributes {dimension_semantics = [#tpu.dimension_semantics<core_parallel>, #tpu.dimension_semantics<subcore_parallel>], iteration_bounds = array<i64: 2, 16>, scalar_prefetch = 0 : i64, scratch_operands = 9 : i64, tpu.core_type = #tpu.core_type<sc_vector_subcore>, window_params = [{transform_indices = #map}, {transform_indices = #map}, {transform_indices = #map1}, {transform_indices = #map}]} {
    %mul3A = arith.constant 100352 : i32
    %mul3A_0 = arith.muli %arg1, %mul3A : i32
    %mul3A_1 = arith.constant 2 : i32
    %mul3A_2 = arith.muli %arg0, %mul3A_1 : i32
    %add3A = arith.constant 0 : i32
    %add3A_3 = arith.addi %mul3A_2, %add3A : i32
    %mul3A_4 = arith.constant 16 : i32
    %mul3A_5 = arith.muli %add3A_3, %mul3A_4 : i32
    %scan3A = arith.constant 0 : i32
    %scan3A_6 = arith.constant 0 : i32
    %scan3A_7 = arith.constant 512 : i32
    %scan3A_8 = arith.addi %scan3A_6, %scan3A_7 : i32
    %scan3A_9 = arith.constant 1 : i32
    scf.for %scan3A_157 = %scan3A_6 to %scan3A_8 step %scan3A_9  : i32 {
      %broadcast_in_dim3A = arith.constant 0.000000e+00 : f32
      %broadcast_in_dim3A_158 = vector.broadcast %broadcast_in_dim3A : f32 to vector<16xf32>
      %swap3A = arith.index_cast %scan3A_157 : i32 to index
      %swap3A_159 = arith.constant 0 : index
      %swap3A_160 = tpu.vector_load %arg11[%swap3A, %swap3A_159] {strides = array<i32>} : memref<512x16xf32, #tpu.memory_space<vmem>>, vector<1x16xf32>,
      %swap3A_161 = vector.shape_cast %swap3A_160 : vector<1x16xf32> to vector<16xf32>
      %swap3A_162 = vector.shape_cast %broadcast_in_dim3A_158 : vector<16xf32> to vector<1x16xf32>
      tpu.vector_store %arg11[%swap3A, %swap3A_159], %swap3A_162 {strides = array<i32>} : memref<512x16xf32, #tpu.memory_space<vmem>>, vector<1x16xf32>,
    }
    %scan3A_10 = arith.constant 512 : i32
    %mul3A_11 = arith.constant 6272 : i32
    %mul3A_12 = arith.muli %arg1, %mul3A_11 : i32
    %add3A_13 = arith.constant 0 : i32
    %add3A_14 = arith.addi %mul3A_12, %add3A_13 : i32
    "tpu.region"() ({
      %run_scoped3A = tpu.sem_alloc : memref<!tpu.dma_semaphore, #tpu.memory_space<semaphore_mem>>
      %dma_start3A_157 = arith.constant 0 : i32
      %dma_start3A_158 = tpu.memref_slice %arg6[%add3A_14, %dma_start3A_157] : memref<100352x16xf32, #tpu.memory_space<vmem_shared>> -> memref<512x16xf32, #tpu.memory_space<vmem_shared>>
      %dma_start3A_159 = arith.constant 0 : i32
      %dma_start3A_160 = tpu.memref_slice %arg6[%add3A_14, %dma_start3A_159] : memref<100352x16xf32, #tpu.memory_space<vmem_shared>> -> memref<512x16xf32, #tpu.memory_space<vmem_shared>>
      tpu.enqueue_dma source(%arg11 : memref<512x16xf32, #tpu.memory_space<vmem>>) target(%dma_start3A_160 : memref<512x16xf32, #tpu.memory_space<vmem_shared>>) target_semaphore(%run_scoped3A : memref<!tpu.dma_semaphore, #tpu.memory_space<semaphore_mem>>)
      %dma_wait3A = arith.constant 0 : i32
      %dma_wait3A_161 = tpu.memref_slice %arg6[%add3A_14, %dma_wait3A] : memref<100352x16xf32, #tpu.memory_space<vmem_shared>> -> memref<512x16xf32, #tpu.memory_space<vmem_shared>>
      %dma_wait3A_162 = arith.constant 0 : i32
      %dma_wait3A_163 = tpu.memref_slice %arg6[%add3A_14, %dma_wait3A_162] : memref<100352x16xf32, #tpu.memory_space<vmem_shared>> -> memref<512x16xf32, #tpu.memory_space<vmem_shared>>
      tpu.wait_dma2 semaphore(%run_scoped3A : memref<!tpu.dma_semaphore, #tpu.memory_space<semaphore_mem>>) src(%arg11 : memref<512x16xf32, #tpu.memory_space<vmem>>) dst(%dma_wait3A_163 : memref<512x16xf32, #tpu.memory_space<vmem_shared>>)
      tpu.yield
    }) : () -> ()
    %mul3A_15 = arith.constant 6272 : i32
    %mul3A_16 = arith.muli %arg1, %mul3A_15 : i32
    %add3A_17 = arith.constant 512 : i32
    %add3A_18 = arith.addi %mul3A_16, %add3A_17 : i32
    "tpu.region"() ({
      %run_scoped3A = tpu.sem_alloc : memref<!tpu.dma_semaphore, #tpu.memory_space<semaphore_mem>>
      %dma_start3A_157 = arith.constant 0 : i32
      %dma_start3A_158 = tpu.memref_slice %arg6[%add3A_18, %dma_start3A_157] : memref<100352x16xf32, #tpu.memory_space<vmem_shared>> -> memref<512x16xf32, #tpu.memory_space<vmem_shared>>
      %dma_start3A_159 = arith.constant 0 : i32
      %dma_start3A_160 = tpu.memref_slice %arg6[%add3A_18, %dma_start3A_159] : memref<100352x16xf32, #tpu.memory_space<vmem_shared>> -> memref<512x16xf32, #tpu.memory_space<vmem_shared>>
      tpu.enqueue_dma source(%arg11 : memref<512x16xf32, #tpu.memory_space<vmem>>) target(%dma_start3A_160 : memref<512x16xf32, #tpu.memory_space<vmem_shared>>) target_semaphore(%run_scoped3A : memref<!tpu.dma_semaphore, #tpu.memory_space<semaphore_mem>>)
      %dma_wait3A = arith.constant 0 : i32
      %dma_wait3A_161 = tpu.memref_slice %arg6[%add3A_18, %dma_wait3A] : memref<100352x16xf32, #tpu.memory_space<vmem_shared>> -> memref<512x16xf32, #tpu.memory_space<vmem_shared>>
      %dma_wait3A_162 = arith.constant 0 : i32
      %dma_wait3A_163 = tpu.memref_slice %arg6[%add3A_18, %dma_wait3A_162] : memref<100352x16xf32, #tpu.memory_space<vmem_shared>> -> memref<512x16xf32, #tpu.memory_space<vmem_shared>>
      tpu.wait_dma2 semaphore(%run_scoped3A : memref<!tpu.dma_semaphore, #tpu.memory_space<semaphore_mem>>) src(%arg11 : memref<512x16xf32, #tpu.memory_space<vmem>>) dst(%dma_wait3A_163 : memref<512x16xf32, #tpu.memory_space<vmem_shared>>)
      tpu.yield
    }) : () -> ()
    %mul3A_19 = arith.constant 6272 : i32
    %mul3A_20 = arith.muli %arg1, %mul3A_19 : i32
    %add3A_21 = arith.constant 1024 : i32
    %add3A_22 = arith.addi %mul3A_20, %add3A_21 : i32
    "tpu.region"() ({
      %run_scoped3A = tpu.sem_alloc : memref<!tpu.dma_semaphore, #tpu.memory_space<semaphore_mem>>
      %dma_start3A_157 = arith.constant 0 : i32
      %dma_start3A_158 = tpu.memref_slice %arg6[%add3A_22, %dma_start3A_157] : memref<100352x16xf32, #tpu.memory_space<vmem_shared>> -> memref<512x16xf32, #tpu.memory_space<vmem_shared>>
      %dma_start3A_159 = arith.constant 0 : i32
      %dma_start3A_160 = tpu.memref_slice %arg6[%add3A_22, %dma_start3A_159] : memref<100352x16xf32, #tpu.memory_space<vmem_shared>> -> memref<512x16xf32, #tpu.memory_space<vmem_shared>>
      tpu.enqueue_dma source(%arg11 : memref<512x16xf32, #tpu.memory_space<vmem>>) target(%dma_start3A_160 : memref<512x16xf32, #tpu.memory_space<vmem_shared>>) target_semaphore(%run_scoped3A : memref<!tpu.dma_semaphore, #tpu.memory_space<semaphore_mem>>)
      %dma_wait3A = arith.constant 0 : i32
      %dma_wait3A_161 = tpu.memref_slice %arg6[%add3A_22, %dma_wait3A] : memref<100352x16xf32, #tpu.memory_space<vmem_shared>> -> memref<512x16xf32, #tpu.memory_space<vmem_shared>>
      %dma_wait3A_162 = arith.constant 0 : i32
      %dma_wait3A_163 = tpu.memref_slice %arg6[%add3A_22, %dma_wait3A_162] : memref<100352x16xf32, #tpu.memory_space<vmem_shared>> -> memref<512x16xf32, #tpu.memory_space<vmem_shared>>
      tpu.wait_dma2 semaphore(%run_scoped3A : memref<!tpu.dma_semaphore, #tpu.memory_space<semaphore_mem>>) src(%arg11 : memref<512x16xf32, #tpu.memory_space<vmem>>) dst(%dma_wait3A_163 : memref<512x16xf32, #tpu.memory_space<vmem_shared>>)
      tpu.yield
    }) : () -> ()
    %mul3A_23 = arith.constant 6272 : i32
    %mul3A_24 = arith.muli %arg1, %mul3A_23 : i32
    %add3A_25 = arith.constant 1536 : i32
    %add3A_26 = arith.addi %mul3A_24, %add3A_25 : i32
    "tpu.region"() ({
      %run_scoped3A = tpu.sem_alloc : memref<!tpu.dma_semaphore, #tpu.memory_space<semaphore_mem>>
      %dma_start3A_157 = arith.constant 0 : i32
      %dma_start3A_158 = tpu.memref_slice %arg6[%add3A_26, %dma_start3A_157] : memref<100352x16xf32, #tpu.memory_space<vmem_shared>> -> memref<512x16xf32, #tpu.memory_space<vmem_shared>>
      %dma_start3A_159 = arith.constant 0 : i32
      %dma_start3A_160 = tpu.memref_slice %arg6[%add3A_26, %dma_start3A_159] : memref<100352x16xf32, #tpu.memory_space<vmem_shared>> -> memref<512x16xf32, #tpu.memory_space<vmem_shared>>
      tpu.enqueue_dma source(%arg11 : memref<512x16xf32, #tpu.memory_space<vmem>>) target(%dma_start3A_160 : memref<512x16xf32, #tpu.memory_space<vmem_shared>>) target_semaphore(%run_scoped3A : memref<!tpu.dma_semaphore, #tpu.memory_space<semaphore_mem>>)
      %dma_wait3A = arith.constant 0 : i32
      %dma_wait3A_161 = tpu.memref_slice %arg6[%add3A_26, %dma_wait3A] : memref<100352x16xf32, #tpu.memory_space<vmem_shared>> -> memref<512x16xf32, #tpu.memory_space<vmem_shared>>
      %dma_wait3A_162 = arith.constant 0 : i32
      %dma_wait3A_163 = tpu.memref_slice %arg6[%add3A_26, %dma_wait3A_162] : memref<100352x16xf32, #tpu.memory_space<vmem_shared>> -> memref<512x16xf32, #tpu.memory_space<vmem_shared>>
      tpu.wait_dma2 semaphore(%run_scoped3A : memref<!tpu.dma_semaphore, #tpu.memory_space<semaphore_mem>>) src(%arg11 : memref<512x16xf32, #tpu.memory_space<vmem>>) dst(%dma_wait3A_163 : memref<512x16xf32, #tpu.memory_space<vmem_shared>>)
      tpu.yield
    }) : () -> ()
    %mul3A_27 = arith.constant 6272 : i32
    %mul3A_28 = arith.muli %arg1, %mul3A_27 : i32
    %add3A_29 = arith.constant 2048 : i32
    %add3A_30 = arith.addi %mul3A_28, %add3A_29 : i32
    "tpu.region"() ({
      %run_scoped3A = tpu.sem_alloc : memref<!tpu.dma_semaphore, #tpu.memory_space<semaphore_mem>>
      %dma_start3A_157 = arith.constant 0 : i32
      %dma_start3A_158 = tpu.memref_slice %arg6[%add3A_30, %dma_start3A_157] : memref<100352x16xf32, #tpu.memory_space<vmem_shared>> -> memref<512x16xf32, #tpu.memory_space<vmem_shared>>
      %dma_start3A_159 = arith.constant 0 : i32
      %dma_start3A_160 = tpu.memref_slice %arg6[%add3A_30, %dma_start3A_159] : memref<100352x16xf32, #tpu.memory_space<vmem_shared>> -> memref<512x16xf32, #tpu.memory_space<vmem_shared>>
      tpu.enqueue_dma source(%arg11 : memref<512x16xf32, #tpu.memory_space<vmem>>) target(%dma_start3A_160 : memref<512x16xf32, #tpu.memory_space<vmem_shared>>) target_semaphore(%run_scoped3A : memref<!tpu.dma_semaphore, #tpu.memory_space<semaphore_mem>>)
      %dma_wait3A = arith.constant 0 : i32
      %dma_wait3A_161 = tpu.memref_slice %arg6[%add3A_30, %dma_wait3A] : memref<100352x16xf32, #tpu.memory_space<vmem_shared>> -> memref<512x16xf32, #tpu.memory_space<vmem_shared>>
      %dma_wait3A_162 = arith.constant 0 : i32
      %dma_wait3A_163 = tpu.memref_slice %arg6[%add3A_30, %dma_wait3A_162] : memref<100352x16xf32, #tpu.memory_space<vmem_shared>> -> memref<512x16xf32, #tpu.memory_space<vmem_shared>>
      tpu.wait_dma2 semaphore(%run_scoped3A : memref<!tpu.dma_semaphore, #tpu.memory_space<semaphore_mem>>) src(%arg11 : memref<512x16xf32, #tpu.memory_space<vmem>>) dst(%dma_wait3A_163 : memref<512x16xf32, #tpu.memory_space<vmem_shared>>)
      tpu.yield
    }) : () -> ()
    %mul3A_31 = arith.constant 6272 : i32
    %mul3A_32 = arith.muli %arg1, %mul3A_31 : i32
    %add3A_33 = arith.constant 2560 : i32
    %add3A_34 = arith.addi %mul3A_32, %add3A_33 : i32
    "tpu.region"() ({
      %run_scoped3A = tpu.sem_alloc : memref<!tpu.dma_semaphore, #tpu.memory_space<semaphore_mem>>
      %dma_start3A_157 = arith.constant 0 : i32
      %dma_start3A_158 = tpu.memref_slice %arg6[%add3A_34, %dma_start3A_157] : memref<100352x16xf32, #tpu.memory_space<vmem_shared>> -> memref<512x16xf32, #tpu.memory_space<vmem_shared>>
      %dma_start3A_159 = arith.constant 0 : i32
      %dma_start3A_160 = tpu.memref_slice %arg6[%add3A_34, %dma_start3A_159] : memref<100352x16xf32, #tpu.memory_space<vmem_shared>> -> memref<512x16xf32, #tpu.memory_space<vmem_shared>>
      tpu.enqueue_dma source(%arg11 : memref<512x16xf32, #tpu.memory_space<vmem>>) target(%dma_start3A_160 : memref<512x16xf32, #tpu.memory_space<vmem_shared>>) target_semaphore(%run_scoped3A : memref<!tpu.dma_semaphore, #tpu.memory_space<semaphore_mem>>)
      %dma_wait3A = arith.constant 0 : i32
      %dma_wait3A_161 = tpu.memref_slice %arg6[%add3A_34, %dma_wait3A] : memref<100352x16xf32, #tpu.memory_space<vmem_shared>> -> memref<512x16xf32, #tpu.memory_space<vmem_shared>>
      %dma_wait3A_162 = arith.constant 0 : i32
      %dma_wait3A_163 = tpu.memref_slice %arg6[%add3A_34, %dma_wait3A_162] : memref<100352x16xf32, #tpu.memory_space<vmem_shared>> -> memref<512x16xf32, #tpu.memory_space<vmem_shared>>
      tpu.wait_dma2 semaphore(%run_scoped3A : memref<!tpu.dma_semaphore, #tpu.memory_space<semaphore_mem>>) src(%arg11 : memref<512x16xf32, #tpu.memory_space<vmem>>) dst(%dma_wait3A_163 : memref<512x16xf32, #tpu.memory_space<vmem_shared>>)
      tpu.yield
    }) : () -> ()
    %mul3A_35 = arith.constant 6272 : i32
    %mul3A_36 = arith.muli %arg1, %mul3A_35 : i32
    %add3A_37 = arith.constant 3072 : i32
    %add3A_38 = arith.addi %mul3A_36, %add3A_37 : i32
    "tpu.region"() ({
      %run_scoped3A = tpu.sem_alloc : memref<!tpu.dma_semaphore, #tpu.memory_space<semaphore_mem>>
      %dma_start3A_157 = arith.constant 0 : i32
      %dma_start3A_158 = tpu.memref_slice %arg6[%add3A_38, %dma_start3A_157] : memref<100352x16xf32, #tpu.memory_space<vmem_shared>> -> memref<512x16xf32, #tpu.memory_space<vmem_shared>>
      %dma_start3A_159 = arith.constant 0 : i32
      %dma_start3A_160 = tpu.memref_slice %arg6[%add3A_38, %dma_start3A_159] : memref<100352x16xf32, #tpu.memory_space<vmem_shared>> -> memref<512x16xf32, #tpu.memory_space<vmem_shared>>
      tpu.enqueue_dma source(%arg11 : memref<512x16xf32, #tpu.memory_space<vmem>>) target(%dma_start3A_160 : memref<512x16xf32, #tpu.memory_space<vmem_shared>>) target_semaphore(%run_scoped3A : memref<!tpu.dma_semaphore, #tpu.memory_space<semaphore_mem>>)
      %dma_wait3A = arith.constant 0 : i32
      %dma_wait3A_161 = tpu.memref_slice %arg6[%add3A_38, %dma_wait3A] : memref<100352x16xf32, #tpu.memory_space<vmem_shared>> -> memref<512x16xf32, #tpu.memory_space<vmem_shared>>
      %dma_wait3A_162 = arith.constant 0 : i32
      %dma_wait3A_163 = tpu.memref_slice %arg6[%add3A_38, %dma_wait3A_162] : memref<100352x16xf32, #tpu.memory_space<vmem_shared>> -> memref<512x16xf32, #tpu.memory_space<vmem_shared>>
      tpu.wait_dma2 semaphore(%run_scoped3A : memref<!tpu.dma_semaphore, #tpu.memory_space<semaphore_mem>>) src(%arg11 : memref<512x16xf32, #tpu.memory_space<vmem>>) dst(%dma_wait3A_163 : memref<512x16xf32, #tpu.memory_space<vmem_shared>>)
      tpu.yield
    }) : () -> ()
    %mul3A_39 = arith.constant 6272 : i32
    %mul3A_40 = arith.muli %arg1, %mul3A_39 : i32
    %add3A_41 = arith.constant 3584 : i32
    %add3A_42 = arith.addi %mul3A_40, %add3A_41 : i32
    "tpu.region"() ({
      %run_scoped3A = tpu.sem_alloc : memref<!tpu.dma_semaphore, #tpu.memory_space<semaphore_mem>>
      %dma_start3A_157 = arith.constant 0 : i32
      %dma_start3A_158 = tpu.memref_slice %arg6[%add3A_42, %dma_start3A_157] : memref<100352x16xf32, #tpu.memory_space<vmem_shared>> -> memref<512x16xf32, #tpu.memory_space<vmem_shared>>
      %dma_start3A_159 = arith.constant 0 : i32
      %dma_start3A_160 = tpu.memref_slice %arg6[%add3A_42, %dma_start3A_159] : memref<100352x16xf32, #tpu.memory_space<vmem_shared>> -> memref<512x16xf32, #tpu.memory_space<vmem_shared>>
      tpu.enqueue_dma source(%arg11 : memref<512x16xf32, #tpu.memory_space<vmem>>) target(%dma_start3A_160 : memref<512x16xf32, #tpu.memory_space<vmem_shared>>) target_semaphore(%run_scoped3A : memref<!tpu.dma_semaphore, #tpu.memory_space<semaphore_mem>>)
      %dma_wait3A = arith.constant 0 : i32
      %dma_wait3A_161 = tpu.memref_slice %arg6[%add3A_42, %dma_wait3A] : memref<100352x16xf32, #tpu.memory_space<vmem_shared>> -> memref<512x16xf32, #tpu.memory_space<vmem_shared>>
      %dma_wait3A_162 = arith.constant 0 : i32
      %dma_wait3A_163 = tpu.memref_slice %arg6[%add3A_42, %dma_wait3A_162] : memref<100352x16xf32, #tpu.memory_space<vmem_shared>> -> memref<512x16xf32, #tpu.memory_space<vmem_shared>>
      tpu.wait_dma2 semaphore(%run_scoped3A : memref<!tpu.dma_semaphore, #tpu.memory_space<semaphore_mem>>) src(%arg11 : memref<512x16xf32, #tpu.memory_space<vmem>>) dst(%dma_wait3A_163 : memref<512x16xf32, #tpu.memory_space<vmem_shared>>)
      tpu.yield
    }) : () -> ()
    %mul3A_43 = arith.constant 6272 : i32
    %mul3A_44 = arith.muli %arg1, %mul3A_43 : i32
    %add3A_45 = arith.constant 4096 : i32
    %add3A_46 = arith.addi %mul3A_44, %add3A_45 : i32
    "tpu.region"() ({
      %run_scoped3A = tpu.sem_alloc : memref<!tpu.dma_semaphore, #tpu.memory_space<semaphore_mem>>
      %dma_start3A_157 = arith.constant 0 : i32
      %dma_start3A_158 = tpu.memref_slice %arg6[%add3A_46, %dma_start3A_157] : memref<100352x16xf32, #tpu.memory_space<vmem_shared>> -> memref<512x16xf32, #tpu.memory_space<vmem_shared>>
      %dma_start3A_159 = arith.constant 0 : i32
      %dma_start3A_160 = tpu.memref_slice %arg6[%add3A_46, %dma_start3A_159] : memref<100352x16xf32, #tpu.memory_space<vmem_shared>> -> memref<512x16xf32, #tpu.memory_space<vmem_shared>>
      tpu.enqueue_dma source(%arg11 : memref<512x16xf32, #tpu.memory_space<vmem>>) target(%dma_start3A_160 : memref<512x16xf32, #tpu.memory_space<vmem_shared>>) target_semaphore(%run_scoped3A : memref<!tpu.dma_semaphore, #tpu.memory_space<semaphore_mem>>)
      %dma_wait3A = arith.constant 0 : i32
      %dma_wait3A_161 = tpu.memref_slice %arg6[%add3A_46, %dma_wait3A] : memref<100352x16xf32, #tpu.memory_space<vmem_shared>> -> memref<512x16xf32, #tpu.memory_space<vmem_shared>>
      %dma_wait3A_162 = arith.constant 0 : i32
      %dma_wait3A_163 = tpu.memref_slice %arg6[%add3A_46, %dma_wait3A_162] : memref<100352x16xf32, #tpu.memory_space<vmem_shared>> -> memref<512x16xf32, #tpu.memory_space<vmem_shared>>
      tpu.wait_dma2 semaphore(%run_scoped3A : memref<!tpu.dma_semaphore, #tpu.memory_space<semaphore_mem>>) src(%arg11 : memref<512x16xf32, #tpu.memory_space<vmem>>) dst(%dma_wait3A_163 : memref<512x16xf32, #tpu.memory_space<vmem_shared>>)
      tpu.yield
    }) : () -> ()
    %mul3A_47 = arith.constant 6272 : i32
    %mul3A_48 = arith.muli %arg1, %mul3A_47 : i32
    %add3A_49 = arith.constant 4608 : i32
    %add3A_50 = arith.addi %mul3A_48, %add3A_49 : i32
    "tpu.region"() ({
      %run_scoped3A = tpu.sem_alloc : memref<!tpu.dma_semaphore, #tpu.memory_space<semaphore_mem>>
      %dma_start3A_157 = arith.constant 0 : i32
      %dma_start3A_158 = tpu.memref_slice %arg6[%add3A_50, %dma_start3A_157] : memref<100352x16xf32, #tpu.memory_space<vmem_shared>> -> memref<512x16xf32, #tpu.memory_space<vmem_shared>>
      %dma_start3A_159 = arith.constant 0 : i32
      %dma_start3A_160 = tpu.memref_slice %arg6[%add3A_50, %dma_start3A_159] : memref<100352x16xf32, #tpu.memory_space<vmem_shared>> -> memref<512x16xf32, #tpu.memory_space<vmem_shared>>
      tpu.enqueue_dma source(%arg11 : memref<512x16xf32, #tpu.memory_space<vmem>>) target(%dma_start3A_160 : memref<512x16xf32, #tpu.memory_space<vmem_shared>>) target_semaphore(%run_scoped3A : memref<!tpu.dma_semaphore, #tpu.memory_space<semaphore_mem>>)
      %dma_wait3A = arith.constant 0 : i32
      %dma_wait3A_161 = tpu.memref_slice %arg6[%add3A_50, %dma_wait3A] : memref<100352x16xf32, #tpu.memory_space<vmem_shared>> -> memref<512x16xf32, #tpu.memory_space<vmem_shared>>
      %dma_wait3A_162 = arith.constant 0 : i32
      %dma_wait3A_163 = tpu.memref_slice %arg6[%add3A_50, %dma_wait3A_162] : memref<100352x16xf32, #tpu.memory_space<vmem_shared>> -> memref<512x16xf32, #tpu.memory_space<vmem_shared>>
      tpu.wait_dma2 semaphore(%run_scoped3A : memref<!tpu.dma_semaphore, #tpu.memory_space<semaphore_mem>>) src(%arg11 : memref<512x16xf32, #tpu.memory_space<vmem>>) dst(%dma_wait3A_163 : memref<512x16xf32, #tpu.memory_space<vmem_shared>>)
      tpu.yield
    }) : () -> ()
    %mul3A_51 = arith.constant 6272 : i32
    %mul3A_52 = arith.muli %arg1, %mul3A_51 : i32
    %add3A_53 = arith.constant 5120 : i32
    %add3A_54 = arith.addi %mul3A_52, %add3A_53 : i32
    "tpu.region"() ({
      %run_scoped3A = tpu.sem_alloc : memref<!tpu.dma_semaphore, #tpu.memory_space<semaphore_mem>>
      %dma_start3A_157 = arith.constant 0 : i32
      %dma_start3A_158 = tpu.memref_slice %arg6[%add3A_54, %dma_start3A_157] : memref<100352x16xf32, #tpu.memory_space<vmem_shared>> -> memref<512x16xf32, #tpu.memory_space<vmem_shared>>
      %dma_start3A_159 = arith.constant 0 : i32
      %dma_start3A_160 = tpu.memref_slice %arg6[%add3A_54, %dma_start3A_159] : memref<100352x16xf32, #tpu.memory_space<vmem_shared>> -> memref<512x16xf32, #tpu.memory_space<vmem_shared>>
      tpu.enqueue_dma source(%arg11 : memref<512x16xf32, #tpu.memory_space<vmem>>) target(%dma_start3A_160 : memref<512x16xf32, #tpu.memory_space<vmem_shared>>) target_semaphore(%run_scoped3A : memref<!tpu.dma_semaphore, #tpu.memory_space<semaphore_mem>>)
      %dma_wait3A = arith.constant 0 : i32
      %dma_wait3A_161 = tpu.memref_slice %arg6[%add3A_54, %dma_wait3A] : memref<100352x16xf32, #tpu.memory_space<vmem_shared>> -> memref<512x16xf32, #tpu.memory_space<vmem_shared>>
      %dma_wait3A_162 = arith.constant 0 : i32
      %dma_wait3A_163 = tpu.memref_slice %arg6[%add3A_54, %dma_wait3A_162] : memref<100352x16xf32, #tpu.memory_space<vmem_shared>> -> memref<512x16xf32, #tpu.memory_space<vmem_shared>>
      tpu.wait_dma2 semaphore(%run_scoped3A : memref<!tpu.dma_semaphore, #tpu.memory_space<semaphore_mem>>) src(%arg11 : memref<512x16xf32, #tpu.memory_space<vmem>>) dst(%dma_wait3A_163 : memref<512x16xf32, #tpu.memory_space<vmem_shared>>)
      tpu.yield
    }) : () -> ()
    %mul3A_55 = arith.constant 6272 : i32
    %mul3A_56 = arith.muli %arg1, %mul3A_55 : i32
    %add3A_57 = arith.constant 5632 : i32
    %add3A_58 = arith.addi %mul3A_56, %add3A_57 : i32
    "tpu.region"() ({
      %run_scoped3A = tpu.sem_alloc : memref<!tpu.dma_semaphore, #tpu.memory_space<semaphore_mem>>
      %dma_start3A_157 = arith.constant 0 : i32
      %dma_start3A_158 = tpu.memref_slice %arg6[%add3A_58, %dma_start3A_157] : memref<100352x16xf32, #tpu.memory_space<vmem_shared>> -> memref<512x16xf32, #tpu.memory_space<vmem_shared>>
      %dma_start3A_159 = arith.constant 0 : i32
      %dma_start3A_160 = tpu.memref_slice %arg6[%add3A_58, %dma_start3A_159] : memref<100352x16xf32, #tpu.memory_space<vmem_shared>> -> memref<512x16xf32, #tpu.memory_space<vmem_shared>>
      tpu.enqueue_dma source(%arg11 : memref<512x16xf32, #tpu.memory_space<vmem>>) target(%dma_start3A_160 : memref<512x16xf32, #tpu.memory_space<vmem_shared>>) target_semaphore(%run_scoped3A : memref<!tpu.dma_semaphore, #tpu.memory_space<semaphore_mem>>)
      %dma_wait3A = arith.constant 0 : i32
      %dma_wait3A_161 = tpu.memref_slice %arg6[%add3A_58, %dma_wait3A] : memref<100352x16xf32, #tpu.memory_space<vmem_shared>> -> memref<512x16xf32, #tpu.memory_space<vmem_shared>>
      %dma_wait3A_162 = arith.constant 0 : i32
      %dma_wait3A_163 = tpu.memref_slice %arg6[%add3A_58, %dma_wait3A_162] : memref<100352x16xf32, #tpu.memory_space<vmem_shared>> -> memref<512x16xf32, #tpu.memory_space<vmem_shared>>
      tpu.wait_dma2 semaphore(%run_scoped3A : memref<!tpu.dma_semaphore, #tpu.memory_space<semaphore_mem>>) src(%arg11 : memref<512x16xf32, #tpu.memory_space<vmem>>) dst(%dma_wait3A_163 : memref<512x16xf32, #tpu.memory_space<vmem_shared>>)
      tpu.yield
    }) : () -> ()
    %mul3A_59 = arith.constant 6272 : i32
    %mul3A_60 = arith.muli %arg1, %mul3A_59 : i32
    %add3A_61 = arith.constant 6144 : i32
    %add3A_62 = arith.addi %mul3A_60, %add3A_61 : i32
    "tpu.region"() ({
      %run_scoped3A = tpu.sem_alloc : memref<!tpu.dma_semaphore, #tpu.memory_space<semaphore_mem>>
      %dma_start3A_157 = arith.constant 0 : i32
      %dma_start3A_158 = arith.constant 0 : i32
      %dma_start3A_159 = tpu.memref_slice %arg11[%dma_start3A_157, %dma_start3A_158] : memref<512x16xf32, #tpu.memory_space<vmem>> -> memref<128x16xf32, #tpu.memory_space<vmem>>
      %dma_start3A_160 = arith.constant 0 : i32
      %dma_start3A_161 = tpu.memref_slice %arg6[%add3A_62, %dma_start3A_160] : memref<100352x16xf32, #tpu.memory_space<vmem_shared>> -> memref<128x16xf32, #tpu.memory_space<vmem_shared>>
      %dma_start3A_162 = arith.constant 0 : i32
      %dma_start3A_163 = tpu.memref_slice %arg6[%add3A_62, %dma_start3A_162] : memref<100352x16xf32, #tpu.memory_space<vmem_shared>> -> memref<128x16xf32, #tpu.memory_space<vmem_shared>>
      %dma_start3A_164 = arith.constant 0 : i32
      %dma_start3A_165 = arith.constant 0 : i32
      %dma_start3A_166 = tpu.memref_slice %arg11[%dma_start3A_164, %dma_start3A_165] : memref<512x16xf32, #tpu.memory_space<vmem>> -> memref<128x16xf32, #tpu.memory_space<vmem>>
      tpu.enqueue_dma source(%dma_start3A_166 : memref<128x16xf32, #tpu.memory_space<vmem>>) target(%dma_start3A_163 : memref<128x16xf32, #tpu.memory_space<vmem_shared>>) target_semaphore(%run_scoped3A : memref<!tpu.dma_semaphore, #tpu.memory_space<semaphore_mem>>)
      %dma_wait3A = arith.constant 0 : i32
      %dma_wait3A_167 = arith.constant 0 : i32
      %dma_wait3A_168 = tpu.memref_slice %arg11[%dma_wait3A, %dma_wait3A_167] : memref<512x16xf32, #tpu.memory_space<vmem>> -> memref<128x16xf32, #tpu.memory_space<vmem>>
      %dma_wait3A_169 = arith.constant 0 : i32
      %dma_wait3A_170 = tpu.memref_slice %arg6[%add3A_62, %dma_wait3A_169] : memref<100352x16xf32, #tpu.memory_space<vmem_shared>> -> memref<128x16xf32, #tpu.memory_space<vmem_shared>>
      %dma_wait3A_171 = arith.constant 0 : i32
      %dma_wait3A_172 = tpu.memref_slice %arg6[%add3A_62, %dma_wait3A_171] : memref<100352x16xf32, #tpu.memory_space<vmem_shared>> -> memref<128x16xf32, #tpu.memory_space<vmem_shared>>
      %dma_wait3A_173 = arith.constant 0 : i32
      %dma_wait3A_174 = arith.constant 0 : i32
      %dma_wait3A_175 = tpu.memref_slice %arg11[%dma_wait3A_173, %dma_wait3A_174] : memref<512x16xf32, #tpu.memory_space<vmem>> -> memref<128x16xf32, #tpu.memory_space<vmem>>
      tpu.wait_dma2 semaphore(%run_scoped3A : memref<!tpu.dma_semaphore, #tpu.memory_space<semaphore_mem>>) src(%dma_wait3A_175 : memref<128x16xf32, #tpu.memory_space<vmem>>) dst(%dma_wait3A_172 : memref<128x16xf32, #tpu.memory_space<vmem_shared>>)
      tpu.yield
    }) : () -> ()
    %barrier3A = arith.constant 0 : index
    tpu.barrier barrier_id(%barrier3A)
    "tpu.region"() ({
      %run_scoped3A = tpu.sem_alloc : memref<!tpu.dma_semaphore, #tpu.memory_space<semaphore_mem>>
      %dma_start3A_157 = tpu.memref_slice %arg3[%add3A_3, %mul3A_0] : memref<4x1605632xi32, #tpu.memory_space<hbm>> -> memref<1x512xi32, #tpu.memory_space<hbm>>
      %dma_start3A_158 = tpu.memref_squeeze %dma_start3A_157 : memref<1x512xi32, #tpu.memory_space<hbm>> -> memref<512xi32, #tpu.memory_space<hbm>>
      %dma_start3A_159 = tpu.memref_slice %arg3[%add3A_3, %mul3A_0] : memref<4x1605632xi32, #tpu.memory_space<hbm>> -> memref<1x512xi32, #tpu.memory_space<hbm>>
      %dma_start3A_160 = tpu.memref_squeeze %dma_start3A_159 : memref<1x512xi32, #tpu.memory_space<hbm>> -> memref<512xi32, #tpu.memory_space<hbm>>
      tpu.enqueue_dma source(%dma_start3A_160 : memref<512xi32, #tpu.memory_space<hbm>>) target(%arg7 : memref<512xi32, #tpu.memory_space<vmem>>) target_semaphore(%run_scoped3A : memref<!tpu.dma_semaphore, #tpu.memory_space<semaphore_mem>>)
      %dma_wait3A = tpu.memref_slice %arg3[%add3A_3, %mul3A_0] : memref<4x1605632xi32, #tpu.memory_space<hbm>> -> memref<1x512xi32, #tpu.memory_space<hbm>>
      %dma_wait3A_161 = tpu.memref_squeeze %dma_wait3A : memref<1x512xi32, #tpu.memory_space<hbm>> -> memref<512xi32, #tpu.memory_space<hbm>>
      %dma_wait3A_162 = tpu.memref_slice %arg3[%add3A_3, %mul3A_0] : memref<4x1605632xi32, #tpu.memory_space<hbm>> -> memref<1x512xi32, #tpu.memory_space<hbm>>
      %dma_wait3A_163 = tpu.memref_squeeze %dma_wait3A_162 : memref<1x512xi32, #tpu.memory_space<hbm>> -> memref<512xi32, #tpu.memory_space<hbm>>
      tpu.wait_dma2 semaphore(%run_scoped3A : memref<!tpu.dma_semaphore, #tpu.memory_space<semaphore_mem>>) src(%dma_wait3A_163 : memref<512xi32, #tpu.memory_space<hbm>>) dst(%arg7 : memref<512xi32, #tpu.memory_space<vmem>>)
      tpu.yield
    }) : () -> ()
    "tpu.region"() ({
      %run_scoped3A = tpu.sem_alloc : memref<!tpu.dma_semaphore, #tpu.memory_space<semaphore_mem>>
      %dma_start3A_157 = tpu.memref_slice %arg4[%mul3A_0] : memref<1605632xi32, #tpu.memory_space<hbm>> -> memref<512xi32, #tpu.memory_space<hbm>>
      %dma_start3A_158 = tpu.memref_slice %arg4[%mul3A_0] : memref<1605632xi32, #tpu.memory_space<hbm>> -> memref<512xi32, #tpu.memory_space<hbm>>
      tpu.enqueue_dma source(%dma_start3A_158 : memref<512xi32, #tpu.memory_space<hbm>>) target(%arg9 : memref<512xi32, #tpu.memory_space<vmem>>) target_semaphore(%run_scoped3A : memref<!tpu.dma_semaphore, #tpu.memory_space<semaphore_mem>>)
      %dma_wait3A = tpu.memref_slice %arg4[%mul3A_0] : memref<1605632xi32, #tpu.memory_space<hbm>> -> memref<512xi32, #tpu.memory_space<hbm>>
      %dma_wait3A_159 = tpu.memref_slice %arg4[%mul3A_0] : memref<1605632xi32, #tpu.memory_space<hbm>> -> memref<512xi32, #tpu.memory_space<hbm>>
      tpu.wait_dma2 semaphore(%run_scoped3A : memref<!tpu.dma_semaphore, #tpu.memory_space<semaphore_mem>>) src(%dma_wait3A_159 : memref<512xi32, #tpu.memory_space<hbm>>) dst(%arg9 : memref<512xi32, #tpu.memory_space<vmem>>)
      tpu.yield
    }) : () -> ()
    %dma_start3A = arith.constant 0 : i32
    %dma_start3A_63 = arith.constant 0 : i32
    %dma_start3A_64 = tpu.memref_slice %arg2[%dma_start3A, %dma_start3A_63] : memref<401408x16xf32, #tpu.memory_space<hbm>> -> memref<401408x16xf32, #tpu.memory_space<hbm>>
    tpu.enqueue_indirect_dma source(%dma_start3A_64 : memref<401408x16xf32, #tpu.memory_space<hbm>>) target(%arg11 : memref<512x16xf32, #tpu.memory_space<vmem>>) offsets(%arg7 : memref<512xi32, #tpu.memory_space<vmem>>) semaphore(%arg13 : memref<!tpu.dma_semaphore, #tpu.memory_space<semaphore_mem>>)
    %scan3A_65 = arith.constant 0 : i32
    %scan3A_66 = arith.constant 0 : i32
    %scan3A_67 = arith.constant 98 : i32
    %scan3A_68 = arith.addi %scan3A_66, %scan3A_67 : i32
    %scan3A_69 = arith.constant 1 : i32
    scf.for %scan3A_157 = %scan3A_66 to %scan3A_68 step %scan3A_69  : i32 {
      %mul3A_158 = arith.constant 2 : i32
      %mul3A_159 = arith.muli %scan3A_157, %mul3A_158 : i32
      %add3A_160 = arith.constant 0 : i32
      %add3A_161 = arith.addi %mul3A_159, %add3A_160 : i32
      %add3A_162 = arith.constant 1 : i32
      %add3A_163 = arith.addi %add3A_161, %add3A_162 : i32
      %lt3A = arith.constant 196 : i32
      %lt3A_164 = arith.cmpi slt, %add3A_163, %lt3A : i32
      %convert_element_type3A = arith.extui %lt3A_164 : i1 to i32
      %cond3A = arith.constant 0 : i32
      %cond3A_165 = arith.cmpi ne, %convert_element_type3A, %cond3A : i32
      scf.if %cond3A_165 {
        %add3A_182 = arith.constant 1 : i32
        %add3A_183 = arith.addi %add3A_161, %add3A_182 : i32
        %mul3A_184 = arith.constant 512 : i32
        %mul3A_185 = arith.muli %add3A_183, %mul3A_184 : i32
        %add3A_186 = arith.addi %mul3A_0, %mul3A_185 : i32
        "tpu.region"() ({
          %run_scoped3A = tpu.sem_alloc : memref<!tpu.dma_semaphore, #tpu.memory_space<semaphore_mem>>
          %dma_start3A_190 = tpu.memref_slice %arg3[%add3A_3, %add3A_186] : memref<4x1605632xi32, #tpu.memory_space<hbm>> -> memref<1x512xi32, #tpu.memory_space<hbm>>
          %dma_start3A_191 = tpu.memref_squeeze %dma_start3A_190 : memref<1x512xi32, #tpu.memory_space<hbm>> -> memref<512xi32, #tpu.memory_space<hbm>>
          %dma_start3A_192 = tpu.memref_slice %arg3[%add3A_3, %add3A_186] : memref<4x1605632xi32, #tpu.memory_space<hbm>> -> memref<1x512xi32, #tpu.memory_space<hbm>>
          %dma_start3A_193 = tpu.memref_squeeze %dma_start3A_192 : memref<1x512xi32, #tpu.memory_space<hbm>> -> memref<512xi32, #tpu.memory_space<hbm>>
          tpu.enqueue_dma source(%dma_start3A_193 : memref<512xi32, #tpu.memory_space<hbm>>) target(%arg8 : memref<512xi32, #tpu.memory_space<vmem>>) target_semaphore(%run_scoped3A : memref<!tpu.dma_semaphore, #tpu.memory_space<semaphore_mem>>)
          %dma_wait3A_194 = tpu.memref_slice %arg3[%add3A_3, %add3A_186] : memref<4x1605632xi32, #tpu.memory_space<hbm>> -> memref<1x512xi32, #tpu.memory_space<hbm>>
          %dma_wait3A_195 = tpu.memref_squeeze %dma_wait3A_194 : memref<1x512xi32, #tpu.memory_space<hbm>> -> memref<512xi32, #tpu.memory_space<hbm>>
          %dma_wait3A_196 = tpu.memref_slice %arg3[%add3A_3, %add3A_186] : memref<4x1605632xi32, #tpu.memory_space<hbm>> -> memref<1x512xi32, #tpu.memory_space<hbm>>
          %dma_wait3A_197 = tpu.memref_squeeze %dma_wait3A_196 : memref<1x512xi32, #tpu.memory_space<hbm>> -> memref<512xi32, #tpu.memory_space<hbm>>
          tpu.wait_dma2 semaphore(%run_scoped3A : memref<!tpu.dma_semaphore, #tpu.memory_space<semaphore_mem>>) src(%dma_wait3A_197 : memref<512xi32, #tpu.memory_space<hbm>>) dst(%arg8 : memref<512xi32, #tpu.memory_space<vmem>>)
          tpu.yield
        }) : () -> ()
        "tpu.region"() ({
          %run_scoped3A = tpu.sem_alloc : memref<!tpu.dma_semaphore, #tpu.memory_space<semaphore_mem>>
          %dma_start3A_190 = tpu.memref_slice %arg4[%add3A_186] : memref<1605632xi32, #tpu.memory_space<hbm>> -> memref<512xi32, #tpu.memory_space<hbm>>
          %dma_start3A_191 = tpu.memref_slice %arg4[%add3A_186] : memref<1605632xi32, #tpu.memory_space<hbm>> -> memref<512xi32, #tpu.memory_space<hbm>>
          tpu.enqueue_dma source(%dma_start3A_191 : memref<512xi32, #tpu.memory_space<hbm>>) target(%arg10 : memref<512xi32, #tpu.memory_space<vmem>>) target_semaphore(%run_scoped3A : memref<!tpu.dma_semaphore, #tpu.memory_space<semaphore_mem>>)
          %dma_wait3A_192 = tpu.memref_slice %arg4[%add3A_186] : memref<1605632xi32, #tpu.memory_space<hbm>> -> memref<512xi32, #tpu.memory_space<hbm>>
          %dma_wait3A_193 = tpu.memref_slice %arg4[%add3A_186] : memref<1605632xi32, #tpu.memory_space<hbm>> -> memref<512xi32, #tpu.memory_space<hbm>>
          tpu.wait_dma2 semaphore(%run_scoped3A : memref<!tpu.dma_semaphore, #tpu.memory_space<semaphore_mem>>) src(%dma_wait3A_193 : memref<512xi32, #tpu.memory_space<hbm>>) dst(%arg10 : memref<512xi32, #tpu.memory_space<vmem>>)
          tpu.yield
        }) : () -> ()
        %dma_start3A_187 = arith.constant 0 : i32
        %dma_start3A_188 = arith.constant 0 : i32
        %dma_start3A_189 = tpu.memref_slice %arg2[%dma_start3A_187, %dma_start3A_188] : memref<401408x16xf32, #tpu.memory_space<hbm>> -> memref<401408x16xf32, #tpu.memory_space<hbm>>
        tpu.enqueue_indirect_dma source(%dma_start3A_189 : memref<401408x16xf32, #tpu.memory_space<hbm>>) target(%arg12 : memref<512x16xf32, #tpu.memory_space<vmem>>) offsets(%arg8 : memref<512xi32, #tpu.memory_space<vmem>>) semaphore(%arg14 : memref<!tpu.dma_semaphore, #tpu.memory_space<semaphore_mem>>)
      } else {
      }
      %dma_wait3A = arith.constant 0 : i32
      %dma_wait3A_166 = arith.constant 0 : i32
      %dma_wait3A_167 = tpu.memref_slice %arg2[%dma_wait3A, %dma_wait3A_166] : memref<401408x16xf32, #tpu.memory_space<hbm>> -> memref<401408x16xf32, #tpu.memory_space<hbm>>
      tpu.wait_indirect_dma semaphore(%arg13 : memref<!tpu.dma_semaphore, #tpu.memory_space<semaphore_mem>>) src(%dma_wait3A_167 : memref<401408x16xf32, #tpu.memory_space<hbm>>) dst(%arg11 : memref<512x16xf32, #tpu.memory_space<vmem>>)
      "tpu.region"() ({
        %run_scoped3A = tpu.sem_alloc : memref<!tpu.dma_semaphore, #tpu.memory_space<semaphore_mem>>
        %dma_start3A_182 = arith.constant 0 : i32
        %dma_start3A_183 = arith.constant 0 : i32
        %dma_start3A_184 = tpu.memref_slice %arg6[%dma_start3A_182, %dma_start3A_183] : memref<100352x16xf32, #tpu.memory_space<vmem_shared>> -> memref<100352x16xf32, #tpu.memory_space<vmem_shared>>
        tpu.enqueue_indirect_dma source(%arg11 : memref<512x16xf32, #tpu.memory_space<vmem>>) target(%dma_start3A_184 : memref<100352x16xf32, #tpu.memory_space<vmem_shared>>) offsets(%arg9 : memref<512xi32, #tpu.memory_space<vmem>>) semaphore(%run_scoped3A : memref<!tpu.dma_semaphore, #tpu.memory_space<semaphore_mem>>) {add = true}
        %dma_wait3A_185 = arith.constant 0 : i32
        %dma_wait3A_186 = arith.constant 0 : i32
        %dma_wait3A_187 = tpu.memref_slice %arg6[%dma_wait3A_185, %dma_wait3A_186] : memref<100352x16xf32, #tpu.memory_space<vmem_shared>> -> memref<100352x16xf32, #tpu.memory_space<vmem_shared>>
        tpu.wait_indirect_dma semaphore(%run_scoped3A : memref<!tpu.dma_semaphore, #tpu.memory_space<semaphore_mem>>) src(%arg11 : memref<512x16xf32, #tpu.memory_space<vmem>>) dst(%dma_wait3A_187 : memref<100352x16xf32, #tpu.memory_space<vmem_shared>>)
        tpu.yield
      }) : () -> ()
      %mul3A_168 = arith.constant 2 : i32
      %mul3A_169 = arith.muli %scan3A_157, %mul3A_168 : i32
      %add3A_170 = arith.constant 1 : i32
      %add3A_171 = arith.addi %mul3A_169, %add3A_170 : i32
      %add3A_172 = arith.constant 1 : i32
      %add3A_173 = arith.addi %add3A_171, %add3A_172 : i32
      %lt3A_174 = arith.constant 196 : i32
      %lt3A_175 = arith.cmpi slt, %add3A_173, %lt3A_174 : i32
      %convert_element_type3A_176 = arith.extui %lt3A_175 : i1 to i32
      %cond3A_177 = arith.constant 0 : i32
      %cond3A_178 = arith.cmpi ne, %convert_element_type3A_176, %cond3A_177 : i32
      scf.if %cond3A_178 {
        %add3A_182 = arith.constant 1 : i32
        %add3A_183 = arith.addi %add3A_171, %add3A_182 : i32
        %mul3A_184 = arith.constant 512 : i32
        %mul3A_185 = arith.muli %add3A_183, %mul3A_184 : i32
        %add3A_186 = arith.addi %mul3A_0, %mul3A_185 : i32
        "tpu.region"() ({
          %run_scoped3A = tpu.sem_alloc : memref<!tpu.dma_semaphore, #tpu.memory_space<semaphore_mem>>
          %dma_start3A_190 = tpu.memref_slice %arg3[%add3A_3, %add3A_186] : memref<4x1605632xi32, #tpu.memory_space<hbm>> -> memref<1x512xi32, #tpu.memory_space<hbm>>
          %dma_start3A_191 = tpu.memref_squeeze %dma_start3A_190 : memref<1x512xi32, #tpu.memory_space<hbm>> -> memref<512xi32, #tpu.memory_space<hbm>>
          %dma_start3A_192 = tpu.memref_slice %arg3[%add3A_3, %add3A_186] : memref<4x1605632xi32, #tpu.memory_space<hbm>> -> memref<1x512xi32, #tpu.memory_space<hbm>>
          %dma_start3A_193 = tpu.memref_squeeze %dma_start3A_192 : memref<1x512xi32, #tpu.memory_space<hbm>> -> memref<512xi32, #tpu.memory_space<hbm>>
          tpu.enqueue_dma source(%dma_start3A_193 : memref<512xi32, #tpu.memory_space<hbm>>) target(%arg7 : memref<512xi32, #tpu.memory_space<vmem>>) target_semaphore(%run_scoped3A : memref<!tpu.dma_semaphore, #tpu.memory_space<semaphore_mem>>)
          %dma_wait3A_194 = tpu.memref_slice %arg3[%add3A_3, %add3A_186] : memref<4x1605632xi32, #tpu.memory_space<hbm>> -> memref<1x512xi32, #tpu.memory_space<hbm>>
          %dma_wait3A_195 = tpu.memref_squeeze %dma_wait3A_194 : memref<1x512xi32, #tpu.memory_space<hbm>> -> memref<512xi32, #tpu.memory_space<hbm>>
          %dma_wait3A_196 = tpu.memref_slice %arg3[%add3A_3, %add3A_186] : memref<4x1605632xi32, #tpu.memory_space<hbm>> -> memref<1x512xi32, #tpu.memory_space<hbm>>
          %dma_wait3A_197 = tpu.memref_squeeze %dma_wait3A_196 : memref<1x512xi32, #tpu.memory_space<hbm>> -> memref<512xi32, #tpu.memory_space<hbm>>
          tpu.wait_dma2 semaphore(%run_scoped3A : memref<!tpu.dma_semaphore, #tpu.memory_space<semaphore_mem>>) src(%dma_wait3A_197 : memref<512xi32, #tpu.memory_space<hbm>>) dst(%arg7 : memref<512xi32, #tpu.memory_space<vmem>>)
          tpu.yield
        }) : () -> ()
        "tpu.region"() ({
          %run_scoped3A = tpu.sem_alloc : memref<!tpu.dma_semaphore, #tpu.memory_space<semaphore_mem>>
          %dma_start3A_190 = tpu.memref_slice %arg4[%add3A_186] : memref<1605632xi32, #tpu.memory_space<hbm>> -> memref<512xi32, #tpu.memory_space<hbm>>
          %dma_start3A_191 = tpu.memref_slice %arg4[%add3A_186] : memref<1605632xi32, #tpu.memory_space<hbm>> -> memref<512xi32, #tpu.memory_space<hbm>>
          tpu.enqueue_dma source(%dma_start3A_191 : memref<512xi32, #tpu.memory_space<hbm>>) target(%arg9 : memref<512xi32, #tpu.memory_space<vmem>>) target_semaphore(%run_scoped3A : memref<!tpu.dma_semaphore, #tpu.memory_space<semaphore_mem>>)
          %dma_wait3A_192 = tpu.memref_slice %arg4[%add3A_186] : memref<1605632xi32, #tpu.memory_space<hbm>> -> memref<512xi32, #tpu.memory_space<hbm>>
          %dma_wait3A_193 = tpu.memref_slice %arg4[%add3A_186] : memref<1605632xi32, #tpu.memory_space<hbm>> -> memref<512xi32, #tpu.memory_space<hbm>>
          tpu.wait_dma2 semaphore(%run_scoped3A : memref<!tpu.dma_semaphore, #tpu.memory_space<semaphore_mem>>) src(%dma_wait3A_193 : memref<512xi32, #tpu.memory_space<hbm>>) dst(%arg9 : memref<512xi32, #tpu.memory_space<vmem>>)
          tpu.yield
        }) : () -> ()
        %dma_start3A_187 = arith.constant 0 : i32
        %dma_start3A_188 = arith.constant 0 : i32
        %dma_start3A_189 = tpu.memref_slice %arg2[%dma_start3A_187, %dma_start3A_188] : memref<401408x16xf32, #tpu.memory_space<hbm>> -> memref<401408x16xf32, #tpu.memory_space<hbm>>
        tpu.enqueue_indirect_dma source(%dma_start3A_189 : memref<401408x16xf32, #tpu.memory_space<hbm>>) target(%arg11 : memref<512x16xf32, #tpu.memory_space<vmem>>) offsets(%arg7 : memref<512xi32, #tpu.memory_space<vmem>>) semaphore(%arg13 : memref<!tpu.dma_semaphore, #tpu.memory_space<semaphore_mem>>)
      } else {
      }
      %dma_wait3A_179 = arith.constant 0 : i32
      %dma_wait3A_180 = arith.constant 0 : i32
      %dma_wait3A_181 = tpu.memref_slice %arg2[%dma_wait3A_179, %dma_wait3A_180] : memref<401408x16xf32, #tpu.memory_space<hbm>> -> memref<401408x16xf32, #tpu.memory_space<hbm>>
      tpu.wait_indirect_dma semaphore(%arg14 : memref<!tpu.dma_semaphore, #tpu.memory_space<semaphore_mem>>) src(%dma_wait3A_181 : memref<401408x16xf32, #tpu.memory_space<hbm>>) dst(%arg12 : memref<512x16xf32, #tpu.memory_space<vmem>>)
      "tpu.region"() ({
        %run_scoped3A = tpu.sem_alloc : memref<!tpu.dma_semaphore, #tpu.memory_space<semaphore_mem>>
        %dma_start3A_182 = arith.constant 0 : i32
        %dma_start3A_183 = arith.constant 0 : i32
        %dma_start3A_184 = tpu.memref_slice %arg6[%dma_start3A_182, %dma_start3A_183] : memref<100352x16xf32, #tpu.memory_space<vmem_shared>> -> memref<100352x16xf32, #tpu.memory_space<vmem_shared>>
        tpu.enqueue_indirect_dma source(%arg12 : memref<512x16xf32, #tpu.memory_space<vmem>>) target(%dma_start3A_184 : memref<100352x16xf32, #tpu.memory_space<vmem_shared>>) offsets(%arg10 : memref<512xi32, #tpu.memory_space<vmem>>) semaphore(%run_scoped3A : memref<!tpu.dma_semaphore, #tpu.memory_space<semaphore_mem>>) {add = true}
        %dma_wait3A_185 = arith.constant 0 : i32
        %dma_wait3A_186 = arith.constant 0 : i32
        %dma_wait3A_187 = tpu.memref_slice %arg6[%dma_wait3A_185, %dma_wait3A_186] : memref<100352x16xf32, #tpu.memory_space<vmem_shared>> -> memref<100352x16xf32, #tpu.memory_space<vmem_shared>>
        tpu.wait_indirect_dma semaphore(%run_scoped3A : memref<!tpu.dma_semaphore, #tpu.memory_space<semaphore_mem>>) src(%arg12 : memref<512x16xf32, #tpu.memory_space<vmem>>) dst(%dma_wait3A_187 : memref<100352x16xf32, #tpu.memory_space<vmem_shared>>)
        tpu.yield
      }) : () -> ()
    }
    %scan3A_70 = arith.constant 98 : i32
    %barrier3A_71 = arith.constant 0 : index
    tpu.barrier barrier_id(%barrier3A_71)
    %mul3A_72 = arith.constant 6272 : i32
    %mul3A_73 = arith.muli %arg1, %mul3A_72 : i32
    %mul3A_74 = arith.constant 6272 : i32
    %mul3A_75 = arith.muli %arg1, %mul3A_74 : i32
    "tpu.region"() ({
      %run_scoped3A = tpu.sem_alloc : memref<!tpu.dma_semaphore, #tpu.memory_space<semaphore_mem>>
      %dma_start3A_157 = tpu.memref_slice %arg5[%mul3A_75, %mul3A_5] : memref<100352x64xf32, #tpu.memory_space<hbm>> -> memref<6272x16xf32, #tpu.memory_space<hbm>>
      %dma_start3A_158 = arith.constant 0 : i32
      %dma_start3A_159 = tpu.memref_slice %arg6[%mul3A_73, %dma_start3A_158] : memref<100352x16xf32, #tpu.memory_space<vmem_shared>> -> memref<6272x16xf32, #tpu.memory_space<vmem_shared>>
      tpu.enqueue_dma source(%dma_start3A_159 : memref<6272x16xf32, #tpu.memory_space<vmem_shared>>) target(%dma_start3A_157 : memref<6272x16xf32, #tpu.memory_space<hbm>>) target_semaphore(%run_scoped3A : memref<!tpu.dma_semaphore, #tpu.memory_space<semaphore_mem>>)
      %dma_wait3A = tpu.memref_slice %arg5[%mul3A_75, %mul3A_5] : memref<100352x64xf32, #tpu.memory_space<hbm>> -> memref<6272x16xf32, #tpu.memory_space<hbm>>
      %dma_wait3A_160 = arith.constant 0 : i32
      %dma_wait3A_161 = tpu.memref_slice %arg6[%mul3A_73, %dma_wait3A_160] : memref<100352x16xf32, #tpu.memory_space<vmem_shared>> -> memref<6272x16xf32, #tpu.memory_space<vmem_shared>>
      tpu.wait_dma2 semaphore(%run_scoped3A : memref<!tpu.dma_semaphore, #tpu.memory_space<semaphore_mem>>) src(%dma_wait3A_161 : memref<6272x16xf32, #tpu.memory_space<vmem_shared>>) dst(%dma_wait3A : memref<6272x16xf32, #tpu.memory_space<hbm>>)
      tpu.yield
    }) : () -> ()
    %barrier3A_76 = arith.constant 0 : index
    tpu.barrier barrier_id(%barrier3A_76)
    %mul3A_77 = arith.constant 2 : i32
    %mul3A_78 = arith.muli %arg0, %mul3A_77 : i32
    %add3A_79 = arith.constant 1 : i32
    %add3A_80 = arith.addi %mul3A_78, %add3A_79 : i32
    %mul3A_81 = arith.constant 16 : i32
    %mul3A_82 = arith.muli %add3A_80, %mul3A_81 : i32
    %scan3A_83 = arith.constant 0 : i32
    %scan3A_84 = arith.constant 0 : i32
    %scan3A_85 = arith.constant 512 : i32
    %scan3A_86 = arith.addi %scan3A_84, %scan3A_85 : i32
    %scan3A_87 = arith.constant 1 : i32
    scf.for %scan3A_157 = %scan3A_84 to %scan3A_86 step %scan3A_87  : i32 {
      %broadcast_in_dim3A = arith.constant 0.000000e+00 : f32
      %broadcast_in_dim3A_158 = vector.broadcast %broadcast_in_dim3A : f32 to vector<16xf32>
      %swap3A = arith.index_cast %scan3A_157 : i32 to index
      %swap3A_159 = arith.constant 0 : index
      %swap3A_160 = tpu.vector_load %arg11[%swap3A, %swap3A_159] {strides = array<i32>} : memref<512x16xf32, #tpu.memory_space<vmem>>, vector<1x16xf32>,
      %swap3A_161 = vector.shape_cast %swap3A_160 : vector<1x16xf32> to vector<16xf32>
      %swap3A_162 = vector.shape_cast %broadcast_in_dim3A_158 : vector<16xf32> to vector<1x16xf32>
      tpu.vector_store %arg11[%swap3A, %swap3A_159], %swap3A_162 {strides = array<i32>} : memref<512x16xf32, #tpu.memory_space<vmem>>, vector<1x16xf32>,
    }
    %scan3A_88 = arith.constant 512 : i32
    %mul3A_89 = arith.constant 6272 : i32
    %mul3A_90 = arith.muli %arg1, %mul3A_89 : i32
    %add3A_91 = arith.constant 0 : i32
    %add3A_92 = arith.addi %mul3A_90, %add3A_91 : i32
    "tpu.region"() ({
      %run_scoped3A = tpu.sem_alloc : memref<!tpu.dma_semaphore, #tpu.memory_space<semaphore_mem>>
      %dma_start3A_157 = arith.constant 0 : i32
      %dma_start3A_158 = tpu.memref_slice %arg6[%add3A_92, %dma_start3A_157] : memref<100352x16xf32, #tpu.memory_space<vmem_shared>> -> memref<512x16xf32, #tpu.memory_space<vmem_shared>>
      %dma_start3A_159 = arith.constant 0 : i32
      %dma_start3A_160 = tpu.memref_slice %arg6[%add3A_92, %dma_start3A_159] : memref<100352x16xf32, #tpu.memory_space<vmem_shared>> -> memref<512x16xf32, #tpu.memory_space<vmem_shared>>
      tpu.enqueue_dma source(%arg11 : memref<512x16xf32, #tpu.memory_space<vmem>>) target(%dma_start3A_160 : memref<512x16xf32, #tpu.memory_space<vmem_shared>>) target_semaphore(%run_scoped3A : memref<!tpu.dma_semaphore, #tpu.memory_space<semaphore_mem>>)
      %dma_wait3A = arith.constant 0 : i32
      %dma_wait3A_161 = tpu.memref_slice %arg6[%add3A_92, %dma_wait3A] : memref<100352x16xf32, #tpu.memory_space<vmem_shared>> -> memref<512x16xf32, #tpu.memory_space<vmem_shared>>
      %dma_wait3A_162 = arith.constant 0 : i32
      %dma_wait3A_163 = tpu.memref_slice %arg6[%add3A_92, %dma_wait3A_162] : memref<100352x16xf32, #tpu.memory_space<vmem_shared>> -> memref<512x16xf32, #tpu.memory_space<vmem_shared>>
      tpu.wait_dma2 semaphore(%run_scoped3A : memref<!tpu.dma_semaphore, #tpu.memory_space<semaphore_mem>>) src(%arg11 : memref<512x16xf32, #tpu.memory_space<vmem>>) dst(%dma_wait3A_163 : memref<512x16xf32, #tpu.memory_space<vmem_shared>>)
      tpu.yield
    }) : () -> ()
    %mul3A_93 = arith.constant 6272 : i32
    %mul3A_94 = arith.muli %arg1, %mul3A_93 : i32
    %add3A_95 = arith.constant 512 : i32
    %add3A_96 = arith.addi %mul3A_94, %add3A_95 : i32
    "tpu.region"() ({
      %run_scoped3A = tpu.sem_alloc : memref<!tpu.dma_semaphore, #tpu.memory_space<semaphore_mem>>
      %dma_start3A_157 = arith.constant 0 : i32
      %dma_start3A_158 = tpu.memref_slice %arg6[%add3A_96, %dma_start3A_157] : memref<100352x16xf32, #tpu.memory_space<vmem_shared>> -> memref<512x16xf32, #tpu.memory_space<vmem_shared>>
      %dma_start3A_159 = arith.constant 0 : i32
      %dma_start3A_160 = tpu.memref_slice %arg6[%add3A_96, %dma_start3A_159] : memref<100352x16xf32, #tpu.memory_space<vmem_shared>> -> memref<512x16xf32, #tpu.memory_space<vmem_shared>>
      tpu.enqueue_dma source(%arg11 : memref<512x16xf32, #tpu.memory_space<vmem>>) target(%dma_start3A_160 : memref<512x16xf32, #tpu.memory_space<vmem_shared>>) target_semaphore(%run_scoped3A : memref<!tpu.dma_semaphore, #tpu.memory_space<semaphore_mem>>)
      %dma_wait3A = arith.constant 0 : i32
      %dma_wait3A_161 = tpu.memref_slice %arg6[%add3A_96, %dma_wait3A] : memref<100352x16xf32, #tpu.memory_space<vmem_shared>> -> memref<512x16xf32, #tpu.memory_space<vmem_shared>>
      %dma_wait3A_162 = arith.constant 0 : i32
      %dma_wait3A_163 = tpu.memref_slice %arg6[%add3A_96, %dma_wait3A_162] : memref<100352x16xf32, #tpu.memory_space<vmem_shared>> -> memref<512x16xf32, #tpu.memory_space<vmem_shared>>
      tpu.wait_dma2 semaphore(%run_scoped3A : memref<!tpu.dma_semaphore, #tpu.memory_space<semaphore_mem>>) src(%arg11 : memref<512x16xf32, #tpu.memory_space<vmem>>) dst(%dma_wait3A_163 : memref<512x16xf32, #tpu.memory_space<vmem_shared>>)
      tpu.yield
    }) : () -> ()
    %mul3A_97 = arith.constant 6272 : i32
    %mul3A_98 = arith.muli %arg1, %mul3A_97 : i32
    %add3A_99 = arith.constant 1024 : i32
    %add3A_100 = arith.addi %mul3A_98, %add3A_99 : i32
    "tpu.region"() ({
      %run_scoped3A = tpu.sem_alloc : memref<!tpu.dma_semaphore, #tpu.memory_space<semaphore_mem>>
      %dma_start3A_157 = arith.constant 0 : i32
      %dma_start3A_158 = tpu.memref_slice %arg6[%add3A_100, %dma_start3A_157] : memref<100352x16xf32, #tpu.memory_space<vmem_shared>> -> memref<512x16xf32, #tpu.memory_space<vmem_shared>>
      %dma_start3A_159 = arith.constant 0 : i32
      %dma_start3A_160 = tpu.memref_slice %arg6[%add3A_100, %dma_start3A_159] : memref<100352x16xf32, #tpu.memory_space<vmem_shared>> -> memref<512x16xf32, #tpu.memory_space<vmem_shared>>
      tpu.enqueue_dma source(%arg11 : memref<512x16xf32, #tpu.memory_space<vmem>>) target(%dma_start3A_160 : memref<512x16xf32, #tpu.memory_space<vmem_shared>>) target_semaphore(%run_scoped3A : memref<!tpu.dma_semaphore, #tpu.memory_space<semaphore_mem>>)
      %dma_wait3A = arith.constant 0 : i32
      %dma_wait3A_161 = tpu.memref_slice %arg6[%add3A_100, %dma_wait3A] : memref<100352x16xf32, #tpu.memory_space<vmem_shared>> -> memref<512x16xf32, #tpu.memory_space<vmem_shared>>
      %dma_wait3A_162 = arith.constant 0 : i32
      %dma_wait3A_163 = tpu.memref_slice %arg6[%add3A_100, %dma_wait3A_162] : memref<100352x16xf32, #tpu.memory_space<vmem_shared>> -> memref<512x16xf32, #tpu.memory_space<vmem_shared>>
      tpu.wait_dma2 semaphore(%run_scoped3A : memref<!tpu.dma_semaphore, #tpu.memory_space<semaphore_mem>>) src(%arg11 : memref<512x16xf32, #tpu.memory_space<vmem>>) dst(%dma_wait3A_163 : memref<512x16xf32, #tpu.memory_space<vmem_shared>>)
      tpu.yield
    }) : () -> ()
    %mul3A_101 = arith.constant 6272 : i32
    %mul3A_102 = arith.muli %arg1, %mul3A_101 : i32
    %add3A_103 = arith.constant 1536 : i32
    %add3A_104 = arith.addi %mul3A_102, %add3A_103 : i32
    "tpu.region"() ({
      %run_scoped3A = tpu.sem_alloc : memref<!tpu.dma_semaphore, #tpu.memory_space<semaphore_mem>>
      %dma_start3A_157 = arith.constant 0 : i32
      %dma_start3A_158 = tpu.memref_slice %arg6[%add3A_104, %dma_start3A_157] : memref<100352x16xf32, #tpu.memory_space<vmem_shared>> -> memref<512x16xf32, #tpu.memory_space<vmem_shared>>
      %dma_start3A_159 = arith.constant 0 : i32
      %dma_start3A_160 = tpu.memref_slice %arg6[%add3A_104, %dma_start3A_159] : memref<100352x16xf32, #tpu.memory_space<vmem_shared>> -> memref<512x16xf32, #tpu.memory_space<vmem_shared>>
      tpu.enqueue_dma source(%arg11 : memref<512x16xf32, #tpu.memory_space<vmem>>) target(%dma_start3A_160 : memref<512x16xf32, #tpu.memory_space<vmem_shared>>) target_semaphore(%run_scoped3A : memref<!tpu.dma_semaphore, #tpu.memory_space<semaphore_mem>>)
      %dma_wait3A = arith.constant 0 : i32
      %dma_wait3A_161 = tpu.memref_slice %arg6[%add3A_104, %dma_wait3A] : memref<100352x16xf32, #tpu.memory_space<vmem_shared>> -> memref<512x16xf32, #tpu.memory_space<vmem_shared>>
      %dma_wait3A_162 = arith.constant 0 : i32
      %dma_wait3A_163 = tpu.memref_slice %arg6[%add3A_104, %dma_wait3A_162] : memref<100352x16xf32, #tpu.memory_space<vmem_shared>> -> memref<512x16xf32, #tpu.memory_space<vmem_shared>>
      tpu.wait_dma2 semaphore(%run_scoped3A : memref<!tpu.dma_semaphore, #tpu.memory_space<semaphore_mem>>) src(%arg11 : memref<512x16xf32, #tpu.memory_space<vmem>>) dst(%dma_wait3A_163 : memref<512x16xf32, #tpu.memory_space<vmem_shared>>)
      tpu.yield
    }) : () -> ()
    %mul3A_105 = arith.constant 6272 : i32
    %mul3A_106 = arith.muli %arg1, %mul3A_105 : i32
    %add3A_107 = arith.constant 2048 : i32
    %add3A_108 = arith.addi %mul3A_106, %add3A_107 : i32
    "tpu.region"() ({
      %run_scoped3A = tpu.sem_alloc : memref<!tpu.dma_semaphore, #tpu.memory_space<semaphore_mem>>
      %dma_start3A_157 = arith.constant 0 : i32
      %dma_start3A_158 = tpu.memref_slice %arg6[%add3A_108, %dma_start3A_157] : memref<100352x16xf32, #tpu.memory_space<vmem_shared>> -> memref<512x16xf32, #tpu.memory_space<vmem_shared>>
      %dma_start3A_159 = arith.constant 0 : i32
      %dma_start3A_160 = tpu.memref_slice %arg6[%add3A_108, %dma_start3A_159] : memref<100352x16xf32, #tpu.memory_space<vmem_shared>> -> memref<512x16xf32, #tpu.memory_space<vmem_shared>>
      tpu.enqueue_dma source(%arg11 : memref<512x16xf32, #tpu.memory_space<vmem>>) target(%dma_start3A_160 : memref<512x16xf32, #tpu.memory_space<vmem_shared>>) target_semaphore(%run_scoped3A : memref<!tpu.dma_semaphore, #tpu.memory_space<semaphore_mem>>)
      %dma_wait3A = arith.constant 0 : i32
      %dma_wait3A_161 = tpu.memref_slice %arg6[%add3A_108, %dma_wait3A] : memref<100352x16xf32, #tpu.memory_space<vmem_shared>> -> memref<512x16xf32, #tpu.memory_space<vmem_shared>>
      %dma_wait3A_162 = arith.constant 0 : i32
      %dma_wait3A_163 = tpu.memref_slice %arg6[%add3A_108, %dma_wait3A_162] : memref<100352x16xf32, #tpu.memory_space<vmem_shared>> -> memref<512x16xf32, #tpu.memory_space<vmem_shared>>
      tpu.wait_dma2 semaphore(%run_scoped3A : memref<!tpu.dma_semaphore, #tpu.memory_space<semaphore_mem>>) src(%arg11 : memref<512x16xf32, #tpu.memory_space<vmem>>) dst(%dma_wait3A_163 : memref<512x16xf32, #tpu.memory_space<vmem_shared>>)
      tpu.yield
    }) : () -> ()
    %mul3A_109 = arith.constant 6272 : i32
    %mul3A_110 = arith.muli %arg1, %mul3A_109 : i32
    %add3A_111 = arith.constant 2560 : i32
    %add3A_112 = arith.addi %mul3A_110, %add3A_111 : i32
    "tpu.region"() ({
      %run_scoped3A = tpu.sem_alloc : memref<!tpu.dma_semaphore, #tpu.memory_space<semaphore_mem>>
      %dma_start3A_157 = arith.constant 0 : i32
      %dma_start3A_158 = tpu.memref_slice %arg6[%add3A_112, %dma_start3A_157] : memref<100352x16xf32, #tpu.memory_space<vmem_shared>> -> memref<512x16xf32, #tpu.memory_space<vmem_shared>>
      %dma_start3A_159 = arith.constant 0 : i32
      %dma_start3A_160 = tpu.memref_slice %arg6[%add3A_112, %dma_start3A_159] : memref<100352x16xf32, #tpu.memory_space<vmem_shared>> -> memref<512x16xf32, #tpu.memory_space<vmem_shared>>
      tpu.enqueue_dma source(%arg11 : memref<512x16xf32, #tpu.memory_space<vmem>>) target(%dma_start3A_160 : memref<512x16xf32, #tpu.memory_space<vmem_shared>>) target_semaphore(%run_scoped3A : memref<!tpu.dma_semaphore, #tpu.memory_space<semaphore_mem>>)
      %dma_wait3A = arith.constant 0 : i32
      %dma_wait3A_161 = tpu.memref_slice %arg6[%add3A_112, %dma_wait3A] : memref<100352x16xf32, #tpu.memory_space<vmem_shared>> -> memref<512x16xf32, #tpu.memory_space<vmem_shared>>
      %dma_wait3A_162 = arith.constant 0 : i32
      %dma_wait3A_163 = tpu.memref_slice %arg6[%add3A_112, %dma_wait3A_162] : memref<100352x16xf32, #tpu.memory_space<vmem_shared>> -> memref<512x16xf32, #tpu.memory_space<vmem_shared>>
      tpu.wait_dma2 semaphore(%run_scoped3A : memref<!tpu.dma_semaphore, #tpu.memory_space<semaphore_mem>>) src(%arg11 : memref<512x16xf32, #tpu.memory_space<vmem>>) dst(%dma_wait3A_163 : memref<512x16xf32, #tpu.memory_space<vmem_shared>>)
      tpu.yield
    }) : () -> ()
    %mul3A_113 = arith.constant 6272 : i32
    %mul3A_114 = arith.muli %arg1, %mul3A_113 : i32
    %add3A_115 = arith.constant 3072 : i32
    %add3A_116 = arith.addi %mul3A_114, %add3A_115 : i32
    "tpu.region"() ({
      %run_scoped3A = tpu.sem_alloc : memref<!tpu.dma_semaphore, #tpu.memory_space<semaphore_mem>>
      %dma_start3A_157 = arith.constant 0 : i32
      %dma_start3A_158 = tpu.memref_slice %arg6[%add3A_116, %dma_start3A_157] : memref<100352x16xf32, #tpu.memory_space<vmem_shared>> -> memref<512x16xf32, #tpu.memory_space<vmem_shared>>
      %dma_start3A_159 = arith.constant 0 : i32
      %dma_start3A_160 = tpu.memref_slice %arg6[%add3A_116, %dma_start3A_159] : memref<100352x16xf32, #tpu.memory_space<vmem_shared>> -> memref<512x16xf32, #tpu.memory_space<vmem_shared>>
      tpu.enqueue_dma source(%arg11 : memref<512x16xf32, #tpu.memory_space<vmem>>) target(%dma_start3A_160 : memref<512x16xf32, #tpu.memory_space<vmem_shared>>) target_semaphore(%run_scoped3A : memref<!tpu.dma_semaphore, #tpu.memory_space<semaphore_mem>>)
      %dma_wait3A = arith.constant 0 : i32
      %dma_wait3A_161 = tpu.memref_slice %arg6[%add3A_116, %dma_wait3A] : memref<100352x16xf32, #tpu.memory_space<vmem_shared>> -> memref<512x16xf32, #tpu.memory_space<vmem_shared>>
      %dma_wait3A_162 = arith.constant 0 : i32
      %dma_wait3A_163 = tpu.memref_slice %arg6[%add3A_116, %dma_wait3A_162] : memref<100352x16xf32, #tpu.memory_space<vmem_shared>> -> memref<512x16xf32, #tpu.memory_space<vmem_shared>>
      tpu.wait_dma2 semaphore(%run_scoped3A : memref<!tpu.dma_semaphore, #tpu.memory_space<semaphore_mem>>) src(%arg11 : memref<512x16xf32, #tpu.memory_space<vmem>>) dst(%dma_wait3A_163 : memref<512x16xf32, #tpu.memory_space<vmem_shared>>)
      tpu.yield
    }) : () -> ()
    %mul3A_117 = arith.constant 6272 : i32
    %mul3A_118 = arith.muli %arg1, %mul3A_117 : i32
    %add3A_119 = arith.constant 3584 : i32
    %add3A_120 = arith.addi %mul3A_118, %add3A_119 : i32
    "tpu.region"() ({
      %run_scoped3A = tpu.sem_alloc : memref<!tpu.dma_semaphore, #tpu.memory_space<semaphore_mem>>
      %dma_start3A_157 = arith.constant 0 : i32
      %dma_start3A_158 = tpu.memref_slice %arg6[%add3A_120, %dma_start3A_157] : memref<100352x16xf32, #tpu.memory_space<vmem_shared>> -> memref<512x16xf32, #tpu.memory_space<vmem_shared>>
      %dma_start3A_159 = arith.constant 0 : i32
      %dma_start3A_160 = tpu.memref_slice %arg6[%add3A_120, %dma_start3A_159] : memref<100352x16xf32, #tpu.memory_space<vmem_shared>> -> memref<512x16xf32, #tpu.memory_space<vmem_shared>>
      tpu.enqueue_dma source(%arg11 : memref<512x16xf32, #tpu.memory_space<vmem>>) target(%dma_start3A_160 : memref<512x16xf32, #tpu.memory_space<vmem_shared>>) target_semaphore(%run_scoped3A : memref<!tpu.dma_semaphore, #tpu.memory_space<semaphore_mem>>)
      %dma_wait3A = arith.constant 0 : i32
      %dma_wait3A_161 = tpu.memref_slice %arg6[%add3A_120, %dma_wait3A] : memref<100352x16xf32, #tpu.memory_space<vmem_shared>> -> memref<512x16xf32, #tpu.memory_space<vmem_shared>>
      %dma_wait3A_162 = arith.constant 0 : i32
      %dma_wait3A_163 = tpu.memref_slice %arg6[%add3A_120, %dma_wait3A_162] : memref<100352x16xf32, #tpu.memory_space<vmem_shared>> -> memref<512x16xf32, #tpu.memory_space<vmem_shared>>
      tpu.wait_dma2 semaphore(%run_scoped3A : memref<!tpu.dma_semaphore, #tpu.memory_space<semaphore_mem>>) src(%arg11 : memref<512x16xf32, #tpu.memory_space<vmem>>) dst(%dma_wait3A_163 : memref<512x16xf32, #tpu.memory_space<vmem_shared>>)
      tpu.yield
    }) : () -> ()
    %mul3A_121 = arith.constant 6272 : i32
    %mul3A_122 = arith.muli %arg1, %mul3A_121 : i32
    %add3A_123 = arith.constant 4096 : i32
    %add3A_124 = arith.addi %mul3A_122, %add3A_123 : i32
    "tpu.region"() ({
      %run_scoped3A = tpu.sem_alloc : memref<!tpu.dma_semaphore, #tpu.memory_space<semaphore_mem>>
      %dma_start3A_157 = arith.constant 0 : i32
      %dma_start3A_158 = tpu.memref_slice %arg6[%add3A_124, %dma_start3A_157] : memref<100352x16xf32, #tpu.memory_space<vmem_shared>> -> memref<512x16xf32, #tpu.memory_space<vmem_shared>>
      %dma_start3A_159 = arith.constant 0 : i32
      %dma_start3A_160 = tpu.memref_slice %arg6[%add3A_124, %dma_start3A_159] : memref<100352x16xf32, #tpu.memory_space<vmem_shared>> -> memref<512x16xf32, #tpu.memory_space<vmem_shared>>
      tpu.enqueue_dma source(%arg11 : memref<512x16xf32, #tpu.memory_space<vmem>>) target(%dma_start3A_160 : memref<512x16xf32, #tpu.memory_space<vmem_shared>>) target_semaphore(%run_scoped3A : memref<!tpu.dma_semaphore, #tpu.memory_space<semaphore_mem>>)
      %dma_wait3A = arith.constant 0 : i32
      %dma_wait3A_161 = tpu.memref_slice %arg6[%add3A_124, %dma_wait3A] : memref<100352x16xf32, #tpu.memory_space<vmem_shared>> -> memref<512x16xf32, #tpu.memory_space<vmem_shared>>
      %dma_wait3A_162 = arith.constant 0 : i32
      %dma_wait3A_163 = tpu.memref_slice %arg6[%add3A_124, %dma_wait3A_162] : memref<100352x16xf32, #tpu.memory_space<vmem_shared>> -> memref<512x16xf32, #tpu.memory_space<vmem_shared>>
      tpu.wait_dma2 semaphore(%run_scoped3A : memref<!tpu.dma_semaphore, #tpu.memory_space<semaphore_mem>>) src(%arg11 : memref<512x16xf32, #tpu.memory_space<vmem>>) dst(%dma_wait3A_163 : memref<512x16xf32, #tpu.memory_space<vmem_shared>>)
      tpu.yield
    }) : () -> ()
    %mul3A_125 = arith.constant 6272 : i32
    %mul3A_126 = arith.muli %arg1, %mul3A_125 : i32
    %add3A_127 = arith.constant 4608 : i32
    %add3A_128 = arith.addi %mul3A_126, %add3A_127 : i32
    "tpu.region"() ({
      %run_scoped3A = tpu.sem_alloc : memref<!tpu.dma_semaphore, #tpu.memory_space<semaphore_mem>>
      %dma_start3A_157 = arith.constant 0 : i32
      %dma_start3A_158 = tpu.memref_slice %arg6[%add3A_128, %dma_start3A_157] : memref<100352x16xf32, #tpu.memory_space<vmem_shared>> -> memref<512x16xf32, #tpu.memory_space<vmem_shared>>
      %dma_start3A_159 = arith.constant 0 : i32
      %dma_start3A_160 = tpu.memref_slice %arg6[%add3A_128, %dma_start3A_159] : memref<100352x16xf32, #tpu.memory_space<vmem_shared>> -> memref<512x16xf32, #tpu.memory_space<vmem_shared>>
      tpu.enqueue_dma source(%arg11 : memref<512x16xf32, #tpu.memory_space<vmem>>) target(%dma_start3A_160 : memref<512x16xf32, #tpu.memory_space<vmem_shared>>) target_semaphore(%run_scoped3A : memref<!tpu.dma_semaphore, #tpu.memory_space<semaphore_mem>>)
      %dma_wait3A = arith.constant 0 : i32
      %dma_wait3A_161 = tpu.memref_slice %arg6[%add3A_128, %dma_wait3A] : memref<100352x16xf32, #tpu.memory_space<vmem_shared>> -> memref<512x16xf32, #tpu.memory_space<vmem_shared>>
      %dma_wait3A_162 = arith.constant 0 : i32
      %dma_wait3A_163 = tpu.memref_slice %arg6[%add3A_128, %dma_wait3A_162] : memref<100352x16xf32, #tpu.memory_space<vmem_shared>> -> memref<512x16xf32, #tpu.memory_space<vmem_shared>>
      tpu.wait_dma2 semaphore(%run_scoped3A : memref<!tpu.dma_semaphore, #tpu.memory_space<semaphore_mem>>) src(%arg11 : memref<512x16xf32, #tpu.memory_space<vmem>>) dst(%dma_wait3A_163 : memref<512x16xf32, #tpu.memory_space<vmem_shared>>)
      tpu.yield
    }) : () -> ()
    %mul3A_129 = arith.constant 6272 : i32
    %mul3A_130 = arith.muli %arg1, %mul3A_129 : i32
    %add3A_131 = arith.constant 5120 : i32
    %add3A_132 = arith.addi %mul3A_130, %add3A_131 : i32
    "tpu.region"() ({
      %run_scoped3A = tpu.sem_alloc : memref<!tpu.dma_semaphore, #tpu.memory_space<semaphore_mem>>
      %dma_start3A_157 = arith.constant 0 : i32
      %dma_start3A_158 = tpu.memref_slice %arg6[%add3A_132, %dma_start3A_157] : memref<100352x16xf32, #tpu.memory_space<vmem_shared>> -> memref<512x16xf32, #tpu.memory_space<vmem_shared>>
      %dma_start3A_159 = arith.constant 0 : i32
      %dma_start3A_160 = tpu.memref_slice %arg6[%add3A_132, %dma_start3A_159] : memref<100352x16xf32, #tpu.memory_space<vmem_shared>> -> memref<512x16xf32, #tpu.memory_space<vmem_shared>>
      tpu.enqueue_dma source(%arg11 : memref<512x16xf32, #tpu.memory_space<vmem>>) target(%dma_start3A_160 : memref<512x16xf32, #tpu.memory_space<vmem_shared>>) target_semaphore(%run_scoped3A : memref<!tpu.dma_semaphore, #tpu.memory_space<semaphore_mem>>)
      %dma_wait3A = arith.constant 0 : i32
      %dma_wait3A_161 = tpu.memref_slice %arg6[%add3A_132, %dma_wait3A] : memref<100352x16xf32, #tpu.memory_space<vmem_shared>> -> memref<512x16xf32, #tpu.memory_space<vmem_shared>>
      %dma_wait3A_162 = arith.constant 0 : i32
      %dma_wait3A_163 = tpu.memref_slice %arg6[%add3A_132, %dma_wait3A_162] : memref<100352x16xf32, #tpu.memory_space<vmem_shared>> -> memref<512x16xf32, #tpu.memory_space<vmem_shared>>
      tpu.wait_dma2 semaphore(%run_scoped3A : memref<!tpu.dma_semaphore, #tpu.memory_space<semaphore_mem>>) src(%arg11 : memref<512x16xf32, #tpu.memory_space<vmem>>) dst(%dma_wait3A_163 : memref<512x16xf32, #tpu.memory_space<vmem_shared>>)
      tpu.yield
    }) : () -> ()
    %mul3A_133 = arith.constant 6272 : i32
    %mul3A_134 = arith.muli %arg1, %mul3A_133 : i32
    %add3A_135 = arith.constant 5632 : i32
    %add3A_136 = arith.addi %mul3A_134, %add3A_135 : i32
    "tpu.region"() ({
      %run_scoped3A = tpu.sem_alloc : memref<!tpu.dma_semaphore, #tpu.memory_space<semaphore_mem>>
      %dma_start3A_157 = arith.constant 0 : i32
      %dma_start3A_158 = tpu.memref_slice %arg6[%add3A_136, %dma_start3A_157] : memref<100352x16xf32, #tpu.memory_space<vmem_shared>> -> memref<512x16xf32, #tpu.memory_space<vmem_shared>>
      %dma_start3A_159 = arith.constant 0 : i32
      %dma_start3A_160 = tpu.memref_slice %arg6[%add3A_136, %dma_start3A_159] : memref<100352x16xf32, #tpu.memory_space<vmem_shared>> -> memref<512x16xf32, #tpu.memory_space<vmem_shared>>
      tpu.enqueue_dma source(%arg11 : memref<512x16xf32, #tpu.memory_space<vmem>>) target(%dma_start3A_160 : memref<512x16xf32, #tpu.memory_space<vmem_shared>>) target_semaphore(%run_scoped3A : memref<!tpu.dma_semaphore, #tpu.memory_space<semaphore_mem>>)
      %dma_wait3A = arith.constant 0 : i32
      %dma_wait3A_161 = tpu.memref_slice %arg6[%add3A_136, %dma_wait3A] : memref<100352x16xf32, #tpu.memory_space<vmem_shared>> -> memref<512x16xf32, #tpu.memory_space<vmem_shared>>
      %dma_wait3A_162 = arith.constant 0 : i32
      %dma_wait3A_163 = tpu.memref_slice %arg6[%add3A_136, %dma_wait3A_162] : memref<100352x16xf32, #tpu.memory_space<vmem_shared>> -> memref<512x16xf32, #tpu.memory_space<vmem_shared>>
      tpu.wait_dma2 semaphore(%run_scoped3A : memref<!tpu.dma_semaphore, #tpu.memory_space<semaphore_mem>>) src(%arg11 : memref<512x16xf32, #tpu.memory_space<vmem>>) dst(%dma_wait3A_163 : memref<512x16xf32, #tpu.memory_space<vmem_shared>>)
      tpu.yield
    }) : () -> ()
    %mul3A_137 = arith.constant 6272 : i32
    %mul3A_138 = arith.muli %arg1, %mul3A_137 : i32
    %add3A_139 = arith.constant 6144 : i32
    %add3A_140 = arith.addi %mul3A_138, %add3A_139 : i32
    "tpu.region"() ({
      %run_scoped3A = tpu.sem_alloc : memref<!tpu.dma_semaphore, #tpu.memory_space<semaphore_mem>>
      %dma_start3A_157 = arith.constant 0 : i32
      %dma_start3A_158 = arith.constant 0 : i32
      %dma_start3A_159 = tpu.memref_slice %arg11[%dma_start3A_157, %dma_start3A_158] : memref<512x16xf32, #tpu.memory_space<vmem>> -> memref<128x16xf32, #tpu.memory_space<vmem>>
      %dma_start3A_160 = arith.constant 0 : i32
      %dma_start3A_161 = tpu.memref_slice %arg6[%add3A_140, %dma_start3A_160] : memref<100352x16xf32, #tpu.memory_space<vmem_shared>> -> memref<128x16xf32, #tpu.memory_space<vmem_shared>>
      %dma_start3A_162 = arith.constant 0 : i32
      %dma_start3A_163 = tpu.memref_slice %arg6[%add3A_140, %dma_start3A_162] : memref<100352x16xf32, #tpu.memory_space<vmem_shared>> -> memref<128x16xf32, #tpu.memory_space<vmem_shared>>
      %dma_start3A_164 = arith.constant 0 : i32
      %dma_start3A_165 = arith.constant 0 : i32
      %dma_start3A_166 = tpu.memref_slice %arg11[%dma_start3A_164, %dma_start3A_165] : memref<512x16xf32, #tpu.memory_space<vmem>> -> memref<128x16xf32, #tpu.memory_space<vmem>>
      tpu.enqueue_dma source(%dma_start3A_166 : memref<128x16xf32, #tpu.memory_space<vmem>>) target(%dma_start3A_163 : memref<128x16xf32, #tpu.memory_space<vmem_shared>>) target_semaphore(%run_scoped3A : memref<!tpu.dma_semaphore, #tpu.memory_space<semaphore_mem>>)
      %dma_wait3A = arith.constant 0 : i32
      %dma_wait3A_167 = arith.constant 0 : i32
      %dma_wait3A_168 = tpu.memref_slice %arg11[%dma_wait3A, %dma_wait3A_167] : memref<512x16xf32, #tpu.memory_space<vmem>> -> memref<128x16xf32, #tpu.memory_space<vmem>>
      %dma_wait3A_169 = arith.constant 0 : i32
      %dma_wait3A_170 = tpu.memref_slice %arg6[%add3A_140, %dma_wait3A_169] : memref<100352x16xf32, #tpu.memory_space<vmem_shared>> -> memref<128x16xf32, #tpu.memory_space<vmem_shared>>
      %dma_wait3A_171 = arith.constant 0 : i32
      %dma_wait3A_172 = tpu.memref_slice %arg6[%add3A_140, %dma_wait3A_171] : memref<100352x16xf32, #tpu.memory_space<vmem_shared>> -> memref<128x16xf32, #tpu.memory_space<vmem_shared>>
      %dma_wait3A_173 = arith.constant 0 : i32
      %dma_wait3A_174 = arith.constant 0 : i32
      %dma_wait3A_175 = tpu.memref_slice %arg11[%dma_wait3A_173, %dma_wait3A_174] : memref<512x16xf32, #tpu.memory_space<vmem>> -> memref<128x16xf32, #tpu.memory_space<vmem>>
      tpu.wait_dma2 semaphore(%run_scoped3A : memref<!tpu.dma_semaphore, #tpu.memory_space<semaphore_mem>>) src(%dma_wait3A_175 : memref<128x16xf32, #tpu.memory_space<vmem>>) dst(%dma_wait3A_172 : memref<128x16xf32, #tpu.memory_space<vmem_shared>>)
      tpu.yield
    }) : () -> ()
    %barrier3A_141 = arith.constant 0 : index
    tpu.barrier barrier_id(%barrier3A_141)
    "tpu.region"() ({
      %run_scoped3A = tpu.sem_alloc : memref<!tpu.dma_semaphore, #tpu.memory_space<semaphore_mem>>
      %dma_start3A_157 = tpu.memref_slice %arg3[%add3A_80, %mul3A_0] : memref<4x1605632xi32, #tpu.memory_space<hbm>> -> memref<1x512xi32, #tpu.memory_space<hbm>>
      %dma_start3A_158 = tpu.memref_squeeze %dma_start3A_157 : memref<1x512xi32, #tpu.memory_space<hbm>> -> memref<512xi32, #tpu.memory_space<hbm>>
      %dma_start3A_159 = tpu.memref_slice %arg3[%add3A_80, %mul3A_0] : memref<4x1605632xi32, #tpu.memory_space<hbm>> -> memref<1x512xi32, #tpu.memory_space<hbm>>
      %dma_start3A_160 = tpu.memref_squeeze %dma_start3A_159 : memref<1x512xi32, #tpu.memory_space<hbm>> -> memref<512xi32, #tpu.memory_space<hbm>>
      tpu.enqueue_dma source(%dma_start3A_160 : memref<512xi32, #tpu.memory_space<hbm>>) target(%arg7 : memref<512xi32, #tpu.memory_space<vmem>>) target_semaphore(%run_scoped3A : memref<!tpu.dma_semaphore, #tpu.memory_space<semaphore_mem>>)
      %dma_wait3A = tpu.memref_slice %arg3[%add3A_80, %mul3A_0] : memref<4x1605632xi32, #tpu.memory_space<hbm>> -> memref<1x512xi32, #tpu.memory_space<hbm>>
      %dma_wait3A_161 = tpu.memref_squeeze %dma_wait3A : memref<1x512xi32, #tpu.memory_space<hbm>> -> memref<512xi32, #tpu.memory_space<hbm>>
      %dma_wait3A_162 = tpu.memref_slice %arg3[%add3A_80, %mul3A_0] : memref<4x1605632xi32, #tpu.memory_space<hbm>> -> memref<1x512xi32, #tpu.memory_space<hbm>>
      %dma_wait3A_163 = tpu.memref_squeeze %dma_wait3A_162 : memref<1x512xi32, #tpu.memory_space<hbm>> -> memref<512xi32, #tpu.memory_space<hbm>>
      tpu.wait_dma2 semaphore(%run_scoped3A : memref<!tpu.dma_semaphore, #tpu.memory_space<semaphore_mem>>) src(%dma_wait3A_163 : memref<512xi32, #tpu.memory_space<hbm>>) dst(%arg7 : memref<512xi32, #tpu.memory_space<vmem>>)
      tpu.yield
    }) : () -> ()
    "tpu.region"() ({
      %run_scoped3A = tpu.sem_alloc : memref<!tpu.dma_semaphore, #tpu.memory_space<semaphore_mem>>
      %dma_start3A_157 = tpu.memref_slice %arg4[%mul3A_0] : memref<1605632xi32, #tpu.memory_space<hbm>> -> memref<512xi32, #tpu.memory_space<hbm>>
      %dma_start3A_158 = tpu.memref_slice %arg4[%mul3A_0] : memref<1605632xi32, #tpu.memory_space<hbm>> -> memref<512xi32, #tpu.memory_space<hbm>>
      tpu.enqueue_dma source(%dma_start3A_158 : memref<512xi32, #tpu.memory_space<hbm>>) target(%arg9 : memref<512xi32, #tpu.memory_space<vmem>>) target_semaphore(%run_scoped3A : memref<!tpu.dma_semaphore, #tpu.memory_space<semaphore_mem>>)
      %dma_wait3A = tpu.memref_slice %arg4[%mul3A_0] : memref<1605632xi32, #tpu.memory_space<hbm>> -> memref<512xi32, #tpu.memory_space<hbm>>
      %dma_wait3A_159 = tpu.memref_slice %arg4[%mul3A_0] : memref<1605632xi32, #tpu.memory_space<hbm>> -> memref<512xi32, #tpu.memory_space<hbm>>
      tpu.wait_dma2 semaphore(%run_scoped3A : memref<!tpu.dma_semaphore, #tpu.memory_space<semaphore_mem>>) src(%dma_wait3A_159 : memref<512xi32, #tpu.memory_space<hbm>>) dst(%arg9 : memref<512xi32, #tpu.memory_space<vmem>>)
      tpu.yield
    }) : () -> ()
    %dma_start3A_142 = arith.constant 0 : i32
    %dma_start3A_143 = arith.constant 0 : i32
    %dma_start3A_144 = tpu.memref_slice %arg2[%dma_start3A_142, %dma_start3A_143] : memref<401408x16xf32, #tpu.memory_space<hbm>> -> memref<401408x16xf32, #tpu.memory_space<hbm>>
    tpu.enqueue_indirect_dma source(%dma_start3A_144 : memref<401408x16xf32, #tpu.memory_space<hbm>>) target(%arg11 : memref<512x16xf32, #tpu.memory_space<vmem>>) offsets(%arg7 : memref<512xi32, #tpu.memory_space<vmem>>) semaphore(%arg13 : memref<!tpu.dma_semaphore, #tpu.memory_space<semaphore_mem>>)
    %scan3A_145 = arith.constant 0 : i32
    %scan3A_146 = arith.constant 0 : i32
    %scan3A_147 = arith.constant 98 : i32
    %scan3A_148 = arith.addi %scan3A_146, %scan3A_147 : i32
    %scan3A_149 = arith.constant 1 : i32
    scf.for %scan3A_157 = %scan3A_146 to %scan3A_148 step %scan3A_149  : i32 {
      %mul3A_158 = arith.constant 2 : i32
      %mul3A_159 = arith.muli %scan3A_157, %mul3A_158 : i32
      %add3A_160 = arith.constant 0 : i32
      %add3A_161 = arith.addi %mul3A_159, %add3A_160 : i32
      %add3A_162 = arith.constant 1 : i32
      %add3A_163 = arith.addi %add3A_161, %add3A_162 : i32
      %lt3A = arith.constant 196 : i32
      %lt3A_164 = arith.cmpi slt, %add3A_163, %lt3A : i32
      %convert_element_type3A = arith.extui %lt3A_164 : i1 to i32
      %cond3A = arith.constant 0 : i32
      %cond3A_165 = arith.cmpi ne, %convert_element_type3A, %cond3A : i32
      scf.if %cond3A_165 {
        %add3A_182 = arith.constant 1 : i32
        %add3A_183 = arith.addi %add3A_161, %add3A_182 : i32
        %mul3A_184 = arith.constant 512 : i32
        %mul3A_185 = arith.muli %add3A_183, %mul3A_184 : i32
        %add3A_186 = arith.addi %mul3A_0, %mul3A_185 : i32
        "tpu.region"() ({
          %run_scoped3A = tpu.sem_alloc : memref<!tpu.dma_semaphore, #tpu.memory_space<semaphore_mem>>
          %dma_start3A_190 = tpu.memref_slice %arg3[%add3A_80, %add3A_186] : memref<4x1605632xi32, #tpu.memory_space<hbm>> -> memref<1x512xi32, #tpu.memory_space<hbm>>
          %dma_start3A_191 = tpu.memref_squeeze %dma_start3A_190 : memref<1x512xi32, #tpu.memory_space<hbm>> -> memref<512xi32, #tpu.memory_space<hbm>>
          %dma_start3A_192 = tpu.memref_slice %arg3[%add3A_80, %add3A_186] : memref<4x1605632xi32, #tpu.memory_space<hbm>> -> memref<1x512xi32, #tpu.memory_space<hbm>>
          %dma_start3A_193 = tpu.memref_squeeze %dma_start3A_192 : memref<1x512xi32, #tpu.memory_space<hbm>> -> memref<512xi32, #tpu.memory_space<hbm>>
          tpu.enqueue_dma source(%dma_start3A_193 : memref<512xi32, #tpu.memory_space<hbm>>) target(%arg8 : memref<512xi32, #tpu.memory_space<vmem>>) target_semaphore(%run_scoped3A : memref<!tpu.dma_semaphore, #tpu.memory_space<semaphore_mem>>)
          %dma_wait3A_194 = tpu.memref_slice %arg3[%add3A_80, %add3A_186] : memref<4x1605632xi32, #tpu.memory_space<hbm>> -> memref<1x512xi32, #tpu.memory_space<hbm>>
          %dma_wait3A_195 = tpu.memref_squeeze %dma_wait3A_194 : memref<1x512xi32, #tpu.memory_space<hbm>> -> memref<512xi32, #tpu.memory_space<hbm>>
          %dma_wait3A_196 = tpu.memref_slice %arg3[%add3A_80, %add3A_186] : memref<4x1605632xi32, #tpu.memory_space<hbm>> -> memref<1x512xi32, #tpu.memory_space<hbm>>
          %dma_wait3A_197 = tpu.memref_squeeze %dma_wait3A_196 : memref<1x512xi32, #tpu.memory_space<hbm>> -> memref<512xi32, #tpu.memory_space<hbm>>
          tpu.wait_dma2 semaphore(%run_scoped3A : memref<!tpu.dma_semaphore, #tpu.memory_space<semaphore_mem>>) src(%dma_wait3A_197 : memref<512xi32, #tpu.memory_space<hbm>>) dst(%arg8 : memref<512xi32, #tpu.memory_space<vmem>>)
          tpu.yield
        }) : () -> ()
        "tpu.region"() ({
          %run_scoped3A = tpu.sem_alloc : memref<!tpu.dma_semaphore, #tpu.memory_space<semaphore_mem>>
          %dma_start3A_190 = tpu.memref_slice %arg4[%add3A_186] : memref<1605632xi32, #tpu.memory_space<hbm>> -> memref<512xi32, #tpu.memory_space<hbm>>
          %dma_start3A_191 = tpu.memref_slice %arg4[%add3A_186] : memref<1605632xi32, #tpu.memory_space<hbm>> -> memref<512xi32, #tpu.memory_space<hbm>>
          tpu.enqueue_dma source(%dma_start3A_191 : memref<512xi32, #tpu.memory_space<hbm>>) target(%arg10 : memref<512xi32, #tpu.memory_space<vmem>>) target_semaphore(%run_scoped3A : memref<!tpu.dma_semaphore, #tpu.memory_space<semaphore_mem>>)
          %dma_wait3A_192 = tpu.memref_slice %arg4[%add3A_186] : memref<1605632xi32, #tpu.memory_space<hbm>> -> memref<512xi32, #tpu.memory_space<hbm>>
          %dma_wait3A_193 = tpu.memref_slice %arg4[%add3A_186] : memref<1605632xi32, #tpu.memory_space<hbm>> -> memref<512xi32, #tpu.memory_space<hbm>>
          tpu.wait_dma2 semaphore(%run_scoped3A : memref<!tpu.dma_semaphore, #tpu.memory_space<semaphore_mem>>) src(%dma_wait3A_193 : memref<512xi32, #tpu.memory_space<hbm>>) dst(%arg10 : memref<512xi32, #tpu.memory_space<vmem>>)
          tpu.yield
        }) : () -> ()
        %dma_start3A_187 = arith.constant 0 : i32
        %dma_start3A_188 = arith.constant 0 : i32
        %dma_start3A_189 = tpu.memref_slice %arg2[%dma_start3A_187, %dma_start3A_188] : memref<401408x16xf32, #tpu.memory_space<hbm>> -> memref<401408x16xf32, #tpu.memory_space<hbm>>
        tpu.enqueue_indirect_dma source(%dma_start3A_189 : memref<401408x16xf32, #tpu.memory_space<hbm>>) target(%arg12 : memref<512x16xf32, #tpu.memory_space<vmem>>) offsets(%arg8 : memref<512xi32, #tpu.memory_space<vmem>>) semaphore(%arg14 : memref<!tpu.dma_semaphore, #tpu.memory_space<semaphore_mem>>)
      } else {
      }
      %dma_wait3A = arith.constant 0 : i32
      %dma_wait3A_166 = arith.constant 0 : i32
      %dma_wait3A_167 = tpu.memref_slice %arg2[%dma_wait3A, %dma_wait3A_166] : memref<401408x16xf32, #tpu.memory_space<hbm>> -> memref<401408x16xf32, #tpu.memory_space<hbm>>
      tpu.wait_indirect_dma semaphore(%arg13 : memref<!tpu.dma_semaphore, #tpu.memory_space<semaphore_mem>>) src(%dma_wait3A_167 : memref<401408x16xf32, #tpu.memory_space<hbm>>) dst(%arg11 : memref<512x16xf32, #tpu.memory_space<vmem>>)
      "tpu.region"() ({
        %run_scoped3A = tpu.sem_alloc : memref<!tpu.dma_semaphore, #tpu.memory_space<semaphore_mem>>
        %dma_start3A_182 = arith.constant 0 : i32
        %dma_start3A_183 = arith.constant 0 : i32
        %dma_start3A_184 = tpu.memref_slice %arg6[%dma_start3A_182, %dma_start3A_183] : memref<100352x16xf32, #tpu.memory_space<vmem_shared>> -> memref<100352x16xf32, #tpu.memory_space<vmem_shared>>
        tpu.enqueue_indirect_dma source(%arg11 : memref<512x16xf32, #tpu.memory_space<vmem>>) target(%dma_start3A_184 : memref<100352x16xf32, #tpu.memory_space<vmem_shared>>) offsets(%arg9 : memref<512xi32, #tpu.memory_space<vmem>>) semaphore(%run_scoped3A : memref<!tpu.dma_semaphore, #tpu.memory_space<semaphore_mem>>) {add = true}
        %dma_wait3A_185 = arith.constant 0 : i32
        %dma_wait3A_186 = arith.constant 0 : i32
        %dma_wait3A_187 = tpu.memref_slice %arg6[%dma_wait3A_185, %dma_wait3A_186] : memref<100352x16xf32, #tpu.memory_space<vmem_shared>> -> memref<100352x16xf32, #tpu.memory_space<vmem_shared>>
        tpu.wait_indirect_dma semaphore(%run_scoped3A : memref<!tpu.dma_semaphore, #tpu.memory_space<semaphore_mem>>) src(%arg11 : memref<512x16xf32, #tpu.memory_space<vmem>>) dst(%dma_wait3A_187 : memref<100352x16xf32, #tpu.memory_space<vmem_shared>>)
        tpu.yield
      }) : () -> ()
      %mul3A_168 = arith.constant 2 : i32
      %mul3A_169 = arith.muli %scan3A_157, %mul3A_168 : i32
      %add3A_170 = arith.constant 1 : i32
      %add3A_171 = arith.addi %mul3A_169, %add3A_170 : i32
      %add3A_172 = arith.constant 1 : i32
      %add3A_173 = arith.addi %add3A_171, %add3A_172 : i32
      %lt3A_174 = arith.constant 196 : i32
      %lt3A_175 = arith.cmpi slt, %add3A_173, %lt3A_174 : i32
      %convert_element_type3A_176 = arith.extui %lt3A_175 : i1 to i32
      %cond3A_177 = arith.constant 0 : i32
      %cond3A_178 = arith.cmpi ne, %convert_element_type3A_176, %cond3A_177 : i32
      scf.if %cond3A_178 {
        %add3A_182 = arith.constant 1 : i32
        %add3A_183 = arith.addi %add3A_171, %add3A_182 : i32
        %mul3A_184 = arith.constant 512 : i32
        %mul3A_185 = arith.muli %add3A_183, %mul3A_184 : i32
        %add3A_186 = arith.addi %mul3A_0, %mul3A_185 : i32
        "tpu.region"() ({
          %run_scoped3A = tpu.sem_alloc : memref<!tpu.dma_semaphore, #tpu.memory_space<semaphore_mem>>
          %dma_start3A_190 = tpu.memref_slice %arg3[%add3A_80, %add3A_186] : memref<4x1605632xi32, #tpu.memory_space<hbm>> -> memref<1x512xi32, #tpu.memory_space<hbm>>
          %dma_start3A_191 = tpu.memref_squeeze %dma_start3A_190 : memref<1x512xi32, #tpu.memory_space<hbm>> -> memref<512xi32, #tpu.memory_space<hbm>>
          %dma_start3A_192 = tpu.memref_slice %arg3[%add3A_80, %add3A_186] : memref<4x1605632xi32, #tpu.memory_space<hbm>> -> memref<1x512xi32, #tpu.memory_space<hbm>>
          %dma_start3A_193 = tpu.memref_squeeze %dma_start3A_192 : memref<1x512xi32, #tpu.memory_space<hbm>> -> memref<512xi32, #tpu.memory_space<hbm>>
          tpu.enqueue_dma source(%dma_start3A_193 : memref<512xi32, #tpu.memory_space<hbm>>) target(%arg7 : memref<512xi32, #tpu.memory_space<vmem>>) target_semaphore(%run_scoped3A : memref<!tpu.dma_semaphore, #tpu.memory_space<semaphore_mem>>)
          %dma_wait3A_194 = tpu.memref_slice %arg3[%add3A_80, %add3A_186] : memref<4x1605632xi32, #tpu.memory_space<hbm>> -> memref<1x512xi32, #tpu.memory_space<hbm>>
          %dma_wait3A_195 = tpu.memref_squeeze %dma_wait3A_194 : memref<1x512xi32, #tpu.memory_space<hbm>> -> memref<512xi32, #tpu.memory_space<hbm>>
          %dma_wait3A_196 = tpu.memref_slice %arg3[%add3A_80, %add3A_186] : memref<4x1605632xi32, #tpu.memory_space<hbm>> -> memref<1x512xi32, #tpu.memory_space<hbm>>
          %dma_wait3A_197 = tpu.memref_squeeze %dma_wait3A_196 : memref<1x512xi32, #tpu.memory_space<hbm>> -> memref<512xi32, #tpu.memory_space<hbm>>
          tpu.wait_dma2 semaphore(%run_scoped3A : memref<!tpu.dma_semaphore, #tpu.memory_space<semaphore_mem>>) src(%dma_wait3A_197 : memref<512xi32, #tpu.memory_space<hbm>>) dst(%arg7 : memref<512xi32, #tpu.memory_space<vmem>>)
          tpu.yield
        }) : () -> ()
        "tpu.region"() ({
          %run_scoped3A = tpu.sem_alloc : memref<!tpu.dma_semaphore, #tpu.memory_space<semaphore_mem>>
          %dma_start3A_190 = tpu.memref_slice %arg4[%add3A_186] : memref<1605632xi32, #tpu.memory_space<hbm>> -> memref<512xi32, #tpu.memory_space<hbm>>
          %dma_start3A_191 = tpu.memref_slice %arg4[%add3A_186] : memref<1605632xi32, #tpu.memory_space<hbm>> -> memref<512xi32, #tpu.memory_space<hbm>>
          tpu.enqueue_dma source(%dma_start3A_191 : memref<512xi32, #tpu.memory_space<hbm>>) target(%arg9 : memref<512xi32, #tpu.memory_space<vmem>>) target_semaphore(%run_scoped3A : memref<!tpu.dma_semaphore, #tpu.memory_space<semaphore_mem>>)
          %dma_wait3A_192 = tpu.memref_slice %arg4[%add3A_186] : memref<1605632xi32, #tpu.memory_space<hbm>> -> memref<512xi32, #tpu.memory_space<hbm>>
          %dma_wait3A_193 = tpu.memref_slice %arg4[%add3A_186] : memref<1605632xi32, #tpu.memory_space<hbm>> -> memref<512xi32, #tpu.memory_space<hbm>>
          tpu.wait_dma2 semaphore(%run_scoped3A : memref<!tpu.dma_semaphore, #tpu.memory_space<semaphore_mem>>) src(%dma_wait3A_193 : memref<512xi32, #tpu.memory_space<hbm>>) dst(%arg9 : memref<512xi32, #tpu.memory_space<vmem>>)
          tpu.yield
        }) : () -> ()
        %dma_start3A_187 = arith.constant 0 : i32
        %dma_start3A_188 = arith.constant 0 : i32
        %dma_start3A_189 = tpu.memref_slice %arg2[%dma_start3A_187, %dma_start3A_188] : memref<401408x16xf32, #tpu.memory_space<hbm>> -> memref<401408x16xf32, #tpu.memory_space<hbm>>
        tpu.enqueue_indirect_dma source(%dma_start3A_189 : memref<401408x16xf32, #tpu.memory_space<hbm>>) target(%arg11 : memref<512x16xf32, #tpu.memory_space<vmem>>) offsets(%arg7 : memref<512xi32, #tpu.memory_space<vmem>>) semaphore(%arg13 : memref<!tpu.dma_semaphore, #tpu.memory_space<semaphore_mem>>)
      } else {
      }
      %dma_wait3A_179 = arith.constant 0 : i32
      %dma_wait3A_180 = arith.constant 0 : i32
      %dma_wait3A_181 = tpu.memref_slice %arg2[%dma_wait3A_179, %dma_wait3A_180] : memref<401408x16xf32, #tpu.memory_space<hbm>> -> memref<401408x16xf32, #tpu.memory_space<hbm>>
      tpu.wait_indirect_dma semaphore(%arg14 : memref<!tpu.dma_semaphore, #tpu.memory_space<semaphore_mem>>) src(%dma_wait3A_181 : memref<401408x16xf32, #tpu.memory_space<hbm>>) dst(%arg12 : memref<512x16xf32, #tpu.memory_space<vmem>>)
      "tpu.region"() ({
        %run_scoped3A = tpu.sem_alloc : memref<!tpu.dma_semaphore, #tpu.memory_space<semaphore_mem>>
        %dma_start3A_182 = arith.constant 0 : i32
        %dma_start3A_183 = arith.constant 0 : i32
        %dma_start3A_184 = tpu.memref_slice %arg6[%dma_start3A_182, %dma_start3A_183] : memref<100352x16xf32, #tpu.memory_space<vmem_shared>> -> memref<100352x16xf32, #tpu.memory_space<vmem_shared>>
        tpu.enqueue_indirect_dma source(%arg12 : memref<512x16xf32, #tpu.memory_space<vmem>>) target(%dma_start3A_184 : memref<100352x16xf32, #tpu.memory_space<vmem_shared>>) offsets(%arg10 : memref<512xi32, #tpu.memory_space<vmem>>) semaphore(%run_scoped3A : memref<!tpu.dma_semaphore, #tpu.memory_space<semaphore_mem>>) {add = true}
        %dma_wait3A_185 = arith.constant 0 : i32
        %dma_wait3A_186 = arith.constant 0 : i32
        %dma_wait3A_187 = tpu.memref_slice %arg6[%dma_wait3A_185, %dma_wait3A_186] : memref<100352x16xf32, #tpu.memory_space<vmem_shared>> -> memref<100352x16xf32, #tpu.memory_space<vmem_shared>>
        tpu.wait_indirect_dma semaphore(%run_scoped3A : memref<!tpu.dma_semaphore, #tpu.memory_space<semaphore_mem>>) src(%arg12 : memref<512x16xf32, #tpu.memory_space<vmem>>) dst(%dma_wait3A_187 : memref<100352x16xf32, #tpu.memory_space<vmem_shared>>)
        tpu.yield
      }) : () -> ()
    }
    %scan3A_150 = arith.constant 98 : i32
    %barrier3A_151 = arith.constant 0 : index
    tpu.barrier barrier_id(%barrier3A_151)
    %mul3A_152 = arith.constant 6272 : i32
    %mul3A_153 = arith.muli %arg1, %mul3A_152 : i32
    %mul3A_154 = arith.constant 6272 : i32
    %mul3A_155 = arith.muli %arg1, %mul3A_154 : i32
    "tpu.region"() ({
      %run_scoped3A = tpu.sem_alloc : memref<!tpu.dma_semaphore, #tpu.memory_space<semaphore_mem>>
      %dma_start3A_157 = tpu.memref_slice %arg5[%mul3A_155, %mul3A_82] : memref<100352x64xf32, #tpu.memory_space<hbm>> -> memref<6272x16xf32, #tpu.memory_space<hbm>>
      %dma_start3A_158 = arith.constant 0 : i32
      %dma_start3A_159 = tpu.memref_slice %arg6[%mul3A_153, %dma_start3A_158] : memref<100352x16xf32, #tpu.memory_space<vmem_shared>> -> memref<6272x16xf32, #tpu.memory_space<vmem_shared>>
      tpu.enqueue_dma source(%dma_start3A_159 : memref<6272x16xf32, #tpu.memory_space<vmem_shared>>) target(%dma_start3A_157 : memref<6272x16xf32, #tpu.memory_space<hbm>>) target_semaphore(%run_scoped3A : memref<!tpu.dma_semaphore, #tpu.memory_space<semaphore_mem>>)
      %dma_wait3A = tpu.memref_slice %arg5[%mul3A_155, %mul3A_82] : memref<100352x64xf32, #tpu.memory_space<hbm>> -> memref<6272x16xf32, #tpu.memory_space<hbm>>
      %dma_wait3A_160 = arith.constant 0 : i32
      %dma_wait3A_161 = tpu.memref_slice %arg6[%mul3A_153, %dma_wait3A_160] : memref<100352x16xf32, #tpu.memory_space<vmem_shared>> -> memref<6272x16xf32, #tpu.memory_space<vmem_shared>>
      tpu.wait_dma2 semaphore(%run_scoped3A : memref<!tpu.dma_semaphore, #tpu.memory_space<semaphore_mem>>) src(%dma_wait3A_161 : memref<6272x16xf32, #tpu.memory_space<vmem_shared>>) dst(%dma_wait3A : memref<6272x16xf32, #tpu.memory_space<hbm>>)
      tpu.yield
    }) : () -> ()
    %barrier3A_156 = arith.constant 0 : index
    tpu.barrier barrier_id(%barrier3A_156)
    return
  }
}

#map = affine_map<(d0, d1) -> (0, 0)>
#map1 = affine_map<(d0, d1) -> (0)>
module attributes {stable_mosaic.version = 14 : i64} {
  func.func @_sc_seg16(%arg0: i32, %arg1: i32, %arg2: memref<401408x16xf32, #tpu.memory_space<hbm>>, %arg3: memref<4x1605632xi32, #tpu.memory_space<hbm>>, %arg4: memref<1605632xi32, #tpu.memory_space<hbm>>, %arg5: memref<100352x64xf32, #tpu.memory_space<hbm>>, %arg6: memref<100352x16xf32, #tpu.memory_space<vmem_shared>>, %arg7: memref<512xi32, #tpu.memory_space<vmem>>, %arg8: memref<512xi32, #tpu.memory_space<vmem>>, %arg9: memref<512xi32, #tpu.memory_space<vmem>>, %arg10: memref<512xi32, #tpu.memory_space<vmem>>, %arg11: memref<512x16xf32, #tpu.memory_space<vmem>>, %arg12: memref<512x16xf32, #tpu.memory_space<vmem>>, %arg13: memref<!tpu.dma_semaphore, #tpu.memory_space<semaphore_mem>>, %arg14: memref<!tpu.dma_semaphore, #tpu.memory_space<semaphore_mem>>) attributes {dimension_semantics = [#tpu.dimension_semantics<core_parallel>, #tpu.dimension_semantics<subcore_parallel>], iteration_bounds = array<i64: 2, 16>, scalar_prefetch = 0 : i64, scratch_operands = 9 : i64, tpu.core_type = #tpu.core_type<sc_vector_subcore>, window_params = [{transform_indices = #map}, {transform_indices = #map}, {transform_indices = #map1}, {transform_indices = #map}]} {
    %mul3A = arith.constant 100352 : i32
    %mul3A_0 = arith.muli %arg1, %mul3A : i32
    %mul3A_1 = arith.constant 2 : i32
    %mul3A_2 = arith.muli %arg0, %mul3A_1 : i32
    %add3A = arith.constant 0 : i32
    %add3A_3 = arith.addi %mul3A_2, %add3A : i32
    %mul3A_4 = arith.constant 16 : i32
    %mul3A_5 = arith.muli %add3A_3, %mul3A_4 : i32
    %scan3A = arith.constant 0 : i32
    %scan3A_6 = arith.constant 0 : i32
    %scan3A_7 = arith.constant 512 : i32
    %scan3A_8 = arith.addi %scan3A_6, %scan3A_7 : i32
    %scan3A_9 = arith.constant 1 : i32
    scf.for %scan3A_157 = %scan3A_6 to %scan3A_8 step %scan3A_9  : i32 {
      %broadcast_in_dim3A = arith.constant 0.000000e+00 : f32
      %broadcast_in_dim3A_158 = vector.broadcast %broadcast_in_dim3A : f32 to vector<16xf32>
      %swap3A = arith.index_cast %scan3A_157 : i32 to index
      %swap3A_159 = arith.constant 0 : index
      %swap3A_160 = tpu.vector_load %arg11[%swap3A, %swap3A_159] {strides = array<i32>} : memref<512x16xf32, #tpu.memory_space<vmem>>, vector<1x16xf32>,
      %swap3A_161 = vector.shape_cast %swap3A_160 : vector<1x16xf32> to vector<16xf32>
      %swap3A_162 = vector.shape_cast %broadcast_in_dim3A_158 : vector<16xf32> to vector<1x16xf32>
      tpu.vector_store %arg11[%swap3A, %swap3A_159], %swap3A_162 {strides = array<i32>} : memref<512x16xf32, #tpu.memory_space<vmem>>, vector<1x16xf32>,
    }
    %scan3A_10 = arith.constant 512 : i32
    %mul3A_11 = arith.constant 6272 : i32
    %mul3A_12 = arith.muli %arg1, %mul3A_11 : i32
    %add3A_13 = arith.constant 0 : i32
    %add3A_14 = arith.addi %mul3A_12, %add3A_13 : i32
    "tpu.region"() ({
      %run_scoped3A = tpu.sem_alloc : memref<!tpu.dma_semaphore, #tpu.memory_space<semaphore_mem>>
      %dma_start3A_157 = arith.constant 0 : i32
      %dma_start3A_158 = tpu.memref_slice %arg6[%add3A_14, %dma_start3A_157] : memref<100352x16xf32, #tpu.memory_space<vmem_shared>> -> memref<512x16xf32, #tpu.memory_space<vmem_shared>>
      %dma_start3A_159 = arith.constant 0 : i32
      %dma_start3A_160 = tpu.memref_slice %arg6[%add3A_14, %dma_start3A_159] : memref<100352x16xf32, #tpu.memory_space<vmem_shared>> -> memref<512x16xf32, #tpu.memory_space<vmem_shared>>
      tpu.enqueue_dma source(%arg11 : memref<512x16xf32, #tpu.memory_space<vmem>>) target(%dma_start3A_160 : memref<512x16xf32, #tpu.memory_space<vmem_shared>>) target_semaphore(%run_scoped3A : memref<!tpu.dma_semaphore, #tpu.memory_space<semaphore_mem>>)
      %dma_wait3A = arith.constant 0 : i32
      %dma_wait3A_161 = tpu.memref_slice %arg6[%add3A_14, %dma_wait3A] : memref<100352x16xf32, #tpu.memory_space<vmem_shared>> -> memref<512x16xf32, #tpu.memory_space<vmem_shared>>
      %dma_wait3A_162 = arith.constant 0 : i32
      %dma_wait3A_163 = tpu.memref_slice %arg6[%add3A_14, %dma_wait3A_162] : memref<100352x16xf32, #tpu.memory_space<vmem_shared>> -> memref<512x16xf32, #tpu.memory_space<vmem_shared>>
      tpu.wait_dma2 semaphore(%run_scoped3A : memref<!tpu.dma_semaphore, #tpu.memory_space<semaphore_mem>>) src(%arg11 : memref<512x16xf32, #tpu.memory_space<vmem>>) dst(%dma_wait3A_163 : memref<512x16xf32, #tpu.memory_space<vmem_shared>>)
      tpu.yield
    }) : () -> ()
    %mul3A_15 = arith.constant 6272 : i32
    %mul3A_16 = arith.muli %arg1, %mul3A_15 : i32
    %add3A_17 = arith.constant 512 : i32
    %add3A_18 = arith.addi %mul3A_16, %add3A_17 : i32
    "tpu.region"() ({
      %run_scoped3A = tpu.sem_alloc : memref<!tpu.dma_semaphore, #tpu.memory_space<semaphore_mem>>
      %dma_start3A_157 = arith.constant 0 : i32
      %dma_start3A_158 = tpu.memref_slice %arg6[%add3A_18, %dma_start3A_157] : memref<100352x16xf32, #tpu.memory_space<vmem_shared>> -> memref<512x16xf32, #tpu.memory_space<vmem_shared>>
      %dma_start3A_159 = arith.constant 0 : i32
      %dma_start3A_160 = tpu.memref_slice %arg6[%add3A_18, %dma_start3A_159] : memref<100352x16xf32, #tpu.memory_space<vmem_shared>> -> memref<512x16xf32, #tpu.memory_space<vmem_shared>>
      tpu.enqueue_dma source(%arg11 : memref<512x16xf32, #tpu.memory_space<vmem>>) target(%dma_start3A_160 : memref<512x16xf32, #tpu.memory_space<vmem_shared>>) target_semaphore(%run_scoped3A : memref<!tpu.dma_semaphore, #tpu.memory_space<semaphore_mem>>)
      %dma_wait3A = arith.constant 0 : i32
      %dma_wait3A_161 = tpu.memref_slice %arg6[%add3A_18, %dma_wait3A] : memref<100352x16xf32, #tpu.memory_space<vmem_shared>> -> memref<512x16xf32, #tpu.memory_space<vmem_shared>>
      %dma_wait3A_162 = arith.constant 0 : i32
      %dma_wait3A_163 = tpu.memref_slice %arg6[%add3A_18, %dma_wait3A_162] : memref<100352x16xf32, #tpu.memory_space<vmem_shared>> -> memref<512x16xf32, #tpu.memory_space<vmem_shared>>
      tpu.wait_dma2 semaphore(%run_scoped3A : memref<!tpu.dma_semaphore, #tpu.memory_space<semaphore_mem>>) src(%arg11 : memref<512x16xf32, #tpu.memory_space<vmem>>) dst(%dma_wait3A_163 : memref<512x16xf32, #tpu.memory_space<vmem_shared>>)
      tpu.yield
    }) : () -> ()
    %mul3A_19 = arith.constant 6272 : i32
    %mul3A_20 = arith.muli %arg1, %mul3A_19 : i32
    %add3A_21 = arith.constant 1024 : i32
    %add3A_22 = arith.addi %mul3A_20, %add3A_21 : i32
    "tpu.region"() ({
      %run_scoped3A = tpu.sem_alloc : memref<!tpu.dma_semaphore, #tpu.memory_space<semaphore_mem>>
      %dma_start3A_157 = arith.constant 0 : i32
      %dma_start3A_158 = tpu.memref_slice %arg6[%add3A_22, %dma_start3A_157] : memref<100352x16xf32, #tpu.memory_space<vmem_shared>> -> memref<512x16xf32, #tpu.memory_space<vmem_shared>>
      %dma_start3A_159 = arith.constant 0 : i32
      %dma_start3A_160 = tpu.memref_slice %arg6[%add3A_22, %dma_start3A_159] : memref<100352x16xf32, #tpu.memory_space<vmem_shared>> -> memref<512x16xf32, #tpu.memory_space<vmem_shared>>
      tpu.enqueue_dma source(%arg11 : memref<512x16xf32, #tpu.memory_space<vmem>>) target(%dma_start3A_160 : memref<512x16xf32, #tpu.memory_space<vmem_shared>>) target_semaphore(%run_scoped3A : memref<!tpu.dma_semaphore, #tpu.memory_space<semaphore_mem>>)
      %dma_wait3A = arith.constant 0 : i32
      %dma_wait3A_161 = tpu.memref_slice %arg6[%add3A_22, %dma_wait3A] : memref<100352x16xf32, #tpu.memory_space<vmem_shared>> -> memref<512x16xf32, #tpu.memory_space<vmem_shared>>
      %dma_wait3A_162 = arith.constant 0 : i32
      %dma_wait3A_163 = tpu.memref_slice %arg6[%add3A_22, %dma_wait3A_162] : memref<100352x16xf32, #tpu.memory_space<vmem_shared>> -> memref<512x16xf32, #tpu.memory_space<vmem_shared>>
      tpu.wait_dma2 semaphore(%run_scoped3A : memref<!tpu.dma_semaphore, #tpu.memory_space<semaphore_mem>>) src(%arg11 : memref<512x16xf32, #tpu.memory_space<vmem>>) dst(%dma_wait3A_163 : memref<512x16xf32, #tpu.memory_space<vmem_shared>>)
      tpu.yield
    }) : () -> ()
    %mul3A_23 = arith.constant 6272 : i32
    %mul3A_24 = arith.muli %arg1, %mul3A_23 : i32
    %add3A_25 = arith.constant 1536 : i32
    %add3A_26 = arith.addi %mul3A_24, %add3A_25 : i32
    "tpu.region"() ({
      %run_scoped3A = tpu.sem_alloc : memref<!tpu.dma_semaphore, #tpu.memory_space<semaphore_mem>>
      %dma_start3A_157 = arith.constant 0 : i32
      %dma_start3A_158 = tpu.memref_slice %arg6[%add3A_26, %dma_start3A_157] : memref<100352x16xf32, #tpu.memory_space<vmem_shared>> -> memref<512x16xf32, #tpu.memory_space<vmem_shared>>
      %dma_start3A_159 = arith.constant 0 : i32
      %dma_start3A_160 = tpu.memref_slice %arg6[%add3A_26, %dma_start3A_159] : memref<100352x16xf32, #tpu.memory_space<vmem_shared>> -> memref<512x16xf32, #tpu.memory_space<vmem_shared>>
      tpu.enqueue_dma source(%arg11 : memref<512x16xf32, #tpu.memory_space<vmem>>) target(%dma_start3A_160 : memref<512x16xf32, #tpu.memory_space<vmem_shared>>) target_semaphore(%run_scoped3A : memref<!tpu.dma_semaphore, #tpu.memory_space<semaphore_mem>>)
      %dma_wait3A = arith.constant 0 : i32
      %dma_wait3A_161 = tpu.memref_slice %arg6[%add3A_26, %dma_wait3A] : memref<100352x16xf32, #tpu.memory_space<vmem_shared>> -> memref<512x16xf32, #tpu.memory_space<vmem_shared>>
      %dma_wait3A_162 = arith.constant 0 : i32
      %dma_wait3A_163 = tpu.memref_slice %arg6[%add3A_26, %dma_wait3A_162] : memref<100352x16xf32, #tpu.memory_space<vmem_shared>> -> memref<512x16xf32, #tpu.memory_space<vmem_shared>>
      tpu.wait_dma2 semaphore(%run_scoped3A : memref<!tpu.dma_semaphore, #tpu.memory_space<semaphore_mem>>) src(%arg11 : memref<512x16xf32, #tpu.memory_space<vmem>>) dst(%dma_wait3A_163 : memref<512x16xf32, #tpu.memory_space<vmem_shared>>)
      tpu.yield
    }) : () -> ()
    %mul3A_27 = arith.constant 6272 : i32
    %mul3A_28 = arith.muli %arg1, %mul3A_27 : i32
    %add3A_29 = arith.constant 2048 : i32
    %add3A_30 = arith.addi %mul3A_28, %add3A_29 : i32
    "tpu.region"() ({
      %run_scoped3A = tpu.sem_alloc : memref<!tpu.dma_semaphore, #tpu.memory_space<semaphore_mem>>
      %dma_start3A_157 = arith.constant 0 : i32
      %dma_start3A_158 = tpu.memref_slice %arg6[%add3A_30, %dma_start3A_157] : memref<100352x16xf32, #tpu.memory_space<vmem_shared>> -> memref<512x16xf32, #tpu.memory_space<vmem_shared>>
      %dma_start3A_159 = arith.constant 0 : i32
      %dma_start3A_160 = tpu.memref_slice %arg6[%add3A_30, %dma_start3A_159] : memref<100352x16xf32, #tpu.memory_space<vmem_shared>> -> memref<512x16xf32, #tpu.memory_space<vmem_shared>>
      tpu.enqueue_dma source(%arg11 : memref<512x16xf32, #tpu.memory_space<vmem>>) target(%dma_start3A_160 : memref<512x16xf32, #tpu.memory_space<vmem_shared>>) target_semaphore(%run_scoped3A : memref<!tpu.dma_semaphore, #tpu.memory_space<semaphore_mem>>)
      %dma_wait3A = arith.constant 0 : i32
      %dma_wait3A_161 = tpu.memref_slice %arg6[%add3A_30, %dma_wait3A] : memref<100352x16xf32, #tpu.memory_space<vmem_shared>> -> memref<512x16xf32, #tpu.memory_space<vmem_shared>>
      %dma_wait3A_162 = arith.constant 0 : i32
      %dma_wait3A_163 = tpu.memref_slice %arg6[%add3A_30, %dma_wait3A_162] : memref<100352x16xf32, #tpu.memory_space<vmem_shared>> -> memref<512x16xf32, #tpu.memory_space<vmem_shared>>
      tpu.wait_dma2 semaphore(%run_scoped3A : memref<!tpu.dma_semaphore, #tpu.memory_space<semaphore_mem>>) src(%arg11 : memref<512x16xf32, #tpu.memory_space<vmem>>) dst(%dma_wait3A_163 : memref<512x16xf32, #tpu.memory_space<vmem_shared>>)
      tpu.yield
    }) : () -> ()
    %mul3A_31 = arith.constant 6272 : i32
    %mul3A_32 = arith.muli %arg1, %mul3A_31 : i32
    %add3A_33 = arith.constant 2560 : i32
    %add3A_34 = arith.addi %mul3A_32, %add3A_33 : i32
    "tpu.region"() ({
      %run_scoped3A = tpu.sem_alloc : memref<!tpu.dma_semaphore, #tpu.memory_space<semaphore_mem>>
      %dma_start3A_157 = arith.constant 0 : i32
      %dma_start3A_158 = tpu.memref_slice %arg6[%add3A_34, %dma_start3A_157] : memref<100352x16xf32, #tpu.memory_space<vmem_shared>> -> memref<512x16xf32, #tpu.memory_space<vmem_shared>>
      %dma_start3A_159 = arith.constant 0 : i32
      %dma_start3A_160 = tpu.memref_slice %arg6[%add3A_34, %dma_start3A_159] : memref<100352x16xf32, #tpu.memory_space<vmem_shared>> -> memref<512x16xf32, #tpu.memory_space<vmem_shared>>
      tpu.enqueue_dma source(%arg11 : memref<512x16xf32, #tpu.memory_space<vmem>>) target(%dma_start3A_160 : memref<512x16xf32, #tpu.memory_space<vmem_shared>>) target_semaphore(%run_scoped3A : memref<!tpu.dma_semaphore, #tpu.memory_space<semaphore_mem>>)
      %dma_wait3A = arith.constant 0 : i32
      %dma_wait3A_161 = tpu.memref_slice %arg6[%add3A_34, %dma_wait3A] : memref<100352x16xf32, #tpu.memory_space<vmem_shared>> -> memref<512x16xf32, #tpu.memory_space<vmem_shared>>
      %dma_wait3A_162 = arith.constant 0 : i32
      %dma_wait3A_163 = tpu.memref_slice %arg6[%add3A_34, %dma_wait3A_162] : memref<100352x16xf32, #tpu.memory_space<vmem_shared>> -> memref<512x16xf32, #tpu.memory_space<vmem_shared>>
      tpu.wait_dma2 semaphore(%run_scoped3A : memref<!tpu.dma_semaphore, #tpu.memory_space<semaphore_mem>>) src(%arg11 : memref<512x16xf32, #tpu.memory_space<vmem>>) dst(%dma_wait3A_163 : memref<512x16xf32, #tpu.memory_space<vmem_shared>>)
      tpu.yield
    }) : () -> ()
    %mul3A_35 = arith.constant 6272 : i32
    %mul3A_36 = arith.muli %arg1, %mul3A_35 : i32
    %add3A_37 = arith.constant 3072 : i32
    %add3A_38 = arith.addi %mul3A_36, %add3A_37 : i32
    "tpu.region"() ({
      %run_scoped3A = tpu.sem_alloc : memref<!tpu.dma_semaphore, #tpu.memory_space<semaphore_mem>>
      %dma_start3A_157 = arith.constant 0 : i32
      %dma_start3A_158 = tpu.memref_slice %arg6[%add3A_38, %dma_start3A_157] : memref<100352x16xf32, #tpu.memory_space<vmem_shared>> -> memref<512x16xf32, #tpu.memory_space<vmem_shared>>
      %dma_start3A_159 = arith.constant 0 : i32
      %dma_start3A_160 = tpu.memref_slice %arg6[%add3A_38, %dma_start3A_159] : memref<100352x16xf32, #tpu.memory_space<vmem_shared>> -> memref<512x16xf32, #tpu.memory_space<vmem_shared>>
      tpu.enqueue_dma source(%arg11 : memref<512x16xf32, #tpu.memory_space<vmem>>) target(%dma_start3A_160 : memref<512x16xf32, #tpu.memory_space<vmem_shared>>) target_semaphore(%run_scoped3A : memref<!tpu.dma_semaphore, #tpu.memory_space<semaphore_mem>>)
      %dma_wait3A = arith.constant 0 : i32
      %dma_wait3A_161 = tpu.memref_slice %arg6[%add3A_38, %dma_wait3A] : memref<100352x16xf32, #tpu.memory_space<vmem_shared>> -> memref<512x16xf32, #tpu.memory_space<vmem_shared>>
      %dma_wait3A_162 = arith.constant 0 : i32
      %dma_wait3A_163 = tpu.memref_slice %arg6[%add3A_38, %dma_wait3A_162] : memref<100352x16xf32, #tpu.memory_space<vmem_shared>> -> memref<512x16xf32, #tpu.memory_space<vmem_shared>>
      tpu.wait_dma2 semaphore(%run_scoped3A : memref<!tpu.dma_semaphore, #tpu.memory_space<semaphore_mem>>) src(%arg11 : memref<512x16xf32, #tpu.memory_space<vmem>>) dst(%dma_wait3A_163 : memref<512x16xf32, #tpu.memory_space<vmem_shared>>)
      tpu.yield
    }) : () -> ()
    %mul3A_39 = arith.constant 6272 : i32
    %mul3A_40 = arith.muli %arg1, %mul3A_39 : i32
    %add3A_41 = arith.constant 3584 : i32
    %add3A_42 = arith.addi %mul3A_40, %add3A_41 : i32
    "tpu.region"() ({
      %run_scoped3A = tpu.sem_alloc : memref<!tpu.dma_semaphore, #tpu.memory_space<semaphore_mem>>
      %dma_start3A_157 = arith.constant 0 : i32
      %dma_start3A_158 = tpu.memref_slice %arg6[%add3A_42, %dma_start3A_157] : memref<100352x16xf32, #tpu.memory_space<vmem_shared>> -> memref<512x16xf32, #tpu.memory_space<vmem_shared>>
      %dma_start3A_159 = arith.constant 0 : i32
      %dma_start3A_160 = tpu.memref_slice %arg6[%add3A_42, %dma_start3A_159] : memref<100352x16xf32, #tpu.memory_space<vmem_shared>> -> memref<512x16xf32, #tpu.memory_space<vmem_shared>>
      tpu.enqueue_dma source(%arg11 : memref<512x16xf32, #tpu.memory_space<vmem>>) target(%dma_start3A_160 : memref<512x16xf32, #tpu.memory_space<vmem_shared>>) target_semaphore(%run_scoped3A : memref<!tpu.dma_semaphore, #tpu.memory_space<semaphore_mem>>)
      %dma_wait3A = arith.constant 0 : i32
      %dma_wait3A_161 = tpu.memref_slice %arg6[%add3A_42, %dma_wait3A] : memref<100352x16xf32, #tpu.memory_space<vmem_shared>> -> memref<512x16xf32, #tpu.memory_space<vmem_shared>>
      %dma_wait3A_162 = arith.constant 0 : i32
      %dma_wait3A_163 = tpu.memref_slice %arg6[%add3A_42, %dma_wait3A_162] : memref<100352x16xf32, #tpu.memory_space<vmem_shared>> -> memref<512x16xf32, #tpu.memory_space<vmem_shared>>
      tpu.wait_dma2 semaphore(%run_scoped3A : memref<!tpu.dma_semaphore, #tpu.memory_space<semaphore_mem>>) src(%arg11 : memref<512x16xf32, #tpu.memory_space<vmem>>) dst(%dma_wait3A_163 : memref<512x16xf32, #tpu.memory_space<vmem_shared>>)
      tpu.yield
    }) : () -> ()
    %mul3A_43 = arith.constant 6272 : i32
    %mul3A_44 = arith.muli %arg1, %mul3A_43 : i32
    %add3A_45 = arith.constant 4096 : i32
    %add3A_46 = arith.addi %mul3A_44, %add3A_45 : i32
    "tpu.region"() ({
      %run_scoped3A = tpu.sem_alloc : memref<!tpu.dma_semaphore, #tpu.memory_space<semaphore_mem>>
      %dma_start3A_157 = arith.constant 0 : i32
      %dma_start3A_158 = tpu.memref_slice %arg6[%add3A_46, %dma_start3A_157] : memref<100352x16xf32, #tpu.memory_space<vmem_shared>> -> memref<512x16xf32, #tpu.memory_space<vmem_shared>>
      %dma_start3A_159 = arith.constant 0 : i32
      %dma_start3A_160 = tpu.memref_slice %arg6[%add3A_46, %dma_start3A_159] : memref<100352x16xf32, #tpu.memory_space<vmem_shared>> -> memref<512x16xf32, #tpu.memory_space<vmem_shared>>
      tpu.enqueue_dma source(%arg11 : memref<512x16xf32, #tpu.memory_space<vmem>>) target(%dma_start3A_160 : memref<512x16xf32, #tpu.memory_space<vmem_shared>>) target_semaphore(%run_scoped3A : memref<!tpu.dma_semaphore, #tpu.memory_space<semaphore_mem>>)
      %dma_wait3A = arith.constant 0 : i32
      %dma_wait3A_161 = tpu.memref_slice %arg6[%add3A_46, %dma_wait3A] : memref<100352x16xf32, #tpu.memory_space<vmem_shared>> -> memref<512x16xf32, #tpu.memory_space<vmem_shared>>
      %dma_wait3A_162 = arith.constant 0 : i32
      %dma_wait3A_163 = tpu.memref_slice %arg6[%add3A_46, %dma_wait3A_162] : memref<100352x16xf32, #tpu.memory_space<vmem_shared>> -> memref<512x16xf32, #tpu.memory_space<vmem_shared>>
      tpu.wait_dma2 semaphore(%run_scoped3A : memref<!tpu.dma_semaphore, #tpu.memory_space<semaphore_mem>>) src(%arg11 : memref<512x16xf32, #tpu.memory_space<vmem>>) dst(%dma_wait3A_163 : memref<512x16xf32, #tpu.memory_space<vmem_shared>>)
      tpu.yield
    }) : () -> ()
    %mul3A_47 = arith.constant 6272 : i32
    %mul3A_48 = arith.muli %arg1, %mul3A_47 : i32
    %add3A_49 = arith.constant 4608 : i32
    %add3A_50 = arith.addi %mul3A_48, %add3A_49 : i32
    "tpu.region"() ({
      %run_scoped3A = tpu.sem_alloc : memref<!tpu.dma_semaphore, #tpu.memory_space<semaphore_mem>>
      %dma_start3A_157 = arith.constant 0 : i32
      %dma_start3A_158 = tpu.memref_slice %arg6[%add3A_50, %dma_start3A_157] : memref<100352x16xf32, #tpu.memory_space<vmem_shared>> -> memref<512x16xf32, #tpu.memory_space<vmem_shared>>
      %dma_start3A_159 = arith.constant 0 : i32
      %dma_start3A_160 = tpu.memref_slice %arg6[%add3A_50, %dma_start3A_159] : memref<100352x16xf32, #tpu.memory_space<vmem_shared>> -> memref<512x16xf32, #tpu.memory_space<vmem_shared>>
      tpu.enqueue_dma source(%arg11 : memref<512x16xf32, #tpu.memory_space<vmem>>) target(%dma_start3A_160 : memref<512x16xf32, #tpu.memory_space<vmem_shared>>) target_semaphore(%run_scoped3A : memref<!tpu.dma_semaphore, #tpu.memory_space<semaphore_mem>>)
      %dma_wait3A = arith.constant 0 : i32
      %dma_wait3A_161 = tpu.memref_slice %arg6[%add3A_50, %dma_wait3A] : memref<100352x16xf32, #tpu.memory_space<vmem_shared>> -> memref<512x16xf32, #tpu.memory_space<vmem_shared>>
      %dma_wait3A_162 = arith.constant 0 : i32
      %dma_wait3A_163 = tpu.memref_slice %arg6[%add3A_50, %dma_wait3A_162] : memref<100352x16xf32, #tpu.memory_space<vmem_shared>> -> memref<512x16xf32, #tpu.memory_space<vmem_shared>>
      tpu.wait_dma2 semaphore(%run_scoped3A : memref<!tpu.dma_semaphore, #tpu.memory_space<semaphore_mem>>) src(%arg11 : memref<512x16xf32, #tpu.memory_space<vmem>>) dst(%dma_wait3A_163 : memref<512x16xf32, #tpu.memory_space<vmem_shared>>)
      tpu.yield
    }) : () -> ()
    %mul3A_51 = arith.constant 6272 : i32
    %mul3A_52 = arith.muli %arg1, %mul3A_51 : i32
    %add3A_53 = arith.constant 5120 : i32
    %add3A_54 = arith.addi %mul3A_52, %add3A_53 : i32
    "tpu.region"() ({
      %run_scoped3A = tpu.sem_alloc : memref<!tpu.dma_semaphore, #tpu.memory_space<semaphore_mem>>
      %dma_start3A_157 = arith.constant 0 : i32
      %dma_start3A_158 = tpu.memref_slice %arg6[%add3A_54, %dma_start3A_157] : memref<100352x16xf32, #tpu.memory_space<vmem_shared>> -> memref<512x16xf32, #tpu.memory_space<vmem_shared>>
      %dma_start3A_159 = arith.constant 0 : i32
      %dma_start3A_160 = tpu.memref_slice %arg6[%add3A_54, %dma_start3A_159] : memref<100352x16xf32, #tpu.memory_space<vmem_shared>> -> memref<512x16xf32, #tpu.memory_space<vmem_shared>>
      tpu.enqueue_dma source(%arg11 : memref<512x16xf32, #tpu.memory_space<vmem>>) target(%dma_start3A_160 : memref<512x16xf32, #tpu.memory_space<vmem_shared>>) target_semaphore(%run_scoped3A : memref<!tpu.dma_semaphore, #tpu.memory_space<semaphore_mem>>)
      %dma_wait3A = arith.constant 0 : i32
      %dma_wait3A_161 = tpu.memref_slice %arg6[%add3A_54, %dma_wait3A] : memref<100352x16xf32, #tpu.memory_space<vmem_shared>> -> memref<512x16xf32, #tpu.memory_space<vmem_shared>>
      %dma_wait3A_162 = arith.constant 0 : i32
      %dma_wait3A_163 = tpu.memref_slice %arg6[%add3A_54, %dma_wait3A_162] : memref<100352x16xf32, #tpu.memory_space<vmem_shared>> -> memref<512x16xf32, #tpu.memory_space<vmem_shared>>
      tpu.wait_dma2 semaphore(%run_scoped3A : memref<!tpu.dma_semaphore, #tpu.memory_space<semaphore_mem>>) src(%arg11 : memref<512x16xf32, #tpu.memory_space<vmem>>) dst(%dma_wait3A_163 : memref<512x16xf32, #tpu.memory_space<vmem_shared>>)
      tpu.yield
    }) : () -> ()
    %mul3A_55 = arith.constant 6272 : i32
    %mul3A_56 = arith.muli %arg1, %mul3A_55 : i32
    %add3A_57 = arith.constant 5632 : i32
    %add3A_58 = arith.addi %mul3A_56, %add3A_57 : i32
    "tpu.region"() ({
      %run_scoped3A = tpu.sem_alloc : memref<!tpu.dma_semaphore, #tpu.memory_space<semaphore_mem>>
      %dma_start3A_157 = arith.constant 0 : i32
      %dma_start3A_158 = tpu.memref_slice %arg6[%add3A_58, %dma_start3A_157] : memref<100352x16xf32, #tpu.memory_space<vmem_shared>> -> memref<512x16xf32, #tpu.memory_space<vmem_shared>>
      %dma_start3A_159 = arith.constant 0 : i32
      %dma_start3A_160 = tpu.memref_slice %arg6[%add3A_58, %dma_start3A_159] : memref<100352x16xf32, #tpu.memory_space<vmem_shared>> -> memref<512x16xf32, #tpu.memory_space<vmem_shared>>
      tpu.enqueue_dma source(%arg11 : memref<512x16xf32, #tpu.memory_space<vmem>>) target(%dma_start3A_160 : memref<512x16xf32, #tpu.memory_space<vmem_shared>>) target_semaphore(%run_scoped3A : memref<!tpu.dma_semaphore, #tpu.memory_space<semaphore_mem>>)
      %dma_wait3A = arith.constant 0 : i32
      %dma_wait3A_161 = tpu.memref_slice %arg6[%add3A_58, %dma_wait3A] : memref<100352x16xf32, #tpu.memory_space<vmem_shared>> -> memref<512x16xf32, #tpu.memory_space<vmem_shared>>
      %dma_wait3A_162 = arith.constant 0 : i32
      %dma_wait3A_163 = tpu.memref_slice %arg6[%add3A_58, %dma_wait3A_162] : memref<100352x16xf32, #tpu.memory_space<vmem_shared>> -> memref<512x16xf32, #tpu.memory_space<vmem_shared>>
      tpu.wait_dma2 semaphore(%run_scoped3A : memref<!tpu.dma_semaphore, #tpu.memory_space<semaphore_mem>>) src(%arg11 : memref<512x16xf32, #tpu.memory_space<vmem>>) dst(%dma_wait3A_163 : memref<512x16xf32, #tpu.memory_space<vmem_shared>>)
      tpu.yield
    }) : () -> ()
    %mul3A_59 = arith.constant 6272 : i32
    %mul3A_60 = arith.muli %arg1, %mul3A_59 : i32
    %add3A_61 = arith.constant 6144 : i32
    %add3A_62 = arith.addi %mul3A_60, %add3A_61 : i32
    "tpu.region"() ({
      %run_scoped3A = tpu.sem_alloc : memref<!tpu.dma_semaphore, #tpu.memory_space<semaphore_mem>>
      %dma_start3A_157 = arith.constant 0 : i32
      %dma_start3A_158 = arith.constant 0 : i32
      %dma_start3A_159 = tpu.memref_slice %arg11[%dma_start3A_157, %dma_start3A_158] : memref<512x16xf32, #tpu.memory_space<vmem>> -> memref<128x16xf32, #tpu.memory_space<vmem>>
      %dma_start3A_160 = arith.constant 0 : i32
      %dma_start3A_161 = tpu.memref_slice %arg6[%add3A_62, %dma_start3A_160] : memref<100352x16xf32, #tpu.memory_space<vmem_shared>> -> memref<128x16xf32, #tpu.memory_space<vmem_shared>>
      %dma_start3A_162 = arith.constant 0 : i32
      %dma_start3A_163 = tpu.memref_slice %arg6[%add3A_62, %dma_start3A_162] : memref<100352x16xf32, #tpu.memory_space<vmem_shared>> -> memref<128x16xf32, #tpu.memory_space<vmem_shared>>
      %dma_start3A_164 = arith.constant 0 : i32
      %dma_start3A_165 = arith.constant 0 : i32
      %dma_start3A_166 = tpu.memref_slice %arg11[%dma_start3A_164, %dma_start3A_165] : memref<512x16xf32, #tpu.memory_space<vmem>> -> memref<128x16xf32, #tpu.memory_space<vmem>>
      tpu.enqueue_dma source(%dma_start3A_166 : memref<128x16xf32, #tpu.memory_space<vmem>>) target(%dma_start3A_163 : memref<128x16xf32, #tpu.memory_space<vmem_shared>>) target_semaphore(%run_scoped3A : memref<!tpu.dma_semaphore, #tpu.memory_space<semaphore_mem>>)
      %dma_wait3A = arith.constant 0 : i32
      %dma_wait3A_167 = arith.constant 0 : i32
      %dma_wait3A_168 = tpu.memref_slice %arg11[%dma_wait3A, %dma_wait3A_167] : memref<512x16xf32, #tpu.memory_space<vmem>> -> memref<128x16xf32, #tpu.memory_space<vmem>>
      %dma_wait3A_169 = arith.constant 0 : i32
      %dma_wait3A_170 = tpu.memref_slice %arg6[%add3A_62, %dma_wait3A_169] : memref<100352x16xf32, #tpu.memory_space<vmem_shared>> -> memref<128x16xf32, #tpu.memory_space<vmem_shared>>
      %dma_wait3A_171 = arith.constant 0 : i32
      %dma_wait3A_172 = tpu.memref_slice %arg6[%add3A_62, %dma_wait3A_171] : memref<100352x16xf32, #tpu.memory_space<vmem_shared>> -> memref<128x16xf32, #tpu.memory_space<vmem_shared>>
      %dma_wait3A_173 = arith.constant 0 : i32
      %dma_wait3A_174 = arith.constant 0 : i32
      %dma_wait3A_175 = tpu.memref_slice %arg11[%dma_wait3A_173, %dma_wait3A_174] : memref<512x16xf32, #tpu.memory_space<vmem>> -> memref<128x16xf32, #tpu.memory_space<vmem>>
      tpu.wait_dma2 semaphore(%run_scoped3A : memref<!tpu.dma_semaphore, #tpu.memory_space<semaphore_mem>>) src(%dma_wait3A_175 : memref<128x16xf32, #tpu.memory_space<vmem>>) dst(%dma_wait3A_172 : memref<128x16xf32, #tpu.memory_space<vmem_shared>>)
      tpu.yield
    }) : () -> ()
    %barrier3A = arith.constant 0 : index
    tpu.barrier barrier_id(%barrier3A)
    "tpu.region"() ({
      %run_scoped3A = tpu.sem_alloc : memref<!tpu.dma_semaphore, #tpu.memory_space<semaphore_mem>>
      %dma_start3A_157 = tpu.memref_slice %arg3[%add3A_3, %mul3A_0] : memref<4x1605632xi32, #tpu.memory_space<hbm>> -> memref<1x512xi32, #tpu.memory_space<hbm>>
      %dma_start3A_158 = tpu.memref_squeeze %dma_start3A_157 : memref<1x512xi32, #tpu.memory_space<hbm>> -> memref<512xi32, #tpu.memory_space<hbm>>
      %dma_start3A_159 = tpu.memref_slice %arg3[%add3A_3, %mul3A_0] : memref<4x1605632xi32, #tpu.memory_space<hbm>> -> memref<1x512xi32, #tpu.memory_space<hbm>>
      %dma_start3A_160 = tpu.memref_squeeze %dma_start3A_159 : memref<1x512xi32, #tpu.memory_space<hbm>> -> memref<512xi32, #tpu.memory_space<hbm>>
      tpu.enqueue_dma source(%dma_start3A_160 : memref<512xi32, #tpu.memory_space<hbm>>) target(%arg7 : memref<512xi32, #tpu.memory_space<vmem>>) target_semaphore(%run_scoped3A : memref<!tpu.dma_semaphore, #tpu.memory_space<semaphore_mem>>)
      %dma_wait3A = tpu.memref_slice %arg3[%add3A_3, %mul3A_0] : memref<4x1605632xi32, #tpu.memory_space<hbm>> -> memref<1x512xi32, #tpu.memory_space<hbm>>
      %dma_wait3A_161 = tpu.memref_squeeze %dma_wait3A : memref<1x512xi32, #tpu.memory_space<hbm>> -> memref<512xi32, #tpu.memory_space<hbm>>
      %dma_wait3A_162 = tpu.memref_slice %arg3[%add3A_3, %mul3A_0] : memref<4x1605632xi32, #tpu.memory_space<hbm>> -> memref<1x512xi32, #tpu.memory_space<hbm>>
      %dma_wait3A_163 = tpu.memref_squeeze %dma_wait3A_162 : memref<1x512xi32, #tpu.memory_space<hbm>> -> memref<512xi32, #tpu.memory_space<hbm>>
      tpu.wait_dma2 semaphore(%run_scoped3A : memref<!tpu.dma_semaphore, #tpu.memory_space<semaphore_mem>>) src(%dma_wait3A_163 : memref<512xi32, #tpu.memory_space<hbm>>) dst(%arg7 : memref<512xi32, #tpu.memory_space<vmem>>)
      tpu.yield
    }) : () -> ()
    "tpu.region"() ({
      %run_scoped3A = tpu.sem_alloc : memref<!tpu.dma_semaphore, #tpu.memory_space<semaphore_mem>>
      %dma_start3A_157 = tpu.memref_slice %arg4[%mul3A_0] : memref<1605632xi32, #tpu.memory_space<hbm>> -> memref<512xi32, #tpu.memory_space<hbm>>
      %dma_start3A_158 = tpu.memref_slice %arg4[%mul3A_0] : memref<1605632xi32, #tpu.memory_space<hbm>> -> memref<512xi32, #tpu.memory_space<hbm>>
      tpu.enqueue_dma source(%dma_start3A_158 : memref<512xi32, #tpu.memory_space<hbm>>) target(%arg9 : memref<512xi32, #tpu.memory_space<vmem>>) target_semaphore(%run_scoped3A : memref<!tpu.dma_semaphore, #tpu.memory_space<semaphore_mem>>)
      %dma_wait3A = tpu.memref_slice %arg4[%mul3A_0] : memref<1605632xi32, #tpu.memory_space<hbm>> -> memref<512xi32, #tpu.memory_space<hbm>>
      %dma_wait3A_159 = tpu.memref_slice %arg4[%mul3A_0] : memref<1605632xi32, #tpu.memory_space<hbm>> -> memref<512xi32, #tpu.memory_space<hbm>>
      tpu.wait_dma2 semaphore(%run_scoped3A : memref<!tpu.dma_semaphore, #tpu.memory_space<semaphore_mem>>) src(%dma_wait3A_159 : memref<512xi32, #tpu.memory_space<hbm>>) dst(%arg9 : memref<512xi32, #tpu.memory_space<vmem>>)
      tpu.yield
    }) : () -> ()
    %dma_start3A = arith.constant 0 : i32
    %dma_start3A_63 = arith.constant 0 : i32
    %dma_start3A_64 = tpu.memref_slice %arg2[%dma_start3A, %dma_start3A_63] : memref<401408x16xf32, #tpu.memory_space<hbm>> -> memref<401408x16xf32, #tpu.memory_space<hbm>>
    tpu.enqueue_indirect_dma source(%dma_start3A_64 : memref<401408x16xf32, #tpu.memory_space<hbm>>) target(%arg11 : memref<512x16xf32, #tpu.memory_space<vmem>>) offsets(%arg7 : memref<512xi32, #tpu.memory_space<vmem>>) semaphore(%arg13 : memref<!tpu.dma_semaphore, #tpu.memory_space<semaphore_mem>>)
    %scan3A_65 = arith.constant 0 : i32
    %scan3A_66 = arith.constant 0 : i32
    %scan3A_67 = arith.constant 98 : i32
    %scan3A_68 = arith.addi %scan3A_66, %scan3A_67 : i32
    %scan3A_69 = arith.constant 1 : i32
    scf.for %scan3A_157 = %scan3A_66 to %scan3A_68 step %scan3A_69  : i32 {
      %mul3A_158 = arith.constant 2 : i32
      %mul3A_159 = arith.muli %scan3A_157, %mul3A_158 : i32
      %add3A_160 = arith.constant 0 : i32
      %add3A_161 = arith.addi %mul3A_159, %add3A_160 : i32
      %add3A_162 = arith.constant 1 : i32
      %add3A_163 = arith.addi %add3A_161, %add3A_162 : i32
      %lt3A = arith.constant 196 : i32
      %lt3A_164 = arith.cmpi slt, %add3A_163, %lt3A : i32
      %convert_element_type3A = arith.extui %lt3A_164 : i1 to i32
      %cond3A = arith.constant 0 : i32
      %cond3A_165 = arith.cmpi ne, %convert_element_type3A, %cond3A : i32
      scf.if %cond3A_165 {
        %add3A_182 = arith.constant 1 : i32
        %add3A_183 = arith.addi %add3A_161, %add3A_182 : i32
        %mul3A_184 = arith.constant 512 : i32
        %mul3A_185 = arith.muli %add3A_183, %mul3A_184 : i32
        %add3A_186 = arith.addi %mul3A_0, %mul3A_185 : i32
        "tpu.region"() ({
          %run_scoped3A = tpu.sem_alloc : memref<!tpu.dma_semaphore, #tpu.memory_space<semaphore_mem>>
          %dma_start3A_190 = tpu.memref_slice %arg3[%add3A_3, %add3A_186] : memref<4x1605632xi32, #tpu.memory_space<hbm>> -> memref<1x512xi32, #tpu.memory_space<hbm>>
          %dma_start3A_191 = tpu.memref_squeeze %dma_start3A_190 : memref<1x512xi32, #tpu.memory_space<hbm>> -> memref<512xi32, #tpu.memory_space<hbm>>
          %dma_start3A_192 = tpu.memref_slice %arg3[%add3A_3, %add3A_186] : memref<4x1605632xi32, #tpu.memory_space<hbm>> -> memref<1x512xi32, #tpu.memory_space<hbm>>
          %dma_start3A_193 = tpu.memref_squeeze %dma_start3A_192 : memref<1x512xi32, #tpu.memory_space<hbm>> -> memref<512xi32, #tpu.memory_space<hbm>>
          tpu.enqueue_dma source(%dma_start3A_193 : memref<512xi32, #tpu.memory_space<hbm>>) target(%arg8 : memref<512xi32, #tpu.memory_space<vmem>>) target_semaphore(%run_scoped3A : memref<!tpu.dma_semaphore, #tpu.memory_space<semaphore_mem>>)
          %dma_wait3A_194 = tpu.memref_slice %arg3[%add3A_3, %add3A_186] : memref<4x1605632xi32, #tpu.memory_space<hbm>> -> memref<1x512xi32, #tpu.memory_space<hbm>>
          %dma_wait3A_195 = tpu.memref_squeeze %dma_wait3A_194 : memref<1x512xi32, #tpu.memory_space<hbm>> -> memref<512xi32, #tpu.memory_space<hbm>>
          %dma_wait3A_196 = tpu.memref_slice %arg3[%add3A_3, %add3A_186] : memref<4x1605632xi32, #tpu.memory_space<hbm>> -> memref<1x512xi32, #tpu.memory_space<hbm>>
          %dma_wait3A_197 = tpu.memref_squeeze %dma_wait3A_196 : memref<1x512xi32, #tpu.memory_space<hbm>> -> memref<512xi32, #tpu.memory_space<hbm>>
          tpu.wait_dma2 semaphore(%run_scoped3A : memref<!tpu.dma_semaphore, #tpu.memory_space<semaphore_mem>>) src(%dma_wait3A_197 : memref<512xi32, #tpu.memory_space<hbm>>) dst(%arg8 : memref<512xi32, #tpu.memory_space<vmem>>)
          tpu.yield
        }) : () -> ()
        "tpu.region"() ({
          %run_scoped3A = tpu.sem_alloc : memref<!tpu.dma_semaphore, #tpu.memory_space<semaphore_mem>>
          %dma_start3A_190 = tpu.memref_slice %arg4[%add3A_186] : memref<1605632xi32, #tpu.memory_space<hbm>> -> memref<512xi32, #tpu.memory_space<hbm>>
          %dma_start3A_191 = tpu.memref_slice %arg4[%add3A_186] : memref<1605632xi32, #tpu.memory_space<hbm>> -> memref<512xi32, #tpu.memory_space<hbm>>
          tpu.enqueue_dma source(%dma_start3A_191 : memref<512xi32, #tpu.memory_space<hbm>>) target(%arg10 : memref<512xi32, #tpu.memory_space<vmem>>) target_semaphore(%run_scoped3A : memref<!tpu.dma_semaphore, #tpu.memory_space<semaphore_mem>>)
          %dma_wait3A_192 = tpu.memref_slice %arg4[%add3A_186] : memref<1605632xi32, #tpu.memory_space<hbm>> -> memref<512xi32, #tpu.memory_space<hbm>>
          %dma_wait3A_193 = tpu.memref_slice %arg4[%add3A_186] : memref<1605632xi32, #tpu.memory_space<hbm>> -> memref<512xi32, #tpu.memory_space<hbm>>
          tpu.wait_dma2 semaphore(%run_scoped3A : memref<!tpu.dma_semaphore, #tpu.memory_space<semaphore_mem>>) src(%dma_wait3A_193 : memref<512xi32, #tpu.memory_space<hbm>>) dst(%arg10 : memref<512xi32, #tpu.memory_space<vmem>>)
          tpu.yield
        }) : () -> ()
        %dma_start3A_187 = arith.constant 0 : i32
        %dma_start3A_188 = arith.constant 0 : i32
        %dma_start3A_189 = tpu.memref_slice %arg2[%dma_start3A_187, %dma_start3A_188] : memref<401408x16xf32, #tpu.memory_space<hbm>> -> memref<401408x16xf32, #tpu.memory_space<hbm>>
        tpu.enqueue_indirect_dma source(%dma_start3A_189 : memref<401408x16xf32, #tpu.memory_space<hbm>>) target(%arg12 : memref<512x16xf32, #tpu.memory_space<vmem>>) offsets(%arg8 : memref<512xi32, #tpu.memory_space<vmem>>) semaphore(%arg14 : memref<!tpu.dma_semaphore, #tpu.memory_space<semaphore_mem>>)
      } else {
      }
      %dma_wait3A = arith.constant 0 : i32
      %dma_wait3A_166 = arith.constant 0 : i32
      %dma_wait3A_167 = tpu.memref_slice %arg2[%dma_wait3A, %dma_wait3A_166] : memref<401408x16xf32, #tpu.memory_space<hbm>> -> memref<401408x16xf32, #tpu.memory_space<hbm>>
      tpu.wait_indirect_dma semaphore(%arg13 : memref<!tpu.dma_semaphore, #tpu.memory_space<semaphore_mem>>) src(%dma_wait3A_167 : memref<401408x16xf32, #tpu.memory_space<hbm>>) dst(%arg11 : memref<512x16xf32, #tpu.memory_space<vmem>>)
      "tpu.region"() ({
        %run_scoped3A = tpu.sem_alloc : memref<!tpu.dma_semaphore, #tpu.memory_space<semaphore_mem>>
        %dma_start3A_182 = arith.constant 0 : i32
        %dma_start3A_183 = arith.constant 0 : i32
        %dma_start3A_184 = tpu.memref_slice %arg6[%dma_start3A_182, %dma_start3A_183] : memref<100352x16xf32, #tpu.memory_space<vmem_shared>> -> memref<100352x16xf32, #tpu.memory_space<vmem_shared>>
        tpu.enqueue_indirect_dma source(%arg11 : memref<512x16xf32, #tpu.memory_space<vmem>>) target(%dma_start3A_184 : memref<100352x16xf32, #tpu.memory_space<vmem_shared>>) offsets(%arg9 : memref<512xi32, #tpu.memory_space<vmem>>) semaphore(%run_scoped3A : memref<!tpu.dma_semaphore, #tpu.memory_space<semaphore_mem>>) {add = true}
        %dma_wait3A_185 = arith.constant 0 : i32
        %dma_wait3A_186 = arith.constant 0 : i32
        %dma_wait3A_187 = tpu.memref_slice %arg6[%dma_wait3A_185, %dma_wait3A_186] : memref<100352x16xf32, #tpu.memory_space<vmem_shared>> -> memref<100352x16xf32, #tpu.memory_space<vmem_shared>>
        tpu.wait_indirect_dma semaphore(%run_scoped3A : memref<!tpu.dma_semaphore, #tpu.memory_space<semaphore_mem>>) src(%arg11 : memref<512x16xf32, #tpu.memory_space<vmem>>) dst(%dma_wait3A_187 : memref<100352x16xf32, #tpu.memory_space<vmem_shared>>)
        tpu.yield
      }) : () -> ()
      %mul3A_168 = arith.constant 2 : i32
      %mul3A_169 = arith.muli %scan3A_157, %mul3A_168 : i32
      %add3A_170 = arith.constant 1 : i32
      %add3A_171 = arith.addi %mul3A_169, %add3A_170 : i32
      %add3A_172 = arith.constant 1 : i32
      %add3A_173 = arith.addi %add3A_171, %add3A_172 : i32
      %lt3A_174 = arith.constant 196 : i32
      %lt3A_175 = arith.cmpi slt, %add3A_173, %lt3A_174 : i32
      %convert_element_type3A_176 = arith.extui %lt3A_175 : i1 to i32
      %cond3A_177 = arith.constant 0 : i32
      %cond3A_178 = arith.cmpi ne, %convert_element_type3A_176, %cond3A_177 : i32
      scf.if %cond3A_178 {
        %add3A_182 = arith.constant 1 : i32
        %add3A_183 = arith.addi %add3A_171, %add3A_182 : i32
        %mul3A_184 = arith.constant 512 : i32
        %mul3A_185 = arith.muli %add3A_183, %mul3A_184 : i32
        %add3A_186 = arith.addi %mul3A_0, %mul3A_185 : i32
        "tpu.region"() ({
          %run_scoped3A = tpu.sem_alloc : memref<!tpu.dma_semaphore, #tpu.memory_space<semaphore_mem>>
          %dma_start3A_190 = tpu.memref_slice %arg3[%add3A_3, %add3A_186] : memref<4x1605632xi32, #tpu.memory_space<hbm>> -> memref<1x512xi32, #tpu.memory_space<hbm>>
          %dma_start3A_191 = tpu.memref_squeeze %dma_start3A_190 : memref<1x512xi32, #tpu.memory_space<hbm>> -> memref<512xi32, #tpu.memory_space<hbm>>
          %dma_start3A_192 = tpu.memref_slice %arg3[%add3A_3, %add3A_186] : memref<4x1605632xi32, #tpu.memory_space<hbm>> -> memref<1x512xi32, #tpu.memory_space<hbm>>
          %dma_start3A_193 = tpu.memref_squeeze %dma_start3A_192 : memref<1x512xi32, #tpu.memory_space<hbm>> -> memref<512xi32, #tpu.memory_space<hbm>>
          tpu.enqueue_dma source(%dma_start3A_193 : memref<512xi32, #tpu.memory_space<hbm>>) target(%arg7 : memref<512xi32, #tpu.memory_space<vmem>>) target_semaphore(%run_scoped3A : memref<!tpu.dma_semaphore, #tpu.memory_space<semaphore_mem>>)
          %dma_wait3A_194 = tpu.memref_slice %arg3[%add3A_3, %add3A_186] : memref<4x1605632xi32, #tpu.memory_space<hbm>> -> memref<1x512xi32, #tpu.memory_space<hbm>>
          %dma_wait3A_195 = tpu.memref_squeeze %dma_wait3A_194 : memref<1x512xi32, #tpu.memory_space<hbm>> -> memref<512xi32, #tpu.memory_space<hbm>>
          %dma_wait3A_196 = tpu.memref_slice %arg3[%add3A_3, %add3A_186] : memref<4x1605632xi32, #tpu.memory_space<hbm>> -> memref<1x512xi32, #tpu.memory_space<hbm>>
          %dma_wait3A_197 = tpu.memref_squeeze %dma_wait3A_196 : memref<1x512xi32, #tpu.memory_space<hbm>> -> memref<512xi32, #tpu.memory_space<hbm>>
          tpu.wait_dma2 semaphore(%run_scoped3A : memref<!tpu.dma_semaphore, #tpu.memory_space<semaphore_mem>>) src(%dma_wait3A_197 : memref<512xi32, #tpu.memory_space<hbm>>) dst(%arg7 : memref<512xi32, #tpu.memory_space<vmem>>)
          tpu.yield
        }) : () -> ()
        "tpu.region"() ({
          %run_scoped3A = tpu.sem_alloc : memref<!tpu.dma_semaphore, #tpu.memory_space<semaphore_mem>>
          %dma_start3A_190 = tpu.memref_slice %arg4[%add3A_186] : memref<1605632xi32, #tpu.memory_space<hbm>> -> memref<512xi32, #tpu.memory_space<hbm>>
          %dma_start3A_191 = tpu.memref_slice %arg4[%add3A_186] : memref<1605632xi32, #tpu.memory_space<hbm>> -> memref<512xi32, #tpu.memory_space<hbm>>
          tpu.enqueue_dma source(%dma_start3A_191 : memref<512xi32, #tpu.memory_space<hbm>>) target(%arg9 : memref<512xi32, #tpu.memory_space<vmem>>) target_semaphore(%run_scoped3A : memref<!tpu.dma_semaphore, #tpu.memory_space<semaphore_mem>>)
          %dma_wait3A_192 = tpu.memref_slice %arg4[%add3A_186] : memref<1605632xi32, #tpu.memory_space<hbm>> -> memref<512xi32, #tpu.memory_space<hbm>>
          %dma_wait3A_193 = tpu.memref_slice %arg4[%add3A_186] : memref<1605632xi32, #tpu.memory_space<hbm>> -> memref<512xi32, #tpu.memory_space<hbm>>
          tpu.wait_dma2 semaphore(%run_scoped3A : memref<!tpu.dma_semaphore, #tpu.memory_space<semaphore_mem>>) src(%dma_wait3A_193 : memref<512xi32, #tpu.memory_space<hbm>>) dst(%arg9 : memref<512xi32, #tpu.memory_space<vmem>>)
          tpu.yield
        }) : () -> ()
        %dma_start3A_187 = arith.constant 0 : i32
        %dma_start3A_188 = arith.constant 0 : i32
        %dma_start3A_189 = tpu.memref_slice %arg2[%dma_start3A_187, %dma_start3A_188] : memref<401408x16xf32, #tpu.memory_space<hbm>> -> memref<401408x16xf32, #tpu.memory_space<hbm>>
        tpu.enqueue_indirect_dma source(%dma_start3A_189 : memref<401408x16xf32, #tpu.memory_space<hbm>>) target(%arg11 : memref<512x16xf32, #tpu.memory_space<vmem>>) offsets(%arg7 : memref<512xi32, #tpu.memory_space<vmem>>) semaphore(%arg13 : memref<!tpu.dma_semaphore, #tpu.memory_space<semaphore_mem>>)
      } else {
      }
      %dma_wait3A_179 = arith.constant 0 : i32
      %dma_wait3A_180 = arith.constant 0 : i32
      %dma_wait3A_181 = tpu.memref_slice %arg2[%dma_wait3A_179, %dma_wait3A_180] : memref<401408x16xf32, #tpu.memory_space<hbm>> -> memref<401408x16xf32, #tpu.memory_space<hbm>>
      tpu.wait_indirect_dma semaphore(%arg14 : memref<!tpu.dma_semaphore, #tpu.memory_space<semaphore_mem>>) src(%dma_wait3A_181 : memref<401408x16xf32, #tpu.memory_space<hbm>>) dst(%arg12 : memref<512x16xf32, #tpu.memory_space<vmem>>)
      "tpu.region"() ({
        %run_scoped3A = tpu.sem_alloc : memref<!tpu.dma_semaphore, #tpu.memory_space<semaphore_mem>>
        %dma_start3A_182 = arith.constant 0 : i32
        %dma_start3A_183 = arith.constant 0 : i32
        %dma_start3A_184 = tpu.memref_slice %arg6[%dma_start3A_182, %dma_start3A_183] : memref<100352x16xf32, #tpu.memory_space<vmem_shared>> -> memref<100352x16xf32, #tpu.memory_space<vmem_shared>>
        tpu.enqueue_indirect_dma source(%arg12 : memref<512x16xf32, #tpu.memory_space<vmem>>) target(%dma_start3A_184 : memref<100352x16xf32, #tpu.memory_space<vmem_shared>>) offsets(%arg10 : memref<512xi32, #tpu.memory_space<vmem>>) semaphore(%run_scoped3A : memref<!tpu.dma_semaphore, #tpu.memory_space<semaphore_mem>>) {add = true}
        %dma_wait3A_185 = arith.constant 0 : i32
        %dma_wait3A_186 = arith.constant 0 : i32
        %dma_wait3A_187 = tpu.memref_slice %arg6[%dma_wait3A_185, %dma_wait3A_186] : memref<100352x16xf32, #tpu.memory_space<vmem_shared>> -> memref<100352x16xf32, #tpu.memory_space<vmem_shared>>
        tpu.wait_indirect_dma semaphore(%run_scoped3A : memref<!tpu.dma_semaphore, #tpu.memory_space<semaphore_mem>>) src(%arg12 : memref<512x16xf32, #tpu.memory_space<vmem>>) dst(%dma_wait3A_187 : memref<100352x16xf32, #tpu.memory_space<vmem_shared>>)
        tpu.yield
      }) : () -> ()
    }
    %scan3A_70 = arith.constant 98 : i32
    %barrier3A_71 = arith.constant 0 : index
    tpu.barrier barrier_id(%barrier3A_71)
    %mul3A_72 = arith.constant 6272 : i32
    %mul3A_73 = arith.muli %arg1, %mul3A_72 : i32
    %mul3A_74 = arith.constant 6272 : i32
    %mul3A_75 = arith.muli %arg1, %mul3A_74 : i32
    "tpu.region"() ({
      %run_scoped3A = tpu.sem_alloc : memref<!tpu.dma_semaphore, #tpu.memory_space<semaphore_mem>>
      %dma_start3A_157 = tpu.memref_slice %arg5[%mul3A_75, %mul3A_5] : memref<100352x64xf32, #tpu.memory_space<hbm>> -> memref<6272x16xf32, #tpu.memory_space<hbm>>
      %dma_start3A_158 = arith.constant 0 : i32
      %dma_start3A_159 = tpu.memref_slice %arg6[%mul3A_73, %dma_start3A_158] : memref<100352x16xf32, #tpu.memory_space<vmem_shared>> -> memref<6272x16xf32, #tpu.memory_space<vmem_shared>>
      tpu.enqueue_dma source(%dma_start3A_159 : memref<6272x16xf32, #tpu.memory_space<vmem_shared>>) target(%dma_start3A_157 : memref<6272x16xf32, #tpu.memory_space<hbm>>) target_semaphore(%run_scoped3A : memref<!tpu.dma_semaphore, #tpu.memory_space<semaphore_mem>>)
      %dma_wait3A = tpu.memref_slice %arg5[%mul3A_75, %mul3A_5] : memref<100352x64xf32, #tpu.memory_space<hbm>> -> memref<6272x16xf32, #tpu.memory_space<hbm>>
      %dma_wait3A_160 = arith.constant 0 : i32
      %dma_wait3A_161 = tpu.memref_slice %arg6[%mul3A_73, %dma_wait3A_160] : memref<100352x16xf32, #tpu.memory_space<vmem_shared>> -> memref<6272x16xf32, #tpu.memory_space<vmem_shared>>
      tpu.wait_dma2 semaphore(%run_scoped3A : memref<!tpu.dma_semaphore, #tpu.memory_space<semaphore_mem>>) src(%dma_wait3A_161 : memref<6272x16xf32, #tpu.memory_space<vmem_shared>>) dst(%dma_wait3A : memref<6272x16xf32, #tpu.memory_space<hbm>>)
      tpu.yield
    }) : () -> ()
    %barrier3A_76 = arith.constant 0 : index
    tpu.barrier barrier_id(%barrier3A_76)
    %mul3A_77 = arith.constant 2 : i32
    %mul3A_78 = arith.muli %arg0, %mul3A_77 : i32
    %add3A_79 = arith.constant 1 : i32
    %add3A_80 = arith.addi %mul3A_78, %add3A_79 : i32
    %mul3A_81 = arith.constant 16 : i32
    %mul3A_82 = arith.muli %add3A_80, %mul3A_81 : i32
    %scan3A_83 = arith.constant 0 : i32
    %scan3A_84 = arith.constant 0 : i32
    %scan3A_85 = arith.constant 512 : i32
    %scan3A_86 = arith.addi %scan3A_84, %scan3A_85 : i32
    %scan3A_87 = arith.constant 1 : i32
    scf.for %scan3A_157 = %scan3A_84 to %scan3A_86 step %scan3A_87  : i32 {
      %broadcast_in_dim3A = arith.constant 0.000000e+00 : f32
      %broadcast_in_dim3A_158 = vector.broadcast %broadcast_in_dim3A : f32 to vector<16xf32>
      %swap3A = arith.index_cast %scan3A_157 : i32 to index
      %swap3A_159 = arith.constant 0 : index
      %swap3A_160 = tpu.vector_load %arg11[%swap3A, %swap3A_159] {strides = array<i32>} : memref<512x16xf32, #tpu.memory_space<vmem>>, vector<1x16xf32>,
      %swap3A_161 = vector.shape_cast %swap3A_160 : vector<1x16xf32> to vector<16xf32>
      %swap3A_162 = vector.shape_cast %broadcast_in_dim3A_158 : vector<16xf32> to vector<1x16xf32>
      tpu.vector_store %arg11[%swap3A, %swap3A_159], %swap3A_162 {strides = array<i32>} : memref<512x16xf32, #tpu.memory_space<vmem>>, vector<1x16xf32>,
    }
    %scan3A_88 = arith.constant 512 : i32
    %mul3A_89 = arith.constant 6272 : i32
    %mul3A_90 = arith.muli %arg1, %mul3A_89 : i32
    %add3A_91 = arith.constant 0 : i32
    %add3A_92 = arith.addi %mul3A_90, %add3A_91 : i32
    "tpu.region"() ({
      %run_scoped3A = tpu.sem_alloc : memref<!tpu.dma_semaphore, #tpu.memory_space<semaphore_mem>>
      %dma_start3A_157 = arith.constant 0 : i32
      %dma_start3A_158 = tpu.memref_slice %arg6[%add3A_92, %dma_start3A_157] : memref<100352x16xf32, #tpu.memory_space<vmem_shared>> -> memref<512x16xf32, #tpu.memory_space<vmem_shared>>
      %dma_start3A_159 = arith.constant 0 : i32
      %dma_start3A_160 = tpu.memref_slice %arg6[%add3A_92, %dma_start3A_159] : memref<100352x16xf32, #tpu.memory_space<vmem_shared>> -> memref<512x16xf32, #tpu.memory_space<vmem_shared>>
      tpu.enqueue_dma source(%arg11 : memref<512x16xf32, #tpu.memory_space<vmem>>) target(%dma_start3A_160 : memref<512x16xf32, #tpu.memory_space<vmem_shared>>) target_semaphore(%run_scoped3A : memref<!tpu.dma_semaphore, #tpu.memory_space<semaphore_mem>>)
      %dma_wait3A = arith.constant 0 : i32
      %dma_wait3A_161 = tpu.memref_slice %arg6[%add3A_92, %dma_wait3A] : memref<100352x16xf32, #tpu.memory_space<vmem_shared>> -> memref<512x16xf32, #tpu.memory_space<vmem_shared>>
      %dma_wait3A_162 = arith.constant 0 : i32
      %dma_wait3A_163 = tpu.memref_slice %arg6[%add3A_92, %dma_wait3A_162] : memref<100352x16xf32, #tpu.memory_space<vmem_shared>> -> memref<512x16xf32, #tpu.memory_space<vmem_shared>>
      tpu.wait_dma2 semaphore(%run_scoped3A : memref<!tpu.dma_semaphore, #tpu.memory_space<semaphore_mem>>) src(%arg11 : memref<512x16xf32, #tpu.memory_space<vmem>>) dst(%dma_wait3A_163 : memref<512x16xf32, #tpu.memory_space<vmem_shared>>)
      tpu.yield
    }) : () -> ()
    %mul3A_93 = arith.constant 6272 : i32
    %mul3A_94 = arith.muli %arg1, %mul3A_93 : i32
    %add3A_95 = arith.constant 512 : i32
    %add3A_96 = arith.addi %mul3A_94, %add3A_95 : i32
    "tpu.region"() ({
      %run_scoped3A = tpu.sem_alloc : memref<!tpu.dma_semaphore, #tpu.memory_space<semaphore_mem>>
      %dma_start3A_157 = arith.constant 0 : i32
      %dma_start3A_158 = tpu.memref_slice %arg6[%add3A_96, %dma_start3A_157] : memref<100352x16xf32, #tpu.memory_space<vmem_shared>> -> memref<512x16xf32, #tpu.memory_space<vmem_shared>>
      %dma_start3A_159 = arith.constant 0 : i32
      %dma_start3A_160 = tpu.memref_slice %arg6[%add3A_96, %dma_start3A_159] : memref<100352x16xf32, #tpu.memory_space<vmem_shared>> -> memref<512x16xf32, #tpu.memory_space<vmem_shared>>
      tpu.enqueue_dma source(%arg11 : memref<512x16xf32, #tpu.memory_space<vmem>>) target(%dma_start3A_160 : memref<512x16xf32, #tpu.memory_space<vmem_shared>>) target_semaphore(%run_scoped3A : memref<!tpu.dma_semaphore, #tpu.memory_space<semaphore_mem>>)
      %dma_wait3A = arith.constant 0 : i32
      %dma_wait3A_161 = tpu.memref_slice %arg6[%add3A_96, %dma_wait3A] : memref<100352x16xf32, #tpu.memory_space<vmem_shared>> -> memref<512x16xf32, #tpu.memory_space<vmem_shared>>
      %dma_wait3A_162 = arith.constant 0 : i32
      %dma_wait3A_163 = tpu.memref_slice %arg6[%add3A_96, %dma_wait3A_162] : memref<100352x16xf32, #tpu.memory_space<vmem_shared>> -> memref<512x16xf32, #tpu.memory_space<vmem_shared>>
      tpu.wait_dma2 semaphore(%run_scoped3A : memref<!tpu.dma_semaphore, #tpu.memory_space<semaphore_mem>>) src(%arg11 : memref<512x16xf32, #tpu.memory_space<vmem>>) dst(%dma_wait3A_163 : memref<512x16xf32, #tpu.memory_space<vmem_shared>>)
      tpu.yield
    }) : () -> ()
    %mul3A_97 = arith.constant 6272 : i32
    %mul3A_98 = arith.muli %arg1, %mul3A_97 : i32
    %add3A_99 = arith.constant 1024 : i32
    %add3A_100 = arith.addi %mul3A_98, %add3A_99 : i32
    "tpu.region"() ({
      %run_scoped3A = tpu.sem_alloc : memref<!tpu.dma_semaphore, #tpu.memory_space<semaphore_mem>>
      %dma_start3A_157 = arith.constant 0 : i32
      %dma_start3A_158 = tpu.memref_slice %arg6[%add3A_100, %dma_start3A_157] : memref<100352x16xf32, #tpu.memory_space<vmem_shared>> -> memref<512x16xf32, #tpu.memory_space<vmem_shared>>
      %dma_start3A_159 = arith.constant 0 : i32
      %dma_start3A_160 = tpu.memref_slice %arg6[%add3A_100, %dma_start3A_159] : memref<100352x16xf32, #tpu.memory_space<vmem_shared>> -> memref<512x16xf32, #tpu.memory_space<vmem_shared>>
      tpu.enqueue_dma source(%arg11 : memref<512x16xf32, #tpu.memory_space<vmem>>) target(%dma_start3A_160 : memref<512x16xf32, #tpu.memory_space<vmem_shared>>) target_semaphore(%run_scoped3A : memref<!tpu.dma_semaphore, #tpu.memory_space<semaphore_mem>>)
      %dma_wait3A = arith.constant 0 : i32
      %dma_wait3A_161 = tpu.memref_slice %arg6[%add3A_100, %dma_wait3A] : memref<100352x16xf32, #tpu.memory_space<vmem_shared>> -> memref<512x16xf32, #tpu.memory_space<vmem_shared>>
      %dma_wait3A_162 = arith.constant 0 : i32
      %dma_wait3A_163 = tpu.memref_slice %arg6[%add3A_100, %dma_wait3A_162] : memref<100352x16xf32, #tpu.memory_space<vmem_shared>> -> memref<512x16xf32, #tpu.memory_space<vmem_shared>>
      tpu.wait_dma2 semaphore(%run_scoped3A : memref<!tpu.dma_semaphore, #tpu.memory_space<semaphore_mem>>) src(%arg11 : memref<512x16xf32, #tpu.memory_space<vmem>>) dst(%dma_wait3A_163 : memref<512x16xf32, #tpu.memory_space<vmem_shared>>)
      tpu.yield
    }) : () -> ()
    %mul3A_101 = arith.constant 6272 : i32
    %mul3A_102 = arith.muli %arg1, %mul3A_101 : i32
    %add3A_103 = arith.constant 1536 : i32
    %add3A_104 = arith.addi %mul3A_102, %add3A_103 : i32
    "tpu.region"() ({
      %run_scoped3A = tpu.sem_alloc : memref<!tpu.dma_semaphore, #tpu.memory_space<semaphore_mem>>
      %dma_start3A_157 = arith.constant 0 : i32
      %dma_start3A_158 = tpu.memref_slice %arg6[%add3A_104, %dma_start3A_157] : memref<100352x16xf32, #tpu.memory_space<vmem_shared>> -> memref<512x16xf32, #tpu.memory_space<vmem_shared>>
      %dma_start3A_159 = arith.constant 0 : i32
      %dma_start3A_160 = tpu.memref_slice %arg6[%add3A_104, %dma_start3A_159] : memref<100352x16xf32, #tpu.memory_space<vmem_shared>> -> memref<512x16xf32, #tpu.memory_space<vmem_shared>>
      tpu.enqueue_dma source(%arg11 : memref<512x16xf32, #tpu.memory_space<vmem>>) target(%dma_start3A_160 : memref<512x16xf32, #tpu.memory_space<vmem_shared>>) target_semaphore(%run_scoped3A : memref<!tpu.dma_semaphore, #tpu.memory_space<semaphore_mem>>)
      %dma_wait3A = arith.constant 0 : i32
      %dma_wait3A_161 = tpu.memref_slice %arg6[%add3A_104, %dma_wait3A] : memref<100352x16xf32, #tpu.memory_space<vmem_shared>> -> memref<512x16xf32, #tpu.memory_space<vmem_shared>>
      %dma_wait3A_162 = arith.constant 0 : i32
      %dma_wait3A_163 = tpu.memref_slice %arg6[%add3A_104, %dma_wait3A_162] : memref<100352x16xf32, #tpu.memory_space<vmem_shared>> -> memref<512x16xf32, #tpu.memory_space<vmem_shared>>
      tpu.wait_dma2 semaphore(%run_scoped3A : memref<!tpu.dma_semaphore, #tpu.memory_space<semaphore_mem>>) src(%arg11 : memref<512x16xf32, #tpu.memory_space<vmem>>) dst(%dma_wait3A_163 : memref<512x16xf32, #tpu.memory_space<vmem_shared>>)
      tpu.yield
    }) : () -> ()
    %mul3A_105 = arith.constant 6272 : i32
    %mul3A_106 = arith.muli %arg1, %mul3A_105 : i32
    %add3A_107 = arith.constant 2048 : i32
    %add3A_108 = arith.addi %mul3A_106, %add3A_107 : i32
    "tpu.region"() ({
      %run_scoped3A = tpu.sem_alloc : memref<!tpu.dma_semaphore, #tpu.memory_space<semaphore_mem>>
      %dma_start3A_157 = arith.constant 0 : i32
      %dma_start3A_158 = tpu.memref_slice %arg6[%add3A_108, %dma_start3A_157] : memref<100352x16xf32, #tpu.memory_space<vmem_shared>> -> memref<512x16xf32, #tpu.memory_space<vmem_shared>>
      %dma_start3A_159 = arith.constant 0 : i32
      %dma_start3A_160 = tpu.memref_slice %arg6[%add3A_108, %dma_start3A_159] : memref<100352x16xf32, #tpu.memory_space<vmem_shared>> -> memref<512x16xf32, #tpu.memory_space<vmem_shared>>
      tpu.enqueue_dma source(%arg11 : memref<512x16xf32, #tpu.memory_space<vmem>>) target(%dma_start3A_160 : memref<512x16xf32, #tpu.memory_space<vmem_shared>>) target_semaphore(%run_scoped3A : memref<!tpu.dma_semaphore, #tpu.memory_space<semaphore_mem>>)
      %dma_wait3A = arith.constant 0 : i32
      %dma_wait3A_161 = tpu.memref_slice %arg6[%add3A_108, %dma_wait3A] : memref<100352x16xf32, #tpu.memory_space<vmem_shared>> -> memref<512x16xf32, #tpu.memory_space<vmem_shared>>
      %dma_wait3A_162 = arith.constant 0 : i32
      %dma_wait3A_163 = tpu.memref_slice %arg6[%add3A_108, %dma_wait3A_162] : memref<100352x16xf32, #tpu.memory_space<vmem_shared>> -> memref<512x16xf32, #tpu.memory_space<vmem_shared>>
      tpu.wait_dma2 semaphore(%run_scoped3A : memref<!tpu.dma_semaphore, #tpu.memory_space<semaphore_mem>>) src(%arg11 : memref<512x16xf32, #tpu.memory_space<vmem>>) dst(%dma_wait3A_163 : memref<512x16xf32, #tpu.memory_space<vmem_shared>>)
      tpu.yield
    }) : () -> ()
    %mul3A_109 = arith.constant 6272 : i32
    %mul3A_110 = arith.muli %arg1, %mul3A_109 : i32
    %add3A_111 = arith.constant 2560 : i32
    %add3A_112 = arith.addi %mul3A_110, %add3A_111 : i32
    "tpu.region"() ({
      %run_scoped3A = tpu.sem_alloc : memref<!tpu.dma_semaphore, #tpu.memory_space<semaphore_mem>>
      %dma_start3A_157 = arith.constant 0 : i32
      %dma_start3A_158 = tpu.memref_slice %arg6[%add3A_112, %dma_start3A_157] : memref<100352x16xf32, #tpu.memory_space<vmem_shared>> -> memref<512x16xf32, #tpu.memory_space<vmem_shared>>
      %dma_start3A_159 = arith.constant 0 : i32
      %dma_start3A_160 = tpu.memref_slice %arg6[%add3A_112, %dma_start3A_159] : memref<100352x16xf32, #tpu.memory_space<vmem_shared>> -> memref<512x16xf32, #tpu.memory_space<vmem_shared>>
      tpu.enqueue_dma source(%arg11 : memref<512x16xf32, #tpu.memory_space<vmem>>) target(%dma_start3A_160 : memref<512x16xf32, #tpu.memory_space<vmem_shared>>) target_semaphore(%run_scoped3A : memref<!tpu.dma_semaphore, #tpu.memory_space<semaphore_mem>>)
      %dma_wait3A = arith.constant 0 : i32
      %dma_wait3A_161 = tpu.memref_slice %arg6[%add3A_112, %dma_wait3A] : memref<100352x16xf32, #tpu.memory_space<vmem_shared>> -> memref<512x16xf32, #tpu.memory_space<vmem_shared>>
      %dma_wait3A_162 = arith.constant 0 : i32
      %dma_wait3A_163 = tpu.memref_slice %arg6[%add3A_112, %dma_wait3A_162] : memref<100352x16xf32, #tpu.memory_space<vmem_shared>> -> memref<512x16xf32, #tpu.memory_space<vmem_shared>>
      tpu.wait_dma2 semaphore(%run_scoped3A : memref<!tpu.dma_semaphore, #tpu.memory_space<semaphore_mem>>) src(%arg11 : memref<512x16xf32, #tpu.memory_space<vmem>>) dst(%dma_wait3A_163 : memref<512x16xf32, #tpu.memory_space<vmem_shared>>)
      tpu.yield
    }) : () -> ()
    %mul3A_113 = arith.constant 6272 : i32
    %mul3A_114 = arith.muli %arg1, %mul3A_113 : i32
    %add3A_115 = arith.constant 3072 : i32
    %add3A_116 = arith.addi %mul3A_114, %add3A_115 : i32
    "tpu.region"() ({
      %run_scoped3A = tpu.sem_alloc : memref<!tpu.dma_semaphore, #tpu.memory_space<semaphore_mem>>
      %dma_start3A_157 = arith.constant 0 : i32
      %dma_start3A_158 = tpu.memref_slice %arg6[%add3A_116, %dma_start3A_157] : memref<100352x16xf32, #tpu.memory_space<vmem_shared>> -> memref<512x16xf32, #tpu.memory_space<vmem_shared>>
      %dma_start3A_159 = arith.constant 0 : i32
      %dma_start3A_160 = tpu.memref_slice %arg6[%add3A_116, %dma_start3A_159] : memref<100352x16xf32, #tpu.memory_space<vmem_shared>> -> memref<512x16xf32, #tpu.memory_space<vmem_shared>>
      tpu.enqueue_dma source(%arg11 : memref<512x16xf32, #tpu.memory_space<vmem>>) target(%dma_start3A_160 : memref<512x16xf32, #tpu.memory_space<vmem_shared>>) target_semaphore(%run_scoped3A : memref<!tpu.dma_semaphore, #tpu.memory_space<semaphore_mem>>)
      %dma_wait3A = arith.constant 0 : i32
      %dma_wait3A_161 = tpu.memref_slice %arg6[%add3A_116, %dma_wait3A] : memref<100352x16xf32, #tpu.memory_space<vmem_shared>> -> memref<512x16xf32, #tpu.memory_space<vmem_shared>>
      %dma_wait3A_162 = arith.constant 0 : i32
      %dma_wait3A_163 = tpu.memref_slice %arg6[%add3A_116, %dma_wait3A_162] : memref<100352x16xf32, #tpu.memory_space<vmem_shared>> -> memref<512x16xf32, #tpu.memory_space<vmem_shared>>
      tpu.wait_dma2 semaphore(%run_scoped3A : memref<!tpu.dma_semaphore, #tpu.memory_space<semaphore_mem>>) src(%arg11 : memref<512x16xf32, #tpu.memory_space<vmem>>) dst(%dma_wait3A_163 : memref<512x16xf32, #tpu.memory_space<vmem_shared>>)
      tpu.yield
    }) : () -> ()
    %mul3A_117 = arith.constant 6272 : i32
    %mul3A_118 = arith.muli %arg1, %mul3A_117 : i32
    %add3A_119 = arith.constant 3584 : i32
    %add3A_120 = arith.addi %mul3A_118, %add3A_119 : i32
    "tpu.region"() ({
      %run_scoped3A = tpu.sem_alloc : memref<!tpu.dma_semaphore, #tpu.memory_space<semaphore_mem>>
      %dma_start3A_157 = arith.constant 0 : i32
      %dma_start3A_158 = tpu.memref_slice %arg6[%add3A_120, %dma_start3A_157] : memref<100352x16xf32, #tpu.memory_space<vmem_shared>> -> memref<512x16xf32, #tpu.memory_space<vmem_shared>>
      %dma_start3A_159 = arith.constant 0 : i32
      %dma_start3A_160 = tpu.memref_slice %arg6[%add3A_120, %dma_start3A_159] : memref<100352x16xf32, #tpu.memory_space<vmem_shared>> -> memref<512x16xf32, #tpu.memory_space<vmem_shared>>
      tpu.enqueue_dma source(%arg11 : memref<512x16xf32, #tpu.memory_space<vmem>>) target(%dma_start3A_160 : memref<512x16xf32, #tpu.memory_space<vmem_shared>>) target_semaphore(%run_scoped3A : memref<!tpu.dma_semaphore, #tpu.memory_space<semaphore_mem>>)
      %dma_wait3A = arith.constant 0 : i32
      %dma_wait3A_161 = tpu.memref_slice %arg6[%add3A_120, %dma_wait3A] : memref<100352x16xf32, #tpu.memory_space<vmem_shared>> -> memref<512x16xf32, #tpu.memory_space<vmem_shared>>
      %dma_wait3A_162 = arith.constant 0 : i32
      %dma_wait3A_163 = tpu.memref_slice %arg6[%add3A_120, %dma_wait3A_162] : memref<100352x16xf32, #tpu.memory_space<vmem_shared>> -> memref<512x16xf32, #tpu.memory_space<vmem_shared>>
      tpu.wait_dma2 semaphore(%run_scoped3A : memref<!tpu.dma_semaphore, #tpu.memory_space<semaphore_mem>>) src(%arg11 : memref<512x16xf32, #tpu.memory_space<vmem>>) dst(%dma_wait3A_163 : memref<512x16xf32, #tpu.memory_space<vmem_shared>>)
      tpu.yield
    }) : () -> ()
    %mul3A_121 = arith.constant 6272 : i32
    %mul3A_122 = arith.muli %arg1, %mul3A_121 : i32
    %add3A_123 = arith.constant 4096 : i32
    %add3A_124 = arith.addi %mul3A_122, %add3A_123 : i32
    "tpu.region"() ({
      %run_scoped3A = tpu.sem_alloc : memref<!tpu.dma_semaphore, #tpu.memory_space<semaphore_mem>>
      %dma_start3A_157 = arith.constant 0 : i32
      %dma_start3A_158 = tpu.memref_slice %arg6[%add3A_124, %dma_start3A_157] : memref<100352x16xf32, #tpu.memory_space<vmem_shared>> -> memref<512x16xf32, #tpu.memory_space<vmem_shared>>
      %dma_start3A_159 = arith.constant 0 : i32
      %dma_start3A_160 = tpu.memref_slice %arg6[%add3A_124, %dma_start3A_159] : memref<100352x16xf32, #tpu.memory_space<vmem_shared>> -> memref<512x16xf32, #tpu.memory_space<vmem_shared>>
      tpu.enqueue_dma source(%arg11 : memref<512x16xf32, #tpu.memory_space<vmem>>) target(%dma_start3A_160 : memref<512x16xf32, #tpu.memory_space<vmem_shared>>) target_semaphore(%run_scoped3A : memref<!tpu.dma_semaphore, #tpu.memory_space<semaphore_mem>>)
      %dma_wait3A = arith.constant 0 : i32
      %dma_wait3A_161 = tpu.memref_slice %arg6[%add3A_124, %dma_wait3A] : memref<100352x16xf32, #tpu.memory_space<vmem_shared>> -> memref<512x16xf32, #tpu.memory_space<vmem_shared>>
      %dma_wait3A_162 = arith.constant 0 : i32
      %dma_wait3A_163 = tpu.memref_slice %arg6[%add3A_124, %dma_wait3A_162] : memref<100352x16xf32, #tpu.memory_space<vmem_shared>> -> memref<512x16xf32, #tpu.memory_space<vmem_shared>>
      tpu.wait_dma2 semaphore(%run_scoped3A : memref<!tpu.dma_semaphore, #tpu.memory_space<semaphore_mem>>) src(%arg11 : memref<512x16xf32, #tpu.memory_space<vmem>>) dst(%dma_wait3A_163 : memref<512x16xf32, #tpu.memory_space<vmem_shared>>)
      tpu.yield
    }) : () -> ()
    %mul3A_125 = arith.constant 6272 : i32
    %mul3A_126 = arith.muli %arg1, %mul3A_125 : i32
    %add3A_127 = arith.constant 4608 : i32
    %add3A_128 = arith.addi %mul3A_126, %add3A_127 : i32
    "tpu.region"() ({
      %run_scoped3A = tpu.sem_alloc : memref<!tpu.dma_semaphore, #tpu.memory_space<semaphore_mem>>
      %dma_start3A_157 = arith.constant 0 : i32
      %dma_start3A_158 = tpu.memref_slice %arg6[%add3A_128, %dma_start3A_157] : memref<100352x16xf32, #tpu.memory_space<vmem_shared>> -> memref<512x16xf32, #tpu.memory_space<vmem_shared>>
      %dma_start3A_159 = arith.constant 0 : i32
      %dma_start3A_160 = tpu.memref_slice %arg6[%add3A_128, %dma_start3A_159] : memref<100352x16xf32, #tpu.memory_space<vmem_shared>> -> memref<512x16xf32, #tpu.memory_space<vmem_shared>>
      tpu.enqueue_dma source(%arg11 : memref<512x16xf32, #tpu.memory_space<vmem>>) target(%dma_start3A_160 : memref<512x16xf32, #tpu.memory_space<vmem_shared>>) target_semaphore(%run_scoped3A : memref<!tpu.dma_semaphore, #tpu.memory_space<semaphore_mem>>)
      %dma_wait3A = arith.constant 0 : i32
      %dma_wait3A_161 = tpu.memref_slice %arg6[%add3A_128, %dma_wait3A] : memref<100352x16xf32, #tpu.memory_space<vmem_shared>> -> memref<512x16xf32, #tpu.memory_space<vmem_shared>>
      %dma_wait3A_162 = arith.constant 0 : i32
      %dma_wait3A_163 = tpu.memref_slice %arg6[%add3A_128, %dma_wait3A_162] : memref<100352x16xf32, #tpu.memory_space<vmem_shared>> -> memref<512x16xf32, #tpu.memory_space<vmem_shared>>
      tpu.wait_dma2 semaphore(%run_scoped3A : memref<!tpu.dma_semaphore, #tpu.memory_space<semaphore_mem>>) src(%arg11 : memref<512x16xf32, #tpu.memory_space<vmem>>) dst(%dma_wait3A_163 : memref<512x16xf32, #tpu.memory_space<vmem_shared>>)
      tpu.yield
    }) : () -> ()
    %mul3A_129 = arith.constant 6272 : i32
    %mul3A_130 = arith.muli %arg1, %mul3A_129 : i32
    %add3A_131 = arith.constant 5120 : i32
    %add3A_132 = arith.addi %mul3A_130, %add3A_131 : i32
    "tpu.region"() ({
      %run_scoped3A = tpu.sem_alloc : memref<!tpu.dma_semaphore, #tpu.memory_space<semaphore_mem>>
      %dma_start3A_157 = arith.constant 0 : i32
      %dma_start3A_158 = tpu.memref_slice %arg6[%add3A_132, %dma_start3A_157] : memref<100352x16xf32, #tpu.memory_space<vmem_shared>> -> memref<512x16xf32, #tpu.memory_space<vmem_shared>>
      %dma_start3A_159 = arith.constant 0 : i32
      %dma_start3A_160 = tpu.memref_slice %arg6[%add3A_132, %dma_start3A_159] : memref<100352x16xf32, #tpu.memory_space<vmem_shared>> -> memref<512x16xf32, #tpu.memory_space<vmem_shared>>
      tpu.enqueue_dma source(%arg11 : memref<512x16xf32, #tpu.memory_space<vmem>>) target(%dma_start3A_160 : memref<512x16xf32, #tpu.memory_space<vmem_shared>>) target_semaphore(%run_scoped3A : memref<!tpu.dma_semaphore, #tpu.memory_space<semaphore_mem>>)
      %dma_wait3A = arith.constant 0 : i32
      %dma_wait3A_161 = tpu.memref_slice %arg6[%add3A_132, %dma_wait3A] : memref<100352x16xf32, #tpu.memory_space<vmem_shared>> -> memref<512x16xf32, #tpu.memory_space<vmem_shared>>
      %dma_wait3A_162 = arith.constant 0 : i32
      %dma_wait3A_163 = tpu.memref_slice %arg6[%add3A_132, %dma_wait3A_162] : memref<100352x16xf32, #tpu.memory_space<vmem_shared>> -> memref<512x16xf32, #tpu.memory_space<vmem_shared>>
      tpu.wait_dma2 semaphore(%run_scoped3A : memref<!tpu.dma_semaphore, #tpu.memory_space<semaphore_mem>>) src(%arg11 : memref<512x16xf32, #tpu.memory_space<vmem>>) dst(%dma_wait3A_163 : memref<512x16xf32, #tpu.memory_space<vmem_shared>>)
      tpu.yield
    }) : () -> ()
    %mul3A_133 = arith.constant 6272 : i32
    %mul3A_134 = arith.muli %arg1, %mul3A_133 : i32
    %add3A_135 = arith.constant 5632 : i32
    %add3A_136 = arith.addi %mul3A_134, %add3A_135 : i32
    "tpu.region"() ({
      %run_scoped3A = tpu.sem_alloc : memref<!tpu.dma_semaphore, #tpu.memory_space<semaphore_mem>>
      %dma_start3A_157 = arith.constant 0 : i32
      %dma_start3A_158 = tpu.memref_slice %arg6[%add3A_136, %dma_start3A_157] : memref<100352x16xf32, #tpu.memory_space<vmem_shared>> -> memref<512x16xf32, #tpu.memory_space<vmem_shared>>
      %dma_start3A_159 = arith.constant 0 : i32
      %dma_start3A_160 = tpu.memref_slice %arg6[%add3A_136, %dma_start3A_159] : memref<100352x16xf32, #tpu.memory_space<vmem_shared>> -> memref<512x16xf32, #tpu.memory_space<vmem_shared>>
      tpu.enqueue_dma source(%arg11 : memref<512x16xf32, #tpu.memory_space<vmem>>) target(%dma_start3A_160 : memref<512x16xf32, #tpu.memory_space<vmem_shared>>) target_semaphore(%run_scoped3A : memref<!tpu.dma_semaphore, #tpu.memory_space<semaphore_mem>>)
      %dma_wait3A = arith.constant 0 : i32
      %dma_wait3A_161 = tpu.memref_slice %arg6[%add3A_136, %dma_wait3A] : memref<100352x16xf32, #tpu.memory_space<vmem_shared>> -> memref<512x16xf32, #tpu.memory_space<vmem_shared>>
      %dma_wait3A_162 = arith.constant 0 : i32
      %dma_wait3A_163 = tpu.memref_slice %arg6[%add3A_136, %dma_wait3A_162] : memref<100352x16xf32, #tpu.memory_space<vmem_shared>> -> memref<512x16xf32, #tpu.memory_space<vmem_shared>>
      tpu.wait_dma2 semaphore(%run_scoped3A : memref<!tpu.dma_semaphore, #tpu.memory_space<semaphore_mem>>) src(%arg11 : memref<512x16xf32, #tpu.memory_space<vmem>>) dst(%dma_wait3A_163 : memref<512x16xf32, #tpu.memory_space<vmem_shared>>)
      tpu.yield
    }) : () -> ()
    %mul3A_137 = arith.constant 6272 : i32
    %mul3A_138 = arith.muli %arg1, %mul3A_137 : i32
    %add3A_139 = arith.constant 6144 : i32
    %add3A_140 = arith.addi %mul3A_138, %add3A_139 : i32
    "tpu.region"() ({
      %run_scoped3A = tpu.sem_alloc : memref<!tpu.dma_semaphore, #tpu.memory_space<semaphore_mem>>
      %dma_start3A_157 = arith.constant 0 : i32
      %dma_start3A_158 = arith.constant 0 : i32
      %dma_start3A_159 = tpu.memref_slice %arg11[%dma_start3A_157, %dma_start3A_158] : memref<512x16xf32, #tpu.memory_space<vmem>> -> memref<128x16xf32, #tpu.memory_space<vmem>>
      %dma_start3A_160 = arith.constant 0 : i32
      %dma_start3A_161 = tpu.memref_slice %arg6[%add3A_140, %dma_start3A_160] : memref<100352x16xf32, #tpu.memory_space<vmem_shared>> -> memref<128x16xf32, #tpu.memory_space<vmem_shared>>
      %dma_start3A_162 = arith.constant 0 : i32
      %dma_start3A_163 = tpu.memref_slice %arg6[%add3A_140, %dma_start3A_162] : memref<100352x16xf32, #tpu.memory_space<vmem_shared>> -> memref<128x16xf32, #tpu.memory_space<vmem_shared>>
      %dma_start3A_164 = arith.constant 0 : i32
      %dma_start3A_165 = arith.constant 0 : i32
      %dma_start3A_166 = tpu.memref_slice %arg11[%dma_start3A_164, %dma_start3A_165] : memref<512x16xf32, #tpu.memory_space<vmem>> -> memref<128x16xf32, #tpu.memory_space<vmem>>
      tpu.enqueue_dma source(%dma_start3A_166 : memref<128x16xf32, #tpu.memory_space<vmem>>) target(%dma_start3A_163 : memref<128x16xf32, #tpu.memory_space<vmem_shared>>) target_semaphore(%run_scoped3A : memref<!tpu.dma_semaphore, #tpu.memory_space<semaphore_mem>>)
      %dma_wait3A = arith.constant 0 : i32
      %dma_wait3A_167 = arith.constant 0 : i32
      %dma_wait3A_168 = tpu.memref_slice %arg11[%dma_wait3A, %dma_wait3A_167] : memref<512x16xf32, #tpu.memory_space<vmem>> -> memref<128x16xf32, #tpu.memory_space<vmem>>
      %dma_wait3A_169 = arith.constant 0 : i32
      %dma_wait3A_170 = tpu.memref_slice %arg6[%add3A_140, %dma_wait3A_169] : memref<100352x16xf32, #tpu.memory_space<vmem_shared>> -> memref<128x16xf32, #tpu.memory_space<vmem_shared>>
      %dma_wait3A_171 = arith.constant 0 : i32
      %dma_wait3A_172 = tpu.memref_slice %arg6[%add3A_140, %dma_wait3A_171] : memref<100352x16xf32, #tpu.memory_space<vmem_shared>> -> memref<128x16xf32, #tpu.memory_space<vmem_shared>>
      %dma_wait3A_173 = arith.constant 0 : i32
      %dma_wait3A_174 = arith.constant 0 : i32
      %dma_wait3A_175 = tpu.memref_slice %arg11[%dma_wait3A_173, %dma_wait3A_174] : memref<512x16xf32, #tpu.memory_space<vmem>> -> memref<128x16xf32, #tpu.memory_space<vmem>>
      tpu.wait_dma2 semaphore(%run_scoped3A : memref<!tpu.dma_semaphore, #tpu.memory_space<semaphore_mem>>) src(%dma_wait3A_175 : memref<128x16xf32, #tpu.memory_space<vmem>>) dst(%dma_wait3A_172 : memref<128x16xf32, #tpu.memory_space<vmem_shared>>)
      tpu.yield
    }) : () -> ()
    %barrier3A_141 = arith.constant 0 : index
    tpu.barrier barrier_id(%barrier3A_141)
    "tpu.region"() ({
      %run_scoped3A = tpu.sem_alloc : memref<!tpu.dma_semaphore, #tpu.memory_space<semaphore_mem>>
      %dma_start3A_157 = tpu.memref_slice %arg3[%add3A_80, %mul3A_0] : memref<4x1605632xi32, #tpu.memory_space<hbm>> -> memref<1x512xi32, #tpu.memory_space<hbm>>
      %dma_start3A_158 = tpu.memref_squeeze %dma_start3A_157 : memref<1x512xi32, #tpu.memory_space<hbm>> -> memref<512xi32, #tpu.memory_space<hbm>>
      %dma_start3A_159 = tpu.memref_slice %arg3[%add3A_80, %mul3A_0] : memref<4x1605632xi32, #tpu.memory_space<hbm>> -> memref<1x512xi32, #tpu.memory_space<hbm>>
      %dma_start3A_160 = tpu.memref_squeeze %dma_start3A_159 : memref<1x512xi32, #tpu.memory_space<hbm>> -> memref<512xi32, #tpu.memory_space<hbm>>
      tpu.enqueue_dma source(%dma_start3A_160 : memref<512xi32, #tpu.memory_space<hbm>>) target(%arg7 : memref<512xi32, #tpu.memory_space<vmem>>) target_semaphore(%run_scoped3A : memref<!tpu.dma_semaphore, #tpu.memory_space<semaphore_mem>>)
      %dma_wait3A = tpu.memref_slice %arg3[%add3A_80, %mul3A_0] : memref<4x1605632xi32, #tpu.memory_space<hbm>> -> memref<1x512xi32, #tpu.memory_space<hbm>>
      %dma_wait3A_161 = tpu.memref_squeeze %dma_wait3A : memref<1x512xi32, #tpu.memory_space<hbm>> -> memref<512xi32, #tpu.memory_space<hbm>>
      %dma_wait3A_162 = tpu.memref_slice %arg3[%add3A_80, %mul3A_0] : memref<4x1605632xi32, #tpu.memory_space<hbm>> -> memref<1x512xi32, #tpu.memory_space<hbm>>
      %dma_wait3A_163 = tpu.memref_squeeze %dma_wait3A_162 : memref<1x512xi32, #tpu.memory_space<hbm>> -> memref<512xi32, #tpu.memory_space<hbm>>
      tpu.wait_dma2 semaphore(%run_scoped3A : memref<!tpu.dma_semaphore, #tpu.memory_space<semaphore_mem>>) src(%dma_wait3A_163 : memref<512xi32, #tpu.memory_space<hbm>>) dst(%arg7 : memref<512xi32, #tpu.memory_space<vmem>>)
      tpu.yield
    }) : () -> ()
    "tpu.region"() ({
      %run_scoped3A = tpu.sem_alloc : memref<!tpu.dma_semaphore, #tpu.memory_space<semaphore_mem>>
      %dma_start3A_157 = tpu.memref_slice %arg4[%mul3A_0] : memref<1605632xi32, #tpu.memory_space<hbm>> -> memref<512xi32, #tpu.memory_space<hbm>>
      %dma_start3A_158 = tpu.memref_slice %arg4[%mul3A_0] : memref<1605632xi32, #tpu.memory_space<hbm>> -> memref<512xi32, #tpu.memory_space<hbm>>
      tpu.enqueue_dma source(%dma_start3A_158 : memref<512xi32, #tpu.memory_space<hbm>>) target(%arg9 : memref<512xi32, #tpu.memory_space<vmem>>) target_semaphore(%run_scoped3A : memref<!tpu.dma_semaphore, #tpu.memory_space<semaphore_mem>>)
      %dma_wait3A = tpu.memref_slice %arg4[%mul3A_0] : memref<1605632xi32, #tpu.memory_space<hbm>> -> memref<512xi32, #tpu.memory_space<hbm>>
      %dma_wait3A_159 = tpu.memref_slice %arg4[%mul3A_0] : memref<1605632xi32, #tpu.memory_space<hbm>> -> memref<512xi32, #tpu.memory_space<hbm>>
      tpu.wait_dma2 semaphore(%run_scoped3A : memref<!tpu.dma_semaphore, #tpu.memory_space<semaphore_mem>>) src(%dma_wait3A_159 : memref<512xi32, #tpu.memory_space<hbm>>) dst(%arg9 : memref<512xi32, #tpu.memory_space<vmem>>)
      tpu.yield
    }) : () -> ()
    %dma_start3A_142 = arith.constant 0 : i32
    %dma_start3A_143 = arith.constant 0 : i32
    %dma_start3A_144 = tpu.memref_slice %arg2[%dma_start3A_142, %dma_start3A_143] : memref<401408x16xf32, #tpu.memory_space<hbm>> -> memref<401408x16xf32, #tpu.memory_space<hbm>>
    tpu.enqueue_indirect_dma source(%dma_start3A_144 : memref<401408x16xf32, #tpu.memory_space<hbm>>) target(%arg11 : memref<512x16xf32, #tpu.memory_space<vmem>>) offsets(%arg7 : memref<512xi32, #tpu.memory_space<vmem>>) semaphore(%arg13 : memref<!tpu.dma_semaphore, #tpu.memory_space<semaphore_mem>>)
    %scan3A_145 = arith.constant 0 : i32
    %scan3A_146 = arith.constant 0 : i32
    %scan3A_147 = arith.constant 98 : i32
    %scan3A_148 = arith.addi %scan3A_146, %scan3A_147 : i32
    %scan3A_149 = arith.constant 1 : i32
    scf.for %scan3A_157 = %scan3A_146 to %scan3A_148 step %scan3A_149  : i32 {
      %mul3A_158 = arith.constant 2 : i32
      %mul3A_159 = arith.muli %scan3A_157, %mul3A_158 : i32
      %add3A_160 = arith.constant 0 : i32
      %add3A_161 = arith.addi %mul3A_159, %add3A_160 : i32
      %add3A_162 = arith.constant 1 : i32
      %add3A_163 = arith.addi %add3A_161, %add3A_162 : i32
      %lt3A = arith.constant 196 : i32
      %lt3A_164 = arith.cmpi slt, %add3A_163, %lt3A : i32
      %convert_element_type3A = arith.extui %lt3A_164 : i1 to i32
      %cond3A = arith.constant 0 : i32
      %cond3A_165 = arith.cmpi ne, %convert_element_type3A, %cond3A : i32
      scf.if %cond3A_165 {
        %add3A_182 = arith.constant 1 : i32
        %add3A_183 = arith.addi %add3A_161, %add3A_182 : i32
        %mul3A_184 = arith.constant 512 : i32
        %mul3A_185 = arith.muli %add3A_183, %mul3A_184 : i32
        %add3A_186 = arith.addi %mul3A_0, %mul3A_185 : i32
        "tpu.region"() ({
          %run_scoped3A = tpu.sem_alloc : memref<!tpu.dma_semaphore, #tpu.memory_space<semaphore_mem>>
          %dma_start3A_190 = tpu.memref_slice %arg3[%add3A_80, %add3A_186] : memref<4x1605632xi32, #tpu.memory_space<hbm>> -> memref<1x512xi32, #tpu.memory_space<hbm>>
          %dma_start3A_191 = tpu.memref_squeeze %dma_start3A_190 : memref<1x512xi32, #tpu.memory_space<hbm>> -> memref<512xi32, #tpu.memory_space<hbm>>
          %dma_start3A_192 = tpu.memref_slice %arg3[%add3A_80, %add3A_186] : memref<4x1605632xi32, #tpu.memory_space<hbm>> -> memref<1x512xi32, #tpu.memory_space<hbm>>
          %dma_start3A_193 = tpu.memref_squeeze %dma_start3A_192 : memref<1x512xi32, #tpu.memory_space<hbm>> -> memref<512xi32, #tpu.memory_space<hbm>>
          tpu.enqueue_dma source(%dma_start3A_193 : memref<512xi32, #tpu.memory_space<hbm>>) target(%arg8 : memref<512xi32, #tpu.memory_space<vmem>>) target_semaphore(%run_scoped3A : memref<!tpu.dma_semaphore, #tpu.memory_space<semaphore_mem>>)
          %dma_wait3A_194 = tpu.memref_slice %arg3[%add3A_80, %add3A_186] : memref<4x1605632xi32, #tpu.memory_space<hbm>> -> memref<1x512xi32, #tpu.memory_space<hbm>>
          %dma_wait3A_195 = tpu.memref_squeeze %dma_wait3A_194 : memref<1x512xi32, #tpu.memory_space<hbm>> -> memref<512xi32, #tpu.memory_space<hbm>>
          %dma_wait3A_196 = tpu.memref_slice %arg3[%add3A_80, %add3A_186] : memref<4x1605632xi32, #tpu.memory_space<hbm>> -> memref<1x512xi32, #tpu.memory_space<hbm>>
          %dma_wait3A_197 = tpu.memref_squeeze %dma_wait3A_196 : memref<1x512xi32, #tpu.memory_space<hbm>> -> memref<512xi32, #tpu.memory_space<hbm>>
          tpu.wait_dma2 semaphore(%run_scoped3A : memref<!tpu.dma_semaphore, #tpu.memory_space<semaphore_mem>>) src(%dma_wait3A_197 : memref<512xi32, #tpu.memory_space<hbm>>) dst(%arg8 : memref<512xi32, #tpu.memory_space<vmem>>)
          tpu.yield
        }) : () -> ()
        "tpu.region"() ({
          %run_scoped3A = tpu.sem_alloc : memref<!tpu.dma_semaphore, #tpu.memory_space<semaphore_mem>>
          %dma_start3A_190 = tpu.memref_slice %arg4[%add3A_186] : memref<1605632xi32, #tpu.memory_space<hbm>> -> memref<512xi32, #tpu.memory_space<hbm>>
          %dma_start3A_191 = tpu.memref_slice %arg4[%add3A_186] : memref<1605632xi32, #tpu.memory_space<hbm>> -> memref<512xi32, #tpu.memory_space<hbm>>
          tpu.enqueue_dma source(%dma_start3A_191 : memref<512xi32, #tpu.memory_space<hbm>>) target(%arg10 : memref<512xi32, #tpu.memory_space<vmem>>) target_semaphore(%run_scoped3A : memref<!tpu.dma_semaphore, #tpu.memory_space<semaphore_mem>>)
          %dma_wait3A_192 = tpu.memref_slice %arg4[%add3A_186] : memref<1605632xi32, #tpu.memory_space<hbm>> -> memref<512xi32, #tpu.memory_space<hbm>>
          %dma_wait3A_193 = tpu.memref_slice %arg4[%add3A_186] : memref<1605632xi32, #tpu.memory_space<hbm>> -> memref<512xi32, #tpu.memory_space<hbm>>
          tpu.wait_dma2 semaphore(%run_scoped3A : memref<!tpu.dma_semaphore, #tpu.memory_space<semaphore_mem>>) src(%dma_wait3A_193 : memref<512xi32, #tpu.memory_space<hbm>>) dst(%arg10 : memref<512xi32, #tpu.memory_space<vmem>>)
          tpu.yield
        }) : () -> ()
        %dma_start3A_187 = arith.constant 0 : i32
        %dma_start3A_188 = arith.constant 0 : i32
        %dma_start3A_189 = tpu.memref_slice %arg2[%dma_start3A_187, %dma_start3A_188] : memref<401408x16xf32, #tpu.memory_space<hbm>> -> memref<401408x16xf32, #tpu.memory_space<hbm>>
        tpu.enqueue_indirect_dma source(%dma_start3A_189 : memref<401408x16xf32, #tpu.memory_space<hbm>>) target(%arg12 : memref<512x16xf32, #tpu.memory_space<vmem>>) offsets(%arg8 : memref<512xi32, #tpu.memory_space<vmem>>) semaphore(%arg14 : memref<!tpu.dma_semaphore, #tpu.memory_space<semaphore_mem>>)
      } else {
      }
      %dma_wait3A = arith.constant 0 : i32
      %dma_wait3A_166 = arith.constant 0 : i32
      %dma_wait3A_167 = tpu.memref_slice %arg2[%dma_wait3A, %dma_wait3A_166] : memref<401408x16xf32, #tpu.memory_space<hbm>> -> memref<401408x16xf32, #tpu.memory_space<hbm>>
      tpu.wait_indirect_dma semaphore(%arg13 : memref<!tpu.dma_semaphore, #tpu.memory_space<semaphore_mem>>) src(%dma_wait3A_167 : memref<401408x16xf32, #tpu.memory_space<hbm>>) dst(%arg11 : memref<512x16xf32, #tpu.memory_space<vmem>>)
      "tpu.region"() ({
        %run_scoped3A = tpu.sem_alloc : memref<!tpu.dma_semaphore, #tpu.memory_space<semaphore_mem>>
        %dma_start3A_182 = arith.constant 0 : i32
        %dma_start3A_183 = arith.constant 0 : i32
        %dma_start3A_184 = tpu.memref_slice %arg6[%dma_start3A_182, %dma_start3A_183] : memref<100352x16xf32, #tpu.memory_space<vmem_shared>> -> memref<100352x16xf32, #tpu.memory_space<vmem_shared>>
        tpu.enqueue_indirect_dma source(%arg11 : memref<512x16xf32, #tpu.memory_space<vmem>>) target(%dma_start3A_184 : memref<100352x16xf32, #tpu.memory_space<vmem_shared>>) offsets(%arg9 : memref<512xi32, #tpu.memory_space<vmem>>) semaphore(%run_scoped3A : memref<!tpu.dma_semaphore, #tpu.memory_space<semaphore_mem>>) {add = true}
        %dma_wait3A_185 = arith.constant 0 : i32
        %dma_wait3A_186 = arith.constant 0 : i32
        %dma_wait3A_187 = tpu.memref_slice %arg6[%dma_wait3A_185, %dma_wait3A_186] : memref<100352x16xf32, #tpu.memory_space<vmem_shared>> -> memref<100352x16xf32, #tpu.memory_space<vmem_shared>>
        tpu.wait_indirect_dma semaphore(%run_scoped3A : memref<!tpu.dma_semaphore, #tpu.memory_space<semaphore_mem>>) src(%arg11 : memref<512x16xf32, #tpu.memory_space<vmem>>) dst(%dma_wait3A_187 : memref<100352x16xf32, #tpu.memory_space<vmem_shared>>)
        tpu.yield
      }) : () -> ()
      %mul3A_168 = arith.constant 2 : i32
      %mul3A_169 = arith.muli %scan3A_157, %mul3A_168 : i32
      %add3A_170 = arith.constant 1 : i32
      %add3A_171 = arith.addi %mul3A_169, %add3A_170 : i32
      %add3A_172 = arith.constant 1 : i32
      %add3A_173 = arith.addi %add3A_171, %add3A_172 : i32
      %lt3A_174 = arith.constant 196 : i32
      %lt3A_175 = arith.cmpi slt, %add3A_173, %lt3A_174 : i32
      %convert_element_type3A_176 = arith.extui %lt3A_175 : i1 to i32
      %cond3A_177 = arith.constant 0 : i32
      %cond3A_178 = arith.cmpi ne, %convert_element_type3A_176, %cond3A_177 : i32
      scf.if %cond3A_178 {
        %add3A_182 = arith.constant 1 : i32
        %add3A_183 = arith.addi %add3A_171, %add3A_182 : i32
        %mul3A_184 = arith.constant 512 : i32
        %mul3A_185 = arith.muli %add3A_183, %mul3A_184 : i32
        %add3A_186 = arith.addi %mul3A_0, %mul3A_185 : i32
        "tpu.region"() ({
          %run_scoped3A = tpu.sem_alloc : memref<!tpu.dma_semaphore, #tpu.memory_space<semaphore_mem>>
          %dma_start3A_190 = tpu.memref_slice %arg3[%add3A_80, %add3A_186] : memref<4x1605632xi32, #tpu.memory_space<hbm>> -> memref<1x512xi32, #tpu.memory_space<hbm>>
          %dma_start3A_191 = tpu.memref_squeeze %dma_start3A_190 : memref<1x512xi32, #tpu.memory_space<hbm>> -> memref<512xi32, #tpu.memory_space<hbm>>
          %dma_start3A_192 = tpu.memref_slice %arg3[%add3A_80, %add3A_186] : memref<4x1605632xi32, #tpu.memory_space<hbm>> -> memref<1x512xi32, #tpu.memory_space<hbm>>
          %dma_start3A_193 = tpu.memref_squeeze %dma_start3A_192 : memref<1x512xi32, #tpu.memory_space<hbm>> -> memref<512xi32, #tpu.memory_space<hbm>>
          tpu.enqueue_dma source(%dma_start3A_193 : memref<512xi32, #tpu.memory_space<hbm>>) target(%arg7 : memref<512xi32, #tpu.memory_space<vmem>>) target_semaphore(%run_scoped3A : memref<!tpu.dma_semaphore, #tpu.memory_space<semaphore_mem>>)
          %dma_wait3A_194 = tpu.memref_slice %arg3[%add3A_80, %add3A_186] : memref<4x1605632xi32, #tpu.memory_space<hbm>> -> memref<1x512xi32, #tpu.memory_space<hbm>>
          %dma_wait3A_195 = tpu.memref_squeeze %dma_wait3A_194 : memref<1x512xi32, #tpu.memory_space<hbm>> -> memref<512xi32, #tpu.memory_space<hbm>>
          %dma_wait3A_196 = tpu.memref_slice %arg3[%add3A_80, %add3A_186] : memref<4x1605632xi32, #tpu.memory_space<hbm>> -> memref<1x512xi32, #tpu.memory_space<hbm>>
          %dma_wait3A_197 = tpu.memref_squeeze %dma_wait3A_196 : memref<1x512xi32, #tpu.memory_space<hbm>> -> memref<512xi32, #tpu.memory_space<hbm>>
          tpu.wait_dma2 semaphore(%run_scoped3A : memref<!tpu.dma_semaphore, #tpu.memory_space<semaphore_mem>>) src(%dma_wait3A_197 : memref<512xi32, #tpu.memory_space<hbm>>) dst(%arg7 : memref<512xi32, #tpu.memory_space<vmem>>)
          tpu.yield
        }) : () -> ()
        "tpu.region"() ({
          %run_scoped3A = tpu.sem_alloc : memref<!tpu.dma_semaphore, #tpu.memory_space<semaphore_mem>>
          %dma_start3A_190 = tpu.memref_slice %arg4[%add3A_186] : memref<1605632xi32, #tpu.memory_space<hbm>> -> memref<512xi32, #tpu.memory_space<hbm>>
          %dma_start3A_191 = tpu.memref_slice %arg4[%add3A_186] : memref<1605632xi32, #tpu.memory_space<hbm>> -> memref<512xi32, #tpu.memory_space<hbm>>
          tpu.enqueue_dma source(%dma_start3A_191 : memref<512xi32, #tpu.memory_space<hbm>>) target(%arg9 : memref<512xi32, #tpu.memory_space<vmem>>) target_semaphore(%run_scoped3A : memref<!tpu.dma_semaphore, #tpu.memory_space<semaphore_mem>>)
          %dma_wait3A_192 = tpu.memref_slice %arg4[%add3A_186] : memref<1605632xi32, #tpu.memory_space<hbm>> -> memref<512xi32, #tpu.memory_space<hbm>>
          %dma_wait3A_193 = tpu.memref_slice %arg4[%add3A_186] : memref<1605632xi32, #tpu.memory_space<hbm>> -> memref<512xi32, #tpu.memory_space<hbm>>
          tpu.wait_dma2 semaphore(%run_scoped3A : memref<!tpu.dma_semaphore, #tpu.memory_space<semaphore_mem>>) src(%dma_wait3A_193 : memref<512xi32, #tpu.memory_space<hbm>>) dst(%arg9 : memref<512xi32, #tpu.memory_space<vmem>>)
          tpu.yield
        }) : () -> ()
        %dma_start3A_187 = arith.constant 0 : i32
        %dma_start3A_188 = arith.constant 0 : i32
        %dma_start3A_189 = tpu.memref_slice %arg2[%dma_start3A_187, %dma_start3A_188] : memref<401408x16xf32, #tpu.memory_space<hbm>> -> memref<401408x16xf32, #tpu.memory_space<hbm>>
        tpu.enqueue_indirect_dma source(%dma_start3A_189 : memref<401408x16xf32, #tpu.memory_space<hbm>>) target(%arg11 : memref<512x16xf32, #tpu.memory_space<vmem>>) offsets(%arg7 : memref<512xi32, #tpu.memory_space<vmem>>) semaphore(%arg13 : memref<!tpu.dma_semaphore, #tpu.memory_space<semaphore_mem>>)
      } else {
      }
      %dma_wait3A_179 = arith.constant 0 : i32
      %dma_wait3A_180 = arith.constant 0 : i32
      %dma_wait3A_181 = tpu.memref_slice %arg2[%dma_wait3A_179, %dma_wait3A_180] : memref<401408x16xf32, #tpu.memory_space<hbm>> -> memref<401408x16xf32, #tpu.memory_space<hbm>>
      tpu.wait_indirect_dma semaphore(%arg14 : memref<!tpu.dma_semaphore, #tpu.memory_space<semaphore_mem>>) src(%dma_wait3A_181 : memref<401408x16xf32, #tpu.memory_space<hbm>>) dst(%arg12 : memref<512x16xf32, #tpu.memory_space<vmem>>)
      "tpu.region"() ({
        %run_scoped3A = tpu.sem_alloc : memref<!tpu.dma_semaphore, #tpu.memory_space<semaphore_mem>>
        %dma_start3A_182 = arith.constant 0 : i32
        %dma_start3A_183 = arith.constant 0 : i32
        %dma_start3A_184 = tpu.memref_slice %arg6[%dma_start3A_182, %dma_start3A_183] : memref<100352x16xf32, #tpu.memory_space<vmem_shared>> -> memref<100352x16xf32, #tpu.memory_space<vmem_shared>>
        tpu.enqueue_indirect_dma source(%arg12 : memref<512x16xf32, #tpu.memory_space<vmem>>) target(%dma_start3A_184 : memref<100352x16xf32, #tpu.memory_space<vmem_shared>>) offsets(%arg10 : memref<512xi32, #tpu.memory_space<vmem>>) semaphore(%run_scoped3A : memref<!tpu.dma_semaphore, #tpu.memory_space<semaphore_mem>>) {add = true}
        %dma_wait3A_185 = arith.constant 0 : i32
        %dma_wait3A_186 = arith.constant 0 : i32
        %dma_wait3A_187 = tpu.memref_slice %arg6[%dma_wait3A_185, %dma_wait3A_186] : memref<100352x16xf32, #tpu.memory_space<vmem_shared>> -> memref<100352x16xf32, #tpu.memory_space<vmem_shared>>
        tpu.wait_indirect_dma semaphore(%run_scoped3A : memref<!tpu.dma_semaphore, #tpu.memory_space<semaphore_mem>>) src(%arg12 : memref<512x16xf32, #tpu.memory_space<vmem>>) dst(%dma_wait3A_187 : memref<100352x16xf32, #tpu.memory_space<vmem_shared>>)
        tpu.yield
      }) : () -> ()
    }
    %scan3A_150 = arith.constant 98 : i32
    %barrier3A_151 = arith.constant 0 : index
    tpu.barrier barrier_id(%barrier3A_151)
    %mul3A_152 = arith.constant 6272 : i32
    %mul3A_153 = arith.muli %arg1, %mul3A_152 : i32
    %mul3A_154 = arith.constant 6272 : i32
    %mul3A_155 = arith.muli %arg1, %mul3A_154 : i32
    "tpu.region"() ({
      %run_scoped3A = tpu.sem_alloc : memref<!tpu.dma_semaphore, #tpu.memory_space<semaphore_mem>>
      %dma_start3A_157 = tpu.memref_slice %arg5[%mul3A_155, %mul3A_82] : memref<100352x64xf32, #tpu.memory_space<hbm>> -> memref<6272x16xf32, #tpu.memory_space<hbm>>
      %dma_start3A_158 = arith.constant 0 : i32
      %dma_start3A_159 = tpu.memref_slice %arg6[%mul3A_153, %dma_start3A_158] : memref<100352x16xf32, #tpu.memory_space<vmem_shared>> -> memref<6272x16xf32, #tpu.memory_space<vmem_shared>>
      tpu.enqueue_dma source(%dma_start3A_159 : memref<6272x16xf32, #tpu.memory_space<vmem_shared>>) target(%dma_start3A_157 : memref<6272x16xf32, #tpu.memory_space<hbm>>) target_semaphore(%run_scoped3A : memref<!tpu.dma_semaphore, #tpu.memory_space<semaphore_mem>>)
      %dma_wait3A = tpu.memref_slice %arg5[%mul3A_155, %mul3A_82] : memref<100352x64xf32, #tpu.memory_space<hbm>> -> memref<6272x16xf32, #tpu.memory_space<hbm>>
      %dma_wait3A_160 = arith.constant 0 : i32
      %dma_wait3A_161 = tpu.memref_slice %arg6[%mul3A_153, %dma_wait3A_160] : memref<100352x16xf32, #tpu.memory_space<vmem_shared>> -> memref<6272x16xf32, #tpu.memory_space<vmem_shared>>
      tpu.wait_dma2 semaphore(%run_scoped3A : memref<!tpu.dma_semaphore, #tpu.memory_space<semaphore_mem>>) src(%dma_wait3A_161 : memref<6272x16xf32, #tpu.memory_space<vmem_shared>>) dst(%dma_wait3A : memref<6272x16xf32, #tpu.memory_space<hbm>>)
      tpu.yield
    }) : () -> ()
    %barrier3A_156 = arith.constant 0 : index
    tpu.barrier barrier_id(%barrier3A_156)
    return
  }
}

#map = affine_map<(d0, d1) -> (0)>
#map1 = affine_map<(d0, d1) -> (0, 0)>
module attributes {stable_mosaic.version = 14 : i64} {
  func.func @_sc_deg(%arg0: i32, %arg1: i32, %arg2: memref<1605632xi32, #tpu.memory_space<hbm>>, %arg3: memref<2x100352xf32, #tpu.memory_space<hbm>>, %arg4: memref<100352xf32, #tpu.memory_space<vmem_shared>>, %arg5: memref<3584xf32, #tpu.memory_space<vmem>>, %arg6: memref<3584xi32, #tpu.memory_space<vmem>>) attributes {dimension_semantics = [#tpu.dimension_semantics<core_parallel>, #tpu.dimension_semantics<subcore_parallel>], iteration_bounds = array<i64: 2, 16>, scalar_prefetch = 0 : i64, scratch_operands = 3 : i64, tpu.core_type = #tpu.core_type<sc_vector_subcore>, window_params = [{transform_indices = #map}, {transform_indices = #map1}]} {
    %scan3A = arith.constant 0 : i32
    %scan3A_0 = arith.constant 0 : i32
    %scan3A_1 = arith.constant 224 : i32
    %scan3A_2 = arith.addi %scan3A_0, %scan3A_1 : i32
    %scan3A_3 = arith.constant 1 : i32
    scf.for %scan3A_31 = %scan3A_0 to %scan3A_2 step %scan3A_3  : i32 {
      %broadcast_in_dim3A = arith.constant 0.000000e+00 : f32
      %broadcast_in_dim3A_32 = vector.broadcast %broadcast_in_dim3A : f32 to vector<16xf32>
      %mul3A_33 = arith.constant 16 : i32
      %mul3A_34 = arith.muli %scan3A_31, %mul3A_33 : i32
      %swap3A = arith.index_cast %mul3A_34 : i32 to index
      %swap3A_35 = tpu.vector_load %arg5[%swap3A] {strides = array<i32>} : memref<3584xf32, #tpu.memory_space<vmem>>, vector<16xf32>,
      %swap3A_36 = vector.shape_cast %swap3A_35 : vector<16xf32> to vector<16xf32>
      %swap3A_37 = vector.shape_cast %broadcast_in_dim3A_32 : vector<16xf32> to vector<16xf32>
      tpu.vector_store %arg5[%swap3A], %swap3A_37 {strides = array<i32>} : memref<3584xf32, #tpu.memory_space<vmem>>, vector<16xf32>,
    }
    %scan3A_4 = arith.constant 224 : i32
    %mul3A = arith.constant 6272 : i32
    %mul3A_5 = arith.muli %arg1, %mul3A : i32
    "tpu.region"() ({
      %run_scoped3A = tpu.sem_alloc : memref<!tpu.dma_semaphore, #tpu.memory_space<semaphore_mem>>
      %dma_start3A = tpu.memref_slice %arg4[%mul3A_5] : memref<100352xf32, #tpu.memory_space<vmem_shared>> -> memref<3584xf32, #tpu.memory_space<vmem_shared>>
      %dma_start3A_31 = tpu.memref_slice %arg4[%mul3A_5] : memref<100352xf32, #tpu.memory_space<vmem_shared>> -> memref<3584xf32, #tpu.memory_space<vmem_shared>>
      tpu.enqueue_dma source(%arg5 : memref<3584xf32, #tpu.memory_space<vmem>>) target(%dma_start3A_31 : memref<3584xf32, #tpu.memory_space<vmem_shared>>) target_semaphore(%run_scoped3A : memref<!tpu.dma_semaphore, #tpu.memory_space<semaphore_mem>>)
      %dma_wait3A = tpu.memref_slice %arg4[%mul3A_5] : memref<100352xf32, #tpu.memory_space<vmem_shared>> -> memref<3584xf32, #tpu.memory_space<vmem_shared>>
      %dma_wait3A_32 = tpu.memref_slice %arg4[%mul3A_5] : memref<100352xf32, #tpu.memory_space<vmem_shared>> -> memref<3584xf32, #tpu.memory_space<vmem_shared>>
      tpu.wait_dma2 semaphore(%run_scoped3A : memref<!tpu.dma_semaphore, #tpu.memory_space<semaphore_mem>>) src(%arg5 : memref<3584xf32, #tpu.memory_space<vmem>>) dst(%dma_wait3A_32 : memref<3584xf32, #tpu.memory_space<vmem_shared>>)
      tpu.yield
    }) : () -> ()
    %mul3A_6 = arith.constant 6272 : i32
    %mul3A_7 = arith.muli %arg1, %mul3A_6 : i32
    %add3A = arith.constant 3584 : i32
    %add3A_8 = arith.addi %mul3A_7, %add3A : i32
    "tpu.region"() ({
      %run_scoped3A = tpu.sem_alloc : memref<!tpu.dma_semaphore, #tpu.memory_space<semaphore_mem>>
      %dma_start3A = arith.constant 0 : i32
      %dma_start3A_31 = tpu.memref_slice %arg5[%dma_start3A] : memref<3584xf32, #tpu.memory_space<vmem>> -> memref<2688xf32, #tpu.memory_space<vmem>>
      %dma_start3A_32 = tpu.memref_slice %arg4[%add3A_8] : memref<100352xf32, #tpu.memory_space<vmem_shared>> -> memref<2688xf32, #tpu.memory_space<vmem_shared>>
      %dma_start3A_33 = tpu.memref_slice %arg4[%add3A_8] : memref<100352xf32, #tpu.memory_space<vmem_shared>> -> memref<2688xf32, #tpu.memory_space<vmem_shared>>
      %dma_start3A_34 = arith.constant 0 : i32
      %dma_start3A_35 = tpu.memref_slice %arg5[%dma_start3A_34] : memref<3584xf32, #tpu.memory_space<vmem>> -> memref<2688xf32, #tpu.memory_space<vmem>>
      tpu.enqueue_dma source(%dma_start3A_35 : memref<2688xf32, #tpu.memory_space<vmem>>) target(%dma_start3A_33 : memref<2688xf32, #tpu.memory_space<vmem_shared>>) target_semaphore(%run_scoped3A : memref<!tpu.dma_semaphore, #tpu.memory_space<semaphore_mem>>)
      %dma_wait3A = arith.constant 0 : i32
      %dma_wait3A_36 = tpu.memref_slice %arg5[%dma_wait3A] : memref<3584xf32, #tpu.memory_space<vmem>> -> memref<2688xf32, #tpu.memory_space<vmem>>
      %dma_wait3A_37 = tpu.memref_slice %arg4[%add3A_8] : memref<100352xf32, #tpu.memory_space<vmem_shared>> -> memref<2688xf32, #tpu.memory_space<vmem_shared>>
      %dma_wait3A_38 = tpu.memref_slice %arg4[%add3A_8] : memref<100352xf32, #tpu.memory_space<vmem_shared>> -> memref<2688xf32, #tpu.memory_space<vmem_shared>>
      %dma_wait3A_39 = arith.constant 0 : i32
      %dma_wait3A_40 = tpu.memref_slice %arg5[%dma_wait3A_39] : memref<3584xf32, #tpu.memory_space<vmem>> -> memref<2688xf32, #tpu.memory_space<vmem>>
      tpu.wait_dma2 semaphore(%run_scoped3A : memref<!tpu.dma_semaphore, #tpu.memory_space<semaphore_mem>>) src(%dma_wait3A_40 : memref<2688xf32, #tpu.memory_space<vmem>>) dst(%dma_wait3A_38 : memref<2688xf32, #tpu.memory_space<vmem_shared>>)
      tpu.yield
    }) : () -> ()
    %scan3A_9 = arith.constant 0 : i32
    %scan3A_10 = arith.constant 0 : i32
    %scan3A_11 = arith.constant 224 : i32
    %scan3A_12 = arith.addi %scan3A_10, %scan3A_11 : i32
    %scan3A_13 = arith.constant 1 : i32
    scf.for %scan3A_31 = %scan3A_10 to %scan3A_12 step %scan3A_13  : i32 {
      %broadcast_in_dim3A = arith.constant 1.000000e+00 : f32
      %broadcast_in_dim3A_32 = vector.broadcast %broadcast_in_dim3A : f32 to vector<16xf32>
      %mul3A_33 = arith.constant 16 : i32
      %mul3A_34 = arith.muli %scan3A_31, %mul3A_33 : i32
      %swap3A = arith.index_cast %mul3A_34 : i32 to index
      %swap3A_35 = tpu.vector_load %arg5[%swap3A] {strides = array<i32>} : memref<3584xf32, #tpu.memory_space<vmem>>, vector<16xf32>,
      %swap3A_36 = vector.shape_cast %swap3A_35 : vector<16xf32> to vector<16xf32>
      %swap3A_37 = vector.shape_cast %broadcast_in_dim3A_32 : vector<16xf32> to vector<16xf32>
      tpu.vector_store %arg5[%swap3A], %swap3A_37 {strides = array<i32>} : memref<3584xf32, #tpu.memory_space<vmem>>, vector<16xf32>,
    }
    %scan3A_14 = arith.constant 224 : i32
    %barrier3A = arith.constant 0 : index
    tpu.barrier barrier_id(%barrier3A)
    %mul3A_15 = arith.constant 16 : i32
    %mul3A_16 = arith.muli %arg0, %mul3A_15 : i32
    %add3A_17 = arith.addi %mul3A_16, %arg1 : i32
    %mul3A_18 = arith.constant 50176 : i32
    %mul3A_19 = arith.muli %add3A_17, %mul3A_18 : i32
    %scan3A_20 = arith.constant 0 : i32
    %scan3A_21 = arith.constant 0 : i32
    %scan3A_22 = arith.constant 14 : i32
    %scan3A_23 = arith.addi %scan3A_21, %scan3A_22 : i32
    %scan3A_24 = arith.constant 1 : i32
    scf.for %scan3A_31 = %scan3A_21 to %scan3A_23 step %scan3A_24  : i32 {
      %mul3A_32 = arith.constant 3584 : i32
      %mul3A_33 = arith.muli %scan3A_31, %mul3A_32 : i32
      %add3A_34 = arith.addi %mul3A_19, %mul3A_33 : i32
      "tpu.region"() ({
        %run_scoped3A = tpu.sem_alloc : memref<!tpu.dma_semaphore, #tpu.memory_space<semaphore_mem>>
        %dma_start3A = tpu.memref_slice %arg2[%add3A_34] : memref<1605632xi32, #tpu.memory_space<hbm>> -> memref<3584xi32, #tpu.memory_space<hbm>>
        %dma_start3A_35 = tpu.memref_slice %arg2[%add3A_34] : memref<1605632xi32, #tpu.memory_space<hbm>> -> memref<3584xi32, #tpu.memory_space<hbm>>
        tpu.enqueue_dma source(%dma_start3A_35 : memref<3584xi32, #tpu.memory_space<hbm>>) target(%arg6 : memref<3584xi32, #tpu.memory_space<vmem>>) target_semaphore(%run_scoped3A : memref<!tpu.dma_semaphore, #tpu.memory_space<semaphore_mem>>)
        %dma_wait3A = tpu.memref_slice %arg2[%add3A_34] : memref<1605632xi32, #tpu.memory_space<hbm>> -> memref<3584xi32, #tpu.memory_space<hbm>>
        %dma_wait3A_36 = tpu.memref_slice %arg2[%add3A_34] : memref<1605632xi32, #tpu.memory_space<hbm>> -> memref<3584xi32, #tpu.memory_space<hbm>>
        tpu.wait_dma2 semaphore(%run_scoped3A : memref<!tpu.dma_semaphore, #tpu.memory_space<semaphore_mem>>) src(%dma_wait3A_36 : memref<3584xi32, #tpu.memory_space<hbm>>) dst(%arg6 : memref<3584xi32, #tpu.memory_space<vmem>>)
        tpu.yield
      }) : () -> ()
      "tpu.region"() ({
        %run_scoped3A = tpu.sem_alloc : memref<!tpu.dma_semaphore, #tpu.memory_space<semaphore_mem>>
        %dma_start3A = arith.constant 0 : i32
        %dma_start3A_35 = tpu.memref_slice %arg4[%dma_start3A] : memref<100352xf32, #tpu.memory_space<vmem_shared>> -> memref<100352xf32, #tpu.memory_space<vmem_shared>>
        tpu.enqueue_indirect_dma source(%arg5 : memref<3584xf32, #tpu.memory_space<vmem>>) target(%dma_start3A_35 : memref<100352xf32, #tpu.memory_space<vmem_shared>>) offsets(%arg6 : memref<3584xi32, #tpu.memory_space<vmem>>) semaphore(%run_scoped3A : memref<!tpu.dma_semaphore, #tpu.memory_space<semaphore_mem>>) {add = true}
        %dma_wait3A = arith.constant 0 : i32
        %dma_wait3A_36 = tpu.memref_slice %arg4[%dma_wait3A] : memref<100352xf32, #tpu.memory_space<vmem_shared>> -> memref<100352xf32, #tpu.memory_space<vmem_shared>>
        tpu.wait_indirect_dma semaphore(%run_scoped3A : memref<!tpu.dma_semaphore, #tpu.memory_space<semaphore_mem>>) src(%arg5 : memref<3584xf32, #tpu.memory_space<vmem>>) dst(%dma_wait3A_36 : memref<100352xf32, #tpu.memory_space<vmem_shared>>)
        tpu.yield
      }) : () -> ()
    }
    %scan3A_25 = arith.constant 14 : i32
    %barrier3A_26 = arith.constant 0 : index
    tpu.barrier barrier_id(%barrier3A_26)
    %mul3A_27 = arith.constant 6272 : i32
    %mul3A_28 = arith.muli %arg1, %mul3A_27 : i32
    %mul3A_29 = arith.constant 6272 : i32
    %mul3A_30 = arith.muli %arg1, %mul3A_29 : i32
    "tpu.region"() ({
      %run_scoped3A = tpu.sem_alloc : memref<!tpu.dma_semaphore, #tpu.memory_space<semaphore_mem>>
      %dma_start3A = tpu.memref_slice %arg3[%arg0, %mul3A_30] : memref<2x100352xf32, #tpu.memory_space<hbm>> -> memref<1x6272xf32, #tpu.memory_space<hbm>>
      %dma_start3A_31 = tpu.memref_squeeze %dma_start3A : memref<1x6272xf32, #tpu.memory_space<hbm>> -> memref<6272xf32, #tpu.memory_space<hbm>>
      %dma_start3A_32 = tpu.memref_slice %arg4[%mul3A_28] : memref<100352xf32, #tpu.memory_space<vmem_shared>> -> memref<6272xf32, #tpu.memory_space<vmem_shared>>
      tpu.enqueue_dma source(%dma_start3A_32 : memref<6272xf32, #tpu.memory_space<vmem_shared>>) target(%dma_start3A_31 : memref<6272xf32, #tpu.memory_space<hbm>>) target_semaphore(%run_scoped3A : memref<!tpu.dma_semaphore, #tpu.memory_space<semaphore_mem>>)
      %dma_wait3A = tpu.memref_slice %arg3[%arg0, %mul3A_30] : memref<2x100352xf32, #tpu.memory_space<hbm>> -> memref<1x6272xf32, #tpu.memory_space<hbm>>
      %dma_wait3A_33 = tpu.memref_squeeze %dma_wait3A : memref<1x6272xf32, #tpu.memory_space<hbm>> -> memref<6272xf32, #tpu.memory_space<hbm>>
      %dma_wait3A_34 = tpu.memref_slice %arg4[%mul3A_28] : memref<100352xf32, #tpu.memory_space<vmem_shared>> -> memref<6272xf32, #tpu.memory_space<vmem_shared>>
      tpu.wait_dma2 semaphore(%run_scoped3A : memref<!tpu.dma_semaphore, #tpu.memory_space<semaphore_mem>>) src(%dma_wait3A_34 : memref<6272xf32, #tpu.memory_space<vmem_shared>>) dst(%dma_wait3A_33 : memref<6272xf32, #tpu.memory_space<hbm>>)
      tpu.yield
    }) : () -> ()
    return
  }
}

#map = affine_map<(d0, d1) -> (0)>
#map1 = affine_map<(d0, d1) -> (0, 0)>
module attributes {stable_mosaic.version = 14 : i64} {
  func.func @_sc_seg1(%arg0: i32, %arg1: i32, %arg2: memref<100352xf32, #tpu.memory_space<hbm>>, %arg3: memref<1605632xi32, #tpu.memory_space<hbm>>, %arg4: memref<1605632xi32, #tpu.memory_space<hbm>>, %arg5: memref<2x100352xf32, #tpu.memory_space<hbm>>, %arg6: memref<100352xf32, #tpu.memory_space<vmem_shared>>, %arg7: memref<3584xi32, #tpu.memory_space<vmem>>, %arg8: memref<3584xi32, #tpu.memory_space<vmem>>, %arg9: memref<3584xi32, #tpu.memory_space<vmem>>, %arg10: memref<3584xi32, #tpu.memory_space<vmem>>, %arg11: memref<3584xf32, #tpu.memory_space<vmem>>, %arg12: memref<3584xf32, #tpu.memory_space<vmem>>, %arg13: memref<!tpu.dma_semaphore, #tpu.memory_space<semaphore_mem>>, %arg14: memref<!tpu.dma_semaphore, #tpu.memory_space<semaphore_mem>>) attributes {dimension_semantics = [#tpu.dimension_semantics<core_parallel>, #tpu.dimension_semantics<subcore_parallel>], iteration_bounds = array<i64: 2, 16>, scalar_prefetch = 0 : i64, scratch_operands = 9 : i64, tpu.core_type = #tpu.core_type<sc_vector_subcore>, window_params = [{transform_indices = #map}, {transform_indices = #map}, {transform_indices = #map}, {transform_indices = #map1}]} {
    %scan3A = arith.constant 0 : i32
    %scan3A_0 = arith.constant 0 : i32
    %scan3A_1 = arith.constant 224 : i32
    %scan3A_2 = arith.addi %scan3A_0, %scan3A_1 : i32
    %scan3A_3 = arith.constant 1 : i32
    scf.for %scan3A_26 = %scan3A_0 to %scan3A_2 step %scan3A_3  : i32 {
      %broadcast_in_dim3A = arith.constant 0.000000e+00 : f32
      %broadcast_in_dim3A_27 = vector.broadcast %broadcast_in_dim3A : f32 to vector<16xf32>
      %mul3A_28 = arith.constant 16 : i32
      %mul3A_29 = arith.muli %scan3A_26, %mul3A_28 : i32
      %swap3A = arith.index_cast %mul3A_29 : i32 to index
      %swap3A_30 = tpu.vector_load %arg11[%swap3A] {strides = array<i32>} : memref<3584xf32, #tpu.memory_space<vmem>>, vector<16xf32>,
      %swap3A_31 = vector.shape_cast %swap3A_30 : vector<16xf32> to vector<16xf32>
      %swap3A_32 = vector.shape_cast %broadcast_in_dim3A_27 : vector<16xf32> to vector<16xf32>
      tpu.vector_store %arg11[%swap3A], %swap3A_32 {strides = array<i32>} : memref<3584xf32, #tpu.memory_space<vmem>>, vector<16xf32>,
    }
    %scan3A_4 = arith.constant 224 : i32
    %mul3A = arith.constant 6272 : i32
    %mul3A_5 = arith.muli %arg1, %mul3A : i32
    "tpu.region"() ({
      %run_scoped3A = tpu.sem_alloc : memref<!tpu.dma_semaphore, #tpu.memory_space<semaphore_mem>>
      %dma_start3A_26 = tpu.memref_slice %arg6[%mul3A_5] : memref<100352xf32, #tpu.memory_space<vmem_shared>> -> memref<3584xf32, #tpu.memory_space<vmem_shared>>
      %dma_start3A_27 = tpu.memref_slice %arg6[%mul3A_5] : memref<100352xf32, #tpu.memory_space<vmem_shared>> -> memref<3584xf32, #tpu.memory_space<vmem_shared>>
      tpu.enqueue_dma source(%arg11 : memref<3584xf32, #tpu.memory_space<vmem>>) target(%dma_start3A_27 : memref<3584xf32, #tpu.memory_space<vmem_shared>>) target_semaphore(%run_scoped3A : memref<!tpu.dma_semaphore, #tpu.memory_space<semaphore_mem>>)
      %dma_wait3A = tpu.memref_slice %arg6[%mul3A_5] : memref<100352xf32, #tpu.memory_space<vmem_shared>> -> memref<3584xf32, #tpu.memory_space<vmem_shared>>
      %dma_wait3A_28 = tpu.memref_slice %arg6[%mul3A_5] : memref<100352xf32, #tpu.memory_space<vmem_shared>> -> memref<3584xf32, #tpu.memory_space<vmem_shared>>
      tpu.wait_dma2 semaphore(%run_scoped3A : memref<!tpu.dma_semaphore, #tpu.memory_space<semaphore_mem>>) src(%arg11 : memref<3584xf32, #tpu.memory_space<vmem>>) dst(%dma_wait3A_28 : memref<3584xf32, #tpu.memory_space<vmem_shared>>)
      tpu.yield
    }) : () -> ()
    %mul3A_6 = arith.constant 6272 : i32
    %mul3A_7 = arith.muli %arg1, %mul3A_6 : i32
    %add3A = arith.constant 3584 : i32
    %add3A_8 = arith.addi %mul3A_7, %add3A : i32
    "tpu.region"() ({
      %run_scoped3A = tpu.sem_alloc : memref<!tpu.dma_semaphore, #tpu.memory_space<semaphore_mem>>
      %dma_start3A_26 = arith.constant 0 : i32
      %dma_start3A_27 = tpu.memref_slice %arg11[%dma_start3A_26] : memref<3584xf32, #tpu.memory_space<vmem>> -> memref<2688xf32, #tpu.memory_space<vmem>>
      %dma_start3A_28 = tpu.memref_slice %arg6[%add3A_8] : memref<100352xf32, #tpu.memory_space<vmem_shared>> -> memref<2688xf32, #tpu.memory_space<vmem_shared>>
      %dma_start3A_29 = tpu.memref_slice %arg6[%add3A_8] : memref<100352xf32, #tpu.memory_space<vmem_shared>> -> memref<2688xf32, #tpu.memory_space<vmem_shared>>
      %dma_start3A_30 = arith.constant 0 : i32
      %dma_start3A_31 = tpu.memref_slice %arg11[%dma_start3A_30] : memref<3584xf32, #tpu.memory_space<vmem>> -> memref<2688xf32, #tpu.memory_space<vmem>>
      tpu.enqueue_dma source(%dma_start3A_31 : memref<2688xf32, #tpu.memory_space<vmem>>) target(%dma_start3A_29 : memref<2688xf32, #tpu.memory_space<vmem_shared>>) target_semaphore(%run_scoped3A : memref<!tpu.dma_semaphore, #tpu.memory_space<semaphore_mem>>)
      %dma_wait3A = arith.constant 0 : i32
      %dma_wait3A_32 = tpu.memref_slice %arg11[%dma_wait3A] : memref<3584xf32, #tpu.memory_space<vmem>> -> memref<2688xf32, #tpu.memory_space<vmem>>
      %dma_wait3A_33 = tpu.memref_slice %arg6[%add3A_8] : memref<100352xf32, #tpu.memory_space<vmem_shared>> -> memref<2688xf32, #tpu.memory_space<vmem_shared>>
      %dma_wait3A_34 = tpu.memref_slice %arg6[%add3A_8] : memref<100352xf32, #tpu.memory_space<vmem_shared>> -> memref<2688xf32, #tpu.memory_space<vmem_shared>>
      %dma_wait3A_35 = arith.constant 0 : i32
      %dma_wait3A_36 = tpu.memref_slice %arg11[%dma_wait3A_35] : memref<3584xf32, #tpu.memory_space<vmem>> -> memref<2688xf32, #tpu.memory_space<vmem>>
      tpu.wait_dma2 semaphore(%run_scoped3A : memref<!tpu.dma_semaphore, #tpu.memory_space<semaphore_mem>>) src(%dma_wait3A_36 : memref<2688xf32, #tpu.memory_space<vmem>>) dst(%dma_wait3A_34 : memref<2688xf32, #tpu.memory_space<vmem_shared>>)
      tpu.yield
    }) : () -> ()
    %barrier3A = arith.constant 0 : index
    tpu.barrier barrier_id(%barrier3A)
    %mul3A_9 = arith.constant 16 : i32
    %mul3A_10 = arith.muli %arg0, %mul3A_9 : i32
    %add3A_11 = arith.addi %mul3A_10, %arg1 : i32
    %mul3A_12 = arith.constant 50176 : i32
    %mul3A_13 = arith.muli %add3A_11, %mul3A_12 : i32
    "tpu.region"() ({
      %run_scoped3A = tpu.sem_alloc : memref<!tpu.dma_semaphore, #tpu.memory_space<semaphore_mem>>
      %dma_start3A_26 = tpu.memref_slice %arg3[%mul3A_13] : memref<1605632xi32, #tpu.memory_space<hbm>> -> memref<3584xi32, #tpu.memory_space<hbm>>
      %dma_start3A_27 = tpu.memref_slice %arg3[%mul3A_13] : memref<1605632xi32, #tpu.memory_space<hbm>> -> memref<3584xi32, #tpu.memory_space<hbm>>
      tpu.enqueue_dma source(%dma_start3A_27 : memref<3584xi32, #tpu.memory_space<hbm>>) target(%arg7 : memref<3584xi32, #tpu.memory_space<vmem>>) target_semaphore(%run_scoped3A : memref<!tpu.dma_semaphore, #tpu.memory_space<semaphore_mem>>)
      %dma_wait3A = tpu.memref_slice %arg3[%mul3A_13] : memref<1605632xi32, #tpu.memory_space<hbm>> -> memref<3584xi32, #tpu.memory_space<hbm>>
      %dma_wait3A_28 = tpu.memref_slice %arg3[%mul3A_13] : memref<1605632xi32, #tpu.memory_space<hbm>> -> memref<3584xi32, #tpu.memory_space<hbm>>
      tpu.wait_dma2 semaphore(%run_scoped3A : memref<!tpu.dma_semaphore, #tpu.memory_space<semaphore_mem>>) src(%dma_wait3A_28 : memref<3584xi32, #tpu.memory_space<hbm>>) dst(%arg7 : memref<3584xi32, #tpu.memory_space<vmem>>)
      tpu.yield
    }) : () -> ()
    "tpu.region"() ({
      %run_scoped3A = tpu.sem_alloc : memref<!tpu.dma_semaphore, #tpu.memory_space<semaphore_mem>>
      %dma_start3A_26 = tpu.memref_slice %arg4[%mul3A_13] : memref<1605632xi32, #tpu.memory_space<hbm>> -> memref<3584xi32, #tpu.memory_space<hbm>>
      %dma_start3A_27 = tpu.memref_slice %arg4[%mul3A_13] : memref<1605632xi32, #tpu.memory_space<hbm>> -> memref<3584xi32, #tpu.memory_space<hbm>>
      tpu.enqueue_dma source(%dma_start3A_27 : memref<3584xi32, #tpu.memory_space<hbm>>) target(%arg9 : memref<3584xi32, #tpu.memory_space<vmem>>) target_semaphore(%run_scoped3A : memref<!tpu.dma_semaphore, #tpu.memory_space<semaphore_mem>>)
      %dma_wait3A = tpu.memref_slice %arg4[%mul3A_13] : memref<1605632xi32, #tpu.memory_space<hbm>> -> memref<3584xi32, #tpu.memory_space<hbm>>
      %dma_wait3A_28 = tpu.memref_slice %arg4[%mul3A_13] : memref<1605632xi32, #tpu.memory_space<hbm>> -> memref<3584xi32, #tpu.memory_space<hbm>>
      tpu.wait_dma2 semaphore(%run_scoped3A : memref<!tpu.dma_semaphore, #tpu.memory_space<semaphore_mem>>) src(%dma_wait3A_28 : memref<3584xi32, #tpu.memory_space<hbm>>) dst(%arg9 : memref<3584xi32, #tpu.memory_space<vmem>>)
      tpu.yield
    }) : () -> ()
    %dma_start3A = arith.constant 0 : i32
    %dma_start3A_14 = tpu.memref_slice %arg2[%dma_start3A] : memref<100352xf32, #tpu.memory_space<hbm>> -> memref<100352xf32, #tpu.memory_space<hbm>>
    tpu.enqueue_indirect_dma source(%dma_start3A_14 : memref<100352xf32, #tpu.memory_space<hbm>>) target(%arg11 : memref<3584xf32, #tpu.memory_space<vmem>>) offsets(%arg7 : memref<3584xi32, #tpu.memory_space<vmem>>) semaphore(%arg13 : memref<!tpu.dma_semaphore, #tpu.memory_space<semaphore_mem>>)
    %scan3A_15 = arith.constant 0 : i32
    %scan3A_16 = arith.constant 0 : i32
    %scan3A_17 = arith.constant 7 : i32
    %scan3A_18 = arith.addi %scan3A_16, %scan3A_17 : i32
    %scan3A_19 = arith.constant 1 : i32
    scf.for %scan3A_26 = %scan3A_16 to %scan3A_18 step %scan3A_19  : i32 {
      %mul3A_27 = arith.constant 2 : i32
      %mul3A_28 = arith.muli %scan3A_26, %mul3A_27 : i32
      %add3A_29 = arith.constant 0 : i32
      %add3A_30 = arith.addi %mul3A_28, %add3A_29 : i32
      %add3A_31 = arith.constant 1 : i32
      %add3A_32 = arith.addi %add3A_30, %add3A_31 : i32
      %lt3A = arith.constant 14 : i32
      %lt3A_33 = arith.cmpi slt, %add3A_32, %lt3A : i32
      %convert_element_type3A = arith.extui %lt3A_33 : i1 to i32
      %cond3A = arith.constant 0 : i32
      %cond3A_34 = arith.cmpi ne, %convert_element_type3A, %cond3A : i32
      scf.if %cond3A_34 {
        %add3A_49 = arith.constant 1 : i32
        %add3A_50 = arith.addi %add3A_30, %add3A_49 : i32
        %mul3A_51 = arith.constant 3584 : i32
        %mul3A_52 = arith.muli %add3A_50, %mul3A_51 : i32
        %add3A_53 = arith.addi %mul3A_13, %mul3A_52 : i32
        "tpu.region"() ({
          %run_scoped3A = tpu.sem_alloc : memref<!tpu.dma_semaphore, #tpu.memory_space<semaphore_mem>>
          %dma_start3A_56 = tpu.memref_slice %arg3[%add3A_53] : memref<1605632xi32, #tpu.memory_space<hbm>> -> memref<3584xi32, #tpu.memory_space<hbm>>
          %dma_start3A_57 = tpu.memref_slice %arg3[%add3A_53] : memref<1605632xi32, #tpu.memory_space<hbm>> -> memref<3584xi32, #tpu.memory_space<hbm>>
          tpu.enqueue_dma source(%dma_start3A_57 : memref<3584xi32, #tpu.memory_space<hbm>>) target(%arg8 : memref<3584xi32, #tpu.memory_space<vmem>>) target_semaphore(%run_scoped3A : memref<!tpu.dma_semaphore, #tpu.memory_space<semaphore_mem>>)
          %dma_wait3A_58 = tpu.memref_slice %arg3[%add3A_53] : memref<1605632xi32, #tpu.memory_space<hbm>> -> memref<3584xi32, #tpu.memory_space<hbm>>
          %dma_wait3A_59 = tpu.memref_slice %arg3[%add3A_53] : memref<1605632xi32, #tpu.memory_space<hbm>> -> memref<3584xi32, #tpu.memory_space<hbm>>
          tpu.wait_dma2 semaphore(%run_scoped3A : memref<!tpu.dma_semaphore, #tpu.memory_space<semaphore_mem>>) src(%dma_wait3A_59 : memref<3584xi32, #tpu.memory_space<hbm>>) dst(%arg8 : memref<3584xi32, #tpu.memory_space<vmem>>)
          tpu.yield
        }) : () -> ()
        "tpu.region"() ({
          %run_scoped3A = tpu.sem_alloc : memref<!tpu.dma_semaphore, #tpu.memory_space<semaphore_mem>>
          %dma_start3A_56 = tpu.memref_slice %arg4[%add3A_53] : memref<1605632xi32, #tpu.memory_space<hbm>> -> memref<3584xi32, #tpu.memory_space<hbm>>
          %dma_start3A_57 = tpu.memref_slice %arg4[%add3A_53] : memref<1605632xi32, #tpu.memory_space<hbm>> -> memref<3584xi32, #tpu.memory_space<hbm>>
          tpu.enqueue_dma source(%dma_start3A_57 : memref<3584xi32, #tpu.memory_space<hbm>>) target(%arg10 : memref<3584xi32, #tpu.memory_space<vmem>>) target_semaphore(%run_scoped3A : memref<!tpu.dma_semaphore, #tpu.memory_space<semaphore_mem>>)
          %dma_wait3A_58 = tpu.memref_slice %arg4[%add3A_53] : memref<1605632xi32, #tpu.memory_space<hbm>> -> memref<3584xi32, #tpu.memory_space<hbm>>
          %dma_wait3A_59 = tpu.memref_slice %arg4[%add3A_53] : memref<1605632xi32, #tpu.memory_space<hbm>> -> memref<3584xi32, #tpu.memory_space<hbm>>
          tpu.wait_dma2 semaphore(%run_scoped3A : memref<!tpu.dma_semaphore, #tpu.memory_space<semaphore_mem>>) src(%dma_wait3A_59 : memref<3584xi32, #tpu.memory_space<hbm>>) dst(%arg10 : memref<3584xi32, #tpu.memory_space<vmem>>)
          tpu.yield
        }) : () -> ()
        %dma_start3A_54 = arith.constant 0 : i32
        %dma_start3A_55 = tpu.memref_slice %arg2[%dma_start3A_54] : memref<100352xf32, #tpu.memory_space<hbm>> -> memref<100352xf32, #tpu.memory_space<hbm>>
        tpu.enqueue_indirect_dma source(%dma_start3A_55 : memref<100352xf32, #tpu.memory_space<hbm>>) target(%arg12 : memref<3584xf32, #tpu.memory_space<vmem>>) offsets(%arg8 : memref<3584xi32, #tpu.memory_space<vmem>>) semaphore(%arg14 : memref<!tpu.dma_semaphore, #tpu.memory_space<semaphore_mem>>)
      } else {
      }
      %dma_wait3A = arith.constant 0 : i32
      %dma_wait3A_35 = tpu.memref_slice %arg2[%dma_wait3A] : memref<100352xf32, #tpu.memory_space<hbm>> -> memref<100352xf32, #tpu.memory_space<hbm>>
      tpu.wait_indirect_dma semaphore(%arg13 : memref<!tpu.dma_semaphore, #tpu.memory_space<semaphore_mem>>) src(%dma_wait3A_35 : memref<100352xf32, #tpu.memory_space<hbm>>) dst(%arg11 : memref<3584xf32, #tpu.memory_space<vmem>>)
      "tpu.region"() ({
        %run_scoped3A = tpu.sem_alloc : memref<!tpu.dma_semaphore, #tpu.memory_space<semaphore_mem>>
        %dma_start3A_49 = arith.constant 0 : i32
        %dma_start3A_50 = tpu.memref_slice %arg6[%dma_start3A_49] : memref<100352xf32, #tpu.memory_space<vmem_shared>> -> memref<100352xf32, #tpu.memory_space<vmem_shared>>
        tpu.enqueue_indirect_dma source(%arg11 : memref<3584xf32, #tpu.memory_space<vmem>>) target(%dma_start3A_50 : memref<100352xf32, #tpu.memory_space<vmem_shared>>) offsets(%arg9 : memref<3584xi32, #tpu.memory_space<vmem>>) semaphore(%run_scoped3A : memref<!tpu.dma_semaphore, #tpu.memory_space<semaphore_mem>>) {add = true}
        %dma_wait3A_51 = arith.constant 0 : i32
        %dma_wait3A_52 = tpu.memref_slice %arg6[%dma_wait3A_51] : memref<100352xf32, #tpu.memory_space<vmem_shared>> -> memref<100352xf32, #tpu.memory_space<vmem_shared>>
        tpu.wait_indirect_dma semaphore(%run_scoped3A : memref<!tpu.dma_semaphore, #tpu.memory_space<semaphore_mem>>) src(%arg11 : memref<3584xf32, #tpu.memory_space<vmem>>) dst(%dma_wait3A_52 : memref<100352xf32, #tpu.memory_space<vmem_shared>>)
        tpu.yield
      }) : () -> ()
      %mul3A_36 = arith.constant 2 : i32
      %mul3A_37 = arith.muli %scan3A_26, %mul3A_36 : i32
      %add3A_38 = arith.constant 1 : i32
      %add3A_39 = arith.addi %mul3A_37, %add3A_38 : i32
      %add3A_40 = arith.constant 1 : i32
      %add3A_41 = arith.addi %add3A_39, %add3A_40 : i32
      %lt3A_42 = arith.constant 14 : i32
      %lt3A_43 = arith.cmpi slt, %add3A_41, %lt3A_42 : i32
      %convert_element_type3A_44 = arith.extui %lt3A_43 : i1 to i32
      %cond3A_45 = arith.constant 0 : i32
      %cond3A_46 = arith.cmpi ne, %convert_element_type3A_44, %cond3A_45 : i32
      scf.if %cond3A_46 {
        %add3A_49 = arith.constant 1 : i32
        %add3A_50 = arith.addi %add3A_39, %add3A_49 : i32
        %mul3A_51 = arith.constant 3584 : i32
        %mul3A_52 = arith.muli %add3A_50, %mul3A_51 : i32
        %add3A_53 = arith.addi %mul3A_13, %mul3A_52 : i32
        "tpu.region"() ({
          %run_scoped3A = tpu.sem_alloc : memref<!tpu.dma_semaphore, #tpu.memory_space<semaphore_mem>>
          %dma_start3A_56 = tpu.memref_slice %arg3[%add3A_53] : memref<1605632xi32, #tpu.memory_space<hbm>> -> memref<3584xi32, #tpu.memory_space<hbm>>
          %dma_start3A_57 = tpu.memref_slice %arg3[%add3A_53] : memref<1605632xi32, #tpu.memory_space<hbm>> -> memref<3584xi32, #tpu.memory_space<hbm>>
          tpu.enqueue_dma source(%dma_start3A_57 : memref<3584xi32, #tpu.memory_space<hbm>>) target(%arg7 : memref<3584xi32, #tpu.memory_space<vmem>>) target_semaphore(%run_scoped3A : memref<!tpu.dma_semaphore, #tpu.memory_space<semaphore_mem>>)
          %dma_wait3A_58 = tpu.memref_slice %arg3[%add3A_53] : memref<1605632xi32, #tpu.memory_space<hbm>> -> memref<3584xi32, #tpu.memory_space<hbm>>
          %dma_wait3A_59 = tpu.memref_slice %arg3[%add3A_53] : memref<1605632xi32, #tpu.memory_space<hbm>> -> memref<3584xi32, #tpu.memory_space<hbm>>
          tpu.wait_dma2 semaphore(%run_scoped3A : memref<!tpu.dma_semaphore, #tpu.memory_space<semaphore_mem>>) src(%dma_wait3A_59 : memref<3584xi32, #tpu.memory_space<hbm>>) dst(%arg7 : memref<3584xi32, #tpu.memory_space<vmem>>)
          tpu.yield
        }) : () -> ()
        "tpu.region"() ({
          %run_scoped3A = tpu.sem_alloc : memref<!tpu.dma_semaphore, #tpu.memory_space<semaphore_mem>>
          %dma_start3A_56 = tpu.memref_slice %arg4[%add3A_53] : memref<1605632xi32, #tpu.memory_space<hbm>> -> memref<3584xi32, #tpu.memory_space<hbm>>
          %dma_start3A_57 = tpu.memref_slice %arg4[%add3A_53] : memref<1605632xi32, #tpu.memory_space<hbm>> -> memref<3584xi32, #tpu.memory_space<hbm>>
          tpu.enqueue_dma source(%dma_start3A_57 : memref<3584xi32, #tpu.memory_space<hbm>>) target(%arg9 : memref<3584xi32, #tpu.memory_space<vmem>>) target_semaphore(%run_scoped3A : memref<!tpu.dma_semaphore, #tpu.memory_space<semaphore_mem>>)
          %dma_wait3A_58 = tpu.memref_slice %arg4[%add3A_53] : memref<1605632xi32, #tpu.memory_space<hbm>> -> memref<3584xi32, #tpu.memory_space<hbm>>
          %dma_wait3A_59 = tpu.memref_slice %arg4[%add3A_53] : memref<1605632xi32, #tpu.memory_space<hbm>> -> memref<3584xi32, #tpu.memory_space<hbm>>
          tpu.wait_dma2 semaphore(%run_scoped3A : memref<!tpu.dma_semaphore, #tpu.memory_space<semaphore_mem>>) src(%dma_wait3A_59 : memref<3584xi32, #tpu.memory_space<hbm>>) dst(%arg9 : memref<3584xi32, #tpu.memory_space<vmem>>)
          tpu.yield
        }) : () -> ()
        %dma_start3A_54 = arith.constant 0 : i32
        %dma_start3A_55 = tpu.memref_slice %arg2[%dma_start3A_54] : memref<100352xf32, #tpu.memory_space<hbm>> -> memref<100352xf32, #tpu.memory_space<hbm>>
        tpu.enqueue_indirect_dma source(%dma_start3A_55 : memref<100352xf32, #tpu.memory_space<hbm>>) target(%arg11 : memref<3584xf32, #tpu.memory_space<vmem>>) offsets(%arg7 : memref<3584xi32, #tpu.memory_space<vmem>>) semaphore(%arg13 : memref<!tpu.dma_semaphore, #tpu.memory_space<semaphore_mem>>)
      } else {
      }
      %dma_wait3A_47 = arith.constant 0 : i32
      %dma_wait3A_48 = tpu.memref_slice %arg2[%dma_wait3A_47] : memref<100352xf32, #tpu.memory_space<hbm>> -> memref<100352xf32, #tpu.memory_space<hbm>>
      tpu.wait_indirect_dma semaphore(%arg14 : memref<!tpu.dma_semaphore, #tpu.memory_space<semaphore_mem>>) src(%dma_wait3A_48 : memref<100352xf32, #tpu.memory_space<hbm>>) dst(%arg12 : memref<3584xf32, #tpu.memory_space<vmem>>)
      "tpu.region"() ({
        %run_scoped3A = tpu.sem_alloc : memref<!tpu.dma_semaphore, #tpu.memory_space<semaphore_mem>>
        %dma_start3A_49 = arith.constant 0 : i32
        %dma_start3A_50 = tpu.memref_slice %arg6[%dma_start3A_49] : memref<100352xf32, #tpu.memory_space<vmem_shared>> -> memref<100352xf32, #tpu.memory_space<vmem_shared>>
        tpu.enqueue_indirect_dma source(%arg12 : memref<3584xf32, #tpu.memory_space<vmem>>) target(%dma_start3A_50 : memref<100352xf32, #tpu.memory_space<vmem_shared>>) offsets(%arg10 : memref<3584xi32, #tpu.memory_space<vmem>>) semaphore(%run_scoped3A : memref<!tpu.dma_semaphore, #tpu.memory_space<semaphore_mem>>) {add = true}
        %dma_wait3A_51 = arith.constant 0 : i32
        %dma_wait3A_52 = tpu.memref_slice %arg6[%dma_wait3A_51] : memref<100352xf32, #tpu.memory_space<vmem_shared>> -> memref<100352xf32, #tpu.memory_space<vmem_shared>>
        tpu.wait_indirect_dma semaphore(%run_scoped3A : memref<!tpu.dma_semaphore, #tpu.memory_space<semaphore_mem>>) src(%arg12 : memref<3584xf32, #tpu.memory_space<vmem>>) dst(%dma_wait3A_52 : memref<100352xf32, #tpu.memory_space<vmem_shared>>)
        tpu.yield
      }) : () -> ()
    }
    %scan3A_20 = arith.constant 7 : i32
    %barrier3A_21 = arith.constant 0 : index
    tpu.barrier barrier_id(%barrier3A_21)
    %mul3A_22 = arith.constant 6272 : i32
    %mul3A_23 = arith.muli %arg1, %mul3A_22 : i32
    %mul3A_24 = arith.constant 6272 : i32
    %mul3A_25 = arith.muli %arg1, %mul3A_24 : i32
    "tpu.region"() ({
      %run_scoped3A = tpu.sem_alloc : memref<!tpu.dma_semaphore, #tpu.memory_space<semaphore_mem>>
      %dma_start3A_26 = tpu.memref_slice %arg5[%arg0, %mul3A_25] : memref<2x100352xf32, #tpu.memory_space<hbm>> -> memref<1x6272xf32, #tpu.memory_space<hbm>>
      %dma_start3A_27 = tpu.memref_squeeze %dma_start3A_26 : memref<1x6272xf32, #tpu.memory_space<hbm>> -> memref<6272xf32, #tpu.memory_space<hbm>>
      %dma_start3A_28 = tpu.memref_slice %arg6[%mul3A_23] : memref<100352xf32, #tpu.memory_space<vmem_shared>> -> memref<6272xf32, #tpu.memory_space<vmem_shared>>
      tpu.enqueue_dma source(%dma_start3A_28 : memref<6272xf32, #tpu.memory_space<vmem_shared>>) target(%dma_start3A_27 : memref<6272xf32, #tpu.memory_space<hbm>>) target_semaphore(%run_scoped3A : memref<!tpu.dma_semaphore, #tpu.memory_space<semaphore_mem>>)
      %dma_wait3A = tpu.memref_slice %arg5[%arg0, %mul3A_25] : memref<2x100352xf32, #tpu.memory_space<hbm>> -> memref<1x6272xf32, #tpu.memory_space<hbm>>
      %dma_wait3A_29 = tpu.memref_squeeze %dma_wait3A : memref<1x6272xf32, #tpu.memory_space<hbm>> -> memref<6272xf32, #tpu.memory_space<hbm>>
      %dma_wait3A_30 = tpu.memref_slice %arg6[%mul3A_23] : memref<100352xf32, #tpu.memory_space<vmem_shared>> -> memref<6272xf32, #tpu.memory_space<vmem_shared>>
      tpu.wait_dma2 semaphore(%run_scoped3A : memref<!tpu.dma_semaphore, #tpu.memory_space<semaphore_mem>>) src(%dma_wait3A_30 : memref<6272xf32, #tpu.memory_space<vmem_shared>>) dst(%dma_wait3A_29 : memref<6272xf32, #tpu.memory_space<hbm>>)
      tpu.yield
    }) : () -> ()
    return
  }
}

#map = affine_map<(d0, d1) -> (0)>
#map1 = affine_map<(d0, d1) -> (0, 0)>
module attributes {stable_mosaic.version = 14 : i64} {
  func.func @_sc_seg1(%arg0: i32, %arg1: i32, %arg2: memref<100352xf32, #tpu.memory_space<hbm>>, %arg3: memref<1605632xi32, #tpu.memory_space<hbm>>, %arg4: memref<1605632xi32, #tpu.memory_space<hbm>>, %arg5: memref<2x100352xf32, #tpu.memory_space<hbm>>, %arg6: memref<100352xf32, #tpu.memory_space<vmem_shared>>, %arg7: memref<3584xi32, #tpu.memory_space<vmem>>, %arg8: memref<3584xi32, #tpu.memory_space<vmem>>, %arg9: memref<3584xi32, #tpu.memory_space<vmem>>, %arg10: memref<3584xi32, #tpu.memory_space<vmem>>, %arg11: memref<3584xf32, #tpu.memory_space<vmem>>, %arg12: memref<3584xf32, #tpu.memory_space<vmem>>, %arg13: memref<!tpu.dma_semaphore, #tpu.memory_space<semaphore_mem>>, %arg14: memref<!tpu.dma_semaphore, #tpu.memory_space<semaphore_mem>>) attributes {dimension_semantics = [#tpu.dimension_semantics<core_parallel>, #tpu.dimension_semantics<subcore_parallel>], iteration_bounds = array<i64: 2, 16>, scalar_prefetch = 0 : i64, scratch_operands = 9 : i64, tpu.core_type = #tpu.core_type<sc_vector_subcore>, window_params = [{transform_indices = #map}, {transform_indices = #map}, {transform_indices = #map}, {transform_indices = #map1}]} {
    %scan3A = arith.constant 0 : i32
    %scan3A_0 = arith.constant 0 : i32
    %scan3A_1 = arith.constant 224 : i32
    %scan3A_2 = arith.addi %scan3A_0, %scan3A_1 : i32
    %scan3A_3 = arith.constant 1 : i32
    scf.for %scan3A_26 = %scan3A_0 to %scan3A_2 step %scan3A_3  : i32 {
      %broadcast_in_dim3A = arith.constant 0.000000e+00 : f32
      %broadcast_in_dim3A_27 = vector.broadcast %broadcast_in_dim3A : f32 to vector<16xf32>
      %mul3A_28 = arith.constant 16 : i32
      %mul3A_29 = arith.muli %scan3A_26, %mul3A_28 : i32
      %swap3A = arith.index_cast %mul3A_29 : i32 to index
      %swap3A_30 = tpu.vector_load %arg11[%swap3A] {strides = array<i32>} : memref<3584xf32, #tpu.memory_space<vmem>>, vector<16xf32>,
      %swap3A_31 = vector.shape_cast %swap3A_30 : vector<16xf32> to vector<16xf32>
      %swap3A_32 = vector.shape_cast %broadcast_in_dim3A_27 : vector<16xf32> to vector<16xf32>
      tpu.vector_store %arg11[%swap3A], %swap3A_32 {strides = array<i32>} : memref<3584xf32, #tpu.memory_space<vmem>>, vector<16xf32>,
    }
    %scan3A_4 = arith.constant 224 : i32
    %mul3A = arith.constant 6272 : i32
    %mul3A_5 = arith.muli %arg1, %mul3A : i32
    "tpu.region"() ({
      %run_scoped3A = tpu.sem_alloc : memref<!tpu.dma_semaphore, #tpu.memory_space<semaphore_mem>>
      %dma_start3A_26 = tpu.memref_slice %arg6[%mul3A_5] : memref<100352xf32, #tpu.memory_space<vmem_shared>> -> memref<3584xf32, #tpu.memory_space<vmem_shared>>
      %dma_start3A_27 = tpu.memref_slice %arg6[%mul3A_5] : memref<100352xf32, #tpu.memory_space<vmem_shared>> -> memref<3584xf32, #tpu.memory_space<vmem_shared>>
      tpu.enqueue_dma source(%arg11 : memref<3584xf32, #tpu.memory_space<vmem>>) target(%dma_start3A_27 : memref<3584xf32, #tpu.memory_space<vmem_shared>>) target_semaphore(%run_scoped3A : memref<!tpu.dma_semaphore, #tpu.memory_space<semaphore_mem>>)
      %dma_wait3A = tpu.memref_slice %arg6[%mul3A_5] : memref<100352xf32, #tpu.memory_space<vmem_shared>> -> memref<3584xf32, #tpu.memory_space<vmem_shared>>
      %dma_wait3A_28 = tpu.memref_slice %arg6[%mul3A_5] : memref<100352xf32, #tpu.memory_space<vmem_shared>> -> memref<3584xf32, #tpu.memory_space<vmem_shared>>
      tpu.wait_dma2 semaphore(%run_scoped3A : memref<!tpu.dma_semaphore, #tpu.memory_space<semaphore_mem>>) src(%arg11 : memref<3584xf32, #tpu.memory_space<vmem>>) dst(%dma_wait3A_28 : memref<3584xf32, #tpu.memory_space<vmem_shared>>)
      tpu.yield
    }) : () -> ()
    %mul3A_6 = arith.constant 6272 : i32
    %mul3A_7 = arith.muli %arg1, %mul3A_6 : i32
    %add3A = arith.constant 3584 : i32
    %add3A_8 = arith.addi %mul3A_7, %add3A : i32
    "tpu.region"() ({
      %run_scoped3A = tpu.sem_alloc : memref<!tpu.dma_semaphore, #tpu.memory_space<semaphore_mem>>
      %dma_start3A_26 = arith.constant 0 : i32
      %dma_start3A_27 = tpu.memref_slice %arg11[%dma_start3A_26] : memref<3584xf32, #tpu.memory_space<vmem>> -> memref<2688xf32, #tpu.memory_space<vmem>>
      %dma_start3A_28 = tpu.memref_slice %arg6[%add3A_8] : memref<100352xf32, #tpu.memory_space<vmem_shared>> -> memref<2688xf32, #tpu.memory_space<vmem_shared>>
      %dma_start3A_29 = tpu.memref_slice %arg6[%add3A_8] : memref<100352xf32, #tpu.memory_space<vmem_shared>> -> memref<2688xf32, #tpu.memory_space<vmem_shared>>
      %dma_start3A_30 = arith.constant 0 : i32
      %dma_start3A_31 = tpu.memref_slice %arg11[%dma_start3A_30] : memref<3584xf32, #tpu.memory_space<vmem>> -> memref<2688xf32, #tpu.memory_space<vmem>>
      tpu.enqueue_dma source(%dma_start3A_31 : memref<2688xf32, #tpu.memory_space<vmem>>) target(%dma_start3A_29 : memref<2688xf32, #tpu.memory_space<vmem_shared>>) target_semaphore(%run_scoped3A : memref<!tpu.dma_semaphore, #tpu.memory_space<semaphore_mem>>)
      %dma_wait3A = arith.constant 0 : i32
      %dma_wait3A_32 = tpu.memref_slice %arg11[%dma_wait3A] : memref<3584xf32, #tpu.memory_space<vmem>> -> memref<2688xf32, #tpu.memory_space<vmem>>
      %dma_wait3A_33 = tpu.memref_slice %arg6[%add3A_8] : memref<100352xf32, #tpu.memory_space<vmem_shared>> -> memref<2688xf32, #tpu.memory_space<vmem_shared>>
      %dma_wait3A_34 = tpu.memref_slice %arg6[%add3A_8] : memref<100352xf32, #tpu.memory_space<vmem_shared>> -> memref<2688xf32, #tpu.memory_space<vmem_shared>>
      %dma_wait3A_35 = arith.constant 0 : i32
      %dma_wait3A_36 = tpu.memref_slice %arg11[%dma_wait3A_35] : memref<3584xf32, #tpu.memory_space<vmem>> -> memref<2688xf32, #tpu.memory_space<vmem>>
      tpu.wait_dma2 semaphore(%run_scoped3A : memref<!tpu.dma_semaphore, #tpu.memory_space<semaphore_mem>>) src(%dma_wait3A_36 : memref<2688xf32, #tpu.memory_space<vmem>>) dst(%dma_wait3A_34 : memref<2688xf32, #tpu.memory_space<vmem_shared>>)
      tpu.yield
    }) : () -> ()
    %barrier3A = arith.constant 0 : index
    tpu.barrier barrier_id(%barrier3A)
    %mul3A_9 = arith.constant 16 : i32
    %mul3A_10 = arith.muli %arg0, %mul3A_9 : i32
    %add3A_11 = arith.addi %mul3A_10, %arg1 : i32
    %mul3A_12 = arith.constant 50176 : i32
    %mul3A_13 = arith.muli %add3A_11, %mul3A_12 : i32
    "tpu.region"() ({
      %run_scoped3A = tpu.sem_alloc : memref<!tpu.dma_semaphore, #tpu.memory_space<semaphore_mem>>
      %dma_start3A_26 = tpu.memref_slice %arg3[%mul3A_13] : memref<1605632xi32, #tpu.memory_space<hbm>> -> memref<3584xi32, #tpu.memory_space<hbm>>
      %dma_start3A_27 = tpu.memref_slice %arg3[%mul3A_13] : memref<1605632xi32, #tpu.memory_space<hbm>> -> memref<3584xi32, #tpu.memory_space<hbm>>
      tpu.enqueue_dma source(%dma_start3A_27 : memref<3584xi32, #tpu.memory_space<hbm>>) target(%arg7 : memref<3584xi32, #tpu.memory_space<vmem>>) target_semaphore(%run_scoped3A : memref<!tpu.dma_semaphore, #tpu.memory_space<semaphore_mem>>)
      %dma_wait3A = tpu.memref_slice %arg3[%mul3A_13] : memref<1605632xi32, #tpu.memory_space<hbm>> -> memref<3584xi32, #tpu.memory_space<hbm>>
      %dma_wait3A_28 = tpu.memref_slice %arg3[%mul3A_13] : memref<1605632xi32, #tpu.memory_space<hbm>> -> memref<3584xi32, #tpu.memory_space<hbm>>
      tpu.wait_dma2 semaphore(%run_scoped3A : memref<!tpu.dma_semaphore, #tpu.memory_space<semaphore_mem>>) src(%dma_wait3A_28 : memref<3584xi32, #tpu.memory_space<hbm>>) dst(%arg7 : memref<3584xi32, #tpu.memory_space<vmem>>)
      tpu.yield
    }) : () -> ()
    "tpu.region"() ({
      %run_scoped3A = tpu.sem_alloc : memref<!tpu.dma_semaphore, #tpu.memory_space<semaphore_mem>>
      %dma_start3A_26 = tpu.memref_slice %arg4[%mul3A_13] : memref<1605632xi32, #tpu.memory_space<hbm>> -> memref<3584xi32, #tpu.memory_space<hbm>>
      %dma_start3A_27 = tpu.memref_slice %arg4[%mul3A_13] : memref<1605632xi32, #tpu.memory_space<hbm>> -> memref<3584xi32, #tpu.memory_space<hbm>>
      tpu.enqueue_dma source(%dma_start3A_27 : memref<3584xi32, #tpu.memory_space<hbm>>) target(%arg9 : memref<3584xi32, #tpu.memory_space<vmem>>) target_semaphore(%run_scoped3A : memref<!tpu.dma_semaphore, #tpu.memory_space<semaphore_mem>>)
      %dma_wait3A = tpu.memref_slice %arg4[%mul3A_13] : memref<1605632xi32, #tpu.memory_space<hbm>> -> memref<3584xi32, #tpu.memory_space<hbm>>
      %dma_wait3A_28 = tpu.memref_slice %arg4[%mul3A_13] : memref<1605632xi32, #tpu.memory_space<hbm>> -> memref<3584xi32, #tpu.memory_space<hbm>>
      tpu.wait_dma2 semaphore(%run_scoped3A : memref<!tpu.dma_semaphore, #tpu.memory_space<semaphore_mem>>) src(%dma_wait3A_28 : memref<3584xi32, #tpu.memory_space<hbm>>) dst(%arg9 : memref<3584xi32, #tpu.memory_space<vmem>>)
      tpu.yield
    }) : () -> ()
    %dma_start3A = arith.constant 0 : i32
    %dma_start3A_14 = tpu.memref_slice %arg2[%dma_start3A] : memref<100352xf32, #tpu.memory_space<hbm>> -> memref<100352xf32, #tpu.memory_space<hbm>>
    tpu.enqueue_indirect_dma source(%dma_start3A_14 : memref<100352xf32, #tpu.memory_space<hbm>>) target(%arg11 : memref<3584xf32, #tpu.memory_space<vmem>>) offsets(%arg7 : memref<3584xi32, #tpu.memory_space<vmem>>) semaphore(%arg13 : memref<!tpu.dma_semaphore, #tpu.memory_space<semaphore_mem>>)
    %scan3A_15 = arith.constant 0 : i32
    %scan3A_16 = arith.constant 0 : i32
    %scan3A_17 = arith.constant 7 : i32
    %scan3A_18 = arith.addi %scan3A_16, %scan3A_17 : i32
    %scan3A_19 = arith.constant 1 : i32
    scf.for %scan3A_26 = %scan3A_16 to %scan3A_18 step %scan3A_19  : i32 {
      %mul3A_27 = arith.constant 2 : i32
      %mul3A_28 = arith.muli %scan3A_26, %mul3A_27 : i32
      %add3A_29 = arith.constant 0 : i32
      %add3A_30 = arith.addi %mul3A_28, %add3A_29 : i32
      %add3A_31 = arith.constant 1 : i32
      %add3A_32 = arith.addi %add3A_30, %add3A_31 : i32
      %lt3A = arith.constant 14 : i32
      %lt3A_33 = arith.cmpi slt, %add3A_32, %lt3A : i32
      %convert_element_type3A = arith.extui %lt3A_33 : i1 to i32
      %cond3A = arith.constant 0 : i32
      %cond3A_34 = arith.cmpi ne, %convert_element_type3A, %cond3A : i32
      scf.if %cond3A_34 {
        %add3A_49 = arith.constant 1 : i32
        %add3A_50 = arith.addi %add3A_30, %add3A_49 : i32
        %mul3A_51 = arith.constant 3584 : i32
        %mul3A_52 = arith.muli %add3A_50, %mul3A_51 : i32
        %add3A_53 = arith.addi %mul3A_13, %mul3A_52 : i32
        "tpu.region"() ({
          %run_scoped3A = tpu.sem_alloc : memref<!tpu.dma_semaphore, #tpu.memory_space<semaphore_mem>>
          %dma_start3A_56 = tpu.memref_slice %arg3[%add3A_53] : memref<1605632xi32, #tpu.memory_space<hbm>> -> memref<3584xi32, #tpu.memory_space<hbm>>
          %dma_start3A_57 = tpu.memref_slice %arg3[%add3A_53] : memref<1605632xi32, #tpu.memory_space<hbm>> -> memref<3584xi32, #tpu.memory_space<hbm>>
          tpu.enqueue_dma source(%dma_start3A_57 : memref<3584xi32, #tpu.memory_space<hbm>>) target(%arg8 : memref<3584xi32, #tpu.memory_space<vmem>>) target_semaphore(%run_scoped3A : memref<!tpu.dma_semaphore, #tpu.memory_space<semaphore_mem>>)
          %dma_wait3A_58 = tpu.memref_slice %arg3[%add3A_53] : memref<1605632xi32, #tpu.memory_space<hbm>> -> memref<3584xi32, #tpu.memory_space<hbm>>
          %dma_wait3A_59 = tpu.memref_slice %arg3[%add3A_53] : memref<1605632xi32, #tpu.memory_space<hbm>> -> memref<3584xi32, #tpu.memory_space<hbm>>
          tpu.wait_dma2 semaphore(%run_scoped3A : memref<!tpu.dma_semaphore, #tpu.memory_space<semaphore_mem>>) src(%dma_wait3A_59 : memref<3584xi32, #tpu.memory_space<hbm>>) dst(%arg8 : memref<3584xi32, #tpu.memory_space<vmem>>)
          tpu.yield
        }) : () -> ()
        "tpu.region"() ({
          %run_scoped3A = tpu.sem_alloc : memref<!tpu.dma_semaphore, #tpu.memory_space<semaphore_mem>>
          %dma_start3A_56 = tpu.memref_slice %arg4[%add3A_53] : memref<1605632xi32, #tpu.memory_space<hbm>> -> memref<3584xi32, #tpu.memory_space<hbm>>
          %dma_start3A_57 = tpu.memref_slice %arg4[%add3A_53] : memref<1605632xi32, #tpu.memory_space<hbm>> -> memref<3584xi32, #tpu.memory_space<hbm>>
          tpu.enqueue_dma source(%dma_start3A_57 : memref<3584xi32, #tpu.memory_space<hbm>>) target(%arg10 : memref<3584xi32, #tpu.memory_space<vmem>>) target_semaphore(%run_scoped3A : memref<!tpu.dma_semaphore, #tpu.memory_space<semaphore_mem>>)
          %dma_wait3A_58 = tpu.memref_slice %arg4[%add3A_53] : memref<1605632xi32, #tpu.memory_space<hbm>> -> memref<3584xi32, #tpu.memory_space<hbm>>
          %dma_wait3A_59 = tpu.memref_slice %arg4[%add3A_53] : memref<1605632xi32, #tpu.memory_space<hbm>> -> memref<3584xi32, #tpu.memory_space<hbm>>
          tpu.wait_dma2 semaphore(%run_scoped3A : memref<!tpu.dma_semaphore, #tpu.memory_space<semaphore_mem>>) src(%dma_wait3A_59 : memref<3584xi32, #tpu.memory_space<hbm>>) dst(%arg10 : memref<3584xi32, #tpu.memory_space<vmem>>)
          tpu.yield
        }) : () -> ()
        %dma_start3A_54 = arith.constant 0 : i32
        %dma_start3A_55 = tpu.memref_slice %arg2[%dma_start3A_54] : memref<100352xf32, #tpu.memory_space<hbm>> -> memref<100352xf32, #tpu.memory_space<hbm>>
        tpu.enqueue_indirect_dma source(%dma_start3A_55 : memref<100352xf32, #tpu.memory_space<hbm>>) target(%arg12 : memref<3584xf32, #tpu.memory_space<vmem>>) offsets(%arg8 : memref<3584xi32, #tpu.memory_space<vmem>>) semaphore(%arg14 : memref<!tpu.dma_semaphore, #tpu.memory_space<semaphore_mem>>)
      } else {
      }
      %dma_wait3A = arith.constant 0 : i32
      %dma_wait3A_35 = tpu.memref_slice %arg2[%dma_wait3A] : memref<100352xf32, #tpu.memory_space<hbm>> -> memref<100352xf32, #tpu.memory_space<hbm>>
      tpu.wait_indirect_dma semaphore(%arg13 : memref<!tpu.dma_semaphore, #tpu.memory_space<semaphore_mem>>) src(%dma_wait3A_35 : memref<100352xf32, #tpu.memory_space<hbm>>) dst(%arg11 : memref<3584xf32, #tpu.memory_space<vmem>>)
      "tpu.region"() ({
        %run_scoped3A = tpu.sem_alloc : memref<!tpu.dma_semaphore, #tpu.memory_space<semaphore_mem>>
        %dma_start3A_49 = arith.constant 0 : i32
        %dma_start3A_50 = tpu.memref_slice %arg6[%dma_start3A_49] : memref<100352xf32, #tpu.memory_space<vmem_shared>> -> memref<100352xf32, #tpu.memory_space<vmem_shared>>
        tpu.enqueue_indirect_dma source(%arg11 : memref<3584xf32, #tpu.memory_space<vmem>>) target(%dma_start3A_50 : memref<100352xf32, #tpu.memory_space<vmem_shared>>) offsets(%arg9 : memref<3584xi32, #tpu.memory_space<vmem>>) semaphore(%run_scoped3A : memref<!tpu.dma_semaphore, #tpu.memory_space<semaphore_mem>>) {add = true}
        %dma_wait3A_51 = arith.constant 0 : i32
        %dma_wait3A_52 = tpu.memref_slice %arg6[%dma_wait3A_51] : memref<100352xf32, #tpu.memory_space<vmem_shared>> -> memref<100352xf32, #tpu.memory_space<vmem_shared>>
        tpu.wait_indirect_dma semaphore(%run_scoped3A : memref<!tpu.dma_semaphore, #tpu.memory_space<semaphore_mem>>) src(%arg11 : memref<3584xf32, #tpu.memory_space<vmem>>) dst(%dma_wait3A_52 : memref<100352xf32, #tpu.memory_space<vmem_shared>>)
        tpu.yield
      }) : () -> ()
      %mul3A_36 = arith.constant 2 : i32
      %mul3A_37 = arith.muli %scan3A_26, %mul3A_36 : i32
      %add3A_38 = arith.constant 1 : i32
      %add3A_39 = arith.addi %mul3A_37, %add3A_38 : i32
      %add3A_40 = arith.constant 1 : i32
      %add3A_41 = arith.addi %add3A_39, %add3A_40 : i32
      %lt3A_42 = arith.constant 14 : i32
      %lt3A_43 = arith.cmpi slt, %add3A_41, %lt3A_42 : i32
      %convert_element_type3A_44 = arith.extui %lt3A_43 : i1 to i32
      %cond3A_45 = arith.constant 0 : i32
      %cond3A_46 = arith.cmpi ne, %convert_element_type3A_44, %cond3A_45 : i32
      scf.if %cond3A_46 {
        %add3A_49 = arith.constant 1 : i32
        %add3A_50 = arith.addi %add3A_39, %add3A_49 : i32
        %mul3A_51 = arith.constant 3584 : i32
        %mul3A_52 = arith.muli %add3A_50, %mul3A_51 : i32
        %add3A_53 = arith.addi %mul3A_13, %mul3A_52 : i32
        "tpu.region"() ({
          %run_scoped3A = tpu.sem_alloc : memref<!tpu.dma_semaphore, #tpu.memory_space<semaphore_mem>>
          %dma_start3A_56 = tpu.memref_slice %arg3[%add3A_53] : memref<1605632xi32, #tpu.memory_space<hbm>> -> memref<3584xi32, #tpu.memory_space<hbm>>
          %dma_start3A_57 = tpu.memref_slice %arg3[%add3A_53] : memref<1605632xi32, #tpu.memory_space<hbm>> -> memref<3584xi32, #tpu.memory_space<hbm>>
          tpu.enqueue_dma source(%dma_start3A_57 : memref<3584xi32, #tpu.memory_space<hbm>>) target(%arg7 : memref<3584xi32, #tpu.memory_space<vmem>>) target_semaphore(%run_scoped3A : memref<!tpu.dma_semaphore, #tpu.memory_space<semaphore_mem>>)
          %dma_wait3A_58 = tpu.memref_slice %arg3[%add3A_53] : memref<1605632xi32, #tpu.memory_space<hbm>> -> memref<3584xi32, #tpu.memory_space<hbm>>
          %dma_wait3A_59 = tpu.memref_slice %arg3[%add3A_53] : memref<1605632xi32, #tpu.memory_space<hbm>> -> memref<3584xi32, #tpu.memory_space<hbm>>
          tpu.wait_dma2 semaphore(%run_scoped3A : memref<!tpu.dma_semaphore, #tpu.memory_space<semaphore_mem>>) src(%dma_wait3A_59 : memref<3584xi32, #tpu.memory_space<hbm>>) dst(%arg7 : memref<3584xi32, #tpu.memory_space<vmem>>)
          tpu.yield
        }) : () -> ()
        "tpu.region"() ({
          %run_scoped3A = tpu.sem_alloc : memref<!tpu.dma_semaphore, #tpu.memory_space<semaphore_mem>>
          %dma_start3A_56 = tpu.memref_slice %arg4[%add3A_53] : memref<1605632xi32, #tpu.memory_space<hbm>> -> memref<3584xi32, #tpu.memory_space<hbm>>
          %dma_start3A_57 = tpu.memref_slice %arg4[%add3A_53] : memref<1605632xi32, #tpu.memory_space<hbm>> -> memref<3584xi32, #tpu.memory_space<hbm>>
          tpu.enqueue_dma source(%dma_start3A_57 : memref<3584xi32, #tpu.memory_space<hbm>>) target(%arg9 : memref<3584xi32, #tpu.memory_space<vmem>>) target_semaphore(%run_scoped3A : memref<!tpu.dma_semaphore, #tpu.memory_space<semaphore_mem>>)
          %dma_wait3A_58 = tpu.memref_slice %arg4[%add3A_53] : memref<1605632xi32, #tpu.memory_space<hbm>> -> memref<3584xi32, #tpu.memory_space<hbm>>
          %dma_wait3A_59 = tpu.memref_slice %arg4[%add3A_53] : memref<1605632xi32, #tpu.memory_space<hbm>> -> memref<3584xi32, #tpu.memory_space<hbm>>
          tpu.wait_dma2 semaphore(%run_scoped3A : memref<!tpu.dma_semaphore, #tpu.memory_space<semaphore_mem>>) src(%dma_wait3A_59 : memref<3584xi32, #tpu.memory_space<hbm>>) dst(%arg9 : memref<3584xi32, #tpu.memory_space<vmem>>)
          tpu.yield
        }) : () -> ()
        %dma_start3A_54 = arith.constant 0 : i32
        %dma_start3A_55 = tpu.memref_slice %arg2[%dma_start3A_54] : memref<100352xf32, #tpu.memory_space<hbm>> -> memref<100352xf32, #tpu.memory_space<hbm>>
        tpu.enqueue_indirect_dma source(%dma_start3A_55 : memref<100352xf32, #tpu.memory_space<hbm>>) target(%arg11 : memref<3584xf32, #tpu.memory_space<vmem>>) offsets(%arg7 : memref<3584xi32, #tpu.memory_space<vmem>>) semaphore(%arg13 : memref<!tpu.dma_semaphore, #tpu.memory_space<semaphore_mem>>)
      } else {
      }
      %dma_wait3A_47 = arith.constant 0 : i32
      %dma_wait3A_48 = tpu.memref_slice %arg2[%dma_wait3A_47] : memref<100352xf32, #tpu.memory_space<hbm>> -> memref<100352xf32, #tpu.memory_space<hbm>>
      tpu.wait_indirect_dma semaphore(%arg14 : memref<!tpu.dma_semaphore, #tpu.memory_space<semaphore_mem>>) src(%dma_wait3A_48 : memref<100352xf32, #tpu.memory_space<hbm>>) dst(%arg12 : memref<3584xf32, #tpu.memory_space<vmem>>)
      "tpu.region"() ({
        %run_scoped3A = tpu.sem_alloc : memref<!tpu.dma_semaphore, #tpu.memory_space<semaphore_mem>>
        %dma_start3A_49 = arith.constant 0 : i32
        %dma_start3A_50 = tpu.memref_slice %arg6[%dma_start3A_49] : memref<100352xf32, #tpu.memory_space<vmem_shared>> -> memref<100352xf32, #tpu.memory_space<vmem_shared>>
        tpu.enqueue_indirect_dma source(%arg12 : memref<3584xf32, #tpu.memory_space<vmem>>) target(%dma_start3A_50 : memref<100352xf32, #tpu.memory_space<vmem_shared>>) offsets(%arg10 : memref<3584xi32, #tpu.memory_space<vmem>>) semaphore(%run_scoped3A : memref<!tpu.dma_semaphore, #tpu.memory_space<semaphore_mem>>) {add = true}
        %dma_wait3A_51 = arith.constant 0 : i32
        %dma_wait3A_52 = tpu.memref_slice %arg6[%dma_wait3A_51] : memref<100352xf32, #tpu.memory_space<vmem_shared>> -> memref<100352xf32, #tpu.memory_space<vmem_shared>>
        tpu.wait_indirect_dma semaphore(%run_scoped3A : memref<!tpu.dma_semaphore, #tpu.memory_space<semaphore_mem>>) src(%arg12 : memref<3584xf32, #tpu.memory_space<vmem>>) dst(%dma_wait3A_52 : memref<100352xf32, #tpu.memory_space<vmem_shared>>)
        tpu.yield
      }) : () -> ()
    }
    %scan3A_20 = arith.constant 7 : i32
    %barrier3A_21 = arith.constant 0 : index
    tpu.barrier barrier_id(%barrier3A_21)
    %mul3A_22 = arith.constant 6272 : i32
    %mul3A_23 = arith.muli %arg1, %mul3A_22 : i32
    %mul3A_24 = arith.constant 6272 : i32
    %mul3A_25 = arith.muli %arg1, %mul3A_24 : i32
    "tpu.region"() ({
      %run_scoped3A = tpu.sem_alloc : memref<!tpu.dma_semaphore, #tpu.memory_space<semaphore_mem>>
      %dma_start3A_26 = tpu.memref_slice %arg5[%arg0, %mul3A_25] : memref<2x100352xf32, #tpu.memory_space<hbm>> -> memref<1x6272xf32, #tpu.memory_space<hbm>>
      %dma_start3A_27 = tpu.memref_squeeze %dma_start3A_26 : memref<1x6272xf32, #tpu.memory_space<hbm>> -> memref<6272xf32, #tpu.memory_space<hbm>>
      %dma_start3A_28 = tpu.memref_slice %arg6[%mul3A_23] : memref<100352xf32, #tpu.memory_space<vmem_shared>> -> memref<6272xf32, #tpu.memory_space<vmem_shared>>
      tpu.enqueue_dma source(%dma_start3A_28 : memref<6272xf32, #tpu.memory_space<vmem_shared>>) target(%dma_start3A_27 : memref<6272xf32, #tpu.memory_space<hbm>>) target_semaphore(%run_scoped3A : memref<!tpu.dma_semaphore, #tpu.memory_space<semaphore_mem>>)
      %dma_wait3A = tpu.memref_slice %arg5[%arg0, %mul3A_25] : memref<2x100352xf32, #tpu.memory_space<hbm>> -> memref<1x6272xf32, #tpu.memory_space<hbm>>
      %dma_wait3A_29 = tpu.memref_squeeze %dma_wait3A : memref<1x6272xf32, #tpu.memory_space<hbm>> -> memref<6272xf32, #tpu.memory_space<hbm>>
      %dma_wait3A_30 = tpu.memref_slice %arg6[%mul3A_23] : memref<100352xf32, #tpu.memory_space<vmem_shared>> -> memref<6272xf32, #tpu.memory_space<vmem_shared>>
      tpu.wait_dma2 semaphore(%run_scoped3A : memref<!tpu.dma_semaphore, #tpu.memory_space<semaphore_mem>>) src(%dma_wait3A_30 : memref<6272xf32, #tpu.memory_space<vmem_shared>>) dst(%dma_wait3A_29 : memref<6272xf32, #tpu.memory_space<hbm>>)
      tpu.yield
    }) : () -> ()
    return
  }
}

module attributes {stable_mosaic.version = 14 : i64} {
  func.func @_tc1(%arg0: i32, %arg1: memref<1024x1xf32, #tpu.memory_space<vmem>>, %arg2: memref<1024x1xf32, #tpu.memory_space<vmem>>, %arg3: memref<1024x1xf32, #tpu.memory_space<vmem>>, %arg4: memref<1024x1xf32, #tpu.memory_space<vmem>>, %arg5: memref<1024x1xf32, #tpu.memory_space<vmem>>, %arg6: memref<1024x1xf32, #tpu.memory_space<vmem>>) attributes {dimension_semantics = [#tpu.dimension_semantics<arbitrary>], iteration_bounds = array<i64: 98>, scalar_prefetch = 0 : i64, scratch_operands = 0 : i64, tpu.core_type = #tpu.core_type<tc>, window_params = [{transform_indices = @transform_0, window_bounds = array<i64: 1024, 1>}, {transform_indices = @transform_1, window_bounds = array<i64: 1024, 1>}, {transform_indices = @transform_2, window_bounds = array<i64: 1024, 1>}, {transform_indices = @transform_3, window_bounds = array<i64: 1024, 1>}, {transform_indices = @transform_4, window_bounds = array<i64: 1024, 1>}, {transform_indices = @transform_5, window_bounds = array<i64: 1024, 1>}]} {
    %get3A = arith.constant 0 : index
    %get3A_0 = arith.constant 0 : index
    %get3A_1 = vector.load %arg1[%get3A, %get3A_0] : memref<1024x1xf32, #tpu.memory_space<vmem>>, vector<1024x1xf32>
    %get3A_2 = arith.constant 0 : index
    %get3A_3 = arith.constant 0 : index
    %get3A_4 = vector.load %arg2[%get3A_2, %get3A_3] : memref<1024x1xf32, #tpu.memory_space<vmem>>, vector<1024x1xf32>
    %add3A = arith.addf %get3A_1, %get3A_4 : vector<1024x1xf32>
    %add3A_5 = arith.constant 1.000000e+00 : f32
    %add3A_6 = vector.broadcast %add3A_5 : f32 to vector<1024x1xf32>
    %add3A_7 = arith.addf %add3A, %add3A_6 : vector<1024x1xf32>
    %rsqrt3A = math.rsqrt %add3A_7 : vector<1024x1xf32>
    %swap3A = arith.constant 0 : index
    %swap3A_8 = arith.constant 0 : index
    %swap3A_9 = vector.load %arg4[%swap3A, %swap3A_8] : memref<1024x1xf32, #tpu.memory_space<vmem>>, vector<1024x1xf32>
    tpu.vector_store %arg4[%swap3A, %swap3A_8], %rsqrt3A {strides = array<i32>} : memref<1024x1xf32, #tpu.memory_space<vmem>>, vector<1024x1xf32>,
    %get3A_10 = arith.constant 0 : index
    %get3A_11 = arith.constant 0 : index
    %get3A_12 = vector.load %arg3[%get3A_10, %get3A_11] : memref<1024x1xf32, #tpu.memory_space<vmem>>, vector<1024x1xf32>
    %mul3A = arith.mulf %rsqrt3A, %get3A_12 : vector<1024x1xf32>
    %swap3A_13 = arith.constant 0 : index
    %swap3A_14 = arith.constant 0 : index
    %swap3A_15 = vector.load %arg5[%swap3A_13, %swap3A_14] : memref<1024x1xf32, #tpu.memory_space<vmem>>, vector<1024x1xf32>
    tpu.vector_store %arg5[%swap3A_13, %swap3A_14], %mul3A {strides = array<i32>} : memref<1024x1xf32, #tpu.memory_space<vmem>>, vector<1024x1xf32>,
    %get3A_16 = arith.constant 0 : index
    %get3A_17 = arith.constant 0 : index
    %get3A_18 = vector.load %arg3[%get3A_16, %get3A_17] : memref<1024x1xf32, #tpu.memory_space<vmem>>, vector<1024x1xf32>
    %div3A = arith.divf %get3A_18, %add3A_7 : vector<1024x1xf32>
    %swap3A_19 = arith.constant 0 : index
    %swap3A_20 = arith.constant 0 : index
    %swap3A_21 = vector.load %arg6[%swap3A_19, %swap3A_20] : memref<1024x1xf32, #tpu.memory_space<vmem>>, vector<1024x1xf32>
    tpu.vector_store %arg6[%swap3A_19, %swap3A_20], %div3A {strides = array<i32>} : memref<1024x1xf32, #tpu.memory_space<vmem>>, vector<1024x1xf32>,
    return
  }
  func.func @transform_0(%arg0: i32) -> (i32, i32) {
    %c0_i32 = arith.constant 0 : i32
    %c0_i32_0 = arith.constant 0 : i32
    return %arg0, %c0_i32 : i32, i32
  }
  func.func @transform_1(%arg0: i32) -> (i32, i32) {
    %c0_i32 = arith.constant 0 : i32
    %c0_i32_0 = arith.constant 0 : i32
    return %arg0, %c0_i32 : i32, i32
  }
  func.func @transform_2(%arg0: i32) -> (i32, i32) {
    %c0_i32 = arith.constant 0 : i32
    %c0_i32_0 = arith.constant 0 : i32
    return %arg0, %c0_i32 : i32, i32
  }
  func.func @transform_3(%arg0: i32) -> (i32, i32) {
    %c0_i32 = arith.constant 0 : i32
    %c0_i32_0 = arith.constant 0 : i32
    return %arg0, %c0_i32 : i32, i32
  }
  func.func @transform_4(%arg0: i32) -> (i32, i32) {
    %c0_i32 = arith.constant 0 : i32
    %c0_i32_0 = arith.constant 0 : i32
    return %arg0, %c0_i32 : i32, i32
  }
  func.func @transform_5(%arg0: i32) -> (i32, i32) {
    %c0_i32 = arith.constant 0 : i32
    %c0_i32_0 = arith.constant 0 : i32
    return %arg0, %c0_i32 : i32, i32
  }
}

module attributes {stable_mosaic.version = 14 : i64} {
  func.func @_tc2(%arg0: i32, %arg1: memref<1024x1xf32, #tpu.memory_space<vmem>>, %arg2: memref<1024x1xf32, #tpu.memory_space<vmem>>, %arg3: memref<1024x1xf32, #tpu.memory_space<vmem>>, %arg4: memref<1024x1xf32, #tpu.memory_space<vmem>>, %arg5: memref<1x64xf32, #tpu.memory_space<vmem>>, %arg6: memref<1x64xf32, #tpu.memory_space<vmem>>, %arg7: memref<1024x64xf32, #tpu.memory_space<vmem>>, %arg8: memref<1024x64xf32, #tpu.memory_space<vmem>>) attributes {dimension_semantics = [#tpu.dimension_semantics<arbitrary>], iteration_bounds = array<i64: 98>, scalar_prefetch = 0 : i64, scratch_operands = 0 : i64, tpu.core_type = #tpu.core_type<tc>, window_params = [{transform_indices = @transform_0, window_bounds = array<i64: 1024, 1>}, {transform_indices = @transform_1, window_bounds = array<i64: 1024, 1>}, {transform_indices = @transform_2, window_bounds = array<i64: 1024, 1>}, {transform_indices = @transform_3, window_bounds = array<i64: 1024, 1>}, {pipeline_mode = #tpu.pipeline_mode<synchronous>, transform_indices = @transform_4, window_bounds = array<i64: 1, 64>}, {pipeline_mode = #tpu.pipeline_mode<synchronous>, transform_indices = @transform_5, window_bounds = array<i64: 1, 64>}, {transform_indices = @transform_6, window_bounds = array<i64: 1024, 64>}, {transform_indices = @transform_7, window_bounds = array<i64: 1024, 64>}]} {
    %get3A = arith.constant 0 : index
    %get3A_0 = arith.constant 0 : index
    %get3A_1 = vector.load %arg3[%get3A, %get3A_0] : memref<1024x1xf32, #tpu.memory_space<vmem>>, vector<1024x1xf32>
    %get3A_2 = arith.constant 0 : index
    %get3A_3 = arith.constant 0 : index
    %get3A_4 = vector.load %arg1[%get3A_2, %get3A_3] : memref<1024x1xf32, #tpu.memory_space<vmem>>, vector<1024x1xf32>
    %get3A_5 = arith.constant 0 : index
    %get3A_6 = arith.constant 0 : index
    %get3A_7 = vector.load %arg2[%get3A_5, %get3A_6] : memref<1024x1xf32, #tpu.memory_space<vmem>>, vector<1024x1xf32>
    %add3A = arith.addf %get3A_4, %get3A_7 : vector<1024x1xf32>
    %mul3A = arith.mulf %get3A_1, %add3A : vector<1024x1xf32>
    %get3A_8 = arith.constant 0 : index
    %get3A_9 = arith.constant 0 : index
    %get3A_10 = vector.load %arg4[%get3A_8, %get3A_9] : memref<1024x1xf32, #tpu.memory_space<vmem>>, vector<1024x1xf32>
    %add3A_11 = arith.addf %mul3A, %get3A_10 : vector<1024x1xf32>
    %get3A_12 = arith.constant 0 : index
    %get3A_13 = arith.constant 0 : index
    %get3A_14 = vector.load %arg5[%get3A_12, %get3A_13] : memref<1x64xf32, #tpu.memory_space<vmem>>, vector<1x64xf32>
    %mul3A_15 = vector.broadcast %add3A_11 : vector<1024x1xf32> to vector<1024x64xf32>
    %mul3A_16 = vector.broadcast %get3A_14 : vector<1x64xf32> to vector<1024x64xf32>
    %mul3A_17 = arith.mulf %mul3A_15, %mul3A_16 : vector<1024x64xf32>
    %get3A_18 = arith.constant 0 : index
    %get3A_19 = arith.constant 0 : index
    %get3A_20 = vector.load %arg6[%get3A_18, %get3A_19] : memref<1x64xf32, #tpu.memory_space<vmem>>, vector<1x64xf32>
    %add3A_21 = vector.broadcast %get3A_20 : vector<1x64xf32> to vector<1024x64xf32>
    %add3A_22 = arith.addf %mul3A_17, %add3A_21 : vector<1024x64xf32>
    %max3A = arith.constant 0.000000e+00 : f32
    %max3A_23 = vector.broadcast %max3A : f32 to vector<1024x64xf32>
    %max3A_24 = arith.maximumf %add3A_22, %max3A_23 : vector<1024x64xf32>
    %get3A_25 = arith.constant 0 : index
    %get3A_26 = arith.constant 0 : index
    %get3A_27 = vector.load %arg3[%get3A_25, %get3A_26] : memref<1024x1xf32, #tpu.memory_space<vmem>>, vector<1024x1xf32>
    %mul3A_28 = vector.broadcast %get3A_27 : vector<1024x1xf32> to vector<1024x64xf32>
    %mul3A_29 = arith.mulf %mul3A_28, %max3A_24 : vector<1024x64xf32>
    %swap3A = arith.constant 0 : index
    %swap3A_30 = arith.constant 0 : index
    %swap3A_31 = vector.load %arg7[%swap3A, %swap3A_30] : memref<1024x64xf32, #tpu.memory_space<vmem>>, vector<1024x64xf32>
    tpu.vector_store %arg7[%swap3A, %swap3A_30], %mul3A_29 {strides = array<i32>} : memref<1024x64xf32, #tpu.memory_space<vmem>>, vector<1024x64xf32>,
    %mul3A_32 = arith.mulf %get3A_27, %get3A_27 : vector<1024x1xf32>
    %mul3A_33 = vector.broadcast %mul3A_32 : vector<1024x1xf32> to vector<1024x64xf32>
    %mul3A_34 = arith.mulf %mul3A_33, %max3A_24 : vector<1024x64xf32>
    %swap3A_35 = arith.constant 0 : index
    %swap3A_36 = arith.constant 0 : index
    %swap3A_37 = vector.load %arg8[%swap3A_35, %swap3A_36] : memref<1024x64xf32, #tpu.memory_space<vmem>>, vector<1024x64xf32>
    tpu.vector_store %arg8[%swap3A_35, %swap3A_36], %mul3A_34 {strides = array<i32>} : memref<1024x64xf32, #tpu.memory_space<vmem>>, vector<1024x64xf32>,
    return
  }
  func.func @transform_0(%arg0: i32) -> (i32, i32) {
    %c0_i32 = arith.constant 0 : i32
    %c0_i32_0 = arith.constant 0 : i32
    return %arg0, %c0_i32 : i32, i32
  }
  func.func @transform_1(%arg0: i32) -> (i32, i32) {
    %c0_i32 = arith.constant 0 : i32
    %c0_i32_0 = arith.constant 0 : i32
    return %arg0, %c0_i32 : i32, i32
  }
  func.func @transform_2(%arg0: i32) -> (i32, i32) {
    %c0_i32 = arith.constant 0 : i32
    %c0_i32_0 = arith.constant 0 : i32
    return %arg0, %c0_i32 : i32, i32
  }
  func.func @transform_3(%arg0: i32) -> (i32, i32) {
    %c0_i32 = arith.constant 0 : i32
    %c0_i32_0 = arith.constant 0 : i32
    return %arg0, %c0_i32 : i32, i32
  }
  func.func @transform_4(%arg0: i32) -> (i32, i32) {
    %c0_i32 = arith.constant 0 : i32
    %c0_i32_0 = arith.constant 0 : i32
    %c0_i32_1 = arith.constant 0 : i32
    return %c0_i32, %c0_i32_0 : i32, i32
  }
  func.func @transform_5(%arg0: i32) -> (i32, i32) {
    %c0_i32 = arith.constant 0 : i32
    %c0_i32_0 = arith.constant 0 : i32
    %c0_i32_1 = arith.constant 0 : i32
    return %c0_i32, %c0_i32_0 : i32, i32
  }
  func.func @transform_6(%arg0: i32) -> (i32, i32) {
    %c0_i32 = arith.constant 0 : i32
    %c0_i32_0 = arith.constant 0 : i32
    return %arg0, %c0_i32 : i32, i32
  }
  func.func @transform_7(%arg0: i32) -> (i32, i32) {
    %c0_i32 = arith.constant 0 : i32
    %c0_i32_0 = arith.constant 0 : i32
    return %arg0, %c0_i32 : i32, i32
  }
}

module attributes {stable_mosaic.version = 14 : i64} {
  func.func @_tc3(%arg0: i32, %arg1: memref<1024x64xf32, #tpu.memory_space<vmem>>, %arg2: memref<1024x1xf32, #tpu.memory_space<vmem>>, %arg3: memref<1024x64xf32, #tpu.memory_space<vmem>>, %arg4: memref<64x128xf32, #tpu.memory_space<vmem>>, %arg5: memref<1x128xf32, #tpu.memory_space<vmem>>, %arg6: memref<128x64xf32, #tpu.memory_space<vmem>>, %arg7: memref<1024x64xf32, #tpu.memory_space<vmem>>, %arg8: memref<1024x64xf32, #tpu.memory_space<vmem>>) attributes {dimension_semantics = [#tpu.dimension_semantics<arbitrary>], iteration_bounds = array<i64: 98>, scalar_prefetch = 0 : i64, scratch_operands = 0 : i64, tpu.core_type = #tpu.core_type<tc>, window_params = [{transform_indices = @transform_0, window_bounds = array<i64: 1024, 64>}, {transform_indices = @transform_1, window_bounds = array<i64: 1024, 1>}, {transform_indices = @transform_2, window_bounds = array<i64: 1024, 64>}, {pipeline_mode = #tpu.pipeline_mode<synchronous>, transform_indices = @transform_3, window_bounds = array<i64: 64, 128>}, {pipeline_mode = #tpu.pipeline_mode<synchronous>, transform_indices = @transform_4, window_bounds = array<i64: 1, 128>}, {pipeline_mode = #tpu.pipeline_mode<synchronous>, transform_indices = @transform_5, window_bounds = array<i64: 128, 64>}, {transform_indices = @transform_6, window_bounds = array<i64: 1024, 64>}, {transform_indices = @transform_7, window_bounds = array<i64: 1024, 64>}]} {
    %get3A = arith.constant 0 : index
    %get3A_0 = arith.constant 0 : index
    %get3A_1 = vector.load %arg1[%get3A, %get3A_0] : memref<1024x64xf32, #tpu.memory_space<vmem>>, vector<1024x64xf32>
    %get3A_2 = arith.constant 0 : index
    %get3A_3 = arith.constant 0 : index
    %get3A_4 = vector.load %arg2[%get3A_2, %get3A_3] : memref<1024x1xf32, #tpu.memory_space<vmem>>, vector<1024x1xf32>
    %mul3A = vector.broadcast %get3A_4 : vector<1024x1xf32> to vector<1024x64xf32>
    %mul3A_5 = arith.mulf %mul3A, %get3A_1 : vector<1024x64xf32>
    %get3A_6 = arith.constant 0 : index
    %get3A_7 = arith.constant 0 : index
    %get3A_8 = vector.load %arg3[%get3A_6, %get3A_7] : memref<1024x64xf32, #tpu.memory_space<vmem>>, vector<1024x64xf32>
    %add3A = arith.addf %mul3A_5, %get3A_8 : vector<1024x64xf32>
    %get3A_9 = arith.constant 0 : index
    %get3A_10 = arith.constant 0 : index
    %get3A_11 = vector.load %arg4[%get3A_9, %get3A_10] : memref<64x128xf32, #tpu.memory_space<vmem>>, vector<64x128xf32>
    %dot_general3A = arith.constant dense<0.000000e+00> : vector<1024x128xf32>
    %dot_general3A_12 = tpu.matmul %add3A, %get3A_11, %dot_general3A {dimension_numbers = #tpu.dot_dimension_numbers<[1], [0], [0], [1], [0, 0, 1, 1], [], []>, transpose_lhs_hint = false} : vector<1024x64xf32>, vector<64x128xf32>, vector<1024x128xf32> -> vector<1024x128xf32>
    %get3A_13 = arith.constant 0 : index
    %get3A_14 = arith.constant 0 : index
    %get3A_15 = vector.load %arg5[%get3A_13, %get3A_14] : memref<1x128xf32, #tpu.memory_space<vmem>>, vector<1x128xf32>
    %add3A_16 = vector.broadcast %get3A_15 : vector<1x128xf32> to vector<1024x128xf32>
    %add3A_17 = arith.addf %dot_general3A_12, %add3A_16 : vector<1024x128xf32>
    %max3A = arith.constant 0.000000e+00 : f32
    %max3A_18 = vector.broadcast %max3A : f32 to vector<1024x128xf32>
    %max3A_19 = arith.maximumf %add3A_17, %max3A_18 : vector<1024x128xf32>
    %get3A_20 = arith.constant 0 : index
    %get3A_21 = arith.constant 0 : index
    %get3A_22 = vector.load %arg6[%get3A_20, %get3A_21] : memref<128x64xf32, #tpu.memory_space<vmem>>, vector<128x64xf32>
    %dot_general3A_23 = arith.constant dense<0.000000e+00> : vector<1024x64xf32>
    %dot_general3A_24 = tpu.matmul %max3A_19, %get3A_22, %dot_general3A_23 {dimension_numbers = #tpu.dot_dimension_numbers<[1], [0], [0], [1], [0, 0, 1, 1], [], []>, transpose_lhs_hint = false} : vector<1024x128xf32>, vector<128x64xf32>, vector<1024x64xf32> -> vector<1024x64xf32>
    %mul3A_25 = vector.broadcast %get3A_4 : vector<1024x1xf32> to vector<1024x64xf32>
    %mul3A_26 = arith.mulf %mul3A_25, %dot_general3A_24 : vector<1024x64xf32>
    %swap3A = arith.constant 0 : index
    %swap3A_27 = arith.constant 0 : index
    %swap3A_28 = vector.load %arg7[%swap3A, %swap3A_27] : memref<1024x64xf32, #tpu.memory_space<vmem>>, vector<1024x64xf32>
    tpu.vector_store %arg7[%swap3A, %swap3A_27], %mul3A_26 {strides = array<i32>} : memref<1024x64xf32, #tpu.memory_space<vmem>>, vector<1024x64xf32>,
    %mul3A_29 = arith.mulf %get3A_4, %get3A_4 : vector<1024x1xf32>
    %mul3A_30 = vector.broadcast %mul3A_29 : vector<1024x1xf32> to vector<1024x64xf32>
    %mul3A_31 = arith.mulf %mul3A_30, %dot_general3A_24 : vector<1024x64xf32>
    %swap3A_32 = arith.constant 0 : index
    %swap3A_33 = arith.constant 0 : index
    %swap3A_34 = vector.load %arg8[%swap3A_32, %swap3A_33] : memref<1024x64xf32, #tpu.memory_space<vmem>>, vector<1024x64xf32>
    tpu.vector_store %arg8[%swap3A_32, %swap3A_33], %mul3A_31 {strides = array<i32>} : memref<1024x64xf32, #tpu.memory_space<vmem>>, vector<1024x64xf32>,
    return
  }
  func.func @transform_0(%arg0: i32) -> (i32, i32) {
    %c0_i32 = arith.constant 0 : i32
    %c0_i32_0 = arith.constant 0 : i32
    return %arg0, %c0_i32 : i32, i32
  }
  func.func @transform_1(%arg0: i32) -> (i32, i32) {
    %c0_i32 = arith.constant 0 : i32
    %c0_i32_0 = arith.constant 0 : i32
    return %arg0, %c0_i32 : i32, i32
  }
  func.func @transform_2(%arg0: i32) -> (i32, i32) {
    %c0_i32 = arith.constant 0 : i32
    %c0_i32_0 = arith.constant 0 : i32
    return %arg0, %c0_i32 : i32, i32
  }
  func.func @transform_3(%arg0: i32) -> (i32, i32) {
    %c0_i32 = arith.constant 0 : i32
    %c0_i32_0 = arith.constant 0 : i32
    %c0_i32_1 = arith.constant 0 : i32
    return %c0_i32, %c0_i32_0 : i32, i32
  }
  func.func @transform_4(%arg0: i32) -> (i32, i32) {
    %c0_i32 = arith.constant 0 : i32
    %c0_i32_0 = arith.constant 0 : i32
    %c0_i32_1 = arith.constant 0 : i32
    return %c0_i32, %c0_i32_0 : i32, i32
  }
  func.func @transform_5(%arg0: i32) -> (i32, i32) {
    %c0_i32 = arith.constant 0 : i32
    %c0_i32_0 = arith.constant 0 : i32
    %c0_i32_1 = arith.constant 0 : i32
    return %c0_i32, %c0_i32_0 : i32, i32
  }
  func.func @transform_6(%arg0: i32) -> (i32, i32) {
    %c0_i32 = arith.constant 0 : i32
    %c0_i32_0 = arith.constant 0 : i32
    return %arg0, %c0_i32 : i32, i32
  }
  func.func @transform_7(%arg0: i32) -> (i32, i32) {
    %c0_i32 = arith.constant 0 : i32
    %c0_i32_0 = arith.constant 0 : i32
    return %arg0, %c0_i32 : i32, i32
  }
}

module attributes {stable_mosaic.version = 14 : i64} {
  func.func @_tc4(%arg0: i32, %arg1: memref<1024x64xf32, #tpu.memory_space<vmem>>, %arg2: memref<1024x1xf32, #tpu.memory_space<vmem>>, %arg3: memref<1024x64xf32, #tpu.memory_space<vmem>>, %arg4: memref<1x64xf32, #tpu.memory_space<vmem>>, %arg5: memref<64x1xf32, #tpu.memory_space<vmem>>, %arg6: memref<1024x1xf32, #tpu.memory_space<vmem>>, %arg7: memref<1024x1xf32, #tpu.memory_space<vmem>>) attributes {dimension_semantics = [#tpu.dimension_semantics<arbitrary>], iteration_bounds = array<i64: 98>, scalar_prefetch = 0 : i64, scratch_operands = 0 : i64, tpu.core_type = #tpu.core_type<tc>, window_params = [{transform_indices = @transform_0, window_bounds = array<i64: 1024, 64>}, {transform_indices = @transform_1, window_bounds = array<i64: 1024, 1>}, {transform_indices = @transform_2, window_bounds = array<i64: 1024, 64>}, {pipeline_mode = #tpu.pipeline_mode<synchronous>, transform_indices = @transform_3, window_bounds = array<i64: 1, 64>}, {pipeline_mode = #tpu.pipeline_mode<synchronous>, transform_indices = @transform_4, window_bounds = array<i64: 64, 1>}, {transform_indices = @transform_5, window_bounds = array<i64: 1024, 1>}, {transform_indices = @transform_6, window_bounds = array<i64: 1024, 1>}]} {
    %get3A = arith.constant 0 : index
    %get3A_0 = arith.constant 0 : index
    %get3A_1 = vector.load %arg1[%get3A, %get3A_0] : memref<1024x64xf32, #tpu.memory_space<vmem>>, vector<1024x64xf32>
    %get3A_2 = arith.constant 0 : index
    %get3A_3 = arith.constant 0 : index
    %get3A_4 = vector.load %arg2[%get3A_2, %get3A_3] : memref<1024x1xf32, #tpu.memory_space<vmem>>, vector<1024x1xf32>
    %mul3A = vector.broadcast %get3A_4 : vector<1024x1xf32> to vector<1024x64xf32>
    %mul3A_5 = arith.mulf %mul3A, %get3A_1 : vector<1024x64xf32>
    %get3A_6 = arith.constant 0 : index
    %get3A_7 = arith.constant 0 : index
    %get3A_8 = vector.load %arg3[%get3A_6, %get3A_7] : memref<1024x64xf32, #tpu.memory_space<vmem>>, vector<1024x64xf32>
    %add3A = arith.addf %mul3A_5, %get3A_8 : vector<1024x64xf32>
    %get3A_9 = arith.constant 0 : index
    %get3A_10 = arith.constant 0 : index
    %get3A_11 = vector.load %arg4[%get3A_9, %get3A_10] : memref<1x64xf32, #tpu.memory_space<vmem>>, vector<1x64xf32>
    %add3A_12 = vector.broadcast %get3A_11 : vector<1x64xf32> to vector<1024x64xf32>
    %add3A_13 = arith.addf %add3A, %add3A_12 : vector<1024x64xf32>
    %max3A = arith.constant 0.000000e+00 : f32
    %max3A_14 = vector.broadcast %max3A : f32 to vector<1024x64xf32>
    %max3A_15 = arith.maximumf %add3A_13, %max3A_14 : vector<1024x64xf32>
    %get3A_16 = arith.constant 0 : index
    %get3A_17 = arith.constant 0 : index
    %get3A_18 = vector.load %arg5[%get3A_16, %get3A_17] : memref<64x1xf32, #tpu.memory_space<vmem>>, vector<64x1xf32>
    %dot_general3A = arith.constant dense<0.000000e+00> : vector<1024x1xf32>
    %dot_general3A_19 = tpu.matmul %max3A_15, %get3A_18, %dot_general3A {dimension_numbers = #tpu.dot_dimension_numbers<[1], [0], [0], [1], [0, 0, 1, 1], [], []>, transpose_lhs_hint = false} : vector<1024x64xf32>, vector<64x1xf32>, vector<1024x1xf32> -> vector<1024x1xf32>
    %mul3A_20 = arith.mulf %get3A_4, %dot_general3A_19 : vector<1024x1xf32>
    %swap3A = arith.constant 0 : index
    %swap3A_21 = arith.constant 0 : index
    %swap3A_22 = vector.load %arg6[%swap3A, %swap3A_21] : memref<1024x1xf32, #tpu.memory_space<vmem>>, vector<1024x1xf32>
    tpu.vector_store %arg6[%swap3A, %swap3A_21], %mul3A_20 {strides = array<i32>} : memref<1024x1xf32, #tpu.memory_space<vmem>>, vector<1024x1xf32>,
    %mul3A_23 = arith.mulf %get3A_4, %get3A_4 : vector<1024x1xf32>
    %mul3A_24 = arith.mulf %mul3A_23, %dot_general3A_19 : vector<1024x1xf32>
    %swap3A_25 = arith.constant 0 : index
    %swap3A_26 = arith.constant 0 : index
    %swap3A_27 = vector.load %arg7[%swap3A_25, %swap3A_26] : memref<1024x1xf32, #tpu.memory_space<vmem>>, vector<1024x1xf32>
    tpu.vector_store %arg7[%swap3A_25, %swap3A_26], %mul3A_24 {strides = array<i32>} : memref<1024x1xf32, #tpu.memory_space<vmem>>, vector<1024x1xf32>,
    return
  }
  func.func @transform_0(%arg0: i32) -> (i32, i32) {
    %c0_i32 = arith.constant 0 : i32
    %c0_i32_0 = arith.constant 0 : i32
    return %arg0, %c0_i32 : i32, i32
  }
  func.func @transform_1(%arg0: i32) -> (i32, i32) {
    %c0_i32 = arith.constant 0 : i32
    %c0_i32_0 = arith.constant 0 : i32
    return %arg0, %c0_i32 : i32, i32
  }
  func.func @transform_2(%arg0: i32) -> (i32, i32) {
    %c0_i32 = arith.constant 0 : i32
    %c0_i32_0 = arith.constant 0 : i32
    return %arg0, %c0_i32 : i32, i32
  }
  func.func @transform_3(%arg0: i32) -> (i32, i32) {
    %c0_i32 = arith.constant 0 : i32
    %c0_i32_0 = arith.constant 0 : i32
    %c0_i32_1 = arith.constant 0 : i32
    return %c0_i32, %c0_i32_0 : i32, i32
  }
  func.func @transform_4(%arg0: i32) -> (i32, i32) {
    %c0_i32 = arith.constant 0 : i32
    %c0_i32_0 = arith.constant 0 : i32
    %c0_i32_1 = arith.constant 0 : i32
    return %c0_i32, %c0_i32_0 : i32, i32
  }
  func.func @transform_5(%arg0: i32) -> (i32, i32) {
    %c0_i32 = arith.constant 0 : i32
    %c0_i32_0 = arith.constant 0 : i32
    return %arg0, %c0_i32 : i32, i32
  }
  func.func @transform_6(%arg0: i32) -> (i32, i32) {
    %c0_i32 = arith.constant 0 : i32
    %c0_i32_0 = arith.constant 0 : i32
    return %arg0, %c0_i32 : i32, i32
  }
}

module attributes {stable_mosaic.version = 14 : i64} {
  func.func @_tc5(%arg0: i32, %arg1: memref<1024x1xf32, #tpu.memory_space<vmem>>, %arg2: memref<1024x1xf32, #tpu.memory_space<vmem>>, %arg3: memref<1024x1xf32, #tpu.memory_space<vmem>>, %arg4: memref<1024x1xf32, #tpu.memory_space<vmem>>, %arg5: memref<1x1xf32, #tpu.memory_space<vmem>>, %arg6: memref<1024x1xi32, #tpu.memory_space<vmem>>, %arg7: memref<64x1xf32, #tpu.memory_space<vmem>>, %arg8: memref<64x1xf32, #tpu.memory_space<vmem>>, %arg9: memref<64x1xf32, #tpu.memory_space<vmem>>) attributes {dimension_semantics = [#tpu.dimension_semantics<arbitrary>], iteration_bounds = array<i64: 98>, scalar_prefetch = 0 : i64, scratch_operands = 2 : i64, tpu.core_type = #tpu.core_type<tc>, window_params = [{transform_indices = @transform_0, window_bounds = array<i64: 1024, 1>}, {transform_indices = @transform_1, window_bounds = array<i64: 1024, 1>}, {transform_indices = @transform_2, window_bounds = array<i64: 1024, 1>}, {transform_indices = @transform_3, window_bounds = array<i64: 1024, 1>}, {pipeline_mode = #tpu.pipeline_mode<synchronous>, transform_indices = @transform_4, window_bounds = array<i64: 1, 1>}, {transform_indices = @transform_5, window_bounds = array<i64: 1024, 1>}, {pipeline_mode = #tpu.pipeline_mode<synchronous>, transform_indices = @transform_6, window_bounds = array<i64: 64, 1>}]} {
    %get3A = arith.constant 0 : index
    %get3A_0 = arith.constant 0 : index
    %get3A_1 = vector.load %arg3[%get3A, %get3A_0] : memref<1024x1xf32, #tpu.memory_space<vmem>>, vector<1024x1xf32>
    %get3A_2 = arith.constant 0 : index
    %get3A_3 = arith.constant 0 : index
    %get3A_4 = vector.load %arg1[%get3A_2, %get3A_3] : memref<1024x1xf32, #tpu.memory_space<vmem>>, vector<1024x1xf32>
    %get3A_5 = arith.constant 0 : index
    %get3A_6 = arith.constant 0 : index
    %get3A_7 = vector.load %arg2[%get3A_5, %get3A_6] : memref<1024x1xf32, #tpu.memory_space<vmem>>, vector<1024x1xf32>
    %add3A = arith.addf %get3A_4, %get3A_7 : vector<1024x1xf32>
    %mul3A = arith.mulf %get3A_1, %add3A : vector<1024x1xf32>
    %get3A_8 = arith.constant 0 : index
    %get3A_9 = arith.constant 0 : index
    %get3A_10 = vector.load %arg4[%get3A_8, %get3A_9] : memref<1024x1xf32, #tpu.memory_space<vmem>>, vector<1024x1xf32>
    %add3A_11 = arith.addf %mul3A, %get3A_10 : vector<1024x1xf32>
    %get3A_12 = arith.constant 0 : index
    %get3A_13 = arith.constant 0 : index
    %get3A_14 = vector.load %arg5[%get3A_12, %get3A_13] : memref<1x1xf32, #tpu.memory_space<vmem>>, vector<1x1xf32>
    %get3A_15 = vector.extract %get3A_14[0, 0] : f32 from vector<1x1xf32>
    %add3A_16 = vector.broadcast %get3A_15 : f32 to vector<1024x1xf32>
    %add3A_17 = arith.addf %add3A_11, %add3A_16 : vector<1024x1xf32>
    %iota3A = tpu.iota {dimensions = array<i32: 1>} : vector<1024x64xi32>
    %get3A_18 = arith.constant 0 : index
    %get3A_19 = arith.constant 0 : index
    %get3A_20 = vector.load %arg6[%get3A_18, %get3A_19] : memref<1024x1xi32, #tpu.memory_space<vmem>>, vector<1024x1xi32>
    %eq3A = vector.broadcast %get3A_20 : vector<1024x1xi32> to vector<1024x64xi32>
    %eq3A_21 = arith.cmpi eq, %eq3A, %iota3A : vector<1024x64xi32>
    %convert_element_type3A = arith.extui %eq3A_21 : vector<1024x64xi1> to vector<1024x64xi32>
    %convert_element_type3A_22 = arith.sitofp %convert_element_type3A : vector<1024x64xi32> to vector<1024x64xf32>
    %dot_general3A = arith.constant dense<0.000000e+00> : vector<64x1xf32>
    %dot_general3A_23 = tpu.matmul %convert_element_type3A_22, %add3A_17, %dot_general3A {dimension_numbers = #tpu.dot_dimension_numbers<[0], [0], [1], [1], [0, 1, 1, 1], [], []>, transpose_lhs_hint = false} : vector<1024x64xf32>, vector<1024x1xf32>, vector<64x1xf32> -> vector<64x1xf32>
    %broadcast_in_dim3A = arith.constant 1.000000e+00 : f32
    %broadcast_in_dim3A_24 = vector.broadcast %broadcast_in_dim3A : f32 to vector<1024x1xf32>
    %dot_general3A_25 = arith.constant dense<0.000000e+00> : vector<64x1xf32>
    %dot_general3A_26 = tpu.matmul %convert_element_type3A_22, %broadcast_in_dim3A_24, %dot_general3A_25 {dimension_numbers = #tpu.dot_dimension_numbers<[0], [0], [1], [1], [0, 1, 1, 1], [], []>, transpose_lhs_hint = false} : vector<1024x64xf32>, vector<1024x1xf32>, vector<64x1xf32> -> vector<64x1xf32>
    %eq3A_27 = arith.constant 0 : i32
    %eq3A_28 = arith.cmpi eq, %arg0, %eq3A_27 : i32
    %convert_element_type3A_29 = arith.extui %eq3A_28 : i1 to i32
    %cond3A = arith.constant 0 : i32
    %cond3A_30 = arith.cmpi ne, %convert_element_type3A_29, %cond3A : i32
    scf.if %cond3A_30 {
      %broadcast_in_dim3A_49 = arith.constant 0.000000e+00 : f32
      %broadcast_in_dim3A_50 = vector.broadcast %broadcast_in_dim3A_49 : f32 to vector<64x1xf32>
      %swap3A_51 = arith.constant 0 : index
      %swap3A_52 = arith.constant 0 : index
      %swap3A_53 = vector.load %arg8[%swap3A_51, %swap3A_52] : memref<64x1xf32, #tpu.memory_space<vmem>>, vector<64x1xf32>
      tpu.vector_store %arg8[%swap3A_51, %swap3A_52], %broadcast_in_dim3A_50 {strides = array<i32>} : memref<64x1xf32, #tpu.memory_space<vmem>>, vector<64x1xf32>,
      %broadcast_in_dim3A_54 = arith.constant 0.000000e+00 : f32
      %broadcast_in_dim3A_55 = vector.broadcast %broadcast_in_dim3A_54 : f32 to vector<64x1xf32>
      %swap3A_56 = arith.constant 0 : index
      %swap3A_57 = arith.constant 0 : index
      %swap3A_58 = vector.load %arg9[%swap3A_56, %swap3A_57] : memref<64x1xf32, #tpu.memory_space<vmem>>, vector<64x1xf32>
      tpu.vector_store %arg9[%swap3A_56, %swap3A_57], %broadcast_in_dim3A_55 {strides = array<i32>} : memref<64x1xf32, #tpu.memory_space<vmem>>, vector<64x1xf32>,
    } else {
    }
    %get3A_31 = arith.constant 0 : index
    %get3A_32 = arith.constant 0 : index
    %get3A_33 = vector.load %arg8[%get3A_31, %get3A_32] : memref<64x1xf32, #tpu.memory_space<vmem>>, vector<64x1xf32>
    %add3A_34 = arith.addf %get3A_33, %dot_general3A_23 : vector<64x1xf32>
    %swap3A = arith.constant 0 : index
    %swap3A_35 = arith.constant 0 : index
    %swap3A_36 = vector.load %arg8[%swap3A, %swap3A_35] : memref<64x1xf32, #tpu.memory_space<vmem>>, vector<64x1xf32>
    tpu.vector_store %arg8[%swap3A, %swap3A_35], %add3A_34 {strides = array<i32>} : memref<64x1xf32, #tpu.memory_space<vmem>>, vector<64x1xf32>,
    %get3A_37 = arith.constant 0 : index
    %get3A_38 = arith.constant 0 : index
    %get3A_39 = vector.load %arg9[%get3A_37, %get3A_38] : memref<64x1xf32, #tpu.memory_space<vmem>>, vector<64x1xf32>
    %add3A_40 = arith.addf %get3A_39, %dot_general3A_26 : vector<64x1xf32>
    %swap3A_41 = arith.constant 0 : index
    %swap3A_42 = arith.constant 0 : index
    %swap3A_43 = vector.load %arg9[%swap3A_41, %swap3A_42] : memref<64x1xf32, #tpu.memory_space<vmem>>, vector<64x1xf32>
    tpu.vector_store %arg9[%swap3A_41, %swap3A_42], %add3A_40 {strides = array<i32>} : memref<64x1xf32, #tpu.memory_space<vmem>>, vector<64x1xf32>,
    %eq3A_44 = arith.constant 97 : i32
    %eq3A_45 = arith.cmpi eq, %arg0, %eq3A_44 : i32
    %convert_element_type3A_46 = arith.extui %eq3A_45 : i1 to i32
    %cond3A_47 = arith.constant 0 : i32
    %cond3A_48 = arith.cmpi ne, %convert_element_type3A_46, %cond3A_47 : i32
    scf.if %cond3A_48 {
      %get3A_49 = arith.constant 0 : index
      %get3A_50 = arith.constant 0 : index
      %get3A_51 = vector.load %arg8[%get3A_49, %get3A_50] : memref<64x1xf32, #tpu.memory_space<vmem>>, vector<64x1xf32>
      %get3A_52 = arith.constant 0 : index
      %get3A_53 = arith.constant 0 : index
      %get3A_54 = vector.load %arg9[%get3A_52, %get3A_53] : memref<64x1xf32, #tpu.memory_space<vmem>>, vector<64x1xf32>
      %max3A = arith.constant 1.000000e+00 : f32
      %max3A_55 = vector.broadcast %max3A : f32 to vector<64x1xf32>
      %max3A_56 = arith.maximumf %get3A_54, %max3A_55 : vector<64x1xf32>
      %div3A = arith.divf %get3A_51, %max3A_56 : vector<64x1xf32>
      %swap3A_57 = arith.constant 0 : index
      %swap3A_58 = arith.constant 0 : index
      %swap3A_59 = vector.load %arg7[%swap3A_57, %swap3A_58] : memref<64x1xf32, #tpu.memory_space<vmem>>, vector<64x1xf32>
      tpu.vector_store %arg7[%swap3A_57, %swap3A_58], %div3A {strides = array<i32>} : memref<64x1xf32, #tpu.memory_space<vmem>>, vector<64x1xf32>,
    } else {
    }
    return
  }
  func.func @transform_0(%arg0: i32) -> (i32, i32) {
    %c0_i32 = arith.constant 0 : i32
    %c0_i32_0 = arith.constant 0 : i32
    return %arg0, %c0_i32 : i32, i32
  }
  func.func @transform_1(%arg0: i32) -> (i32, i32) {
    %c0_i32 = arith.constant 0 : i32
    %c0_i32_0 = arith.constant 0 : i32
    return %arg0, %c0_i32 : i32, i32
  }
  func.func @transform_2(%arg0: i32) -> (i32, i32) {
    %c0_i32 = arith.constant 0 : i32
    %c0_i32_0 = arith.constant 0 : i32
    return %arg0, %c0_i32 : i32, i32
  }
  func.func @transform_3(%arg0: i32) -> (i32, i32) {
    %c0_i32 = arith.constant 0 : i32
    %c0_i32_0 = arith.constant 0 : i32
    return %arg0, %c0_i32 : i32, i32
  }
  func.func @transform_4(%arg0: i32) -> (i32, i32) {
    %c0_i32 = arith.constant 0 : i32
    %c0_i32_0 = arith.constant 0 : i32
    %c0_i32_1 = arith.constant 0 : i32
    return %c0_i32, %c0_i32_0 : i32, i32
  }
  func.func @transform_5(%arg0: i32) -> (i32, i32) {
    %c0_i32 = arith.constant 0 : i32
    %c0_i32_0 = arith.constant 0 : i32
    return %arg0, %c0_i32 : i32, i32
  }
  func.func @transform_6(%arg0: i32) -> (i32, i32) {
    %c0_i32 = arith.constant 0 : i32
    %c0_i32_0 = arith.constant 0 : i32
    %c0_i32_1 = arith.constant 0 : i32
    return %c0_i32, %c0_i32_0 : i32, i32
  }
}

</mosaic_0001>

<sc_bundles>
// kernel: kernel.12.cloned.1.call-start
scs
__scs_entry_jumppad:
0x0: {  	(pc) =	sbr.rel $0x88, $3  }
0x1: {  	(tag) =	ssettag $0x0;
	lr =	simm.s32 $0x1  }
0x2: {  	[smem:$0x3F96] =	sst lr;
	_ =	strace $0xD0000000  }
0x3: {  	_ = 	snop  }
0x4: {  	_ = 	snop  }
0x5: {  	_ = 	snop  }
0x6: {  	_ = 	snop  }
0x7: {  	_ = 	snop  }
__scs_overlays_trampoline_lowered:
0x8: {  	[smem:$0x3FA5] =	sst s0  }
0x9: {  	[smem:$0x3FA6] =	sst s1  }
0xa: {  	[smem:$0x3FA7] =	sst s2  }
0xb: {  	[smem:$0x3FA8] =	sst s3  }
0xc: {  	[smem:$0x3FA9] =	sst s4  }
0xd: {  	[smem:$0x3FAA] =	sst s5  }
0xe: {  	[smem:$0x3FAB] =	sst s6  }
0xf: {  	[smem:$0x3FAC] =	sst s7  }
0x10: {  	[smem:$0x3FAD] =	sst s8  }
0x11: {  	[smem:$0x3FAE] =	sst s9;
	s0 =	simm.s32 @!p0 $0x0  }
0x12: {  	s1 =	sld [smem:$0x3F94];
	s0 =	simm.s32 @p0 $0x1  }
0x13: {  	[smem:$0x3FAF] =	sst s0;
	s0 =	simm.s32 @!p1 $0x0  }
0x14: {  	s2 =	sld [smem:$0x3F93];
	s0 =	simm.s32 @p1 $0x1  }
0x15: {  	[smem:$0x3FB0] =	sst s0;
	s0 =	simm.s32 @!p2 $0x0  }
0x16: {  	s3 =	sld [smem:$0x3FDB];
	s0 =	simm.s32 @p2 $0x1  }
0x17: {  	s4 =	simm.s32 $0x1BF5;
	[smem:$0x3FB2] =	sst s0  }
0x18: {  	s0 =	sld [smem:$0x3F95];
	_ =	swait.ge [sflag:s4], $0x0  }
0x19: {  	s7 =	sld [smem:$0x3F96]  }
0x1a: {  	s8 =	sadd.s32 $0xFFFFE003, lr  }
0x1b: {  	s9 =	sadd.s32 $0xFFFFFEF7, lr;
	s5 =	simm.s32 $0xFFFFFFFF;
	p2 =	slt.u32 s8, $0xFFFFF086  }
0x1c: {  	p1 =	slt.u32 s9, $0xF7A;
	s5 =	simm.s32 @!p2 $0x0  }
0x1d: {  	s5 =	simm.s32 @p1 $0x1;
	p0 =	seq.s32 s7, s2  }
0x1e: {  	s7 =	smul.u32 @!p0 $0xF7A, s2;
	p2 =	seq.s32 @!p0 s5, $0x0  }
0x1f: {  	s9 =	smul.u32 $0xF7A, s1;
	s8 =	simm.s32 @!p0 $0x1BF5;
	p2 =	por !p2, p0  }
0x20: {  	[sflag:s8] =	ssyncset.s32 @!p0 $0xFFFFF086;
	s6 =	sadd.s32 @!p0 s3, s7;
	s7 =	simm.s32 @!p0 $0x108  }
0x21: {  	s3 =	sadd.s32 s3, s9;
	s6 =	sadd.s32 @!p0 $0x88, s6;
	s7 =	simm.s32 @p2 $0x1082  }
0x22: {  	[simem:s7], [sflag:s8] =	dma.local @!p0 [hbm:s6], $0xF7A  }
0x23: {  	s9 =	sor.u32 $0xD0000000, s2;
	s6 =	simm.s32 $0x108;
	_ =	swait.ge @!p0 [sflag:s8], $0x0  }
0x24: {  	s3 =	sadd.s32 $0x88, s3;
	s6 =	simm.s32 @!p1 $0x1082;
	[sflag:s4] =	ssyncset.s32 $0xFFFFF086  }
0x25: {  	[simem:s6], [sflag:s4] =	dma.local [hbm:s3], $0xF7A  }
0x26: {  	[smem:$0x3F96] =	sst s1;
	(tag) =	ssettag s2;
	_ =	strace s9  }
0x27: {  	s1 =	sld [smem:$0x3FA6]  }
0x28: {  	s2 =	sld [smem:$0x3FA7]  }
0x29: {  	s4 =	sld [smem:$0x3FA9]  }
0x2a: {  	p0 =	seq.s32 s5, $0x0;
	s5 =	sld [smem:$0x3FAA]  }
0x2b: {  	s6 =	sld [smem:$0x3FAB]  }
0x2c: {  	s7 =	sld [smem:$0x3FAC]  }
0x2d: {  	s3 =	simm.s32 $0x108;
	s8 =	sld [smem:$0x3FAD]  }
0x2e: {  	s3 =	simm.s32 @!p0 $0x1082;
	s9 =	sld [smem:$0x3FAE]  }
0x2f: {  	lr =	sadd.s32 s0, s3;
	s0 =	sld [smem:$0x3FA5]  }
0x30: {  	s3 =	sld [smem:$0x3FA8]  }
0x31: {  	[smem:$0x3FB1] =	sst s10  }
0x32: {  	s10 =	sld [smem:$0x3FAF];
	_ =	sdelay $0x3  }
0x33: {  	p0 =	seq.s32 s10, $0x1;
	s10 =	sld [smem:$0x3FB1];
	_ =	sdelay $0x3  }
0x34: {  	[smem:$0x3FB1] =	sst s10  }
0x35: {  	s10 =	sld [smem:$0x3FB0];
	_ =	sdelay $0x3  }
0x36: {  	p1 =	seq.s32 s10, $0x1;
	s10 =	sld [smem:$0x3FB1];
	_ =	sdelay $0x3  }
0x37: {  	[smem:$0x3FB1] =	sst s10  }
0x38: {  	s10 =	sld [smem:$0x3FB2]  }
0x39: {  	_ = 	snop;
	(pc) =	sbr.ind lr, $3  }
0x3a: {  	_ = 	snop  }
0x3b: {  	_ = 	snop  }
0x3c: {  	p2 =	seq.s32 s10, $0x1;
	s10 =	sld [smem:$0x3FB1]  }
0x3d: {  	_ =	shalt  }
0x3e: {  	_ =	shalt  }
0x3f: {  	_ =	shalt  }
0x40: {  	_ =	shalt  }
0x41: {  	_ =	shalt  }
0x42: {  	_ =	shalt  }
0x43: {  	_ =	shalt  }
0x44: {  	_ =	shalt  }
0x45: {  	_ =	shalt  }
0x46: {  	_ =	shalt  }
0x47: {  	_ =	shalt  }
0x48: {  	_ =	shalt  }
0x49: {  	_ =	shalt  }
0x4a: {  	_ =	shalt  }
0x4b: {  	_ =	shalt  }
0x4c: {  	_ =	shalt  }
0x4d: {  	_ =	shalt  }
0x4e: {  	_ =	shalt  }
0x4f: {  	_ =	shalt  }
0x50: {  	_ =	shalt  }
0x51: {  	_ =	shalt  }
0x52: {  	_ =	shalt  }
0x53: {  	_ =	shalt  }
0x54: {  	_ =	shalt  }
0x55: {  	_ =	shalt  }
0x56: {  	_ =	shalt  }
0x57: {  	_ =	shalt  }
0x58: {  	_ =	shalt  }
0x59: {  	_ =	shalt  }
0x5a: {  	_ =	shalt  }
0x5b: {  	_ =	shalt  }
0x5c: {  	_ =	shalt  }
0x5d: {  	_ =	shalt  }
0x5e: {  	_ =	shalt  }
0x5f: {  	_ =	shalt  }
0x60: {  	_ =	shalt  }
0x61: {  	_ =	shalt  }
0x62: {  	_ =	shalt  }
0x63: {  	_ =	shalt  }
0x64: {  	_ =	shalt  }
0x65: {  	_ =	shalt  }
0x66: {  	_ =	shalt  }
0x67: {  	_ =	shalt  }
0x68: {  	_ =	shalt  }
0x69: {  	_ =	shalt  }
0x6a: {  	_ =	shalt  }
0x6b: {  	_ =	shalt  }
0x6c: {  	_ =	shalt  }
0x6d: {  	_ =	shalt  }
0x6e: {  	_ =	shalt  }
0x6f: {  	_ =	shalt  }
0x70: {  	_ =	shalt  }
0x71: {  	_ =	shalt  }
0x72: {  	_ =	shalt  }
0x73: {  	_ =	shalt  }
0x74: {  	_ =	shalt  }
0x75: {  	_ =	shalt  }
0x76: {  	_ =	shalt  }
0x77: {  	_ =	shalt  }
0x78: {  	_ =	shalt  }
0x79: {  	_ =	shalt  }
0x7a: {  	_ =	shalt  }
0x7b: {  	_ =	shalt  }
0x7c: {  	_ =	shalt  }
0x7d: {  	_ =	shalt  }
0x7e: {  	_ =	shalt  }
0x7f: {  	_ =	shalt  }
0x80: {  	_ =	shalt  }
0x81: {  	_ =	shalt  }
0x82: {  	_ =	shalt  }
0x83: {  	_ =	shalt  }
0x84: {  	_ =	shalt  }
0x85: {  	_ =	shalt  }
0x86: {  	_ =	shalt  }
0x87: {  	_ =	shalt  }
.Lfunc_end0:
.L_simem_size_0:
called_computation_lowered:
.L_overlay_start_0:
0x88: {  	s2 =	sld [smem:$0x3FD9]  }
0x89: {  	s3 =	sld [smem:$0x3FFE];
	_ =	sdelay $0x1  }
0x8a: {  	s1 =	srdreg.scid  }
0x8b: {  	s0 =	sand.u32 $0x1, s1  }
0x8c: {  	s16 =	sshll.u32 s0, $0xA;
	s2 =	sadd.s32 s3, s2  }
0x8d: {  	s2 =	sadd.s32 s2, s16  }
0x8e: {  	[smem:$0x3FBD] =	sst s2  }
0x8f: {  	_ = 	snop  }
0x90: {  	(tm) =	ssettm $0x1  }
0x91: {  	s17 =	sld [smem:$0x3FFB];
	_ =	sdelay $0x3  }
0x92: {  	_ =	strace s17  }
0x93: {  	s2 =	sld [smem:$0x3FFC];
	_ =	sdelay $0x3  }
0x94: {  	_ =	strace s2  }
0x95: {  	s2 =	sld [smem:$0x3FFD];
	_ =	sdelay $0x3  }
0x96: {  	_ =	strace s2  }
0x97: {  	_ =	strace $0x8FFFFFFF  }
0x98: {  	s18 =	sld [smem:$0x3FDB];
	_ =	sdelay $0x1  }
0x99: {  	s19 =	simm.s32 $_scs_section_size  }
0x9a: {  	s4 =	simm.s32 $_size__tile_overlayer_lowered;
	s5 =	simm.s32 $_tile_overlayer_lowered  }
0x9b: {  	s22 =	simm.s32 $0x1BFF;
	s21 =	sshll.u32 s5, $0x1;
	s2 =	sadd.s32 s19, s18  }
0x9c: {  	s6 =	simm.s32 $0x0;
	s20 =	sshll.u32 s4, $0x1;
	s4 =	sadd.s32 s21, s2  }
0x9d: {  	[timem:s6], [sflag:s22] =	dma.local [hbm:s4], s20  }
0x9e: {  	_ =	swait.ge [sflag:s22], s20  }
0x9f: {  	s3 =	ssub.s32 $0x0, s20;
	[sflag:s22] =	ssyncset.done $0x0  }
0xa0: {  	[sflag:s22] =	ssyncadd.s32 s3;
	_ =	sdelay $0x1  }
0xa1: {  	s23 =	simm.s32 $0x1B8B  }
0xa2: {  	_ =	swait.ge [sflag:s23], $0x1  }
0xa3: {  	[sflag:s23] =	ssyncset.done $0x0  }
0xa4: {  	s25 =	simm.s32 $0x1B8E;
	s24 =	sld [smem:$0x3FFE];
	[sflag:s23] =	ssyncadd.s32 $0xFFFFFFFF  }
0xa5: {  	s26 =	simm.s32 $execute0_lowered;
	[smem:$0x3FD2] =	sst s25  }
0xa6: {  	s4 =	sshll.u32 s26, $0x1;
	_ =	strace $0x80000046;
	[dreg:$0x1] =	wrdreg $0xFFFFFFFF  }
0xa7: {  	s28 =	simm.s32 $_size_execute0_lowered;
	s2 =	sadd.s32 s2, s4;
	[dreg:$0x0] =	wrdreg $0x0  }
0xa8: {  	s4 =	sshll.u32 s28, $0x1;
	[dreg:$0x2] =	wrdreg s2  }
0xa9: {  	[dreg:$0x3] =	wrdreg s4  }
0xaa: {  	[dreg:$0x4] =	wrdreg $0xC0  }
0xab: {  	_ =	task [dreg:s6], $0x5FFFF  }
0xac: {  	[dreg:$0x1] =	wrdreg $0xFFFFFFFF  }
0xad: {  	[dreg:$0x0] =	wrdreg $0x60  }
0xae: {  	[dreg:$0x2] =	wrdreg s24  }
0xaf: {  	[dreg:$0x3] =	wrdreg $0x0  }
0xb0: {  	[dreg:$0x4] =	wrdreg $0x9  }
0xb1: {  	_ =	task.clear_ibuf [dreg:s6], $0x5FFFF;
	_ =	strace $0x90000046  }
0xb2: {  	s29 =	simm.s32 $0x9;
	_ =	strace $0x80000048  }
0xb3: {  	_ =	swait.ge [sflag:s29], $0x1  }
0xb4: {  	[sflag:s29] =	ssyncadd.s32 $0xFFFFFFFF  }
0xb5: {  	_ =	strace $0x90000048  }
0xb6: {  	_ =	sfence  }
0xb7: {  	s30 =	sld [smem:$0x0];
	_ =	sdelay $0x2  }
0xb8: {  	s31 =	sshll.u32 s1, $0xD;
	s1 =	sshrl.u32 s1, $0x2  }
0xb9: {  	s3 =	sand.u32 $0x4000, s31;
	s1 =	sadd.s32 s1, s30  }
0xba: {  	s0 =	sor.u32 s3, s0;
	s1 =	sshll.u32 s1, $0x11  }
0xbb: {  	s0 =	sor.u32 s1, s0  }
0xbc: {  	s0 =	sadd.s32 $0x8F2B, s0  }
0xbd: {  	[sflag:s0] =	ssyncadd.remote.s32 $0x1  }
0xbe: {  	_ =	sfence.sel $0xFFFF  }
0xbf: {  	[dreg:$0x0] =	wrdreg $0xFFFFFFFF;
	(pc) =	sbr.abs _section_cstart, $3  }
0xc0: {  	[dreg:$0x1] =	wrdreg $0xFFFFFFFF  }
0xc1: {  	_ =	task.clear_ibuf [dreg:s6], $0x2FFFF;
	_ =	strace $0x9FFFFFFF  }
0xc2: {  	(tm) =	ssettm $0x7FFFFFFF  }
0xc3: {  	_ =	shalt  }
tec
execute0_lowered:
.L_overlay_start_1:
0x0: {  	(tag) =	ssettag $0x1  }
0x1: {  	s4 =	rddreg [dreg:$0x0]  }
0x2: {  	s0 =	srdreg.scid;
	s2 =	rddreg [dreg:$0x1]  }
0x3: {  	s1 =	rddreg [dreg:$0x2];
	s5 =	sand.u32 $0x1, s0  }
0x4: {  	s3 =	simm.s32 $0x0;
	s0 =	stileid.u32;
	s6 =	smul.u32 $0xC4000, s5  }
0x5: {  	s10 =	simm.s32 $0x1;
	s11 =	simm.s32 $0x2680;
	s7 =	smul.u32 $0xC400, s0  }
0x6: {  	s12 =	simm.s32 $0xE00;
	s15 =	simm.s32 $0x0;
	s8 =	smul.u32 $0x1880, s0  }
0x7: {  	[smem:$0x7FF] =	sst s3;
	s9 =	smul.u32 $0x18800, s5;
	s5 =	ssub.s32 $0x2, s5  }
0x8: {  	_ =	strace $0x80000047;
	s13 =	sshll.u32 s0, $0x6;
	s31 =	sshrl.u32 s5, $0x1  }
0x9: {  	s13 =	sor.u32 $0x1C01, s13;
	s6 =	sadd.s32 s7, s6;
	s28 =	sadd.s32 s8, s9  }
0xa: {  	s7 =	ssub.s32 s5, s31;
	s6 =	sshrl.u32 s6, $0x3;
	s30 =	sshrl.u32 s28, $0x3  }
0xb: {  	s29 =	sadd.s32 s6, s4;
	s6 =	sadd.s32 s30, s4;
	s4 =	sadd.s32 s8, s2  }
0xc: {  	s9 =	simm.s32 $0x1880;
	s7 =	smax.u32 s7, $0x1;
	s5 =	sadd.s32 $0xE00, s4  }
0xd: {  	v0 =	vimm.f32 $0.0e+00;
	v1 =	vimm.f32 $1.000000000e+00;
	s6 =	sadd.s32 $0x32C00, s6;
	s8 =	sadd.s32 $0x1C00, s29;
	s14 =	sshrl.u32 s4, $0x3  }
.LBB2_1:
0xe: {  	s16 =	simm.s32 $0x40;
	s17 =	simm.s32 $0x0  }
.LBB2_2:
0xf: {  	p0 =	sne.s32 s16, $0x37C0;
	[tilespmem:s17+$0x1880] =	vst v0;
	s17 =	smov.u32 s16;
	s16 =	sadd.s32 $0x40, s16  }
.Ltmp0:
0x10: {  	(pc) =	sbr.rel @p0 .LBB2_2-.Ltmp0, $2  }
0x11: {  	_ =	sdelay $0x2  }
0x12: {  	s17 =	sshra.s32 s17, $0x2  }
0x13: {  	[tilespmem:s17+$0x1880] =	vst v0  }
0x14: {  	[spmem:s4] =	stream.linear.scatter [tilespmem:s9], [sflag:$0x1], $0xE00, $0x38;
	[tilespmem:$0x3480] =	vst v63  }
0x15: {  	_ =	swait.ge [sflag:s10], $0xE00  }
0x16: {  	[sflag:s10] =	ssyncset.done $0x0  }
0x17: {  	[sflag:s10] =	ssyncadd.s32 $0xFFFFF200  }
0x18: {  	[spmem:s5] =	stream.linear.scatter [tilespmem:s9], [sflag:$0x1], $0xA80, $0x38;
	[tilespmem:$0x3480] =	vst v63  }
0x19: {  	_ =	swait.ge [sflag:s10], $0xA80  }
0x1a: {  	[sflag:s10] =	ssyncset.done $0x0  }
0x1b: {  	s16 =	simm.s32 $0x40;
	s17 =	simm.s32 $0x0;
	[sflag:s10] =	ssyncadd.s32 $0xFFFFF580  }
.LBB2_4:
0x1c: {  	p0 =	sne.s32 s16, $0x37C0;
	[tilespmem:s17+$0x1880] =	vst v1;
	s17 =	smov.u32 s16;
	s16 =	sadd.s32 $0x40, s16  }
.Ltmp1:
0x1d: {  	(pc) =	sbr.rel @p0 .LBB2_4-.Ltmp1, $2  }
0x1e: {  	_ =	sdelay $0x2  }
0x1f: {  	s17 =	sshra.s32 s17, $0x2  }
0x20: {  	[tilespmem:s17+$0x1880] =	vst v1  }
0x21: {  	s16 =	sadd.s32 $0x0, s8;
	[bflag:$0x0] =	sbarrier.arrive $0xFFFF  }
0x22: {  	[tilespmem:s11], [sflag:$0x1] =	stream.linear.gather [hbm4b:s16+s3], $0xE00, $0x38;
	[tilespmem:$0x3480] =	vst v63  }
0x23: {  	_ =	swait.ge [sflag:s10], $0xE00  }
0x24: {  	[sflag:s10] =	ssyncset.done $0x0  }
0x25: {  	[sflag:s10] =	ssyncadd.s32 $0xFFFFF200  }
0x26: {  	[spmem:s2] =	stream.indirect.scatter.add.f32 [tilespmem:s9], [sflag:$0x1], $0x1, s11, s12, $0xb8;
	[tilespmem:$0x3480] =	vst v63  }
0x27: {  	_ =	swait.ge [sflag:s10], $0xE00  }
0x28: {  	s17 =	simm.s32 $0x380;
	s16 =	simm.s32 $0x1C0;
	[sflag:s10] =	ssyncset.done $0x0  }
.LBB2_6:
0x29: {  	s18 =	sadd.s32 s16, s8  }
0x2a: {  	[sflag:s10] =	ssyncadd.s32 $0xFFFFF200;
	s16 =	smov.u32 s17;
	s19 =	sadd.s32 $0x1C0, s17  }
0x2b: {  	[tilespmem:s11], [sflag:$0x1] =	stream.linear.gather [hbm4b:s18+s3], $0xE00, $0x38;
	[tilespmem:$0x3480] =	vst v63  }
0x2c: {  	p0 =	sne.s32 s17, $0x16C0;
	_ =	swait.ge [sflag:s10], $0xE00  }
.Ltmp2:
0x2d: {  	[sflag:s10] =	ssyncset.done $0x0;
	(pc) =	sbr.rel @p0 .LBB2_6-.Ltmp2, $4  }
0x2e: {  	[sflag:s10] =	ssyncadd.s32 $0xFFFFF200  }
0x2f: {  	[spmem:s2] =	stream.indirect.scatter.add.f32 [tilespmem:s9], [sflag:$0x1], $0x1, s11, s12, $0xb8;
	[tilespmem:$0x3480] =	vst v63  }
0x30: {  	_ =	swait.ge [sflag:s10], $0xE00  }
0x31: {  	s17 =	smov.u32 s19;
	[sflag:s10] =	ssyncset.done $0x0  }
0x32: {  	s16 =	sadd.s32 s16, s8;
	[sflag:s10] =	ssyncadd.s32 $0xFFFFF200  }
0x33: {  	[tilespmem:s11], [sflag:$0x1] =	stream.linear.gather [hbm4b:s16+s3], $0xE00, $0x38;
	[tilespmem:$0x3480] =	vst v63  }
0x34: {  	_ =	swait.ge [sflag:s10], $0xE00  }
0x35: {  	[sflag:s10] =	ssyncset.done $0x0  }
0x36: {  	[sflag:s10] =	ssyncadd.s32 $0xFFFFF200  }
0x37: {  	[spmem:s2] =	stream.indirect.scatter.add.f32 [tilespmem:s9], [sflag:$0x1], $0x1, s11, s12, $0xb8;
	[tilespmem:$0x3480] =	vst v63  }
0x38: {  	_ =	swait.ge [sflag:s10], $0xE00  }
0x39: {  	s15 =	sadd.s32 $0x1, s15;
	[sflag:s10] =	ssyncset.done $0x0  }
0x3a: {  	p0 =	sne.s32 s15, s7;
	[sflag:s10] =	ssyncadd.s32 $0xFFFFF200  }
.Ltmp3:
0x3b: {  	[bflag:$0x0] =	sbarrier.arrive $0xFFFF;
	(pc) =	sbr.rel @p0 .LBB2_1-.Ltmp3, $4  }
0x3c: {  	[hbm:s6], [sflag:s13] =	dma.local [spmem:s14], $0x310  }
0x3d: {  	_ =	swait.ge [sflag:s10], $0x310  }
0x3e: {  	[sflag:s10] =	ssyncset.done $0x0  }
0x3f: {  	[sflag:s10] =	ssyncadd.s32 $0xFFFFFCF0  }
0x40: {  	_ =	sfence.sel $0x180000  }
0x41: {  	[bflag:$0x0] =	sbarrier.arrive $0xFFFF  }
0x42: {  	p0 =	sne.s32 s0, $0x0;
	_ =	strace $0x90000047  }
0x43: {  	s0 =	sadd.s32 @!p0 $0x100000, s1;
	[bflag:$0x2] =	sbarrier.arrive $0xFFFF  }
0x44: {  	[sflag:s0] =	ssyncadd.tile.s32 @!p0 $0x1;
	_ =	shalt  }
.Lfunc_end2:
_tile_overlayer_lowered:
.L_overlay_start_2:
0x45: {  	(tag) =	ssettag $0x2  }
0x46: {  	s0 =	rddreg [dreg:$0x0];
	s2 =	stileid.u32  }
0x47: {  	s1 =	rddreg [dreg:$0x1];
	p0 =	sne.s32 s2, $0x0  }
0x48: {  	s3 =	rddreg [dreg:$0x2];
	[bflag:$0x3] =	sbarrier.arrive $0xFFFF;
	s2 =	simm.s32 @!p0 $0x1C01  }
0x49: {  	[timem:s3], [sflag:s2] =	dma.local @!p0 [hbm:s0], s1  }
0x4a: {  	s0 =	simm.s32 @!p0 $0x1  }
0x4b: {  	_ =	swait.ge @!p0 [sflag:s0], s1  }
0x4c: {  	s1 =	ssub.s32 @!p0 $0x0, s1;
	[sflag:s0] =	ssyncset.done @!p0 $0x0  }
0x4d: {  	[sflag:s0] =	ssyncadd.s32 @!p0 s1  }
0x4e: {  	[bflag:$0x3] =	sbarrier.arrive $0xFFFF  }
0x4f: {  	_ =	shalt  }

// kernel: kernel.15.cloned.1.call-start
scs
__scs_entry_jumppad:
0x0: {  	(pc) =	sbr.rel $0x88, $3  }
0x1: {  	(tag) =	ssettag $0x0;
	lr =	simm.s32 $0x1  }
0x2: {  	[smem:$0x3F96] =	sst lr;
	_ =	strace $0xD0000000  }
0x3: {  	_ = 	snop  }
0x4: {  	_ = 	snop  }
0x5: {  	_ = 	snop  }
0x6: {  	_ = 	snop  }
0x7: {  	_ = 	snop  }
__scs_overlays_trampoline_lowered:
0x8: {  	[smem:$0x3FA5] =	sst s0  }
0x9: {  	[smem:$0x3FA6] =	sst s1  }
0xa: {  	[smem:$0x3FA7] =	sst s2  }
0xb: {  	[smem:$0x3FA8] =	sst s3  }
0xc: {  	[smem:$0x3FA9] =	sst s4  }
0xd: {  	[smem:$0x3FAA] =	sst s5  }
0xe: {  	[smem:$0x3FAB] =	sst s6  }
0xf: {  	[smem:$0x3FAC] =	sst s7  }
0x10: {  	[smem:$0x3FAD] =	sst s8  }
0x11: {  	[smem:$0x3FAE] =	sst s9;
	s0 =	simm.s32 @!p0 $0x0  }
0x12: {  	s1 =	sld [smem:$0x3F94];
	s0 =	simm.s32 @p0 $0x1  }
0x13: {  	[smem:$0x3FAF] =	sst s0;
	s0 =	simm.s32 @!p1 $0x0  }
0x14: {  	s2 =	sld [smem:$0x3F93];
	s0 =	simm.s32 @p1 $0x1  }
0x15: {  	[smem:$0x3FB0] =	sst s0;
	s0 =	simm.s32 @!p2 $0x0  }
0x16: {  	s3 =	sld [smem:$0x3FDB];
	s0 =	simm.s32 @p2 $0x1  }
0x17: {  	s4 =	simm.s32 $0x1BF5;
	[smem:$0x3FB2] =	sst s0  }
0x18: {  	s0 =	sld [smem:$0x3F95];
	_ =	swait.ge [sflag:s4], $0x0  }
0x19: {  	s7 =	sld [smem:$0x3F96]  }
0x1a: {  	s8 =	sadd.s32 $0xFFFFE003, lr  }
0x1b: {  	s9 =	sadd.s32 $0xFFFFFEF7, lr;
	s5 =	simm.s32 $0xFFFFFFFF;
	p2 =	slt.u32 s8, $0xFFFFF086  }
0x1c: {  	p1 =	slt.u32 s9, $0xF7A;
	s5 =	simm.s32 @!p2 $0x0  }
0x1d: {  	s5 =	simm.s32 @p1 $0x1;
	p0 =	seq.s32 s7, s2  }
0x1e: {  	s7 =	smul.u32 @!p0 $0xF7A, s2;
	p2 =	seq.s32 @!p0 s5, $0x0  }
0x1f: {  	s9 =	smul.u32 $0xF7A, s1;
	s8 =	simm.s32 @!p0 $0x1BF5;
	p2 =	por !p2, p0  }
0x20: {  	[sflag:s8] =	ssyncset.s32 @!p0 $0xFFFFF086;
	s6 =	sadd.s32 @!p0 s3, s7;
	s7 =	simm.s32 @!p0 $0x108  }
0x21: {  	s3 =	sadd.s32 s3, s9;
	s6 =	sadd.s32 @!p0 $0x88, s6;
	s7 =	simm.s32 @p2 $0x1082  }
0x22: {  	[simem:s7], [sflag:s8] =	dma.local @!p0 [hbm:s6], $0xF7A  }
0x23: {  	s9 =	sor.u32 $0xD0000000, s2;
	s6 =	simm.s32 $0x108;
	_ =	swait.ge @!p0 [sflag:s8], $0x0  }
0x24: {  	s3 =	sadd.s32 $0x88, s3;
	s6 =	simm.s32 @!p1 $0x1082;
	[sflag:s4] =	ssyncset.s32 $0xFFFFF086  }
0x25: {  	[simem:s6], [sflag:s4] =	dma.local [hbm:s3], $0xF7A  }
0x26: {  	[smem:$0x3F96] =	sst s1;
	(tag) =	ssettag s2;
	_ =	strace s9  }
0x27: {  	s1 =	sld [smem:$0x3FA6]  }
0x28: {  	s2 =	sld [smem:$0x3FA7]  }
0x29: {  	s4 =	sld [smem:$0x3FA9]  }
0x2a: {  	p0 =	seq.s32 s5, $0x0;
	s5 =	sld [smem:$0x3FAA]  }
0x2b: {  	s6 =	sld [smem:$0x3FAB]  }
0x2c: {  	s7 =	sld [smem:$0x3FAC]  }
0x2d: {  	s3 =	simm.s32 $0x108;
	s8 =	sld [smem:$0x3FAD]  }
0x2e: {  	s3 =	simm.s32 @!p0 $0x1082;
	s9 =	sld [smem:$0x3FAE]  }
0x2f: {  	lr =	sadd.s32 s0, s3;
	s0 =	sld [smem:$0x3FA5]  }
0x30: {  	s3 =	sld [smem:$0x3FA8]  }
0x31: {  	[smem:$0x3FB1] =	sst s10  }
0x32: {  	s10 =	sld [smem:$0x3FAF];
	_ =	sdelay $0x3  }
0x33: {  	p0 =	seq.s32 s10, $0x1;
	s10 =	sld [smem:$0x3FB1];
	_ =	sdelay $0x3  }
0x34: {  	[smem:$0x3FB1] =	sst s10  }
0x35: {  	s10 =	sld [smem:$0x3FB0];
	_ =	sdelay $0x3  }
0x36: {  	p1 =	seq.s32 s10, $0x1;
	s10 =	sld [smem:$0x3FB1];
	_ =	sdelay $0x3  }
0x37: {  	[smem:$0x3FB1] =	sst s10  }
0x38: {  	s10 =	sld [smem:$0x3FB2]  }
0x39: {  	_ = 	snop;
	(pc) =	sbr.ind lr, $3  }
0x3a: {  	_ = 	snop  }
0x3b: {  	_ = 	snop  }
0x3c: {  	p2 =	seq.s32 s10, $0x1;
	s10 =	sld [smem:$0x3FB1]  }
0x3d: {  	_ =	shalt  }
0x3e: {  	_ =	shalt  }
0x3f: {  	_ =	shalt  }
0x40: {  	_ =	shalt  }
0x41: {  	_ =	shalt  }
0x42: {  	_ =	shalt  }
0x43: {  	_ =	shalt  }
0x44: {  	_ =	shalt  }
0x45: {  	_ =	shalt  }
0x46: {  	_ =	shalt  }
0x47: {  	_ =	shalt  }
0x48: {  	_ =	shalt  }
0x49: {  	_ =	shalt  }
0x4a: {  	_ =	shalt  }
0x4b: {  	_ =	shalt  }
0x4c: {  	_ =	shalt  }
0x4d: {  	_ =	shalt  }
0x4e: {  	_ =	shalt  }
0x4f: {  	_ =	shalt  }
0x50: {  	_ =	shalt  }
0x51: {  	_ =	shalt  }
0x52: {  	_ =	shalt  }
0x53: {  	_ =	shalt  }
0x54: {  	_ =	shalt  }
0x55: {  	_ =	shalt  }
0x56: {  	_ =	shalt  }
0x57: {  	_ =	shalt  }
0x58: {  	_ =	shalt  }
0x59: {  	_ =	shalt  }
0x5a: {  	_ =	shalt  }
0x5b: {  	_ =	shalt  }
0x5c: {  	_ =	shalt  }
0x5d: {  	_ =	shalt  }
0x5e: {  	_ =	shalt  }
0x5f: {  	_ =	shalt  }
0x60: {  	_ =	shalt  }
0x61: {  	_ =	shalt  }
0x62: {  	_ =	shalt  }
0x63: {  	_ =	shalt  }
0x64: {  	_ =	shalt  }
0x65: {  	_ =	shalt  }
0x66: {  	_ =	shalt  }
0x67: {  	_ =	shalt  }
0x68: {  	_ =	shalt  }
0x69: {  	_ =	shalt  }
0x6a: {  	_ =	shalt  }
0x6b: {  	_ =	shalt  }
0x6c: {  	_ =	shalt  }
0x6d: {  	_ =	shalt  }
0x6e: {  	_ =	shalt  }
0x6f: {  	_ =	shalt  }
0x70: {  	_ =	shalt  }
0x71: {  	_ =	shalt  }
0x72: {  	_ =	shalt  }
0x73: {  	_ =	shalt  }
0x74: {  	_ =	shalt  }
0x75: {  	_ =	shalt  }
0x76: {  	_ =	shalt  }
0x77: {  	_ =	shalt  }
0x78: {  	_ =	shalt  }
0x79: {  	_ =	shalt  }
0x7a: {  	_ =	shalt  }
0x7b: {  	_ =	shalt  }
0x7c: {  	_ =	shalt  }
0x7d: {  	_ =	shalt  }
0x7e: {  	_ =	shalt  }
0x7f: {  	_ =	shalt  }
0x80: {  	_ =	shalt  }
0x81: {  	_ =	shalt  }
0x82: {  	_ =	shalt  }
0x83: {  	_ =	shalt  }
0x84: {  	_ =	shalt  }
0x85: {  	_ =	shalt  }
0x86: {  	_ =	shalt  }
0x87: {  	_ =	shalt  }
.Lfunc_end0:
.L_simem_size_0:
called_computation.1_lowered:
.L_overlay_start_0:
0x88: {  	s2 =	sld [smem:$0x3FD9]  }
0x89: {  	s3 =	sld [smem:$0x3FFE];
	_ =	sdelay $0x1  }
0x8a: {  	s1 =	srdreg.scid  }
0x8b: {  	s0 =	sand.u32 $0x1, s1  }
0x8c: {  	s16 =	sshll.u32 s0, $0xA;
	s2 =	sadd.s32 s3, s2  }
0x8d: {  	s2 =	sadd.s32 s2, s16  }
0x8e: {  	[smem:$0x3FBD] =	sst s2  }
0x8f: {  	_ = 	snop  }
0x90: {  	(tm) =	ssettm $0x1  }
0x91: {  	s17 =	sld [smem:$0x3FFB];
	_ =	sdelay $0x3  }
0x92: {  	_ =	strace s17  }
0x93: {  	s2 =	sld [smem:$0x3FFC];
	_ =	sdelay $0x3  }
0x94: {  	_ =	strace s2  }
0x95: {  	s2 =	sld [smem:$0x3FFD];
	_ =	sdelay $0x3  }
0x96: {  	_ =	strace s2  }
0x97: {  	_ =	strace $0x8FFFFFFF  }
0x98: {  	s18 =	sld [smem:$0x3FDB];
	_ =	sdelay $0x1  }
0x99: {  	s19 =	simm.s32 $_scs_section_size  }
0x9a: {  	s4 =	simm.s32 $_size__tile_overlayer_lowered;
	s5 =	simm.s32 $_tile_overlayer_lowered  }
0x9b: {  	s22 =	simm.s32 $0x1BFF;
	s21 =	sshll.u32 s5, $0x1;
	s2 =	sadd.s32 s19, s18  }
0x9c: {  	s6 =	simm.s32 $0x0;
	s20 =	sshll.u32 s4, $0x1;
	s4 =	sadd.s32 s21, s2  }
0x9d: {  	[timem:s6], [sflag:s22] =	dma.local [hbm:s4], s20  }
0x9e: {  	_ =	swait.ge [sflag:s22], s20  }
0x9f: {  	s3 =	ssub.s32 $0x0, s20;
	[sflag:s22] =	ssyncset.done $0x0  }
0xa0: {  	[sflag:s22] =	ssyncadd.s32 s3;
	_ =	sdelay $0x1  }
0xa1: {  	s23 =	simm.s32 $0x1B8B  }
0xa2: {  	_ =	swait.ge [sflag:s23], $0x1  }
0xa3: {  	[sflag:s23] =	ssyncset.done $0x0  }
0xa4: {  	s25 =	simm.s32 $0x1B8E;
	s24 =	sld [smem:$0x3FFE];
	[sflag:s23] =	ssyncadd.s32 $0xFFFFFFFF  }
0xa5: {  	s26 =	simm.s32 $execute0_lowered;
	[smem:$0x3FD2] =	sst s25  }
0xa6: {  	s4 =	sshll.u32 s26, $0x1;
	_ =	strace $0x80000049;
	[dreg:$0x1] =	wrdreg $0xFFFFFFFF  }
0xa7: {  	s28 =	simm.s32 $_size_execute0_lowered;
	s2 =	sadd.s32 s2, s4;
	[dreg:$0x0] =	wrdreg $0x0  }
0xa8: {  	s4 =	sshll.u32 s28, $0x1;
	[dreg:$0x2] =	wrdreg s2  }
0xa9: {  	[dreg:$0x3] =	wrdreg s4  }
0xaa: {  	[dreg:$0x4] =	wrdreg $0xC0  }
0xab: {  	_ =	task [dreg:s6], $0x5FFFF  }
0xac: {  	[dreg:$0x1] =	wrdreg $0xFFFFFFFF  }
0xad: {  	[dreg:$0x0] =	wrdreg $0x60  }
0xae: {  	[dreg:$0x2] =	wrdreg s24  }
0xaf: {  	[dreg:$0x3] =	wrdreg $0x0  }
0xb0: {  	[dreg:$0x4] =	wrdreg $0x9  }
0xb1: {  	_ =	task.clear_ibuf [dreg:s6], $0x5FFFF;
	_ =	strace $0x90000049  }
0xb2: {  	s29 =	simm.s32 $0x9;
	_ =	strace $0x8000004B  }
0xb3: {  	_ =	swait.ge [sflag:s29], $0x1  }
0xb4: {  	[sflag:s29] =	ssyncadd.s32 $0xFFFFFFFF  }
0xb5: {  	_ =	strace $0x9000004B  }
0xb6: {  	_ =	sfence  }
0xb7: {  	s30 =	sld [smem:$0x0];
	_ =	sdelay $0x2  }
0xb8: {  	s31 =	sshll.u32 s1, $0xD;
	s1 =	sshrl.u32 s1, $0x2  }
0xb9: {  	s3 =	sand.u32 $0x4000, s31;
	s1 =	sadd.s32 s1, s30  }
0xba: {  	s0 =	sor.u32 s3, s0;
	s1 =	sshll.u32 s1, $0x11  }
0xbb: {  	s0 =	sor.u32 s1, s0  }
0xbc: {  	s0 =	sadd.s32 $0x8F2B, s0  }
0xbd: {  	[sflag:s0] =	ssyncadd.remote.s32 $0x1  }
0xbe: {  	_ =	sfence.sel $0xFFFF  }
0xbf: {  	[dreg:$0x0] =	wrdreg $0xFFFFFFFF;
	(pc) =	sbr.abs _section_cstart, $3  }
0xc0: {  	[dreg:$0x1] =	wrdreg $0xFFFFFFFF  }
0xc1: {  	_ =	task.clear_ibuf [dreg:s6], $0x2FFFF;
	_ =	strace $0x9FFFFFFF  }
0xc2: {  	(tm) =	ssettm $0x7FFFFFFF  }
0xc3: {  	_ =	shalt  }
tec
execute0_lowered:
.L_overlay_start_1:
0x0: {  	(tag) =	ssettag $0x1  }
0x1: {  	s0 =	rddreg [dreg:$0x0]  }
0x2: {  	s2 =	rddreg [dreg:$0x1]  }
0x3: {  	s1 =	srdreg.scid;
	s11 =	stileid.u32;
	s3 =	simm.s32 $0x0  }
0x4: {  	s18 =	simm.s32 $0x5080;
	s19 =	simm.s32 $0x3;
	s20 =	simm.s32 $0x1880  }
0x5: {  	s21 =	simm.s32 $0x3480;
	s22 =	simm.s32 $0xE00;
	s23 =	simm.s32 $0x2680  }
0x6: {  	s28 =	simm.s32 $0x2;
	s29 =	simm.s32 $0x0;
	s1 =	sand.u32 $0x1, s1  }
0x7: {  	s7 =	smul.u32 $0x1880, s11;
	[smem:$0x7FF] =	sst s3;
	s5 =	sadd.s32 $0x1C0E00, s0  }
0x8: {  	s4 =	sadd.s32 $0x32C00, s0;
	s6 =	smul.u32 $0x18800, s1;
	_ =	strace $0x8000004A  }
0x9: {  	s8 =	sshll.u32 s1, $0x4;
	s24 =	ssub.s32 $0x2, s1;
	s1 =	smul.u32 $0xC4000, s1  }
0xa: {  	s8 =	sor.u32 s11, s8;
	s25 =	sshrl.u32 s24, $0x1;
	s11 =	smul.u32 $0xC400, s11  }
0xb: {  	s9 =	sadd.s32 s7, s6;
	s6 =	sadd.s32 $0x1C00, s0;
	s10 =	smul.u32 $0xC400, s8  }
0xc: {  	s7 =	sadd.s32 s7, s2;
	s12 =	ssub.s32 s24, s25;
	s24 =	simm.s32 $0x4280  }
0xd: {  	s25 =	simm.s32 $0x5E80;
	s9 =	sshrl.u32 s9, $0x3;
	s26 =	sadd.s32 $0xE00, s7  }
0xe: {  	s1 =	sadd.s32 s11, s1;
	s12 =	smax.u32 s12, $0x1;
	s0 =	sadd.s32 s9, s0  }
0xf: {  	[dreg:$0x3] =	wrdreg s26;
	s13 =	sshrl.u32 s10, $0x3;
	s14 =	sadd.s32 $0xE00, s1  }
0x10: {  	s15 =	sadd.s32 $0x1C00, s1;
	s26 =	simm.s32 $0x1;
	s30 =	sadd.s32 s5, s13  }
0x11: {  	s10 =	sadd.s32 s6, s13;
	s11 =	sadd.s32 $0x35E00, s0;
	s31 =	sadd.s32 $0x16C0, s13  }
0x12: {  	s17 =	sshrl.u32 s14, $0x3;
	[dreg:$0x4] =	wrdreg s30;
	s13 =	sadd.s32 s5, s31  }
0x13: {  	v0 =	vimm.f32 $0.0e+00;
	s14 =	sadd.s32 s6, s31;
	s16 =	sadd.s32 s17, s6;
	s17 =	sadd.s32 s17, s5  }
.LBB2_1:
0x14: {  	s0 =	simm.s32 $0x40;
	s1 =	simm.s32 $0x0  }
.LBB2_2:
0x15: {  	p0 =	sne.s32 s0, $0x37C0;
	[tilespmem:s1+$0x5080] =	vst v0;
	s1 =	smov.u32 s0;
	s0 =	sadd.s32 $0x40, s0  }
.Ltmp0:
0x16: {  	(pc) =	sbr.rel @p0 .LBB2_2-.Ltmp0, $2  }
0x17: {  	_ =	sdelay $0x2  }
0x18: {  	s1 =	sshra.s32 s1, $0x2  }
0x19: {  	[tilespmem:s1+$0x5080] =	vst v0  }
0x1a: {  	[spmem:s7] =	stream.linear.scatter [tilespmem:s18], [sflag:$0x3], $0xE00, $0x38;
	[tilespmem:$0x6C80] =	vst v63  }
0x1b: {  	_ =	swait.ge [sflag:s19], $0xE00  }
0x1c: {  	[sflag:s19] =	ssyncset.done $0x0  }
0x1d: {  	s0 =	rddreg [dreg:$0x3];
	[sflag:s19] =	ssyncadd.s32 $0xFFFFF200  }
0x1e: {  	[spmem:s0] =	stream.linear.scatter [tilespmem:s18], [sflag:$0x3], $0xA80, $0x38;
	[tilespmem:$0x6C80] =	vst v63  }
0x1f: {  	_ =	swait.ge [sflag:s19], $0xA80  }
0x20: {  	[sflag:s19] =	ssyncset.done $0x0  }
0x21: {  	[sflag:s19] =	ssyncadd.s32 $0xFFFFF580  }
0x22: {  	[bflag:$0x0] =	sbarrier.arrive $0xFFFF  }
0x23: {  	s9 =	simm.s32 $0x0;
	s8 =	rddreg [dreg:$0x4]  }
0x24: {  	[tilespmem:s20], [sflag:$0x3] =	stream.linear.gather [hbm4b:s8+s9], $0xE00, $0x38;
	[tilespmem:$0x6C80] =	vst v63  }
0x25: {  	_ =	swait.ge [sflag:s19], $0xE00  }
0x26: {  	[sflag:s19] =	ssyncset.done $0x0  }
0x27: {  	[sflag:s19] =	ssyncadd.s32 $0xFFFFF200  }
0x28: {  	[tilespmem:s21], [sflag:$0x3] =	stream.linear.gather [hbm4b:s10+s9], $0xE00, $0x38;
	[tilespmem:$0x6C80] =	vst v63  }
0x29: {  	_ =	swait.ge [sflag:s19], $0xE00  }
0x2a: {  	[sflag:s19] =	ssyncset.done $0x0  }
0x2b: {  	[sflag:s19] =	ssyncadd.s32 $0xFFFFF200  }
0x2c: {  	[tilespmem:s18], [sflag:$0x1] =	stream.indirect.gather [hbm4b:s4+s22], $0x1, s20, s22, $0xb8;
	[tilespmem:$0x6C80] =	vst v63  }
0x2d: {  	s9 =	sadd.s32 $0x0, s17  }
0x2e: {  	[tilespmem:s23], [sflag:$0x3] =	stream.linear.gather [hbm4b:s9+s3], $0xE00, $0x38;
	[tilespmem:$0x6C80] =	vst v63  }
0x2f: {  	_ =	swait.ge [sflag:s19], $0xE00  }
0x30: {  	[sflag:s19] =	ssyncset.done $0x0  }
0x31: {  	s1 =	sadd.s32 $0x0, s16;
	[sflag:s19] =	ssyncadd.s32 $0xFFFFF200  }
0x32: {  	[tilespmem:s24], [sflag:$0x3] =	stream.linear.gather [hbm4b:s1+s3], $0xE00, $0x38;
	[tilespmem:$0x6C80] =	vst v63  }
0x33: {  	_ =	swait.ge [sflag:s19], $0xE00  }
0x34: {  	[sflag:s19] =	ssyncset.done $0x0  }
0x35: {  	[sflag:s19] =	ssyncadd.s32 $0xFFFFF200  }
0x36: {  	[tilespmem:s25], [sflag:$0x2] =	stream.indirect.gather [hbm4b:s4+s22], $0x1, s23, s22, $0xb8;
	[tilespmem:$0x6C80] =	vst v63  }
0x37: {  	_ =	swait.ge [sflag:s26], $0xE00  }
0x38: {  	[sflag:s26] =	ssyncset.done $0x0  }
0x39: {  	[sflag:s26] =	ssyncadd.s32 $0xFFFFF200  }
0x3a: {  	[spmem:s2] =	stream.indirect.scatter.add.f32 [tilespmem:s18], [sflag:$0x3], $0x1, s21, s22, $0xb8;
	[tilespmem:$0x6C80] =	vst v63  }
0x3b: {  	_ =	swait.ge [sflag:s19], $0xE00  }
0x3c: {  	s8 =	sshrl.u32 s15, $0x3;
	[sflag:s19] =	ssyncset.done $0x0  }
0x3d: {  	s9 =	sadd.s32 s5, s8;
	[sflag:s19] =	ssyncadd.s32 $0xFFFFF200  }
0x3e: {  	[tilespmem:s20], [sflag:$0x3] =	stream.linear.gather [hbm4b:s9+s3], $0xE00, $0x38;
	[tilespmem:$0x6C80] =	vst v63  }
0x3f: {  	_ =	swait.ge [sflag:s19], $0xE00  }
0x40: {  	[sflag:s19] =	ssyncset.done $0x0  }
0x41: {  	s0 =	sadd.s32 s6, s8;
	[sflag:s19] =	ssyncadd.s32 $0xFFFFF200  }
0x42: {  	[tilespmem:s21], [sflag:$0x3] =	stream.linear.gather [hbm4b:s0+s3], $0xE00, $0x38;
	[tilespmem:$0x6C80] =	vst v63  }
0x43: {  	_ =	swait.ge [sflag:s19], $0xE00  }
0x44: {  	[sflag:s19] =	ssyncset.done $0x0  }
0x45: {  	[sflag:s19] =	ssyncadd.s32 $0xFFFFF200  }
0x46: {  	[tilespmem:s18], [sflag:$0x1] =	stream.indirect.gather [hbm4b:s4+s22], $0x1, s20, s22, $0xb8;
	[tilespmem:$0x6C80] =	vst v63  }
0x47: {  	_ =	swait.ge [sflag:s28], $0xE00  }
0x48: {  	[sflag:s28] =	ssyncset.done $0x0  }
0x49: {  	[sflag:s28] =	ssyncadd.s32 $0xFFFFF200  }
0x4a: {  	[spmem:s2] =	stream.indirect.scatter.add.f32 [tilespmem:s25], [sflag:$0x3], $0x1, s24, s22, $0xb8;
	[tilespmem:$0x6C80] =	vst v63  }
0x4b: {  	s31 =	simm.s32 $0x380;
	_ =	swait.ge [sflag:s19], $0xE00  }
0x4c: {  	s30 =	sadd.s32 $0x1C00, s15;
	s0 =	simm.s32 $0x700;
	[sflag:s19] =	ssyncset.done $0x0  }
.LBB2_4:
0x4d: {  	s8 =	sadd.s32 s31, s17  }
0x4e: {  	[sflag:s19] =	ssyncadd.s32 $0xFFFFF200;
	s9 =	smov.u32 s0;
	s1 =	sadd.s32 $0x380, s0  }
0x4f: {  	[tilespmem:s23], [sflag:$0x3] =	stream.linear.gather [hbm4b:s8+s3], $0xE00, $0x38;
	[tilespmem:$0x6C80] =	vst v63  }
0x50: {  	p0 =	sne.s32 s0, $0x1180;
	_ =	swait.ge [sflag:s19], $0xE00  }
0x51: {  	[sflag:s19] =	ssyncset.done $0x0  }
0x52: {  	s0 =	sadd.s32 s31, s16;
	s31 =	smov.u32 s9;
	[sflag:s19] =	ssyncadd.s32 $0xFFFFF200  }
0x53: {  	[tilespmem:s24], [sflag:$0x3] =	stream.linear.gather [hbm4b:s0+s3], $0xE00, $0x38;
	[tilespmem:$0x6C80] =	vst v63  }
0x54: {  	_ =	swait.ge [sflag:s19], $0xE00  }
0x55: {  	[sflag:s19] =	ssyncset.done $0x0  }
0x56: {  	[sflag:s19] =	ssyncadd.s32 $0xFFFFF200  }
0x57: {  	[tilespmem:s25], [sflag:$0x2] =	stream.indirect.gather [hbm4b:s4+s22], $0x1, s23, s22, $0xb8;
	[tilespmem:$0x6C80] =	vst v63  }
0x58: {  	_ =	swait.ge [sflag:s26], $0xE00  }
0x59: {  	[sflag:s26] =	ssyncset.done $0x0  }
0x5a: {  	[sflag:s26] =	ssyncadd.s32 $0xFFFFF200  }
0x5b: {  	[spmem:s2] =	stream.indirect.scatter.add.f32 [tilespmem:s18], [sflag:$0x3], $0x1, s21, s22, $0xb8;
	[tilespmem:$0x6C80] =	vst v63  }
0x5c: {  	_ =	swait.ge [sflag:s19], $0xE00  }
0x5d: {  	s0 =	sshrl.u32 s30, $0x3;
	[sflag:s19] =	ssyncset.done $0x0  }
0x5e: {  	s8 =	sadd.s32 s5, s0;
	[sflag:s19] =	ssyncadd.s32 $0xFFFFF200  }
0x5f: {  	[tilespmem:s20], [sflag:$0x3] =	stream.linear.gather [hbm4b:s8+s3], $0xE00, $0x38;
	[tilespmem:$0x6C80] =	vst v63  }
0x60: {  	_ =	swait.ge [sflag:s19], $0xE00  }
0x61: {  	[sflag:s19] =	ssyncset.done $0x0  }
0x62: {  	s0 =	sadd.s32 s6, s0;
	[sflag:s19] =	ssyncadd.s32 $0xFFFFF200  }
0x63: {  	[tilespmem:s21], [sflag:$0x3] =	stream.linear.gather [hbm4b:s0+s3], $0xE00, $0x38;
	[tilespmem:$0x6C80] =	vst v63  }
0x64: {  	_ =	swait.ge [sflag:s19], $0xE00  }
0x65: {  	[sflag:s19] =	ssyncset.done $0x0  }
0x66: {  	[sflag:s19] =	ssyncadd.s32 $0xFFFFF200  }
0x67: {  	[tilespmem:s18], [sflag:$0x1] =	stream.indirect.gather [hbm4b:s4+s22], $0x1, s20, s22, $0xb8;
	[tilespmem:$0x6C80] =	vst v63  }
0x68: {  	_ =	swait.ge [sflag:s28], $0xE00  }
.Ltmp1:
0x69: {  	[sflag:s28] =	ssyncset.done $0x0;
	(pc) =	sbr.rel @p0 .LBB2_4-.Ltmp1, $4  }
0x6a: {  	[sflag:s28] =	ssyncadd.s32 $0xFFFFF200  }
0x6b: {  	[spmem:s2] =	stream.indirect.scatter.add.f32 [tilespmem:s25], [sflag:$0x3], $0x1, s24, s22, $0xb8;
	[tilespmem:$0x6C80] =	vst v63  }
0x6c: {  	_ =	swait.ge [sflag:s19], $0xE00  }
0x6d: {  	s30 =	sadd.s32 $0x1C00, s30;
	s0 =	smov.u32 s1;
	[sflag:s19] =	ssyncset.done $0x0  }
0x6e: {  	s0 =	sadd.s32 s31, s17;
	[sflag:s19] =	ssyncadd.s32 $0xFFFFF200  }
0x6f: {  	[tilespmem:s23], [sflag:$0x3] =	stream.linear.gather [hbm4b:s0+s3], $0xE00, $0x38;
	[tilespmem:$0x6C80] =	vst v63  }
0x70: {  	_ =	swait.ge [sflag:s19], $0xE00  }
0x71: {  	[sflag:s19] =	ssyncset.done $0x0  }
0x72: {  	s8 =	sadd.s32 s31, s16;
	[sflag:s19] =	ssyncadd.s32 $0xFFFFF200  }
0x73: {  	[tilespmem:s24], [sflag:$0x3] =	stream.linear.gather [hbm4b:s8+s3], $0xE00, $0x38;
	[tilespmem:$0x6C80] =	vst v63  }
0x74: {  	_ =	swait.ge [sflag:s19], $0xE00  }
0x75: {  	[sflag:s19] =	ssyncset.done $0x0  }
0x76: {  	[sflag:s19] =	ssyncadd.s32 $0xFFFFF200  }
0x77: {  	[tilespmem:s25], [sflag:$0x2] =	stream.indirect.gather [hbm4b:s4+s22], $0x1, s23, s22, $0xb8;
	[tilespmem:$0x6C80] =	vst v63  }
0x78: {  	_ =	swait.ge [sflag:s26], $0xE00  }
0x79: {  	[sflag:s26] =	ssyncset.done $0x0  }
0x7a: {  	[sflag:s26] =	ssyncadd.s32 $0xFFFFF200  }
0x7b: {  	[spmem:s2] =	stream.indirect.scatter.add.f32 [tilespmem:s18], [sflag:$0x3], $0x1, s21, s22, $0xb8;
	[tilespmem:$0x6C80] =	vst v63  }
0x7c: {  	_ =	swait.ge [sflag:s19], $0xE00  }
0x7d: {  	s9 =	sshrl.u32 s30, $0x3;
	[sflag:s19] =	ssyncset.done $0x0  }
0x7e: {  	s1 =	sadd.s32 s5, s9;
	[sflag:s19] =	ssyncadd.s32 $0xFFFFF200  }
0x7f: {  	[tilespmem:s20], [sflag:$0x3] =	stream.linear.gather [hbm4b:s1+s3], $0xE00, $0x38;
	[tilespmem:$0x6C80] =	vst v63  }
0x80: {  	_ =	swait.ge [sflag:s19], $0xE00  }
0x81: {  	[sflag:s19] =	ssyncset.done $0x0  }
0x82: {  	s0 =	sadd.s32 s6, s9;
	[sflag:s19] =	ssyncadd.s32 $0xFFFFF200  }
0x83: {  	[tilespmem:s21], [sflag:$0x3] =	stream.linear.gather [hbm4b:s0+s3], $0xE00, $0x38;
	[tilespmem:$0x6C80] =	vst v63  }
0x84: {  	_ =	swait.ge [sflag:s19], $0xE00  }
0x85: {  	[sflag:s19] =	ssyncset.done $0x0  }
0x86: {  	[sflag:s19] =	ssyncadd.s32 $0xFFFFF200  }
0x87: {  	[tilespmem:s18], [sflag:$0x1] =	stream.indirect.gather [hbm4b:s4+s22], $0x1, s20, s22, $0xb8;
	[tilespmem:$0x6C80] =	vst v63  }
0x88: {  	_ =	swait.ge [sflag:s28], $0xE00  }
0x89: {  	[sflag:s28] =	ssyncset.done $0x0  }
0x8a: {  	[sflag:s28] =	ssyncadd.s32 $0xFFFFF200  }
0x8b: {  	[spmem:s2] =	stream.indirect.scatter.add.f32 [tilespmem:s25], [sflag:$0x3], $0x1, s24, s22, $0xb8;
	[tilespmem:$0x6C80] =	vst v63  }
0x8c: {  	_ =	swait.ge [sflag:s19], $0xE00  }
0x8d: {  	[sflag:s19] =	ssyncset.done $0x0  }
0x8e: {  	[sflag:s19] =	ssyncadd.s32 $0xFFFFF200  }
0x8f: {  	[tilespmem:s23], [sflag:$0x3] =	stream.linear.gather [hbm4b:s13+s3], $0xE00, $0x38;
	[tilespmem:$0x6C80] =	vst v63  }
0x90: {  	_ =	swait.ge [sflag:s19], $0xE00  }
0x91: {  	[sflag:s19] =	ssyncset.done $0x0  }
0x92: {  	[sflag:s19] =	ssyncadd.s32 $0xFFFFF200  }
0x93: {  	[tilespmem:s24], [sflag:$0x3] =	stream.linear.gather [hbm4b:s14+s3], $0xE00, $0x38;
	[tilespmem:$0x6C80] =	vst v63  }
0x94: {  	_ =	swait.ge [sflag:s19], $0xE00  }
0x95: {  	[sflag:s19] =	ssyncset.done $0x0  }
0x96: {  	[sflag:s19] =	ssyncadd.s32 $0xFFFFF200  }
0x97: {  	[tilespmem:s25], [sflag:$0x2] =	stream.indirect.gather [hbm4b:s4+s22], $0x1, s23, s22, $0xb8;
	[tilespmem:$0x6C80] =	vst v63  }
0x98: {  	_ =	swait.ge [sflag:s26], $0xE00  }
0x99: {  	[sflag:s26] =	ssyncset.done $0x0  }
0x9a: {  	[sflag:s26] =	ssyncadd.s32 $0xFFFFF200  }
0x9b: {  	[spmem:s2] =	stream.indirect.scatter.add.f32 [tilespmem:s18], [sflag:$0x3], $0x1, s21, s22, $0xb8;
	[tilespmem:$0x6C80] =	vst v63  }
0x9c: {  	_ =	swait.ge [sflag:s19], $0xE00  }
0x9d: {  	[sflag:s19] =	ssyncset.done $0x0  }
0x9e: {  	[sflag:s19] =	ssyncadd.s32 $0xFFFFF200  }
0x9f: {  	_ =	swait.ge [sflag:s28], $0xE00  }
0xa0: {  	[sflag:s28] =	ssyncset.done $0x0  }
0xa1: {  	[sflag:s28] =	ssyncadd.s32 $0xFFFFF200  }
0xa2: {  	[spmem:s2] =	stream.indirect.scatter.add.f32 [tilespmem:s25], [sflag:$0x3], $0x1, s24, s22, $0xb8;
	[tilespmem:$0x6C80] =	vst v63  }
0xa3: {  	s30 =	stileid.u32;
	_ =	swait.ge [sflag:s19], $0xE00  }
0xa4: {  	s31 =	sshrl.u32 s7, $0x3;
	s29 =	sadd.s32 $0x1, s29;
	[sflag:s19] =	ssyncset.done $0x0  }
0xa5: {  	p0 =	sne.s32 s29, s12;
	s0 =	sshll.u32 s30, $0x6;
	[sflag:s19] =	ssyncadd.s32 $0xFFFFF200  }
.Ltmp2:
0xa6: {  	s0 =	sor.u32 $0x1C03, s0;
	[bflag:$0x0] =	sbarrier.arrive $0xFFFF;
	(pc) =	sbr.rel @p0 .LBB2_1-.Ltmp2, $4  }
0xa7: {  	[hbm:s11], [sflag:s0] =	dma.local [spmem:s31], $0x310  }
0xa8: {  	_ =	swait.ge [sflag:s19], $0x310  }
0xa9: {  	[sflag:s19] =	ssyncset.done $0x0  }
0xaa: {  	[sflag:s19] =	ssyncadd.s32 $0xFFFFFCF0  }
0xab: {  	_ =	sfence.sel $0x180000  }
0xac: {  	[bflag:$0x0] =	sbarrier.arrive $0xFFFF  }
0xad: {  	_ =	strace $0x9000004A  }
0xae: {  	s0 =	stileid.u32;
	[bflag:$0x2] =	sbarrier.arrive $0xFFFF  }
0xaf: {  	p0 =	sne.s32 s0, $0x0;
	s0 =	rddreg [dreg:$0x2]  }
0xb0: {  	s0 =	sadd.s32 @!p0 $0x100000, s0  }
0xb1: {  	[sflag:s0] =	ssyncadd.tile.s32 @!p0 $0x1;
	_ =	shalt  }
.Lfunc_end2:
_tile_overlayer_lowered:
.L_overlay_start_2:
0xb2: {  	(tag) =	ssettag $0x2  }
0xb3: {  	s0 =	rddreg [dreg:$0x0];
	s2 =	stileid.u32  }
0xb4: {  	s1 =	rddreg [dreg:$0x1];
	p0 =	sne.s32 s2, $0x0  }
0xb5: {  	s3 =	rddreg [dreg:$0x2];
	[bflag:$0x3] =	sbarrier.arrive $0xFFFF;
	s2 =	simm.s32 @!p0 $0x1C03  }
0xb6: {  	[timem:s3], [sflag:s2] =	dma.local @!p0 [hbm:s0], s1  }
0xb7: {  	s0 =	simm.s32 @!p0 $0x3  }
0xb8: {  	_ =	swait.ge @!p0 [sflag:s0], s1  }
0xb9: {  	s1 =	ssub.s32 @!p0 $0x0, s1;
	[sflag:s0] =	ssyncset.done @!p0 $0x0  }
0xba: {  	[sflag:s0] =	ssyncadd.s32 @!p0 s1  }
0xbb: {  	[bflag:$0x3] =	sbarrier.arrive $0xFFFF  }
0xbc: {  	_ =	shalt  }

// kernel: kernel.18.cloned.1.call-start
scs
__scs_entry_jumppad:
0x0: {  	(pc) =	sbr.rel $0x88, $3  }
0x1: {  	(tag) =	ssettag $0x0;
	lr =	simm.s32 $0x1  }
0x2: {  	[smem:$0x3F96] =	sst lr;
	_ =	strace $0xD0000000  }
0x3: {  	_ = 	snop  }
0x4: {  	_ = 	snop  }
0x5: {  	_ = 	snop  }
0x6: {  	_ = 	snop  }
0x7: {  	_ = 	snop  }
__scs_overlays_trampoline_lowered:
0x8: {  	[smem:$0x3FA5] =	sst s0  }
0x9: {  	[smem:$0x3FA6] =	sst s1  }
0xa: {  	[smem:$0x3FA7] =	sst s2  }
0xb: {  	[smem:$0x3FA8] =	sst s3  }
0xc: {  	[smem:$0x3FA9] =	sst s4  }
0xd: {  	[smem:$0x3FAA] =	sst s5  }
0xe: {  	[smem:$0x3FAB] =	sst s6  }
0xf: {  	[smem:$0x3FAC] =	sst s7  }
0x10: {  	[smem:$0x3FAD] =	sst s8  }
0x11: {  	[smem:$0x3FAE] =	sst s9;
	s0 =	simm.s32 @!p0 $0x0  }
0x12: {  	s1 =	sld [smem:$0x3F94];
	s0 =	simm.s32 @p0 $0x1  }
0x13: {  	[smem:$0x3FAF] =	sst s0;
	s0 =	simm.s32 @!p1 $0x0  }
0x14: {  	s2 =	sld [smem:$0x3F93];
	s0 =	simm.s32 @p1 $0x1  }
0x15: {  	[smem:$0x3FB0] =	sst s0;
	s0 =	simm.s32 @!p2 $0x0  }
0x16: {  	s3 =	sld [smem:$0x3FDB];
	s0 =	simm.s32 @p2 $0x1  }
0x17: {  	s4 =	simm.s32 $0x1BF5;
	[smem:$0x3FB2] =	sst s0  }
0x18: {  	s0 =	sld [smem:$0x3F95];
	_ =	swait.ge [sflag:s4], $0x0  }
0x19: {  	s7 =	sld [smem:$0x3F96]  }
0x1a: {  	s8 =	sadd.s32 $0xFFFFE003, lr  }
0x1b: {  	s9 =	sadd.s32 $0xFFFFFEF7, lr;
	s5 =	simm.s32 $0xFFFFFFFF;
	p2 =	slt.u32 s8, $0xFFFFF086  }
0x1c: {  	p1 =	slt.u32 s9, $0xF7A;
	s5 =	simm.s32 @!p2 $0x0  }
0x1d: {  	s5 =	simm.s32 @p1 $0x1;
	p0 =	seq.s32 s7, s2  }
0x1e: {  	s7 =	smul.u32 @!p0 $0xF7A, s2;
	p2 =	seq.s32 @!p0 s5, $0x0  }
0x1f: {  	s9 =	smul.u32 $0xF7A, s1;
	s8 =	simm.s32 @!p0 $0x1BF5;
	p2 =	por !p2, p0  }
0x20: {  	[sflag:s8] =	ssyncset.s32 @!p0 $0xFFFFF086;
	s6 =	sadd.s32 @!p0 s3, s7;
	s7 =	simm.s32 @!p0 $0x108  }
0x21: {  	s3 =	sadd.s32 s3, s9;
	s6 =	sadd.s32 @!p0 $0x88, s6;
	s7 =	simm.s32 @p2 $0x1082  }
0x22: {  	[simem:s7], [sflag:s8] =	dma.local @!p0 [hbm:s6], $0xF7A  }
0x23: {  	s9 =	sor.u32 $0xD0000000, s2;
	s6 =	simm.s32 $0x108;
	_ =	swait.ge @!p0 [sflag:s8], $0x0  }
0x24: {  	s3 =	sadd.s32 $0x88, s3;
	s6 =	simm.s32 @!p1 $0x1082;
	[sflag:s4] =	ssyncset.s32 $0xFFFFF086  }
0x25: {  	[simem:s6], [sflag:s4] =	dma.local [hbm:s3], $0xF7A  }
0x26: {  	[smem:$0x3F96] =	sst s1;
	(tag) =	ssettag s2;
	_ =	strace s9  }
0x27: {  	s1 =	sld [smem:$0x3FA6]  }
0x28: {  	s2 =	sld [smem:$0x3FA7]  }
0x29: {  	s4 =	sld [smem:$0x3FA9]  }
0x2a: {  	p0 =	seq.s32 s5, $0x0;
	s5 =	sld [smem:$0x3FAA]  }
0x2b: {  	s6 =	sld [smem:$0x3FAB]  }
0x2c: {  	s7 =	sld [smem:$0x3FAC]  }
0x2d: {  	s3 =	simm.s32 $0x108;
	s8 =	sld [smem:$0x3FAD]  }
0x2e: {  	s3 =	simm.s32 @!p0 $0x1082;
	s9 =	sld [smem:$0x3FAE]  }
0x2f: {  	lr =	sadd.s32 s0, s3;
	s0 =	sld [smem:$0x3FA5]  }
0x30: {  	s3 =	sld [smem:$0x3FA8]  }
0x31: {  	[smem:$0x3FB1] =	sst s10  }
0x32: {  	s10 =	sld [smem:$0x3FAF];
	_ =	sdelay $0x3  }
0x33: {  	p0 =	seq.s32 s10, $0x1;
	s10 =	sld [smem:$0x3FB1];
	_ =	sdelay $0x3  }
0x34: {  	[smem:$0x3FB1] =	sst s10  }
0x35: {  	s10 =	sld [smem:$0x3FB0];
	_ =	sdelay $0x3  }
0x36: {  	p1 =	seq.s32 s10, $0x1;
	s10 =	sld [smem:$0x3FB1];
	_ =	sdelay $0x3  }
0x37: {  	[smem:$0x3FB1] =	sst s10  }
0x38: {  	s10 =	sld [smem:$0x3FB2]  }
0x39: {  	_ = 	snop;
	(pc) =	sbr.ind lr, $3  }
0x3a: {  	_ = 	snop  }
0x3b: {  	_ = 	snop  }
0x3c: {  	p2 =	seq.s32 s10, $0x1;
	s10 =	sld [smem:$0x3FB1]  }
0x3d: {  	_ =	shalt  }
0x3e: {  	_ =	shalt  }
0x3f: {  	_ =	shalt  }
0x40: {  	_ =	shalt  }
0x41: {  	_ =	shalt  }
0x42: {  	_ =	shalt  }
0x43: {  	_ =	shalt  }
0x44: {  	_ =	shalt  }
0x45: {  	_ =	shalt  }
0x46: {  	_ =	shalt  }
0x47: {  	_ =	shalt  }
0x48: {  	_ =	shalt  }
0x49: {  	_ =	shalt  }
0x4a: {  	_ =	shalt  }
0x4b: {  	_ =	shalt  }
0x4c: {  	_ =	shalt  }
0x4d: {  	_ =	shalt  }
0x4e: {  	_ =	shalt  }
0x4f: {  	_ =	shalt  }
0x50: {  	_ =	shalt  }
0x51: {  	_ =	shalt  }
0x52: {  	_ =	shalt  }
0x53: {  	_ =	shalt  }
0x54: {  	_ =	shalt  }
0x55: {  	_ =	shalt  }
0x56: {  	_ =	shalt  }
0x57: {  	_ =	shalt  }
0x58: {  	_ =	shalt  }
0x59: {  	_ =	shalt  }
0x5a: {  	_ =	shalt  }
0x5b: {  	_ =	shalt  }
0x5c: {  	_ =	shalt  }
0x5d: {  	_ =	shalt  }
0x5e: {  	_ =	shalt  }
0x5f: {  	_ =	shalt  }
0x60: {  	_ =	shalt  }
0x61: {  	_ =	shalt  }
0x62: {  	_ =	shalt  }
0x63: {  	_ =	shalt  }
0x64: {  	_ =	shalt  }
0x65: {  	_ =	shalt  }
0x66: {  	_ =	shalt  }
0x67: {  	_ =	shalt  }
0x68: {  	_ =	shalt  }
0x69: {  	_ =	shalt  }
0x6a: {  	_ =	shalt  }
0x6b: {  	_ =	shalt  }
0x6c: {  	_ =	shalt  }
0x6d: {  	_ =	shalt  }
0x6e: {  	_ =	shalt  }
0x6f: {  	_ =	shalt  }
0x70: {  	_ =	shalt  }
0x71: {  	_ =	shalt  }
0x72: {  	_ =	shalt  }
0x73: {  	_ =	shalt  }
0x74: {  	_ =	shalt  }
0x75: {  	_ =	shalt  }
0x76: {  	_ =	shalt  }
0x77: {  	_ =	shalt  }
0x78: {  	_ =	shalt  }
0x79: {  	_ =	shalt  }
0x7a: {  	_ =	shalt  }
0x7b: {  	_ =	shalt  }
0x7c: {  	_ =	shalt  }
0x7d: {  	_ =	shalt  }
0x7e: {  	_ =	shalt  }
0x7f: {  	_ =	shalt  }
0x80: {  	_ =	shalt  }
0x81: {  	_ =	shalt  }
0x82: {  	_ =	shalt  }
0x83: {  	_ =	shalt  }
0x84: {  	_ =	shalt  }
0x85: {  	_ =	shalt  }
0x86: {  	_ =	shalt  }
0x87: {  	_ =	shalt  }
.Lfunc_end0:
.L_simem_size_0:
called_computation.2_lowered:
.L_overlay_start_0:
0x88: {  	s2 =	sld [smem:$0x3FD9]  }
0x89: {  	s3 =	sld [smem:$0x3FFE];
	_ =	sdelay $0x1  }
0x8a: {  	s1 =	srdreg.scid  }
0x8b: {  	s0 =	sand.u32 $0x1, s1  }
0x8c: {  	s16 =	sshll.u32 s0, $0xA;
	s2 =	sadd.s32 s3, s2  }
0x8d: {  	s2 =	sadd.s32 s2, s16  }
0x8e: {  	[smem:$0x3FBD] =	sst s2  }
0x8f: {  	_ = 	snop  }
0x90: {  	(tm) =	ssettm $0x1  }
0x91: {  	s17 =	sld [smem:$0x3FFB];
	_ =	sdelay $0x3  }
0x92: {  	_ =	strace s17  }
0x93: {  	s2 =	sld [smem:$0x3FFC];
	_ =	sdelay $0x3  }
0x94: {  	_ =	strace s2  }
0x95: {  	s2 =	sld [smem:$0x3FFD];
	_ =	sdelay $0x3  }
0x96: {  	_ =	strace s2  }
0x97: {  	_ =	strace $0x8FFFFFFF  }
0x98: {  	s18 =	sld [smem:$0x3FDB];
	_ =	sdelay $0x1  }
0x99: {  	s19 =	simm.s32 $_scs_section_size  }
0x9a: {  	s4 =	simm.s32 $_size__tile_overlayer_lowered;
	s5 =	simm.s32 $_tile_overlayer_lowered  }
0x9b: {  	s22 =	simm.s32 $0x1BFF;
	s21 =	sshll.u32 s5, $0x1;
	s2 =	sadd.s32 s19, s18  }
0x9c: {  	s6 =	simm.s32 $0x0;
	s20 =	sshll.u32 s4, $0x1;
	s4 =	sadd.s32 s21, s2  }
0x9d: {  	[timem:s6], [sflag:s22] =	dma.local [hbm:s4], s20  }
0x9e: {  	_ =	swait.ge [sflag:s22], s20  }
0x9f: {  	s3 =	ssub.s32 $0x0, s20;
	[sflag:s22] =	ssyncset.done $0x0  }
0xa0: {  	[sflag:s22] =	ssyncadd.s32 s3;
	_ =	sdelay $0x1  }
0xa1: {  	s23 =	simm.s32 $0x1B8B  }
0xa2: {  	_ =	swait.ge [sflag:s23], $0x1  }
0xa3: {  	[sflag:s23] =	ssyncset.done $0x0  }
0xa4: {  	s25 =	simm.s32 $0x1B8E;
	s24 =	sld [smem:$0x3FFE];
	[sflag:s23] =	ssyncadd.s32 $0xFFFFFFFF  }
0xa5: {  	s26 =	simm.s32 $execute0_lowered;
	[smem:$0x3FD2] =	sst s25  }
0xa6: {  	s4 =	sshll.u32 s26, $0x1;
	_ =	strace $0x8000004C;
	[dreg:$0x1] =	wrdreg $0xFFFFFFFF  }
0xa7: {  	s28 =	simm.s32 $_size_execute0_lowered;
	s2 =	sadd.s32 s2, s4;
	[dreg:$0x0] =	wrdreg $0x0  }
0xa8: {  	s4 =	sshll.u32 s28, $0x1;
	[dreg:$0x2] =	wrdreg s2  }
0xa9: {  	[dreg:$0x3] =	wrdreg s4  }
0xaa: {  	[dreg:$0x4] =	wrdreg $0xC0  }
0xab: {  	_ =	task [dreg:s6], $0x5FFFF  }
0xac: {  	[dreg:$0x1] =	wrdreg $0xFFFFFFFF  }
0xad: {  	[dreg:$0x0] =	wrdreg $0x60  }
0xae: {  	[dreg:$0x2] =	wrdreg s24  }
0xaf: {  	[dreg:$0x3] =	wrdreg $0x0  }
0xb0: {  	[dreg:$0x4] =	wrdreg $0x9  }
0xb1: {  	_ =	task.clear_ibuf [dreg:s6], $0x5FFFF;
	_ =	strace $0x9000004C  }
0xb2: {  	s29 =	simm.s32 $0x9;
	_ =	strace $0x8000004E  }
0xb3: {  	_ =	swait.ge [sflag:s29], $0x1  }
0xb4: {  	[sflag:s29] =	ssyncadd.s32 $0xFFFFFFFF  }
0xb5: {  	_ =	strace $0x9000004E  }
0xb6: {  	_ =	sfence  }
0xb7: {  	s30 =	sld [smem:$0x0];
	_ =	sdelay $0x2  }
0xb8: {  	s31 =	sshll.u32 s1, $0xD;
	s1 =	sshrl.u32 s1, $0x2  }
0xb9: {  	s3 =	sand.u32 $0x4000, s31;
	s1 =	sadd.s32 s1, s30  }
0xba: {  	s0 =	sor.u32 s3, s0;
	s1 =	sshll.u32 s1, $0x11  }
0xbb: {  	s0 =	sor.u32 s1, s0  }
0xbc: {  	s0 =	sadd.s32 $0x8F2B, s0  }
0xbd: {  	[sflag:s0] =	ssyncadd.remote.s32 $0x1  }
0xbe: {  	_ =	sfence.sel $0xFFFF  }
0xbf: {  	[dreg:$0x0] =	wrdreg $0xFFFFFFFF;
	(pc) =	sbr.abs _section_cstart, $3  }
0xc0: {  	[dreg:$0x1] =	wrdreg $0xFFFFFFFF  }
0xc1: {  	_ =	task.clear_ibuf [dreg:s6], $0x2FFFF;
	_ =	strace $0x9FFFFFFF  }
0xc2: {  	(tm) =	ssettm $0x7FFFFFFF  }
0xc3: {  	_ =	shalt  }
tec
execute0_lowered:
.L_overlay_start_1:
0x0: {  	(tag) =	ssettag $0x1  }
0x1: {  	s0 =	rddreg [dreg:$0x0]  }
0x2: {  	s1 =	rddreg [dreg:$0x1];
	s2 =	simm.s32 $0x0;
	s3 =	srdreg.scid  }
0x3: {  	s17 =	stileid.u32;
	[smem:$0x7FF] =	sst s2  }
0x4: {  	s4 =	sadd.s32 $0x689E00, s0;
	s6 =	sadd.s32 $0x3C000, s0;
	s3 =	sand.u32 $0x1, s3  }
0x5: {  	s7 =	smul.u32 $0x62000, s17;
	s8 =	sadd.s32 $0x1C00, s0;
	s0 =	sadd.s32 $0x74DE00, s0  }
0x6: {  	s10 =	smul.u32 $0x18800, s17;
	_ =	strace $0x8000004D;
	s5 =	ssub.s32 $0x2, s3  }
0x7: {  	s30 =	smul.u32 $0x310000, s3;
	s14 =	sshll.u32 s3, $0x5;
	s3 =	sshllo.u32 s3, $0x1  }
0x8: {  	s9 =	sshrl.u32 s5, $0x1;
	s11 =	sshrl.u32 s7, $0x2;
	s14 =	sor.u32 s14, s7  }
0x9: {  	s21 =	sadd.s32 $0x18600, s10;
	s9 =	ssub.s32 s5, s9;
	s5 =	sadd.s32 s11, s1  }
0xa: {  	s19 =	sshrl.u32 s14, $0x3;
	s25 =	sadd.s32 s30, s21;
	s26 =	sadd.s32 $0x2000, s5  }
0xb: {  	s28 =	sadd.s32 $0x4000, s5;
	s12 =	sadd.s32 $0x6000, s5;
	s15 =	sadd.s32 $0x8000, s5  }
0xc: {  	s16 =	sadd.s32 $0xA000, s5;
	s29 =	sshrl.u32 s25, $0x3;
	[dreg:$0x3] =	wrdreg s12  }
0xd: {  	s25 =	sadd.s32 $0x10000, s5;
	s31 =	sadd.s32 $0x16000, s5;
	[dreg:$0x4] =	wrdreg s15  }
0xe: {  	[dreg:$0x5] =	wrdreg s16;
	s12 =	sadd.s32 s10, s30;
	s16 =	smul.u32 $0x188000, s3  }
0xf: {  	s15 =	sshrl.u32 s10, $0x3;
	s3 =	sshll.u32 s3, $0x4;
	s30 =	smul.u32 $0x3100, s17  }
0x10: {  	s17 =	sadd.s32 $0xC000, s5;
	[dreg:$0x11] =	wrdreg s25;
	s25 =	simm.s32 $0x1B000  }
0x11: {  	s13 =	sshrl.u32 s12, $0x3;
	s18 =	sadd.s32 s8, s15;
	s3 =	sor.u32 s7, s3  }
0x12: {  	s7 =	sshrl.u32 s21, $0x3;
	s14 =	sadd.s32 $0x188400, s12;
	s15 =	sadd.s32 $0x188200, s12  }
0x13: {  	[dreg:$0xe] =	wrdreg s17;
	s17 =	simm.s32 $0x18E00;
	s13 =	sadd.s32 s6, s13  }
0x14: {  	[dreg:$0x7] =	wrdreg s18;
	s20 =	sadd.s32 s10, s16;
	s3 =	sshrl.u32 s3, $0x3  }
0x15: {  	s23 =	sadd.s32 s16, s21;
	s10 =	sor.u32 $0x400, s12;
	s16 =	sshrl.u32 s15, $0x3  }
0x16: {  	s18 =	smax.u32 s9, $0x1;
	s15 =	simm.s32 $0x200;
	[dreg:$0x6] =	wrdreg s13  }
0x17: {  	s13 =	sadd.s32 s0, s19;
	s0 =	sadd.s32 s0, s3;
	s24 =	sshrl.u32 s23, $0x3  }
0x18: {  	s19 =	sadd.s32 s30, s8;
	s11 =	sshrl.u32 s10, $0x3;
	[dreg:$0xf] =	wrdreg s18  }
0x19: {  	s3 =	sshrl.u32 s14, $0x3;
	s23 =	sadd.s32 s16, s6;
	[dreg:$0x8] =	wrdreg s13  }
0x1a: {  	s30 =	sadd.s32 $0x14000, s5;
	s14 =	simm.s32 $0x18C00;
	[dreg:$0xa] =	wrdreg s0  }
0x1b: {  	s16 =	simm.s32 $0x18A00;
	s0 =	sadd.s32 s6, s24;
	[dreg:$0x13] =	wrdreg s30  }
0x1c: {  	s13 =	sshrl.u32 s20, $0x3;
	s24 =	sadd.s32 $0xE000, s5;
	[dreg:$0xb] =	wrdreg s0  }
0x1d: {  	s20 =	sadd.s32 s11, s6;
	s22 =	sadd.s32 s6, s13;
	[dreg:$0x10] =	wrdreg s24  }
0x1e: {  	s11 =	simm.s32 $0x3;
	s0 =	sadd.s32 s6, s29;
	[dreg:$0x9] =	wrdreg s22  }
0x1f: {  	s13 =	sor.u32 $0x200, s12;
	s29 =	sadd.s32 $0x12000, s5;
	[dreg:$0xc] =	wrdreg s0  }
0x20: {  	s0 =	sadd.s32 s8, s7;
	s22 =	sadd.s32 s3, s6;
	[dreg:$0x12] =	wrdreg s29  }
0x21: {  	s3 =	simm.s32 $0x19000;
	s7 =	simm.s32 $0x2;
	s8 =	simm.s32 $0x0  }
0x22: {  	[dreg:$0xd] =	wrdreg s0;
	s0 =	sshrl.u32 s13, $0x3;
	s13 =	simm.s32 $0x18800  }
0x23: {  	v0 =	vimm.f32 $0.0e+00;
	s21 =	sadd.s32 s0, s6;
	s0 =	sadd.s32 $0x18000, s5;
	s6 =	simm.s32 $0x1  }
.LBB2_1:
0x24: {  	s9 =	simm.s32 $0x40;
	s10 =	simm.s32 $0x0  }
.LBB2_2:
0x25: {  	p0 =	sne.s32 s9, $0x7FC0;
	[tilespmem:s10+$0x19000] =	vst v0;
	s10 =	smov.u32 s9;
	s9 =	sadd.s32 $0x40, s9  }
.Ltmp0:
0x26: {  	(pc) =	sbr.rel @p0 .LBB2_2-.Ltmp0, $2  }
0x27: {  	_ =	sdelay $0x2  }
0x28: {  	s10 =	sshra.s32 s10, $0x2  }
0x29: {  	[tilespmem:s10+$0x19000] =	vst v0  }
0x2a: {  	[spmem:s5] =	stream.linear.scatter [tilespmem:s3], [sflag:$0x3], $0x2000, $0x38;
	[tilespmem:$0x1D000] =	vst v63  }
0x2b: {  	_ =	swait.ge [sflag:s11], $0x2000  }
0x2c: {  	[sflag:s11] =	ssyncset.done $0x0  }
0x2d: {  	[sflag:s11] =	ssyncadd.s32 $0xFFFFE000  }
0x2e: {  	[spmem:s26] =	stream.linear.scatter [tilespmem:s3], [sflag:$0x3], $0x2000, $0x38;
	[tilespmem:$0x1D000] =	vst v63  }
0x2f: {  	_ =	swait.ge [sflag:s11], $0x2000  }
0x30: {  	[sflag:s11] =	ssyncset.done $0x0  }
0x31: {  	[sflag:s11] =	ssyncadd.s32 $0xFFFFE000  }
0x32: {  	[spmem:s28] =	stream.linear.scatter [tilespmem:s3], [sflag:$0x3], $0x2000, $0x38;
	[tilespmem:$0x1D000] =	vst v63  }
0x33: {  	_ =	swait.ge [sflag:s11], $0x2000  }
0x34: {  	[sflag:s11] =	ssyncset.done $0x0  }
0x35: {  	s9 =	rddreg [dreg:$0x3];
	[sflag:s11] =	ssyncadd.s32 $0xFFFFE000  }
0x36: {  	[spmem:s9] =	stream.linear.scatter [tilespmem:s3], [sflag:$0x3], $0x2000, $0x38;
	[tilespmem:$0x1D000] =	vst v63  }
0x37: {  	_ =	swait.ge [sflag:s11], $0x2000  }
0x38: {  	[sflag:s11] =	ssyncset.done $0x0  }
0x39: {  	s24 =	rddreg [dreg:$0x4];
	[sflag:s11] =	ssyncadd.s32 $0xFFFFE000  }
0x3a: {  	[spmem:s24] =	stream.linear.scatter [tilespmem:s3], [sflag:$0x3], $0x2000, $0x38;
	[tilespmem:$0x1D000] =	vst v63  }
0x3b: {  	_ =	swait.ge [sflag:s11], $0x2000  }
0x3c: {  	[sflag:s11] =	ssyncset.done $0x0  }
0x3d: {  	s29 =	rddreg [dreg:$0x5];
	[sflag:s11] =	ssyncadd.s32 $0xFFFFE000  }
0x3e: {  	[spmem:s29] =	stream.linear.scatter [tilespmem:s3], [sflag:$0x3], $0x2000, $0x38;
	[tilespmem:$0x1D000] =	vst v63  }
0x3f: {  	_ =	swait.ge [sflag:s11], $0x2000  }
0x40: {  	[sflag:s11] =	ssyncset.done $0x0  }
0x41: {  	s30 =	rddreg [dreg:$0xe];
	[sflag:s11] =	ssyncadd.s32 $0xFFFFE000  }
0x42: {  	[spmem:s30] =	stream.linear.scatter [tilespmem:s3], [sflag:$0x3], $0x2000, $0x38;
	[tilespmem:$0x1D000] =	vst v63  }
0x43: {  	_ =	swait.ge [sflag:s11], $0x2000  }
0x44: {  	[sflag:s11] =	ssyncset.done $0x0  }
0x45: {  	s10 =	rddreg [dreg:$0x10];
	[sflag:s11] =	ssyncadd.s32 $0xFFFFE000  }
0x46: {  	[spmem:s10] =	stream.linear.scatter [tilespmem:s3], [sflag:$0x3], $0x2000, $0x38;
	[tilespmem:$0x1D000] =	vst v63  }
0x47: {  	_ =	swait.ge [sflag:s11], $0x2000  }
0x48: {  	[sflag:s11] =	ssyncset.done $0x0  }
0x49: {  	s12 =	rddreg [dreg:$0x11];
	[sflag:s11] =	ssyncadd.s32 $0xFFFFE000  }
0x4a: {  	[spmem:s12] =	stream.linear.scatter [tilespmem:s3], [sflag:$0x3], $0x2000, $0x38;
	[tilespmem:$0x1D000] =	vst v63  }
0x4b: {  	_ =	swait.ge [sflag:s11], $0x2000  }
0x4c: {  	[sflag:s11] =	ssyncset.done $0x0  }
0x4d: {  	s18 =	rddreg [dreg:$0x12];
	[sflag:s11] =	ssyncadd.s32 $0xFFFFE000  }
0x4e: {  	[spmem:s18] =	stream.linear.scatter [tilespmem:s3], [sflag:$0x3], $0x2000, $0x38;
	[tilespmem:$0x1D000] =	vst v63  }
0x4f: {  	_ =	swait.ge [sflag:s11], $0x2000  }
0x50: {  	[sflag:s11] =	ssyncset.done $0x0  }
0x51: {  	s24 =	rddreg [dreg:$0x13];
	[sflag:s11] =	ssyncadd.s32 $0xFFFFE000  }
0x52: {  	[spmem:s24] =	stream.linear.scatter [tilespmem:s3], [sflag:$0x3], $0x2000, $0x38;
	[tilespmem:$0x1D000] =	vst v63  }
0x53: {  	_ =	swait.ge [sflag:s11], $0x2000  }
0x54: {  	[sflag:s11] =	ssyncset.done $0x0  }
0x55: {  	[sflag:s11] =	ssyncadd.s32 $0xFFFFE000  }
0x56: {  	[spmem:s31] =	stream.linear.scatter [tilespmem:s3], [sflag:$0x3], $0x2000, $0x38;
	[tilespmem:$0x1D000] =	vst v63  }
0x57: {  	_ =	swait.ge [sflag:s11], $0x2000  }
0x58: {  	[sflag:s11] =	ssyncset.done $0x0  }
0x59: {  	[sflag:s11] =	ssyncadd.s32 $0xFFFFE000  }
0x5a: {  	[spmem:s0] =	stream.linear.scatter [tilespmem:s3], [sflag:$0x3], $0x800, $0x38;
	[tilespmem:$0x1D000] =	vst v63  }
0x5b: {  	_ =	swait.ge [sflag:s11], $0x800  }
0x5c: {  	[sflag:s11] =	ssyncset.done $0x0  }
0x5d: {  	[sflag:s11] =	ssyncadd.s32 $0xFFFFF800  }
0x5e: {  	[bflag:$0x0] =	sbarrier.arrive $0xFFFF  }
0x5f: {  	s29 =	simm.s32 $0x0;
	s30 =	rddreg [dreg:$0x6]  }
0x60: {  	[tilespmem:s13], [sflag:$0x3] =	stream.linear.gather [hbm4b:s30+s29], $0x200, $0x38;
	[tilespmem:$0x1D000] =	vst v63  }
0x61: {  	_ =	swait.ge [sflag:s11], $0x200  }
0x62: {  	[sflag:s11] =	ssyncset.done $0x0  }
0x63: {  	s12 =	rddreg [dreg:$0x7];
	[sflag:s11] =	ssyncadd.s32 $0xFFFFFE00  }
0x64: {  	[tilespmem:s14], [sflag:$0x3] =	stream.linear.gather [hbm4b:s12+s29], $0x200, $0x38;
	[tilespmem:$0x1D000] =	vst v63  }
0x65: {  	_ =	swait.ge [sflag:s11], $0x200  }
0x66: {  	[sflag:s11] =	ssyncset.done $0x0  }
0x67: {  	[sflag:s11] =	ssyncadd.s32 $0xFFFFFE00  }
0x68: {  	[tilespmem:s3], [sflag:$0x1] =	stream.indirect.gather [hbm4b:s4+s15], $0x10, s13, s15, $0xb8;
	[tilespmem:$0x1D000] =	vst v63  }
0x69: {  	s18 =	sadd.s32 $0x0, s21  }
0x6a: {  	[tilespmem:s16], [sflag:$0x3] =	stream.linear.gather [hbm4b:s18+s2], $0x200, $0x38;
	[tilespmem:$0x1D000] =	vst v63  }
0x6b: {  	_ =	swait.ge [sflag:s11], $0x200  }
0x6c: {  	s24 =	sadd.s32 $0x0, s19;
	[sflag:s11] =	ssyncset.done $0x0  }
0x6d: {  	s29 =	sadd.s32 $0x40, s24;
	[sflag:s11] =	ssyncadd.s32 $0xFFFFFE00  }
0x6e: {  	[tilespmem:s17], [sflag:$0x3] =	stream.linear.gather [hbm4b:s29+s2], $0x200, $0x38;
	[tilespmem:$0x1D000] =	vst v63  }
0x6f: {  	_ =	swait.ge [sflag:s11], $0x200  }
0x70: {  	[sflag:s11] =	ssyncset.done $0x0  }
0x71: {  	[sflag:s11] =	ssyncadd.s32 $0xFFFFFE00  }
0x72: {  	[tilespmem:s25], [sflag:$0x2] =	stream.indirect.gather [hbm4b:s4+s15], $0x10, s16, s15, $0xb8;
	[tilespmem:$0x1D000] =	vst v63  }
0x73: {  	_ =	swait.ge [sflag:s6], $0x2000  }
0x74: {  	[sflag:s6] =	ssyncset.done $0x0  }
0x75: {  	[sflag:s6] =	ssyncadd.s32 $0xFFFFE000  }
0x76: {  	[spmem:s1] =	stream.indirect.scatter.add.f32 [tilespmem:s3], [sflag:$0x3], $0x10, s14, s15, $0xb8;
	[tilespmem:$0x1D000] =	vst v63  }
0x77: {  	_ =	swait.ge [sflag:s11], $0x2000  }
0x78: {  	[sflag:s11] =	ssyncset.done $0x0  }
0x79: {  	s30 =	sadd.s32 $0x0, s20;
	[sflag:s11] =	ssyncadd.s32 $0xFFFFE000  }
0x7a: {  	[tilespmem:s13], [sflag:$0x3] =	stream.linear.gather [hbm4b:s30+s2], $0x200, $0x38;
	[tilespmem:$0x1D000] =	vst v63  }
0x7b: {  	_ =	swait.ge [sflag:s11], $0x200  }
0x7c: {  	[sflag:s11] =	ssyncset.done $0x0  }
0x7d: {  	s9 =	sadd.s32 $0x80, s24;
	[sflag:s11] =	ssyncadd.s32 $0xFFFFFE00  }
0x7e: {  	[tilespmem:s14], [sflag:$0x3] =	stream.linear.gather [hbm4b:s9+s2], $0x200, $0x38;
	[tilespmem:$0x1D000] =	vst v63  }
0x7f: {  	_ =	swait.ge [sflag:s11], $0x200  }
0x80: {  	[sflag:s11] =	ssyncset.done $0x0  }
0x81: {  	[sflag:s11] =	ssyncadd.s32 $0xFFFFFE00  }
0x82: {  	[tilespmem:s3], [sflag:$0x1] =	stream.indirect.gather [hbm4b:s4+s15], $0x10, s13, s15, $0xb8;
	[tilespmem:$0x1D000] =	vst v63  }
0x83: {  	_ =	swait.ge [sflag:s7], $0x2000  }
0x84: {  	[sflag:s7] =	ssyncset.done $0x0  }
0x85: {  	[sflag:s7] =	ssyncadd.s32 $0xFFFFE000  }
0x86: {  	[spmem:s1] =	stream.indirect.scatter.add.f32 [tilespmem:s25], [sflag:$0x3], $0x10, s17, s15, $0xb8;
	[tilespmem:$0x1D000] =	vst v63  }
0x87: {  	_ =	swait.ge [sflag:s11], $0x2000  }
0x88: {  	s12 =	simm.s32 $0x100;
	s9 =	simm.s32 $0x80;
	[sflag:s11] =	ssyncset.done $0x0  }
.LBB2_4:
0x89: {  	s18 =	sadd.s32 s9, s21  }
0x8a: {  	[sflag:s11] =	ssyncadd.s32 $0xFFFFE000;
	s24 =	smov.u32 s12;
	s10 =	sadd.s32 $0x80, s12  }
0x8b: {  	[tilespmem:s16], [sflag:$0x3] =	stream.linear.gather [hbm4b:s18+s2], $0x200, $0x38;
	[tilespmem:$0x1D000] =	vst v63  }
0x8c: {  	p0 =	sne.s32 s12, $0x3000;
	_ =	swait.ge [sflag:s11], $0x200  }
0x8d: {  	s12 =	sadd.s32 s9, s19;
	[sflag:s11] =	ssyncset.done $0x0  }
0x8e: {  	s18 =	sadd.s32 $0x40, s12;
	[sflag:s11] =	ssyncadd.s32 $0xFFFFFE00  }
0x8f: {  	[tilespmem:s17], [sflag:$0x3] =	stream.linear.gather [hbm4b:s18+s2], $0x200, $0x38;
	[tilespmem:$0x1D000] =	vst v63  }
0x90: {  	_ =	swait.ge [sflag:s11], $0x200  }
0x91: {  	[sflag:s11] =	ssyncset.done $0x0  }
0x92: {  	[sflag:s11] =	ssyncadd.s32 $0xFFFFFE00  }
0x93: {  	[tilespmem:s25], [sflag:$0x2] =	stream.indirect.gather [hbm4b:s4+s15], $0x10, s16, s15, $0xb8;
	[tilespmem:$0x1D000] =	vst v63  }
0x94: {  	_ =	swait.ge [sflag:s6], $0x2000  }
0x95: {  	[sflag:s6] =	ssyncset.done $0x0  }
0x96: {  	[sflag:s6] =	ssyncadd.s32 $0xFFFFE000  }
0x97: {  	[spmem:s1] =	stream.indirect.scatter.add.f32 [tilespmem:s3], [sflag:$0x3], $0x10, s14, s15, $0xb8;
	[tilespmem:$0x1D000] =	vst v63  }
0x98: {  	_ =	swait.ge [sflag:s11], $0x2000  }
0x99: {  	[sflag:s11] =	ssyncset.done $0x0  }
0x9a: {  	s18 =	sadd.s32 s9, s20;
	s9 =	smov.u32 s24;
	[sflag:s11] =	ssyncadd.s32 $0xFFFFE000  }
0x9b: {  	[tilespmem:s13], [sflag:$0x3] =	stream.linear.gather [hbm4b:s18+s2], $0x200, $0x38;
	[tilespmem:$0x1D000] =	vst v63  }
0x9c: {  	_ =	swait.ge [sflag:s11], $0x200  }
0x9d: {  	[sflag:s11] =	ssyncset.done $0x0  }
0x9e: {  	s12 =	sadd.s32 $0x80, s12;
	[sflag:s11] =	ssyncadd.s32 $0xFFFFFE00  }
0x9f: {  	[tilespmem:s14], [sflag:$0x3] =	stream.linear.gather [hbm4b:s12+s2], $0x200, $0x38;
	[tilespmem:$0x1D000] =	vst v63  }
0xa0: {  	_ =	swait.ge [sflag:s11], $0x200  }
0xa1: {  	[sflag:s11] =	ssyncset.done $0x0  }
0xa2: {  	[sflag:s11] =	ssyncadd.s32 $0xFFFFFE00  }
0xa3: {  	[tilespmem:s3], [sflag:$0x1] =	stream.indirect.gather [hbm4b:s4+s15], $0x10, s13, s15, $0xb8;
	[tilespmem:$0x1D000] =	vst v63  }
0xa4: {  	_ =	swait.ge [sflag:s7], $0x2000  }
.Ltmp1:
0xa5: {  	[sflag:s7] =	ssyncset.done $0x0;
	(pc) =	sbr.rel @p0 .LBB2_4-.Ltmp1, $4  }
0xa6: {  	[sflag:s7] =	ssyncadd.s32 $0xFFFFE000  }
0xa7: {  	[spmem:s1] =	stream.indirect.scatter.add.f32 [tilespmem:s25], [sflag:$0x3], $0x10, s17, s15, $0xb8;
	[tilespmem:$0x1D000] =	vst v63  }
0xa8: {  	_ =	swait.ge [sflag:s11], $0x2000  }
0xa9: {  	s12 =	smov.u32 s10;
	[sflag:s11] =	ssyncset.done $0x0  }
0xaa: {  	s10 =	sadd.s32 s9, s21;
	[sflag:s11] =	ssyncadd.s32 $0xFFFFE000  }
0xab: {  	[tilespmem:s16], [sflag:$0x3] =	stream.linear.gather [hbm4b:s10+s2], $0x200, $0x38;
	[tilespmem:$0x1D000] =	vst v63  }
0xac: {  	_ =	swait.ge [sflag:s11], $0x200  }
0xad: {  	s29 =	sadd.s32 s9, s19;
	[sflag:s11] =	ssyncset.done $0x0  }
0xae: {  	s12 =	sadd.s32 $0x40, s29;
	[sflag:s11] =	ssyncadd.s32 $0xFFFFFE00  }
0xaf: {  	[tilespmem:s17], [sflag:$0x3] =	stream.linear.gather [hbm4b:s12+s2], $0x200, $0x38;
	[tilespmem:$0x1D000] =	vst v63  }
0xb0: {  	_ =	swait.ge [sflag:s11], $0x200  }
0xb1: {  	[sflag:s11] =	ssyncset.done $0x0  }
0xb2: {  	[sflag:s11] =	ssyncadd.s32 $0xFFFFFE00  }
0xb3: {  	[tilespmem:s25], [sflag:$0x2] =	stream.indirect.gather [hbm4b:s4+s15], $0x10, s16, s15, $0xb8;
	[tilespmem:$0x1D000] =	vst v63  }
0xb4: {  	_ =	swait.ge [sflag:s6], $0x2000  }
0xb5: {  	[sflag:s6] =	ssyncset.done $0x0  }
0xb6: {  	[sflag:s6] =	ssyncadd.s32 $0xFFFFE000  }
0xb7: {  	[spmem:s1] =	stream.indirect.scatter.add.f32 [tilespmem:s3], [sflag:$0x3], $0x10, s14, s15, $0xb8;
	[tilespmem:$0x1D000] =	vst v63  }
0xb8: {  	_ =	swait.ge [sflag:s11], $0x2000  }
0xb9: {  	[sflag:s11] =	ssyncset.done $0x0  }
0xba: {  	s30 =	sadd.s32 s9, s20;
	[sflag:s11] =	ssyncadd.s32 $0xFFFFE000  }
0xbb: {  	[tilespmem:s13], [sflag:$0x3] =	stream.linear.gather [hbm4b:s30+s2], $0x200, $0x38;
	[tilespmem:$0x1D000] =	vst v63  }
0xbc: {  	_ =	swait.ge [sflag:s11], $0x200  }
0xbd: {  	[sflag:s11] =	ssyncset.done $0x0  }
0xbe: {  	s10 =	sadd.s32 $0x80, s29;
	[sflag:s11] =	ssyncadd.s32 $0xFFFFFE00  }
0xbf: {  	[tilespmem:s14], [sflag:$0x3] =	stream.linear.gather [hbm4b:s10+s2], $0x200, $0x38;
	[tilespmem:$0x1D000] =	vst v63  }
0xc0: {  	_ =	swait.ge [sflag:s11], $0x200  }
0xc1: {  	[sflag:s11] =	ssyncset.done $0x0  }
0xc2: {  	[sflag:s11] =	ssyncadd.s32 $0xFFFFFE00  }
0xc3: {  	[tilespmem:s3], [sflag:$0x1] =	stream.indirect.gather [hbm4b:s4+s15], $0x10, s13, s15, $0xb8;
	[tilespmem:$0x1D000] =	vst v63  }
0xc4: {  	_ =	swait.ge [sflag:s7], $0x2000  }
0xc5: {  	[sflag:s7] =	ssyncset.done $0x0  }
0xc6: {  	[sflag:s7] =	ssyncadd.s32 $0xFFFFE000  }
0xc7: {  	[spmem:s1] =	stream.indirect.scatter.add.f32 [tilespmem:s25], [sflag:$0x3], $0x10, s17, s15, $0xb8;
	[tilespmem:$0x1D000] =	vst v63  }
0xc8: {  	_ =	swait.ge [sflag:s11], $0x2000  }
0xc9: {  	[sflag:s11] =	ssyncset.done $0x0  }
0xca: {  	s12 =	simm.s32 $0x0;
	s18 =	rddreg [dreg:$0xc];
	[sflag:s11] =	ssyncadd.s32 $0xFFFFE000  }
0xcb: {  	[tilespmem:s16], [sflag:$0x3] =	stream.linear.gather [hbm4b:s18+s12], $0x200, $0x38;
	[tilespmem:$0x1D000] =	vst v63  }
0xcc: {  	_ =	swait.ge [sflag:s11], $0x200  }
0xcd: {  	[sflag:s11] =	ssyncset.done $0x0  }
0xce: {  	s24 =	rddreg [dreg:$0xd];
	[sflag:s11] =	ssyncadd.s32 $0xFFFFFE00  }
0xcf: {  	[tilespmem:s17], [sflag:$0x3] =	stream.linear.gather [hbm4b:s24+s12], $0x200, $0x38;
	[tilespmem:$0x1D000] =	vst v63  }
0xd0: {  	_ =	swait.ge [sflag:s11], $0x200  }
0xd1: {  	[sflag:s11] =	ssyncset.done $0x0  }
0xd2: {  	[sflag:s11] =	ssyncadd.s32 $0xFFFFFE00  }
0xd3: {  	[tilespmem:s25], [sflag:$0x2] =	stream.indirect.gather [hbm4b:s4+s15], $0x10, s16, s15, $0xb8;
	[tilespmem:$0x1D000] =	vst v63  }
0xd4: {  	_ =	swait.ge [sflag:s6], $0x2000  }
0xd5: {  	[sflag:s6] =	ssyncset.done $0x0  }
0xd6: {  	[sflag:s6] =	ssyncadd.s32 $0xFFFFE000  }
0xd7: {  	[spmem:s1] =	stream.indirect.scatter.add.f32 [tilespmem:s3], [sflag:$0x3], $0x10, s14, s15, $0xb8;
	[tilespmem:$0x1D000] =	vst v63  }
0xd8: {  	_ =	swait.ge [sflag:s11], $0x2000  }
0xd9: {  	[sflag:s11] =	ssyncset.done $0x0  }
0xda: {  	[sflag:s11] =	ssyncadd.s32 $0xFFFFE000  }
0xdb: {  	_ =	swait.ge [sflag:s7], $0x2000  }
0xdc: {  	[sflag:s7] =	ssyncset.done $0x0  }
0xdd: {  	[sflag:s7] =	ssyncadd.s32 $0xFFFFE000  }
0xde: {  	[spmem:s1] =	stream.indirect.scatter.add.f32 [tilespmem:s25], [sflag:$0x3], $0x10, s17, s15, $0xb8;
	[tilespmem:$0x1D000] =	vst v63  }
0xdf: {  	_ =	swait.ge [sflag:s11], $0x2000  }
0xe0: {  	s29 =	stileid.u32;
	[sflag:s11] =	ssyncset.done $0x0  }
0xe1: {  	s9 =	sshll.u32 s29, $0x6;
	[sflag:s11] =	ssyncadd.s32 $0xFFFFE000  }
0xe2: {  	s9 =	sor.u32 $0x1C03, s9;
	[bflag:$0x0] =	sbarrier.arrive $0xFFFF  }
0xe3: {  	s10 =	sshrl.u32 s5, $0x3;
	s18 =	simm.s32 $0x8;
	s30 =	rddreg [dreg:$0x8]  }
0xe4: {  	[hbm:s30@s18], [sflag:s9] =	dma.strided [spmem:s10@s7], $0x3100, s6, $0x2   }
0xe5: {  	_ =	swait.ge [sflag:s11], $0x3100  }
0xe6: {  	[sflag:s11] =	ssyncset.done $0x0  }
0xe7: {  	[sflag:s11] =	ssyncadd.s32 $0xFFFFCF00  }
0xe8: {  	s12 =	simm.s32 $0x40;
	s18 =	simm.s32 $0x0;
	[bflag:$0x0] =	sbarrier.arrive $0xFFFF  }
.LBB2_6:
0xe9: {  	p0 =	sne.s32 s12, $0x7FC0;
	[tilespmem:s18+$0x19000] =	vst v0;
	s18 =	smov.u32 s12;
	s12 =	sadd.s32 $0x40, s12  }
.Ltmp2:
0xea: {  	(pc) =	sbr.rel @p0 .LBB2_6-.Ltmp2, $2  }
0xeb: {  	_ =	sdelay $0x2  }
0xec: {  	s18 =	sshra.s32 s18, $0x2  }
0xed: {  	[tilespmem:s18+$0x19000] =	vst v0  }
0xee: {  	[spmem:s5] =	stream.linear.scatter [tilespmem:s3], [sflag:$0x3], $0x2000, $0x38;
	[tilespmem:$0x1D000] =	vst v63  }
0xef: {  	_ =	swait.ge [sflag:s11], $0x2000  }
0xf0: {  	[sflag:s11] =	ssyncset.done $0x0  }
0xf1: {  	[sflag:s11] =	ssyncadd.s32 $0xFFFFE000  }
0xf2: {  	[spmem:s26] =	stream.linear.scatter [tilespmem:s3], [sflag:$0x3], $0x2000, $0x38;
	[tilespmem:$0x1D000] =	vst v63  }
0xf3: {  	_ =	swait.ge [sflag:s11], $0x2000  }
0xf4: {  	[sflag:s11] =	ssyncset.done $0x0  }
0xf5: {  	[sflag:s11] =	ssyncadd.s32 $0xFFFFE000  }
0xf6: {  	[spmem:s28] =	stream.linear.scatter [tilespmem:s3], [sflag:$0x3], $0x2000, $0x38;
	[tilespmem:$0x1D000] =	vst v63  }
0xf7: {  	_ =	swait.ge [sflag:s11], $0x2000  }
0xf8: {  	[sflag:s11] =	ssyncset.done $0x0  }
0xf9: {  	s12 =	rddreg [dreg:$0x3];
	[sflag:s11] =	ssyncadd.s32 $0xFFFFE000  }
0xfa: {  	[spmem:s12] =	stream.linear.scatter [tilespmem:s3], [sflag:$0x3], $0x2000, $0x38;
	[tilespmem:$0x1D000] =	vst v63  }
0xfb: {  	_ =	swait.ge [sflag:s11], $0x2000  }
0xfc: {  	[sflag:s11] =	ssyncset.done $0x0  }
0xfd: {  	s29 =	smov.u32 s26;
	s26 =	rddreg [dreg:$0x4];
	[sflag:s11] =	ssyncadd.s32 $0xFFFFE000  }
0xfe: {  	[spmem:s26] =	stream.linear.scatter [tilespmem:s3], [sflag:$0x3], $0x2000, $0x38;
	[tilespmem:$0x1D000] =	vst v63  }
0xff: {  	_ =	swait.ge [sflag:s11], $0x2000  }
0x100: {  	[sflag:s11] =	ssyncset.done $0x0  }
0x101: {  	s30 =	smov.u32 s28;
	s28 =	rddreg [dreg:$0x5];
	[sflag:s11] =	ssyncadd.s32 $0xFFFFE000  }
0x102: {  	[spmem:s28] =	stream.linear.scatter [tilespmem:s3], [sflag:$0x3], $0x2000, $0x38;
	[tilespmem:$0x1D000] =	vst v63  }
0x103: {  	_ =	swait.ge [sflag:s11], $0x2000  }
0x104: {  	[sflag:s11] =	ssyncset.done $0x0  }
0x105: {  	s18 =	rddreg [dreg:$0xe];
	[sflag:s11] =	ssyncadd.s32 $0xFFFFE000  }
0x106: {  	[spmem:s18] =	stream.linear.scatter [tilespmem:s3], [sflag:$0x3], $0x2000, $0x38;
	[tilespmem:$0x1D000] =	vst v63  }
0x107: {  	_ =	swait.ge [sflag:s11], $0x2000  }
0x108: {  	[sflag:s11] =	ssyncset.done $0x0  }
0x109: {  	s24 =	rddreg [dreg:$0x10];
	[sflag:s11] =	ssyncadd.s32 $0xFFFFE000  }
0x10a: {  	[spmem:s24] =	stream.linear.scatter [tilespmem:s3], [sflag:$0x3], $0x2000, $0x38;
	[tilespmem:$0x1D000] =	vst v63  }
0x10b: {  	_ =	swait.ge [sflag:s11], $0x2000  }
0x10c: {  	[sflag:s11] =	ssyncset.done $0x0  }
0x10d: {  	s26 =	rddreg [dreg:$0x11];
	[sflag:s11] =	ssyncadd.s32 $0xFFFFE000  }
0x10e: {  	[spmem:s26] =	stream.linear.scatter [tilespmem:s3], [sflag:$0x3], $0x2000, $0x38;
	[tilespmem:$0x1D000] =	vst v63  }
0x10f: {  	_ =	swait.ge [sflag:s11], $0x2000  }
0x110: {  	[sflag:s11] =	ssyncset.done $0x0  }
0x111: {  	s28 =	rddreg [dreg:$0x12];
	[sflag:s11] =	ssyncadd.s32 $0xFFFFE000  }
0x112: {  	[spmem:s28] =	stream.linear.scatter [tilespmem:s3], [sflag:$0x3], $0x2000, $0x38;
	[tilespmem:$0x1D000] =	vst v63  }
0x113: {  	_ =	swait.ge [sflag:s11], $0x2000  }
0x114: {  	[sflag:s11] =	ssyncset.done $0x0  }
0x115: {  	s18 =	rddreg [dreg:$0x13];
	[sflag:s11] =	ssyncadd.s32 $0xFFFFE000  }
0x116: {  	[spmem:s18] =	stream.linear.scatter [tilespmem:s3], [sflag:$0x3], $0x2000, $0x38;
	[tilespmem:$0x1D000] =	vst v63  }
0x117: {  	_ =	swait.ge [sflag:s11], $0x2000  }
0x118: {  	[sflag:s11] =	ssyncset.done $0x0  }
0x119: {  	[sflag:s11] =	ssyncadd.s32 $0xFFFFE000  }
0x11a: {  	[spmem:s31] =	stream.linear.scatter [tilespmem:s3], [sflag:$0x3], $0x2000, $0x38;
	[tilespmem:$0x1D000] =	vst v63  }
0x11b: {  	_ =	swait.ge [sflag:s11], $0x2000  }
0x11c: {  	[sflag:s11] =	ssyncset.done $0x0  }
0x11d: {  	[sflag:s11] =	ssyncadd.s32 $0xFFFFE000  }
0x11e: {  	[spmem:s0] =	stream.linear.scatter [tilespmem:s3], [sflag:$0x3], $0x800, $0x38;
	[tilespmem:$0x1D000] =	vst v63  }
0x11f: {  	_ =	swait.ge [sflag:s11], $0x800  }
0x120: {  	[sflag:s11] =	ssyncset.done $0x0  }
0x121: {  	[sflag:s11] =	ssyncadd.s32 $0xFFFFF800  }
0x122: {  	[bflag:$0x0] =	sbarrier.arrive $0xFFFF  }
0x123: {  	s24 =	simm.s32 $0x0;
	s26 =	rddreg [dreg:$0x9]  }
0x124: {  	[tilespmem:s13], [sflag:$0x3] =	stream.linear.gather [hbm4b:s26+s24], $0x200, $0x38;
	[tilespmem:$0x1D000] =	vst v63  }
0x125: {  	_ =	swait.ge [sflag:s11], $0x200  }
0x126: {  	[sflag:s11] =	ssyncset.done $0x0  }
0x127: {  	s28 =	rddreg [dreg:$0x7];
	[sflag:s11] =	ssyncadd.s32 $0xFFFFFE00  }
0x128: {  	[tilespmem:s14], [sflag:$0x3] =	stream.linear.gather [hbm4b:s28+s24], $0x200, $0x38;
	[tilespmem:$0x1D000] =	vst v63  }
0x129: {  	_ =	swait.ge [sflag:s11], $0x200  }
0x12a: {  	[sflag:s11] =	ssyncset.done $0x0  }
0x12b: {  	[sflag:s11] =	ssyncadd.s32 $0xFFFFFE00  }
0x12c: {  	[tilespmem:s3], [sflag:$0x1] =	stream.indirect.gather [hbm4b:s4+s15], $0x10, s13, s15, $0xb8;
	[tilespmem:$0x1D000] =	vst v63  }
0x12d: {  	s18 =	sadd.s32 $0x0, s23  }
0x12e: {  	[tilespmem:s16], [sflag:$0x3] =	stream.linear.gather [hbm4b:s18+s2], $0x200, $0x38;
	[tilespmem:$0x1D000] =	vst v63  }
0x12f: {  	_ =	swait.ge [sflag:s11], $0x200  }
0x130: {  	s24 =	sadd.s32 $0x0, s19;
	[sflag:s11] =	ssyncset.done $0x0  }
0x131: {  	s26 =	sadd.s32 $0x40, s24;
	[sflag:s11] =	ssyncadd.s32 $0xFFFFFE00  }
0x132: {  	[tilespmem:s17], [sflag:$0x3] =	stream.linear.gather [hbm4b:s26+s2], $0x200, $0x38;
	[tilespmem:$0x1D000] =	vst v63  }
0x133: {  	_ =	swait.ge [sflag:s11], $0x200  }
0x134: {  	[sflag:s11] =	ssyncset.done $0x0  }
0x135: {  	[sflag:s11] =	ssyncadd.s32 $0xFFFFFE00  }
0x136: {  	[tilespmem:s25], [sflag:$0x2] =	stream.indirect.gather [hbm4b:s4+s15], $0x10, s16, s15, $0xb8;
	[tilespmem:$0x1D000] =	vst v63  }
0x137: {  	_ =	swait.ge [sflag:s6], $0x2000  }
0x138: {  	[sflag:s6] =	ssyncset.done $0x0  }
0x139: {  	[sflag:s6] =	ssyncadd.s32 $0xFFFFE000  }
0x13a: {  	[spmem:s1] =	stream.indirect.scatter.add.f32 [tilespmem:s3], [sflag:$0x3], $0x10, s14, s15, $0xb8;
	[tilespmem:$0x1D000] =	vst v63  }
0x13b: {  	_ =	swait.ge [sflag:s11], $0x2000  }
0x13c: {  	[sflag:s11] =	ssyncset.done $0x0  }
0x13d: {  	s28 =	sadd.s32 $0x0, s22;
	[sflag:s11] =	ssyncadd.s32 $0xFFFFE000  }
0x13e: {  	[tilespmem:s13], [sflag:$0x3] =	stream.linear.gather [hbm4b:s28+s2], $0x200, $0x38;
	[tilespmem:$0x1D000] =	vst v63  }
0x13f: {  	_ =	swait.ge [sflag:s11], $0x200  }
0x140: {  	[sflag:s11] =	ssyncset.done $0x0  }
0x141: {  	s12 =	sadd.s32 $0x80, s24;
	[sflag:s11] =	ssyncadd.s32 $0xFFFFFE00  }
0x142: {  	[tilespmem:s14], [sflag:$0x3] =	stream.linear.gather [hbm4b:s12+s2], $0x200, $0x38;
	[tilespmem:$0x1D000] =	vst v63  }
0x143: {  	_ =	swait.ge [sflag:s11], $0x200  }
0x144: {  	[sflag:s11] =	ssyncset.done $0x0  }
0x145: {  	[sflag:s11] =	ssyncadd.s32 $0xFFFFFE00  }
0x146: {  	[tilespmem:s3], [sflag:$0x1] =	stream.indirect.gather [hbm4b:s4+s15], $0x10, s13, s15, $0xb8;
	[tilespmem:$0x1D000] =	vst v63  }
0x147: {  	_ =	swait.ge [sflag:s7], $0x2000  }
0x148: {  	[sflag:s7] =	ssyncset.done $0x0  }
0x149: {  	[sflag:s7] =	ssyncadd.s32 $0xFFFFE000  }
0x14a: {  	[spmem:s1] =	stream.indirect.scatter.add.f32 [tilespmem:s25], [sflag:$0x3], $0x10, s17, s15, $0xb8;
	[tilespmem:$0x1D000] =	vst v63  }
0x14b: {  	_ =	swait.ge [sflag:s11], $0x2000  }
0x14c: {  	s18 =	simm.s32 $0x100;
	s12 =	simm.s32 $0x80;
	[sflag:s11] =	ssyncset.done $0x0  }
.LBB2_8:
0x14d: {  	s26 =	sadd.s32 s12, s23  }
0x14e: {  	[sflag:s11] =	ssyncadd.s32 $0xFFFFE000;
	s28 =	smov.u32 s18;
	s24 =	sadd.s32 $0x80, s18  }
0x14f: {  	[tilespmem:s16], [sflag:$0x3] =	stream.linear.gather [hbm4b:s26+s2], $0x200, $0x38;
	[tilespmem:$0x1D000] =	vst v63  }
0x150: {  	p0 =	sne.s32 s18, $0x3000;
	_ =	swait.ge [sflag:s11], $0x200  }
0x151: {  	s18 =	sadd.s32 s12, s19;
	[sflag:s11] =	ssyncset.done $0x0  }
0x152: {  	s26 =	sadd.s32 $0x40, s18;
	[sflag:s11] =	ssyncadd.s32 $0xFFFFFE00  }
0x153: {  	[tilespmem:s17], [sflag:$0x3] =	stream.linear.gather [hbm4b:s26+s2], $0x200, $0x38;
	[tilespmem:$0x1D000] =	vst v63  }
0x154: {  	_ =	swait.ge [sflag:s11], $0x200  }
0x155: {  	[sflag:s11] =	ssyncset.done $0x0  }
0x156: {  	[sflag:s11] =	ssyncadd.s32 $0xFFFFFE00  }
0x157: {  	[tilespmem:s25], [sflag:$0x2] =	stream.indirect.gather [hbm4b:s4+s15], $0x10, s16, s15, $0xb8;
	[tilespmem:$0x1D000] =	vst v63  }
0x158: {  	_ =	swait.ge [sflag:s6], $0x2000  }
0x159: {  	[sflag:s6] =	ssyncset.done $0x0  }
0x15a: {  	[sflag:s6] =	ssyncadd.s32 $0xFFFFE000  }
0x15b: {  	[spmem:s1] =	stream.indirect.scatter.add.f32 [tilespmem:s3], [sflag:$0x3], $0x10, s14, s15, $0xb8;
	[tilespmem:$0x1D000] =	vst v63  }
0x15c: {  	_ =	swait.ge [sflag:s11], $0x2000  }
0x15d: {  	[sflag:s11] =	ssyncset.done $0x0  }
0x15e: {  	s26 =	sadd.s32 s12, s22;
	s12 =	smov.u32 s28;
	[sflag:s11] =	ssyncadd.s32 $0xFFFFE000  }
0x15f: {  	[tilespmem:s13], [sflag:$0x3] =	stream.linear.gather [hbm4b:s26+s2], $0x200, $0x38;
	[tilespmem:$0x1D000] =	vst v63  }
0x160: {  	_ =	swait.ge [sflag:s11], $0x200  }
0x161: {  	[sflag:s11] =	ssyncset.done $0x0  }
0x162: {  	s18 =	sadd.s32 $0x80, s18;
	[sflag:s11] =	ssyncadd.s32 $0xFFFFFE00  }
0x163: {  	[tilespmem:s14], [sflag:$0x3] =	stream.linear.gather [hbm4b:s18+s2], $0x200, $0x38;
	[tilespmem:$0x1D000] =	vst v63  }
0x164: {  	_ =	swait.ge [sflag:s11], $0x200  }
0x165: {  	[sflag:s11] =	ssyncset.done $0x0  }
0x166: {  	[sflag:s11] =	ssyncadd.s32 $0xFFFFFE00  }
0x167: {  	[tilespmem:s3], [sflag:$0x1] =	stream.indirect.gather [hbm4b:s4+s15], $0x10, s13, s15, $0xb8;
	[tilespmem:$0x1D000] =	vst v63  }
0x168: {  	_ =	swait.ge [sflag:s7], $0x2000  }
.Ltmp3:
0x169: {  	[sflag:s7] =	ssyncset.done $0x0;
	(pc) =	sbr.rel @p0 .LBB2_8-.Ltmp3, $4  }
0x16a: {  	[sflag:s7] =	ssyncadd.s32 $0xFFFFE000  }
0x16b: {  	[spmem:s1] =	stream.indirect.scatter.add.f32 [tilespmem:s25], [sflag:$0x3], $0x10, s17, s15, $0xb8;
	[tilespmem:$0x1D000] =	vst v63  }
0x16c: {  	_ =	swait.ge [sflag:s11], $0x2000  }
0x16d: {  	s18 =	smov.u32 s24;
	[sflag:s11] =	ssyncset.done $0x0  }
0x16e: {  	s18 =	sadd.s32 s12, s23;
	[sflag:s11] =	ssyncadd.s32 $0xFFFFE000  }
0x16f: {  	[tilespmem:s16], [sflag:$0x3] =	stream.linear.gather [hbm4b:s18+s2], $0x200, $0x38;
	[tilespmem:$0x1D000] =	vst v63  }
0x170: {  	_ =	swait.ge [sflag:s11], $0x200  }
0x171: {  	s18 =	sadd.s32 s12, s19;
	[sflag:s11] =	ssyncset.done $0x0  }
0x172: {  	s24 =	sadd.s32 $0x40, s18;
	[sflag:s11] =	ssyncadd.s32 $0xFFFFFE00  }
0x173: {  	[tilespmem:s17], [sflag:$0x3] =	stream.linear.gather [hbm4b:s24+s2], $0x200, $0x38;
	[tilespmem:$0x1D000] =	vst v63  }
0x174: {  	_ =	swait.ge [sflag:s11], $0x200  }
0x175: {  	[sflag:s11] =	ssyncset.done $0x0  }
0x176: {  	[sflag:s11] =	ssyncadd.s32 $0xFFFFFE00  }
0x177: {  	[tilespmem:s25], [sflag:$0x2] =	stream.indirect.gather [hbm4b:s4+s15], $0x10, s16, s15, $0xb8;
	[tilespmem:$0x1D000] =	vst v63  }
0x178: {  	_ =	swait.ge [sflag:s6], $0x2000  }
0x179: {  	[sflag:s6] =	ssyncset.done $0x0  }
0x17a: {  	[sflag:s6] =	ssyncadd.s32 $0xFFFFE000  }
0x17b: {  	[spmem:s1] =	stream.indirect.scatter.add.f32 [tilespmem:s3], [sflag:$0x3], $0x10, s14, s15, $0xb8;
	[tilespmem:$0x1D000] =	vst v63  }
0x17c: {  	_ =	swait.ge [sflag:s11], $0x2000  }
0x17d: {  	[sflag:s11] =	ssyncset.done $0x0  }
0x17e: {  	s26 =	sadd.s32 s12, s22;
	[sflag:s11] =	ssyncadd.s32 $0xFFFFE000  }
0x17f: {  	[tilespmem:s13], [sflag:$0x3] =	stream.linear.gather [hbm4b:s26+s2], $0x200, $0x38;
	[tilespmem:$0x1D000] =	vst v63  }
0x180: {  	_ =	swait.ge [sflag:s11], $0x200  }
0x181: {  	[sflag:s11] =	ssyncset.done $0x0  }
0x182: {  	s18 =	sadd.s32 $0x80, s18;
	[sflag:s11] =	ssyncadd.s32 $0xFFFFFE00  }
0x183: {  	[tilespmem:s14], [sflag:$0x3] =	stream.linear.gather [hbm4b:s18+s2], $0x200, $0x38;
	[tilespmem:$0x1D000] =	vst v63  }
0x184: {  	_ =	swait.ge [sflag:s11], $0x200  }
0x185: {  	[sflag:s11] =	ssyncset.done $0x0  }
0x186: {  	[sflag:s11] =	ssyncadd.s32 $0xFFFFFE00  }
0x187: {  	[tilespmem:s3], [sflag:$0x1] =	stream.indirect.gather [hbm4b:s4+s15], $0x10, s13, s15, $0xb8;
	[tilespmem:$0x1D000] =	vst v63  }
0x188: {  	_ =	swait.ge [sflag:s7], $0x2000  }
0x189: {  	[sflag:s7] =	ssyncset.done $0x0  }
0x18a: {  	[sflag:s7] =	ssyncadd.s32 $0xFFFFE000  }
0x18b: {  	[spmem:s1] =	stream.indirect.scatter.add.f32 [tilespmem:s25], [sflag:$0x3], $0x10, s17, s15, $0xb8;
	[tilespmem:$0x1D000] =	vst v63  }
0x18c: {  	_ =	swait.ge [sflag:s11], $0x2000  }
0x18d: {  	[sflag:s11] =	ssyncset.done $0x0  }
0x18e: {  	s24 =	rddreg [dreg:$0xb];
	[sflag:s11] =	ssyncadd.s32 $0xFFFFE000  }
0x18f: {  	[tilespmem:s16], [sflag:$0x3] =	stream.linear.gather [hbm4b:s24+s2], $0x200, $0x38;
	[tilespmem:$0x1D000] =	vst v63  }
0x190: {  	_ =	swait.ge [sflag:s11], $0x200  }
0x191: {  	[sflag:s11] =	ssyncset.done $0x0  }
0x192: {  	s26 =	rddreg [dreg:$0xd];
	[sflag:s11] =	ssyncadd.s32 $0xFFFFFE00  }
0x193: {  	[tilespmem:s17], [sflag:$0x3] =	stream.linear.gather [hbm4b:s26+s2], $0x200, $0x38;
	[tilespmem:$0x1D000] =	vst v63  }
0x194: {  	_ =	swait.ge [sflag:s11], $0x200  }
0x195: {  	[sflag:s11] =	ssyncset.done $0x0  }
0x196: {  	[sflag:s11] =	ssyncadd.s32 $0xFFFFFE00  }
0x197: {  	[tilespmem:s25], [sflag:$0x2] =	stream.indirect.gather [hbm4b:s4+s15], $0x10, s16, s15, $0xb8;
	[tilespmem:$0x1D000] =	vst v63  }
0x198: {  	_ =	swait.ge [sflag:s6], $0x2000  }
0x199: {  	[sflag:s6] =	ssyncset.done $0x0  }
0x19a: {  	[sflag:s6] =	ssyncadd.s32 $0xFFFFE000  }
0x19b: {  	[spmem:s1] =	stream.indirect.scatter.add.f32 [tilespmem:s3], [sflag:$0x3], $0x10, s14, s15, $0xb8;
	[tilespmem:$0x1D000] =	vst v63  }
0x19c: {  	_ =	swait.ge [sflag:s11], $0x2000  }
0x19d: {  	[sflag:s11] =	ssyncset.done $0x0  }
0x19e: {  	[sflag:s11] =	ssyncadd.s32 $0xFFFFE000  }
0x19f: {  	_ =	swait.ge [sflag:s7], $0x2000  }
0x1a0: {  	[sflag:s7] =	ssyncset.done $0x0  }
0x1a1: {  	[sflag:s7] =	ssyncadd.s32 $0xFFFFE000  }
0x1a2: {  	[spmem:s1] =	stream.indirect.scatter.add.f32 [tilespmem:s25], [sflag:$0x3], $0x10, s17, s15, $0xb8;
	[tilespmem:$0x1D000] =	vst v63  }
0x1a3: {  	_ =	swait.ge [sflag:s11], $0x2000  }
0x1a4: {  	[sflag:s11] =	ssyncset.done $0x0  }
0x1a5: {  	[sflag:s11] =	ssyncadd.s32 $0xFFFFE000  }
0x1a6: {  	[bflag:$0x0] =	sbarrier.arrive $0xFFFF  }
0x1a7: {  	s24 =	simm.s32 $0x8;
	s18 =	rddreg [dreg:$0xa]  }
0x1a8: {  	[hbm:s18@s24], [sflag:s9] =	dma.strided [spmem:s10@s7], $0x3100, s6, $0x2   }
0x1a9: {  	_ =	swait.ge [sflag:s11], $0x3100  }
0x1aa: {  	s8 =	sadd.s32 $0x1, s8;
	s26 =	rddreg [dreg:$0xf]  }
0x1ab: {  	p0 =	sne.s32 s8, s26  }
.Ltmp4:
0x1ac: {  	_ = 	snop;
	(pc) =	sbr.rel @p0 .LBB2_1-.Ltmp4, $4  }
0x1ad: {  	[sflag:s11] =	ssyncset.done $0x0  }
0x1ae: {  	[sflag:s11] =	ssyncadd.s32 $0xFFFFCF00  }
0x1af: {  	[bflag:$0x0] =	sbarrier.arrive $0xFFFF  }
0x1b0: {  	s28 =	smov.u32 s30;
	s26 =	smov.u32 s29  }
0x1b1: {  	_ =	sfence.sel $0x180000  }
0x1b2: {  	[bflag:$0x0] =	sbarrier.arrive $0xFFFF  }
0x1b3: {  	_ =	strace $0x9000004D  }
0x1b4: {  	s0 =	stileid.u32;
	[bflag:$0x2] =	sbarrier.arrive $0xFFFF  }
0x1b5: {  	p0 =	sne.s32 s0, $0x0;
	s0 =	rddreg [dreg:$0x2]  }
0x1b6: {  	s0 =	sadd.s32 @!p0 $0x100000, s0  }
0x1b7: {  	[sflag:s0] =	ssyncadd.tile.s32 @!p0 $0x1;
	_ =	shalt  }
.Lfunc_end2:
_tile_overlayer_lowered:
.L_overlay_start_2:
0x1b8: {  	(tag) =	ssettag $0x2  }
0x1b9: {  	s0 =	rddreg [dreg:$0x0];
	s2 =	stileid.u32  }
0x1ba: {  	s1 =	rddreg [dreg:$0x1];
	p0 =	sne.s32 s2, $0x0  }
0x1bb: {  	s3 =	rddreg [dreg:$0x2];
	[bflag:$0x3] =	sbarrier.arrive $0xFFFF;
	s2 =	simm.s32 @!p0 $0x1C03  }
0x1bc: {  	[timem:s3], [sflag:s2] =	dma.local @!p0 [hbm:s0], s1  }
0x1bd: {  	s0 =	simm.s32 @!p0 $0x3  }
0x1be: {  	_ =	swait.ge @!p0 [sflag:s0], s1  }
0x1bf: {  	s1 =	ssub.s32 @!p0 $0x0, s1;
	[sflag:s0] =	ssyncset.done @!p0 $0x0  }
0x1c0: {  	[sflag:s0] =	ssyncadd.s32 @!p0 s1  }
0x1c1: {  	[bflag:$0x3] =	sbarrier.arrive $0xFFFF  }
0x1c2: {  	_ =	shalt  }

// kernel: kernel.21.cloned.1.call-start
scs
__scs_entry_jumppad:
0x0: {  	(pc) =	sbr.rel $0x88, $3  }
0x1: {  	(tag) =	ssettag $0x0;
	lr =	simm.s32 $0x1  }
0x2: {  	[smem:$0x3F96] =	sst lr;
	_ =	strace $0xD0000000  }
0x3: {  	_ = 	snop  }
0x4: {  	_ = 	snop  }
0x5: {  	_ = 	snop  }
0x6: {  	_ = 	snop  }
0x7: {  	_ = 	snop  }
__scs_overlays_trampoline_lowered:
0x8: {  	[smem:$0x3FA5] =	sst s0  }
0x9: {  	[smem:$0x3FA6] =	sst s1  }
0xa: {  	[smem:$0x3FA7] =	sst s2  }
0xb: {  	[smem:$0x3FA8] =	sst s3  }
0xc: {  	[smem:$0x3FA9] =	sst s4  }
0xd: {  	[smem:$0x3FAA] =	sst s5  }
0xe: {  	[smem:$0x3FAB] =	sst s6  }
0xf: {  	[smem:$0x3FAC] =	sst s7  }
0x10: {  	[smem:$0x3FAD] =	sst s8  }
0x11: {  	[smem:$0x3FAE] =	sst s9;
	s0 =	simm.s32 @!p0 $0x0  }
0x12: {  	s1 =	sld [smem:$0x3F94];
	s0 =	simm.s32 @p0 $0x1  }
0x13: {  	[smem:$0x3FAF] =	sst s0;
	s0 =	simm.s32 @!p1 $0x0  }
0x14: {  	s2 =	sld [smem:$0x3F93];
	s0 =	simm.s32 @p1 $0x1  }
0x15: {  	[smem:$0x3FB0] =	sst s0;
	s0 =	simm.s32 @!p2 $0x0  }
0x16: {  	s3 =	sld [smem:$0x3FDB];
	s0 =	simm.s32 @p2 $0x1  }
0x17: {  	s4 =	simm.s32 $0x1BF5;
	[smem:$0x3FB2] =	sst s0  }
0x18: {  	s0 =	sld [smem:$0x3F95];
	_ =	swait.ge [sflag:s4], $0x0  }
0x19: {  	s7 =	sld [smem:$0x3F96]  }
0x1a: {  	s8 =	sadd.s32 $0xFFFFE003, lr  }
0x1b: {  	s9 =	sadd.s32 $0xFFFFFEF7, lr;
	s5 =	simm.s32 $0xFFFFFFFF;
	p2 =	slt.u32 s8, $0xFFFFF086  }
0x1c: {  	p1 =	slt.u32 s9, $0xF7A;
	s5 =	simm.s32 @!p2 $0x0  }
0x1d: {  	s5 =	simm.s32 @p1 $0x1;
	p0 =	seq.s32 s7, s2  }
0x1e: {  	s7 =	smul.u32 @!p0 $0xF7A, s2;
	p2 =	seq.s32 @!p0 s5, $0x0  }
0x1f: {  	s9 =	smul.u32 $0xF7A, s1;
	s8 =	simm.s32 @!p0 $0x1BF5;
	p2 =	por !p2, p0  }
0x20: {  	[sflag:s8] =	ssyncset.s32 @!p0 $0xFFFFF086;
	s6 =	sadd.s32 @!p0 s3, s7;
	s7 =	simm.s32 @!p0 $0x108  }
0x21: {  	s3 =	sadd.s32 s3, s9;
	s6 =	sadd.s32 @!p0 $0x88, s6;
	s7 =	simm.s32 @p2 $0x1082  }
0x22: {  	[simem:s7], [sflag:s8] =	dma.local @!p0 [hbm:s6], $0xF7A  }
0x23: {  	s9 =	sor.u32 $0xD0000000, s2;
	s6 =	simm.s32 $0x108;
	_ =	swait.ge @!p0 [sflag:s8], $0x0  }
0x24: {  	s3 =	sadd.s32 $0x88, s3;
	s6 =	simm.s32 @!p1 $0x1082;
	[sflag:s4] =	ssyncset.s32 $0xFFFFF086  }
0x25: {  	[simem:s6], [sflag:s4] =	dma.local [hbm:s3], $0xF7A  }
0x26: {  	[smem:$0x3F96] =	sst s1;
	(tag) =	ssettag s2;
	_ =	strace s9  }
0x27: {  	s1 =	sld [smem:$0x3FA6]  }
0x28: {  	s2 =	sld [smem:$0x3FA7]  }
0x29: {  	s4 =	sld [smem:$0x3FA9]  }
0x2a: {  	p0 =	seq.s32 s5, $0x0;
	s5 =	sld [smem:$0x3FAA]  }
0x2b: {  	s6 =	sld [smem:$0x3FAB]  }
0x2c: {  	s7 =	sld [smem:$0x3FAC]  }
0x2d: {  	s3 =	simm.s32 $0x108;
	s8 =	sld [smem:$0x3FAD]  }
0x2e: {  	s3 =	simm.s32 @!p0 $0x1082;
	s9 =	sld [smem:$0x3FAE]  }
0x2f: {  	lr =	sadd.s32 s0, s3;
	s0 =	sld [smem:$0x3FA5]  }
0x30: {  	s3 =	sld [smem:$0x3FA8]  }
0x31: {  	[smem:$0x3FB1] =	sst s10  }
0x32: {  	s10 =	sld [smem:$0x3FAF];
	_ =	sdelay $0x3  }
0x33: {  	p0 =	seq.s32 s10, $0x1;
	s10 =	sld [smem:$0x3FB1];
	_ =	sdelay $0x3  }
0x34: {  	[smem:$0x3FB1] =	sst s10  }
0x35: {  	s10 =	sld [smem:$0x3FB0];
	_ =	sdelay $0x3  }
0x36: {  	p1 =	seq.s32 s10, $0x1;
	s10 =	sld [smem:$0x3FB1];
	_ =	sdelay $0x3  }
0x37: {  	[smem:$0x3FB1] =	sst s10  }
0x38: {  	s10 =	sld [smem:$0x3FB2]  }
0x39: {  	_ = 	snop;
	(pc) =	sbr.ind lr, $3  }
0x3a: {  	_ = 	snop  }
0x3b: {  	_ = 	snop  }
0x3c: {  	p2 =	seq.s32 s10, $0x1;
	s10 =	sld [smem:$0x3FB1]  }
0x3d: {  	_ =	shalt  }
0x3e: {  	_ =	shalt  }
0x3f: {  	_ =	shalt  }
0x40: {  	_ =	shalt  }
0x41: {  	_ =	shalt  }
0x42: {  	_ =	shalt  }
0x43: {  	_ =	shalt  }
0x44: {  	_ =	shalt  }
0x45: {  	_ =	shalt  }
0x46: {  	_ =	shalt  }
0x47: {  	_ =	shalt  }
0x48: {  	_ =	shalt  }
0x49: {  	_ =	shalt  }
0x4a: {  	_ =	shalt  }
0x4b: {  	_ =	shalt  }
0x4c: {  	_ =	shalt  }
0x4d: {  	_ =	shalt  }
0x4e: {  	_ =	shalt  }
0x4f: {  	_ =	shalt  }
0x50: {  	_ =	shalt  }
0x51: {  	_ =	shalt  }
0x52: {  	_ =	shalt  }
0x53: {  	_ =	shalt  }
0x54: {  	_ =	shalt  }
0x55: {  	_ =	shalt  }
0x56: {  	_ =	shalt  }
0x57: {  	_ =	shalt  }
0x58: {  	_ =	shalt  }
0x59: {  	_ =	shalt  }
0x5a: {  	_ =	shalt  }
0x5b: {  	_ =	shalt  }
0x5c: {  	_ =	shalt  }
0x5d: {  	_ =	shalt  }
0x5e: {  	_ =	shalt  }
0x5f: {  	_ =	shalt  }
0x60: {  	_ =	shalt  }
0x61: {  	_ =	shalt  }
0x62: {  	_ =	shalt  }
0x63: {  	_ =	shalt  }
0x64: {  	_ =	shalt  }
0x65: {  	_ =	shalt  }
0x66: {  	_ =	shalt  }
0x67: {  	_ =	shalt  }
0x68: {  	_ =	shalt  }
0x69: {  	_ =	shalt  }
0x6a: {  	_ =	shalt  }
0x6b: {  	_ =	shalt  }
0x6c: {  	_ =	shalt  }
0x6d: {  	_ =	shalt  }
0x6e: {  	_ =	shalt  }
0x6f: {  	_ =	shalt  }
0x70: {  	_ =	shalt  }
0x71: {  	_ =	shalt  }
0x72: {  	_ =	shalt  }
0x73: {  	_ =	shalt  }
0x74: {  	_ =	shalt  }
0x75: {  	_ =	shalt  }
0x76: {  	_ =	shalt  }
0x77: {  	_ =	shalt  }
0x78: {  	_ =	shalt  }
0x79: {  	_ =	shalt  }
0x7a: {  	_ =	shalt  }
0x7b: {  	_ =	shalt  }
0x7c: {  	_ =	shalt  }
0x7d: {  	_ =	shalt  }
0x7e: {  	_ =	shalt  }
0x7f: {  	_ =	shalt  }
0x80: {  	_ =	shalt  }
0x81: {  	_ =	shalt  }
0x82: {  	_ =	shalt  }
0x83: {  	_ =	shalt  }
0x84: {  	_ =	shalt  }
0x85: {  	_ =	shalt  }
0x86: {  	_ =	shalt  }
0x87: {  	_ =	shalt  }
.Lfunc_end0:
.L_simem_size_0:
called_computation.3_lowered:
.L_overlay_start_0:
0x88: {  	s2 =	sld [smem:$0x3FD9]  }
0x89: {  	s3 =	sld [smem:$0x3FFE];
	_ =	sdelay $0x1  }
0x8a: {  	s1 =	srdreg.scid  }
0x8b: {  	s0 =	sand.u32 $0x1, s1  }
0x8c: {  	s16 =	sshll.u32 s0, $0xA;
	s2 =	sadd.s32 s3, s2  }
0x8d: {  	s2 =	sadd.s32 s2, s16  }
0x8e: {  	[smem:$0x3FBD] =	sst s2  }
0x8f: {  	_ = 	snop  }
0x90: {  	(tm) =	ssettm $0x1  }
0x91: {  	s17 =	sld [smem:$0x3FFB];
	_ =	sdelay $0x3  }
0x92: {  	_ =	strace s17  }
0x93: {  	s2 =	sld [smem:$0x3FFC];
	_ =	sdelay $0x3  }
0x94: {  	_ =	strace s2  }
0x95: {  	s2 =	sld [smem:$0x3FFD];
	_ =	sdelay $0x3  }
0x96: {  	_ =	strace s2  }
0x97: {  	_ =	strace $0x8FFFFFFF  }
0x98: {  	s18 =	sld [smem:$0x3FDB];
	_ =	sdelay $0x1  }
0x99: {  	s19 =	simm.s32 $_scs_section_size  }
0x9a: {  	s4 =	simm.s32 $_size__tile_overlayer_lowered;
	s5 =	simm.s32 $_tile_overlayer_lowered  }
0x9b: {  	s22 =	simm.s32 $0x1BFF;
	s21 =	sshll.u32 s5, $0x1;
	s2 =	sadd.s32 s19, s18  }
0x9c: {  	s6 =	simm.s32 $0x0;
	s20 =	sshll.u32 s4, $0x1;
	s4 =	sadd.s32 s21, s2  }
0x9d: {  	[timem:s6], [sflag:s22] =	dma.local [hbm:s4], s20  }
0x9e: {  	_ =	swait.ge [sflag:s22], s20  }
0x9f: {  	s3 =	ssub.s32 $0x0, s20;
	[sflag:s22] =	ssyncset.done $0x0  }
0xa0: {  	[sflag:s22] =	ssyncadd.s32 s3;
	_ =	sdelay $0x1  }
0xa1: {  	s23 =	simm.s32 $0x1B8B  }
0xa2: {  	_ =	swait.ge [sflag:s23], $0x1  }
0xa3: {  	[sflag:s23] =	ssyncset.done $0x0  }
0xa4: {  	s25 =	simm.s32 $0x1B8E;
	s24 =	sld [smem:$0x3FFE];
	[sflag:s23] =	ssyncadd.s32 $0xFFFFFFFF  }
0xa5: {  	s26 =	simm.s32 $execute0_lowered;
	[smem:$0x3FD2] =	sst s25  }
0xa6: {  	s4 =	sshll.u32 s26, $0x1;
	_ =	strace $0x8000004F;
	[dreg:$0x1] =	wrdreg $0xFFFFFFFF  }
0xa7: {  	s28 =	simm.s32 $_size_execute0_lowered;
	s2 =	sadd.s32 s2, s4;
	[dreg:$0x0] =	wrdreg $0x0  }
0xa8: {  	s4 =	sshll.u32 s28, $0x1;
	[dreg:$0x2] =	wrdreg s2  }
0xa9: {  	[dreg:$0x3] =	wrdreg s4  }
0xaa: {  	[dreg:$0x4] =	wrdreg $0xC0  }
0xab: {  	_ =	task [dreg:s6], $0x5FFFF  }
0xac: {  	[dreg:$0x1] =	wrdreg $0xFFFFFFFF  }
0xad: {  	[dreg:$0x0] =	wrdreg $0x60  }
0xae: {  	[dreg:$0x2] =	wrdreg s24  }
0xaf: {  	[dreg:$0x3] =	wrdreg $0x0  }
0xb0: {  	[dreg:$0x4] =	wrdreg $0x9  }
0xb1: {  	_ =	task.clear_ibuf [dreg:s6], $0x5FFFF;
	_ =	strace $0x9000004F  }
0xb2: {  	s29 =	simm.s32 $0x9;
	_ =	strace $0x80000051  }
0xb3: {  	_ =	swait.ge [sflag:s29], $0x1  }
0xb4: {  	[sflag:s29] =	ssyncadd.s32 $0xFFFFFFFF  }
0xb5: {  	_ =	strace $0x90000051  }
0xb6: {  	_ =	sfence  }
0xb7: {  	s30 =	sld [smem:$0x0];
	_ =	sdelay $0x2  }
0xb8: {  	s31 =	sshll.u32 s1, $0xD;
	s1 =	sshrl.u32 s1, $0x2  }
0xb9: {  	s3 =	sand.u32 $0x4000, s31;
	s1 =	sadd.s32 s1, s30  }
0xba: {  	s0 =	sor.u32 s3, s0;
	s1 =	sshll.u32 s1, $0x11  }
0xbb: {  	s0 =	sor.u32 s1, s0  }
0xbc: {  	s0 =	sadd.s32 $0x8F2B, s0  }
0xbd: {  	[sflag:s0] =	ssyncadd.remote.s32 $0x1  }
0xbe: {  	_ =	sfence.sel $0xFFFF  }
0xbf: {  	[dreg:$0x0] =	wrdreg $0xFFFFFFFF;
	(pc) =	sbr.abs _section_cstart, $3  }
0xc0: {  	[dreg:$0x1] =	wrdreg $0xFFFFFFFF  }
0xc1: {  	_ =	task.clear_ibuf [dreg:s6], $0x2FFFF;
	_ =	strace $0x9FFFFFFF  }
0xc2: {  	(tm) =	ssettm $0x7FFFFFFF  }
0xc3: {  	_ =	shalt  }
tec
execute0_lowered:
.L_overlay_start_1:
0x0: {  	(tag) =	ssettag $0x1  }
0x1: {  	s0 =	rddreg [dreg:$0x0]  }
0x2: {  	s1 =	rddreg [dreg:$0x1];
	s2 =	simm.s32 $0x0;
	s3 =	srdreg.scid  }
0x3: {  	s17 =	stileid.u32;
	[smem:$0x7FF] =	sst s2  }
0x4: {  	s4 =	sadd.s32 $0x1F1E00, s0;
	s6 =	sadd.s32 $0x3C000, s0;
	s3 =	sand.u32 $0x1, s3  }
0x5: {  	s7 =	smul.u32 $0x62000, s17;
	s8 =	sadd.s32 $0x1C00, s0;
	s0 =	sadd.s32 $0x689E00, s0  }
0x6: {  	s10 =	smul.u32 $0x18800, s17;
	_ =	strace $0x80000050;
	s5 =	ssub.s32 $0x2, s3  }
0x7: {  	s30 =	smul.u32 $0x310000, s3;
	s14 =	sshll.u32 s3, $0x5;
	s3 =	sshllo.u32 s3, $0x1  }
0x8: {  	s9 =	sshrl.u32 s5, $0x1;
	s11 =	sshrl.u32 s7, $0x2;
	s14 =	sor.u32 s14, s7  }
0x9: {  	s21 =	sadd.s32 $0x18600, s10;
	s9 =	ssub.s32 s5, s9;
	s5 =	sadd.s32 s11, s1  }
0xa: {  	s19 =	sshrl.u32 s14, $0x3;
	s25 =	sadd.s32 s30, s21;
	s26 =	sadd.s32 $0x2000, s5  }
0xb: {  	s28 =	sadd.s32 $0x4000, s5;
	s12 =	sadd.s32 $0x6000, s5;
	s15 =	sadd.s32 $0x8000, s5  }
0xc: {  	s16 =	sadd.s32 $0xA000, s5;
	s29 =	sshrl.u32 s25, $0x3;
	[dreg:$0x3] =	wrdreg s12  }
0xd: {  	s25 =	sadd.s32 $0x10000, s5;
	s31 =	sadd.s32 $0x16000, s5;
	[dreg:$0x4] =	wrdreg s15  }
0xe: {  	[dreg:$0x5] =	wrdreg s16;
	s12 =	sadd.s32 s10, s30;
	s16 =	smul.u32 $0x188000, s3  }
0xf: {  	s15 =	sshrl.u32 s10, $0x3;
	s3 =	sshll.u32 s3, $0x4;
	s30 =	smul.u32 $0x3100, s17  }
0x10: {  	s17 =	sadd.s32 $0xC000, s5;
	[dreg:$0x11] =	wrdreg s25;
	s25 =	simm.s32 $0x1B000  }
0x11: {  	s13 =	sshrl.u32 s12, $0x3;
	s18 =	sadd.s32 s8, s15;
	s3 =	sor.u32 s7, s3  }
0x12: {  	s7 =	sshrl.u32 s21, $0x3;
	s14 =	sadd.s32 $0x188400, s12;
	s15 =	sadd.s32 $0x188200, s12  }
0x13: {  	[dreg:$0xe] =	wrdreg s17;
	s17 =	simm.s32 $0x18E00;
	s13 =	sadd.s32 s6, s13  }
0x14: {  	[dreg:$0x7] =	wrdreg s18;
	s20 =	sadd.s32 s10, s16;
	s3 =	sshrl.u32 s3, $0x3  }
0x15: {  	s23 =	sadd.s32 s16, s21;
	s10 =	sor.u32 $0x400, s12;
	s16 =	sshrl.u32 s15, $0x3  }
0x16: {  	s18 =	smax.u32 s9, $0x1;
	s15 =	simm.s32 $0x200;
	[dreg:$0x6] =	wrdreg s13  }
0x17: {  	s13 =	sadd.s32 s0, s19;
	s0 =	sadd.s32 s0, s3;
	s24 =	sshrl.u32 s23, $0x3  }
0x18: {  	s19 =	sadd.s32 s30, s8;
	s11 =	sshrl.u32 s10, $0x3;
	[dreg:$0xf] =	wrdreg s18  }
0x19: {  	s3 =	sshrl.u32 s14, $0x3;
	s23 =	sadd.s32 s16, s6;
	[dreg:$0x8] =	wrdreg s13  }
0x1a: {  	s30 =	sadd.s32 $0x14000, s5;
	s14 =	simm.s32 $0x18C00;
	[dreg:$0xa] =	wrdreg s0  }
0x1b: {  	s16 =	simm.s32 $0x18A00;
	s0 =	sadd.s32 s6, s24;
	[dreg:$0x13] =	wrdreg s30  }
0x1c: {  	s13 =	sshrl.u32 s20, $0x3;
	s24 =	sadd.s32 $0xE000, s5;
	[dreg:$0xb] =	wrdreg s0  }
0x1d: {  	s20 =	sadd.s32 s11, s6;
	s22 =	sadd.s32 s6, s13;
	[dreg:$0x10] =	wrdreg s24  }
0x1e: {  	s11 =	simm.s32 $0x3;
	s0 =	sadd.s32 s6, s29;
	[dreg:$0x9] =	wrdreg s22  }
0x1f: {  	s13 =	sor.u32 $0x200, s12;
	s29 =	sadd.s32 $0x12000, s5;
	[dreg:$0xc] =	wrdreg s0  }
0x20: {  	s0 =	sadd.s32 s8, s7;
	s22 =	sadd.s32 s3, s6;
	[dreg:$0x12] =	wrdreg s29  }
0x21: {  	s3 =	simm.s32 $0x19000;
	s7 =	simm.s32 $0x2;
	s8 =	simm.s32 $0x0  }
0x22: {  	[dreg:$0xd] =	wrdreg s0;
	s0 =	sshrl.u32 s13, $0x3;
	s13 =	simm.s32 $0x18800  }
0x23: {  	v0 =	vimm.f32 $0.0e+00;
	s21 =	sadd.s32 s0, s6;
	s0 =	sadd.s32 $0x18000, s5;
	s6 =	simm.s32 $0x1  }
.LBB2_1:
0x24: {  	s9 =	simm.s32 $0x40;
	s10 =	simm.s32 $0x0  }
.LBB2_2:
0x25: {  	p0 =	sne.s32 s9, $0x7FC0;
	[tilespmem:s10+$0x19000] =	vst v0;
	s10 =	smov.u32 s9;
	s9 =	sadd.s32 $0x40, s9  }
.Ltmp0:
0x26: {  	(pc) =	sbr.rel @p0 .LBB2_2-.Ltmp0, $2  }
0x27: {  	_ =	sdelay $0x2  }
0x28: {  	s10 =	sshra.s32 s10, $0x2  }
0x29: {  	[tilespmem:s10+$0x19000] =	vst v0  }
0x2a: {  	[spmem:s5] =	stream.linear.scatter [tilespmem:s3], [sflag:$0x3], $0x2000, $0x38;
	[tilespmem:$0x1D000] =	vst v63  }
0x2b: {  	_ =	swait.ge [sflag:s11], $0x2000  }
0x2c: {  	[sflag:s11] =	ssyncset.done $0x0  }
0x2d: {  	[sflag:s11] =	ssyncadd.s32 $0xFFFFE000  }
0x2e: {  	[spmem:s26] =	stream.linear.scatter [tilespmem:s3], [sflag:$0x3], $0x2000, $0x38;
	[tilespmem:$0x1D000] =	vst v63  }
0x2f: {  	_ =	swait.ge [sflag:s11], $0x2000  }
0x30: {  	[sflag:s11] =	ssyncset.done $0x0  }
0x31: {  	[sflag:s11] =	ssyncadd.s32 $0xFFFFE000  }
0x32: {  	[spmem:s28] =	stream.linear.scatter [tilespmem:s3], [sflag:$0x3], $0x2000, $0x38;
	[tilespmem:$0x1D000] =	vst v63  }
0x33: {  	_ =	swait.ge [sflag:s11], $0x2000  }
0x34: {  	[sflag:s11] =	ssyncset.done $0x0  }
0x35: {  	s9 =	rddreg [dreg:$0x3];
	[sflag:s11] =	ssyncadd.s32 $0xFFFFE000  }
0x36: {  	[spmem:s9] =	stream.linear.scatter [tilespmem:s3], [sflag:$0x3], $0x2000, $0x38;
	[tilespmem:$0x1D000] =	vst v63  }
0x37: {  	_ =	swait.ge [sflag:s11], $0x2000  }
0x38: {  	[sflag:s11] =	ssyncset.done $0x0  }
0x39: {  	s24 =	rddreg [dreg:$0x4];
	[sflag:s11] =	ssyncadd.s32 $0xFFFFE000  }
0x3a: {  	[spmem:s24] =	stream.linear.scatter [tilespmem:s3], [sflag:$0x3], $0x2000, $0x38;
	[tilespmem:$0x1D000] =	vst v63  }
0x3b: {  	_ =	swait.ge [sflag:s11], $0x2000  }
0x3c: {  	[sflag:s11] =	ssyncset.done $0x0  }
0x3d: {  	s29 =	rddreg [dreg:$0x5];
	[sflag:s11] =	ssyncadd.s32 $0xFFFFE000  }
0x3e: {  	[spmem:s29] =	stream.linear.scatter [tilespmem:s3], [sflag:$0x3], $0x2000, $0x38;
	[tilespmem:$0x1D000] =	vst v63  }
0x3f: {  	_ =	swait.ge [sflag:s11], $0x2000  }
0x40: {  	[sflag:s11] =	ssyncset.done $0x0  }
0x41: {  	s30 =	rddreg [dreg:$0xe];
	[sflag:s11] =	ssyncadd.s32 $0xFFFFE000  }
0x42: {  	[spmem:s30] =	stream.linear.scatter [tilespmem:s3], [sflag:$0x3], $0x2000, $0x38;
	[tilespmem:$0x1D000] =	vst v63  }
0x43: {  	_ =	swait.ge [sflag:s11], $0x2000  }
0x44: {  	[sflag:s11] =	ssyncset.done $0x0  }
0x45: {  	s10 =	rddreg [dreg:$0x10];
	[sflag:s11] =	ssyncadd.s32 $0xFFFFE000  }
0x46: {  	[spmem:s10] =	stream.linear.scatter [tilespmem:s3], [sflag:$0x3], $0x2000, $0x38;
	[tilespmem:$0x1D000] =	vst v63  }
0x47: {  	_ =	swait.ge [sflag:s11], $0x2000  }
0x48: {  	[sflag:s11] =	ssyncset.done $0x0  }
0x49: {  	s12 =	rddreg [dreg:$0x11];
	[sflag:s11] =	ssyncadd.s32 $0xFFFFE000  }
0x4a: {  	[spmem:s12] =	stream.linear.scatter [tilespmem:s3], [sflag:$0x3], $0x2000, $0x38;
	[tilespmem:$0x1D000] =	vst v63  }
0x4b: {  	_ =	swait.ge [sflag:s11], $0x2000  }
0x4c: {  	[sflag:s11] =	ssyncset.done $0x0  }
0x4d: {  	s18 =	rddreg [dreg:$0x12];
	[sflag:s11] =	ssyncadd.s32 $0xFFFFE000  }
0x4e: {  	[spmem:s18] =	stream.linear.scatter [tilespmem:s3], [sflag:$0x3], $0x2000, $0x38;
	[tilespmem:$0x1D000] =	vst v63  }
0x4f: {  	_ =	swait.ge [sflag:s11], $0x2000  }
0x50: {  	[sflag:s11] =	ssyncset.done $0x0  }
0x51: {  	s24 =	rddreg [dreg:$0x13];
	[sflag:s11] =	ssyncadd.s32 $0xFFFFE000  }
0x52: {  	[spmem:s24] =	stream.linear.scatter [tilespmem:s3], [sflag:$0x3], $0x2000, $0x38;
	[tilespmem:$0x1D000] =	vst v63  }
0x53: {  	_ =	swait.ge [sflag:s11], $0x2000  }
0x54: {  	[sflag:s11] =	ssyncset.done $0x0  }
0x55: {  	[sflag:s11] =	ssyncadd.s32 $0xFFFFE000  }
0x56: {  	[spmem:s31] =	stream.linear.scatter [tilespmem:s3], [sflag:$0x3], $0x2000, $0x38;
	[tilespmem:$0x1D000] =	vst v63  }
0x57: {  	_ =	swait.ge [sflag:s11], $0x2000  }
0x58: {  	[sflag:s11] =	ssyncset.done $0x0  }
0x59: {  	[sflag:s11] =	ssyncadd.s32 $0xFFFFE000  }
0x5a: {  	[spmem:s0] =	stream.linear.scatter [tilespmem:s3], [sflag:$0x3], $0x800, $0x38;
	[tilespmem:$0x1D000] =	vst v63  }
0x5b: {  	_ =	swait.ge [sflag:s11], $0x800  }
0x5c: {  	[sflag:s11] =	ssyncset.done $0x0  }
0x5d: {  	[sflag:s11] =	ssyncadd.s32 $0xFFFFF800  }
0x5e: {  	[bflag:$0x0] =	sbarrier.arrive $0xFFFF  }
0x5f: {  	s29 =	simm.s32 $0x0;
	s30 =	rddreg [dreg:$0x6]  }
0x60: {  	[tilespmem:s13], [sflag:$0x3] =	stream.linear.gather [hbm4b:s30+s29], $0x200, $0x38;
	[tilespmem:$0x1D000] =	vst v63  }
0x61: {  	_ =	swait.ge [sflag:s11], $0x200  }
0x62: {  	[sflag:s11] =	ssyncset.done $0x0  }
0x63: {  	s12 =	rddreg [dreg:$0x7];
	[sflag:s11] =	ssyncadd.s32 $0xFFFFFE00  }
0x64: {  	[tilespmem:s14], [sflag:$0x3] =	stream.linear.gather [hbm4b:s12+s29], $0x200, $0x38;
	[tilespmem:$0x1D000] =	vst v63  }
0x65: {  	_ =	swait.ge [sflag:s11], $0x200  }
0x66: {  	[sflag:s11] =	ssyncset.done $0x0  }
0x67: {  	[sflag:s11] =	ssyncadd.s32 $0xFFFFFE00  }
0x68: {  	[tilespmem:s3], [sflag:$0x1] =	stream.indirect.gather [hbm4b:s4+s15], $0x10, s13, s15, $0xb8;
	[tilespmem:$0x1D000] =	vst v63  }
0x69: {  	s18 =	sadd.s32 $0x0, s21  }
0x6a: {  	[tilespmem:s16], [sflag:$0x3] =	stream.linear.gather [hbm4b:s18+s2], $0x200, $0x38;
	[tilespmem:$0x1D000] =	vst v63  }
0x6b: {  	_ =	swait.ge [sflag:s11], $0x200  }
0x6c: {  	s24 =	sadd.s32 $0x0, s19;
	[sflag:s11] =	ssyncset.done $0x0  }
0x6d: {  	s29 =	sadd.s32 $0x40, s24;
	[sflag:s11] =	ssyncadd.s32 $0xFFFFFE00  }
0x6e: {  	[tilespmem:s17], [sflag:$0x3] =	stream.linear.gather [hbm4b:s29+s2], $0x200, $0x38;
	[tilespmem:$0x1D000] =	vst v63  }
0x6f: {  	_ =	swait.ge [sflag:s11], $0x200  }
0x70: {  	[sflag:s11] =	ssyncset.done $0x0  }
0x71: {  	[sflag:s11] =	ssyncadd.s32 $0xFFFFFE00  }
0x72: {  	[tilespmem:s25], [sflag:$0x2] =	stream.indirect.gather [hbm4b:s4+s15], $0x10, s16, s15, $0xb8;
	[tilespmem:$0x1D000] =	vst v63  }
0x73: {  	_ =	swait.ge [sflag:s6], $0x2000  }
0x74: {  	[sflag:s6] =	ssyncset.done $0x0  }
0x75: {  	[sflag:s6] =	ssyncadd.s32 $0xFFFFE000  }
0x76: {  	[spmem:s1] =	stream.indirect.scatter.add.f32 [tilespmem:s3], [sflag:$0x3], $0x10, s14, s15, $0xb8;
	[tilespmem:$0x1D000] =	vst v63  }
0x77: {  	_ =	swait.ge [sflag:s11], $0x2000  }
0x78: {  	[sflag:s11] =	ssyncset.done $0x0  }
0x79: {  	s30 =	sadd.s32 $0x0, s20;
	[sflag:s11] =	ssyncadd.s32 $0xFFFFE000  }
0x7a: {  	[tilespmem:s13], [sflag:$0x3] =	stream.linear.gather [hbm4b:s30+s2], $0x200, $0x38;
	[tilespmem:$0x1D000] =	vst v63  }
0x7b: {  	_ =	swait.ge [sflag:s11], $0x200  }
0x7c: {  	[sflag:s11] =	ssyncset.done $0x0  }
0x7d: {  	s9 =	sadd.s32 $0x80, s24;
	[sflag:s11] =	ssyncadd.s32 $0xFFFFFE00  }
0x7e: {  	[tilespmem:s14], [sflag:$0x3] =	stream.linear.gather [hbm4b:s9+s2], $0x200, $0x38;
	[tilespmem:$0x1D000] =	vst v63  }
0x7f: {  	_ =	swait.ge [sflag:s11], $0x200  }
0x80: {  	[sflag:s11] =	ssyncset.done $0x0  }
0x81: {  	[sflag:s11] =	ssyncadd.s32 $0xFFFFFE00  }
0x82: {  	[tilespmem:s3], [sflag:$0x1] =	stream.indirect.gather [hbm4b:s4+s15], $0x10, s13, s15, $0xb8;
	[tilespmem:$0x1D000] =	vst v63  }
0x83: {  	_ =	swait.ge [sflag:s7], $0x2000  }
0x84: {  	[sflag:s7] =	ssyncset.done $0x0  }
0x85: {  	[sflag:s7] =	ssyncadd.s32 $0xFFFFE000  }
0x86: {  	[spmem:s1] =	stream.indirect.scatter.add.f32 [tilespmem:s25], [sflag:$0x3], $0x10, s17, s15, $0xb8;
	[tilespmem:$0x1D000] =	vst v63  }
0x87: {  	_ =	swait.ge [sflag:s11], $0x2000  }
0x88: {  	s12 =	simm.s32 $0x100;
	s9 =	simm.s32 $0x80;
	[sflag:s11] =	ssyncset.done $0x0  }
.LBB2_4:
0x89: {  	s18 =	sadd.s32 s9, s21  }
0x8a: {  	[sflag:s11] =	ssyncadd.s32 $0xFFFFE000;
	s24 =	smov.u32 s12;
	s10 =	sadd.s32 $0x80, s12  }
0x8b: {  	[tilespmem:s16], [sflag:$0x3] =	stream.linear.gather [hbm4b:s18+s2], $0x200, $0x38;
	[tilespmem:$0x1D000] =	vst v63  }
0x8c: {  	p0 =	sne.s32 s12, $0x3000;
	_ =	swait.ge [sflag:s11], $0x200  }
0x8d: {  	s12 =	sadd.s32 s9, s19;
	[sflag:s11] =	ssyncset.done $0x0  }
0x8e: {  	s18 =	sadd.s32 $0x40, s12;
	[sflag:s11] =	ssyncadd.s32 $0xFFFFFE00  }
0x8f: {  	[tilespmem:s17], [sflag:$0x3] =	stream.linear.gather [hbm4b:s18+s2], $0x200, $0x38;
	[tilespmem:$0x1D000] =	vst v63  }
0x90: {  	_ =	swait.ge [sflag:s11], $0x200  }
0x91: {  	[sflag:s11] =	ssyncset.done $0x0  }
0x92: {  	[sflag:s11] =	ssyncadd.s32 $0xFFFFFE00  }
0x93: {  	[tilespmem:s25], [sflag:$0x2] =	stream.indirect.gather [hbm4b:s4+s15], $0x10, s16, s15, $0xb8;
	[tilespmem:$0x1D000] =	vst v63  }
0x94: {  	_ =	swait.ge [sflag:s6], $0x2000  }
0x95: {  	[sflag:s6] =	ssyncset.done $0x0  }
0x96: {  	[sflag:s6] =	ssyncadd.s32 $0xFFFFE000  }
0x97: {  	[spmem:s1] =	stream.indirect.scatter.add.f32 [tilespmem:s3], [sflag:$0x3], $0x10, s14, s15, $0xb8;
	[tilespmem:$0x1D000] =	vst v63  }
0x98: {  	_ =	swait.ge [sflag:s11], $0x2000  }
0x99: {  	[sflag:s11] =	ssyncset.done $0x0  }
0x9a: {  	s18 =	sadd.s32 s9, s20;
	s9 =	smov.u32 s24;
	[sflag:s11] =	ssyncadd.s32 $0xFFFFE000  }
0x9b: {  	[tilespmem:s13], [sflag:$0x3] =	stream.linear.gather [hbm4b:s18+s2], $0x200, $0x38;
	[tilespmem:$0x1D000] =	vst v63  }
0x9c: {  	_ =	swait.ge [sflag:s11], $0x200  }
0x9d: {  	[sflag:s11] =	ssyncset.done $0x0  }
0x9e: {  	s12 =	sadd.s32 $0x80, s12;
	[sflag:s11] =	ssyncadd.s32 $0xFFFFFE00  }
0x9f: {  	[tilespmem:s14], [sflag:$0x3] =	stream.linear.gather [hbm4b:s12+s2], $0x200, $0x38;
	[tilespmem:$0x1D000] =	vst v63  }
0xa0: {  	_ =	swait.ge [sflag:s11], $0x200  }
0xa1: {  	[sflag:s11] =	ssyncset.done $0x0  }
0xa2: {  	[sflag:s11] =	ssyncadd.s32 $0xFFFFFE00  }
0xa3: {  	[tilespmem:s3], [sflag:$0x1] =	stream.indirect.gather [hbm4b:s4+s15], $0x10, s13, s15, $0xb8;
	[tilespmem:$0x1D000] =	vst v63  }
0xa4: {  	_ =	swait.ge [sflag:s7], $0x2000  }
.Ltmp1:
0xa5: {  	[sflag:s7] =	ssyncset.done $0x0;
	(pc) =	sbr.rel @p0 .LBB2_4-.Ltmp1, $4  }
0xa6: {  	[sflag:s7] =	ssyncadd.s32 $0xFFFFE000  }
0xa7: {  	[spmem:s1] =	stream.indirect.scatter.add.f32 [tilespmem:s25], [sflag:$0x3], $0x10, s17, s15, $0xb8;
	[tilespmem:$0x1D000] =	vst v63  }
0xa8: {  	_ =	swait.ge [sflag:s11], $0x2000  }
0xa9: {  	s12 =	smov.u32 s10;
	[sflag:s11] =	ssyncset.done $0x0  }
0xaa: {  	s10 =	sadd.s32 s9, s21;
	[sflag:s11] =	ssyncadd.s32 $0xFFFFE000  }
0xab: {  	[tilespmem:s16], [sflag:$0x3] =	stream.linear.gather [hbm4b:s10+s2], $0x200, $0x38;
	[tilespmem:$0x1D000] =	vst v63  }
0xac: {  	_ =	swait.ge [sflag:s11], $0x200  }
0xad: {  	s29 =	sadd.s32 s9, s19;
	[sflag:s11] =	ssyncset.done $0x0  }
0xae: {  	s12 =	sadd.s32 $0x40, s29;
	[sflag:s11] =	ssyncadd.s32 $0xFFFFFE00  }
0xaf: {  	[tilespmem:s17], [sflag:$0x3] =	stream.linear.gather [hbm4b:s12+s2], $0x200, $0x38;
	[tilespmem:$0x1D000] =	vst v63  }
0xb0: {  	_ =	swait.ge [sflag:s11], $0x200  }
0xb1: {  	[sflag:s11] =	ssyncset.done $0x0  }
0xb2: {  	[sflag:s11] =	ssyncadd.s32 $0xFFFFFE00  }
0xb3: {  	[tilespmem:s25], [sflag:$0x2] =	stream.indirect.gather [hbm4b:s4+s15], $0x10, s16, s15, $0xb8;
	[tilespmem:$0x1D000] =	vst v63  }
0xb4: {  	_ =	swait.ge [sflag:s6], $0x2000  }
0xb5: {  	[sflag:s6] =	ssyncset.done $0x0  }
0xb6: {  	[sflag:s6] =	ssyncadd.s32 $0xFFFFE000  }
0xb7: {  	[spmem:s1] =	stream.indirect.scatter.add.f32 [tilespmem:s3], [sflag:$0x3], $0x10, s14, s15, $0xb8;
	[tilespmem:$0x1D000] =	vst v63  }
0xb8: {  	_ =	swait.ge [sflag:s11], $0x2000  }
0xb9: {  	[sflag:s11] =	ssyncset.done $0x0  }
0xba: {  	s30 =	sadd.s32 s9, s20;
	[sflag:s11] =	ssyncadd.s32 $0xFFFFE000  }
0xbb: {  	[tilespmem:s13], [sflag:$0x3] =	stream.linear.gather [hbm4b:s30+s2], $0x200, $0x38;
	[tilespmem:$0x1D000] =	vst v63  }
0xbc: {  	_ =	swait.ge [sflag:s11], $0x200  }
0xbd: {  	[sflag:s11] =	ssyncset.done $0x0  }
0xbe: {  	s10 =	sadd.s32 $0x80, s29;
	[sflag:s11] =	ssyncadd.s32 $0xFFFFFE00  }
0xbf: {  	[tilespmem:s14], [sflag:$0x3] =	stream.linear.gather [hbm4b:s10+s2], $0x200, $0x38;
	[tilespmem:$0x1D000] =	vst v63  }
0xc0: {  	_ =	swait.ge [sflag:s11], $0x200  }
0xc1: {  	[sflag:s11] =	ssyncset.done $0x0  }
0xc2: {  	[sflag:s11] =	ssyncadd.s32 $0xFFFFFE00  }
0xc3: {  	[tilespmem:s3], [sflag:$0x1] =	stream.indirect.gather [hbm4b:s4+s15], $0x10, s13, s15, $0xb8;
	[tilespmem:$0x1D000] =	vst v63  }
0xc4: {  	_ =	swait.ge [sflag:s7], $0x2000  }
0xc5: {  	[sflag:s7] =	ssyncset.done $0x0  }
0xc6: {  	[sflag:s7] =	ssyncadd.s32 $0xFFFFE000  }
0xc7: {  	[spmem:s1] =	stream.indirect.scatter.add.f32 [tilespmem:s25], [sflag:$0x3], $0x10, s17, s15, $0xb8;
	[tilespmem:$0x1D000] =	vst v63  }
0xc8: {  	_ =	swait.ge [sflag:s11], $0x2000  }
0xc9: {  	[sflag:s11] =	ssyncset.done $0x0  }
0xca: {  	s12 =	simm.s32 $0x0;
	s18 =	rddreg [dreg:$0xc];
	[sflag:s11] =	ssyncadd.s32 $0xFFFFE000  }
0xcb: {  	[tilespmem:s16], [sflag:$0x3] =	stream.linear.gather [hbm4b:s18+s12], $0x200, $0x38;
	[tilespmem:$0x1D000] =	vst v63  }
0xcc: {  	_ =	swait.ge [sflag:s11], $0x200  }
0xcd: {  	[sflag:s11] =	ssyncset.done $0x0  }
0xce: {  	s24 =	rddreg [dreg:$0xd];
	[sflag:s11] =	ssyncadd.s32 $0xFFFFFE00  }
0xcf: {  	[tilespmem:s17], [sflag:$0x3] =	stream.linear.gather [hbm4b:s24+s12], $0x200, $0x38;
	[tilespmem:$0x1D000] =	vst v63  }
0xd0: {  	_ =	swait.ge [sflag:s11], $0x200  }
0xd1: {  	[sflag:s11] =	ssyncset.done $0x0  }
0xd2: {  	[sflag:s11] =	ssyncadd.s32 $0xFFFFFE00  }
0xd3: {  	[tilespmem:s25], [sflag:$0x2] =	stream.indirect.gather [hbm4b:s4+s15], $0x10, s16, s15, $0xb8;
	[tilespmem:$0x1D000] =	vst v63  }
0xd4: {  	_ =	swait.ge [sflag:s6], $0x2000  }
0xd5: {  	[sflag:s6] =	ssyncset.done $0x0  }
0xd6: {  	[sflag:s6] =	ssyncadd.s32 $0xFFFFE000  }
0xd7: {  	[spmem:s1] =	stream.indirect.scatter.add.f32 [tilespmem:s3], [sflag:$0x3], $0x10, s14, s15, $0xb8;
	[tilespmem:$0x1D000] =	vst v63  }
0xd8: {  	_ =	swait.ge [sflag:s11], $0x2000  }
0xd9: {  	[sflag:s11] =	ssyncset.done $0x0  }
0xda: {  	[sflag:s11] =	ssyncadd.s32 $0xFFFFE000  }
0xdb: {  	_ =	swait.ge [sflag:s7], $0x2000  }
0xdc: {  	[sflag:s7] =	ssyncset.done $0x0  }
0xdd: {  	[sflag:s7] =	ssyncadd.s32 $0xFFFFE000  }
0xde: {  	[spmem:s1] =	stream.indirect.scatter.add.f32 [tilespmem:s25], [sflag:$0x3], $0x10, s17, s15, $0xb8;
	[tilespmem:$0x1D000] =	vst v63  }
0xdf: {  	_ =	swait.ge [sflag:s11], $0x2000  }
0xe0: {  	s29 =	stileid.u32;
	[sflag:s11] =	ssyncset.done $0x0  }
0xe1: {  	s9 =	sshll.u32 s29, $0x6;
	[sflag:s11] =	ssyncadd.s32 $0xFFFFE000  }
0xe2: {  	s9 =	sor.u32 $0x1C03, s9;
	[bflag:$0x0] =	sbarrier.arrive $0xFFFF  }
0xe3: {  	s10 =	sshrl.u32 s5, $0x3;
	s18 =	simm.s32 $0x8;
	s30 =	rddreg [dreg:$0x8]  }
0xe4: {  	[hbm:s30@s18], [sflag:s9] =	dma.strided [spmem:s10@s7], $0x3100, s6, $0x2   }
0xe5: {  	_ =	swait.ge [sflag:s11], $0x3100  }
0xe6: {  	[sflag:s11] =	ssyncset.done $0x0  }
0xe7: {  	[sflag:s11] =	ssyncadd.s32 $0xFFFFCF00  }
0xe8: {  	s12 =	simm.s32 $0x40;
	s18 =	simm.s32 $0x0;
	[bflag:$0x0] =	sbarrier.arrive $0xFFFF  }
.LBB2_6:
0xe9: {  	p0 =	sne.s32 s12, $0x7FC0;
	[tilespmem:s18+$0x19000] =	vst v0;
	s18 =	smov.u32 s12;
	s12 =	sadd.s32 $0x40, s12  }
.Ltmp2:
0xea: {  	(pc) =	sbr.rel @p0 .LBB2_6-.Ltmp2, $2  }
0xeb: {  	_ =	sdelay $0x2  }
0xec: {  	s18 =	sshra.s32 s18, $0x2  }
0xed: {  	[tilespmem:s18+$0x19000] =	vst v0  }
0xee: {  	[spmem:s5] =	stream.linear.scatter [tilespmem:s3], [sflag:$0x3], $0x2000, $0x38;
	[tilespmem:$0x1D000] =	vst v63  }
0xef: {  	_ =	swait.ge [sflag:s11], $0x2000  }
0xf0: {  	[sflag:s11] =	ssyncset.done $0x0  }
0xf1: {  	[sflag:s11] =	ssyncadd.s32 $0xFFFFE000  }
0xf2: {  	[spmem:s26] =	stream.linear.scatter [tilespmem:s3], [sflag:$0x3], $0x2000, $0x38;
	[tilespmem:$0x1D000] =	vst v63  }
0xf3: {  	_ =	swait.ge [sflag:s11], $0x2000  }
0xf4: {  	[sflag:s11] =	ssyncset.done $0x0  }
0xf5: {  	[sflag:s11] =	ssyncadd.s32 $0xFFFFE000  }
0xf6: {  	[spmem:s28] =	stream.linear.scatter [tilespmem:s3], [sflag:$0x3], $0x2000, $0x38;
	[tilespmem:$0x1D000] =	vst v63  }
0xf7: {  	_ =	swait.ge [sflag:s11], $0x2000  }
0xf8: {  	[sflag:s11] =	ssyncset.done $0x0  }
0xf9: {  	s12 =	rddreg [dreg:$0x3];
	[sflag:s11] =	ssyncadd.s32 $0xFFFFE000  }
0xfa: {  	[spmem:s12] =	stream.linear.scatter [tilespmem:s3], [sflag:$0x3], $0x2000, $0x38;
	[tilespmem:$0x1D000] =	vst v63  }
0xfb: {  	_ =	swait.ge [sflag:s11], $0x2000  }
0xfc: {  	[sflag:s11] =	ssyncset.done $0x0  }
0xfd: {  	s29 =	smov.u32 s26;
	s26 =	rddreg [dreg:$0x4];
	[sflag:s11] =	ssyncadd.s32 $0xFFFFE000  }
0xfe: {  	[spmem:s26] =	stream.linear.scatter [tilespmem:s3], [sflag:$0x3], $0x2000, $0x38;
	[tilespmem:$0x1D000] =	vst v63  }
0xff: {  	_ =	swait.ge [sflag:s11], $0x2000  }
0x100: {  	[sflag:s11] =	ssyncset.done $0x0  }
0x101: {  	s30 =	smov.u32 s28;
	s28 =	rddreg [dreg:$0x5];
	[sflag:s11] =	ssyncadd.s32 $0xFFFFE000  }
0x102: {  	[spmem:s28] =	stream.linear.scatter [tilespmem:s3], [sflag:$0x3], $0x2000, $0x38;
	[tilespmem:$0x1D000] =	vst v63  }
0x103: {  	_ =	swait.ge [sflag:s11], $0x2000  }
0x104: {  	[sflag:s11] =	ssyncset.done $0x0  }
0x105: {  	s18 =	rddreg [dreg:$0xe];
	[sflag:s11] =	ssyncadd.s32 $0xFFFFE000  }
0x106: {  	[spmem:s18] =	stream.linear.scatter [tilespmem:s3], [sflag:$0x3], $0x2000, $0x38;
	[tilespmem:$0x1D000] =	vst v63  }
0x107: {  	_ =	swait.ge [sflag:s11], $0x2000  }
0x108: {  	[sflag:s11] =	ssyncset.done $0x0  }
0x109: {  	s24 =	rddreg [dreg:$0x10];
	[sflag:s11] =	ssyncadd.s32 $0xFFFFE000  }
0x10a: {  	[spmem:s24] =	stream.linear.scatter [tilespmem:s3], [sflag:$0x3], $0x2000, $0x38;
	[tilespmem:$0x1D000] =	vst v63  }
0x10b: {  	_ =	swait.ge [sflag:s11], $0x2000  }
0x10c: {  	[sflag:s11] =	ssyncset.done $0x0  }
0x10d: {  	s26 =	rddreg [dreg:$0x11];
	[sflag:s11] =	ssyncadd.s32 $0xFFFFE000  }
0x10e: {  	[spmem:s26] =	stream.linear.scatter [tilespmem:s3], [sflag:$0x3], $0x2000, $0x38;
	[tilespmem:$0x1D000] =	vst v63  }
0x10f: {  	_ =	swait.ge [sflag:s11], $0x2000  }
0x110: {  	[sflag:s11] =	ssyncset.done $0x0  }
0x111: {  	s28 =	rddreg [dreg:$0x12];
	[sflag:s11] =	ssyncadd.s32 $0xFFFFE000  }
0x112: {  	[spmem:s28] =	stream.linear.scatter [tilespmem:s3], [sflag:$0x3], $0x2000, $0x38;
	[tilespmem:$0x1D000] =	vst v63  }
0x113: {  	_ =	swait.ge [sflag:s11], $0x2000  }
0x114: {  	[sflag:s11] =	ssyncset.done $0x0  }
0x115: {  	s18 =	rddreg [dreg:$0x13];
	[sflag:s11] =	ssyncadd.s32 $0xFFFFE000  }
0x116: {  	[spmem:s18] =	stream.linear.scatter [tilespmem:s3], [sflag:$0x3], $0x2000, $0x38;
	[tilespmem:$0x1D000] =	vst v63  }
0x117: {  	_ =	swait.ge [sflag:s11], $0x2000  }
0x118: {  	[sflag:s11] =	ssyncset.done $0x0  }
0x119: {  	[sflag:s11] =	ssyncadd.s32 $0xFFFFE000  }
0x11a: {  	[spmem:s31] =	stream.linear.scatter [tilespmem:s3], [sflag:$0x3], $0x2000, $0x38;
	[tilespmem:$0x1D000] =	vst v63  }
0x11b: {  	_ =	swait.ge [sflag:s11], $0x2000  }
0x11c: {  	[sflag:s11] =	ssyncset.done $0x0  }
0x11d: {  	[sflag:s11] =	ssyncadd.s32 $0xFFFFE000  }
0x11e: {  	[spmem:s0] =	stream.linear.scatter [tilespmem:s3], [sflag:$0x3], $0x800, $0x38;
	[tilespmem:$0x1D000] =	vst v63  }
0x11f: {  	_ =	swait.ge [sflag:s11], $0x800  }
0x120: {  	[sflag:s11] =	ssyncset.done $0x0  }
0x121: {  	[sflag:s11] =	ssyncadd.s32 $0xFFFFF800  }
0x122: {  	[bflag:$0x0] =	sbarrier.arrive $0xFFFF  }
0x123: {  	s24 =	simm.s32 $0x0;
	s26 =	rddreg [dreg:$0x9]  }
0x124: {  	[tilespmem:s13], [sflag:$0x3] =	stream.linear.gather [hbm4b:s26+s24], $0x200, $0x38;
	[tilespmem:$0x1D000] =	vst v63  }
0x125: {  	_ =	swait.ge [sflag:s11], $0x200  }
0x126: {  	[sflag:s11] =	ssyncset.done $0x0  }
0x127: {  	s28 =	rddreg [dreg:$0x7];
	[sflag:s11] =	ssyncadd.s32 $0xFFFFFE00  }
0x128: {  	[tilespmem:s14], [sflag:$0x3] =	stream.linear.gather [hbm4b:s28+s24], $0x200, $0x38;
	[tilespmem:$0x1D000] =	vst v63  }
0x129: {  	_ =	swait.ge [sflag:s11], $0x200  }
0x12a: {  	[sflag:s11] =	ssyncset.done $0x0  }
0x12b: {  	[sflag:s11] =	ssyncadd.s32 $0xFFFFFE00  }
0x12c: {  	[tilespmem:s3], [sflag:$0x1] =	stream.indirect.gather [hbm4b:s4+s15], $0x10, s13, s15, $0xb8;
	[tilespmem:$0x1D000] =	vst v63  }
0x12d: {  	s18 =	sadd.s32 $0x0, s23  }
0x12e: {  	[tilespmem:s16], [sflag:$0x3] =	stream.linear.gather [hbm4b:s18+s2], $0x200, $0x38;
	[tilespmem:$0x1D000] =	vst v63  }
0x12f: {  	_ =	swait.ge [sflag:s11], $0x200  }
0x130: {  	s24 =	sadd.s32 $0x0, s19;
	[sflag:s11] =	ssyncset.done $0x0  }
0x131: {  	s26 =	sadd.s32 $0x40, s24;
	[sflag:s11] =	ssyncadd.s32 $0xFFFFFE00  }
0x132: {  	[tilespmem:s17], [sflag:$0x3] =	stream.linear.gather [hbm4b:s26+s2], $0x200, $0x38;
	[tilespmem:$0x1D000] =	vst v63  }
0x133: {  	_ =	swait.ge [sflag:s11], $0x200  }
0x134: {  	[sflag:s11] =	ssyncset.done $0x0  }
0x135: {  	[sflag:s11] =	ssyncadd.s32 $0xFFFFFE00  }
0x136: {  	[tilespmem:s25], [sflag:$0x2] =	stream.indirect.gather [hbm4b:s4+s15], $0x10, s16, s15, $0xb8;
	[tilespmem:$0x1D000] =	vst v63  }
0x137: {  	_ =	swait.ge [sflag:s6], $0x2000  }
0x138: {  	[sflag:s6] =	ssyncset.done $0x0  }
0x139: {  	[sflag:s6] =	ssyncadd.s32 $0xFFFFE000  }
0x13a: {  	[spmem:s1] =	stream.indirect.scatter.add.f32 [tilespmem:s3], [sflag:$0x3], $0x10, s14, s15, $0xb8;
	[tilespmem:$0x1D000] =	vst v63  }
0x13b: {  	_ =	swait.ge [sflag:s11], $0x2000  }
0x13c: {  	[sflag:s11] =	ssyncset.done $0x0  }
0x13d: {  	s28 =	sadd.s32 $0x0, s22;
	[sflag:s11] =	ssyncadd.s32 $0xFFFFE000  }
0x13e: {  	[tilespmem:s13], [sflag:$0x3] =	stream.linear.gather [hbm4b:s28+s2], $0x200, $0x38;
	[tilespmem:$0x1D000] =	vst v63  }
0x13f: {  	_ =	swait.ge [sflag:s11], $0x200  }
0x140: {  	[sflag:s11] =	ssyncset.done $0x0  }
0x141: {  	s12 =	sadd.s32 $0x80, s24;
	[sflag:s11] =	ssyncadd.s32 $0xFFFFFE00  }
0x142: {  	[tilespmem:s14], [sflag:$0x3] =	stream.linear.gather [hbm4b:s12+s2], $0x200, $0x38;
	[tilespmem:$0x1D000] =	vst v63  }
0x143: {  	_ =	swait.ge [sflag:s11], $0x200  }
0x144: {  	[sflag:s11] =	ssyncset.done $0x0  }
0x145: {  	[sflag:s11] =	ssyncadd.s32 $0xFFFFFE00  }
0x146: {  	[tilespmem:s3], [sflag:$0x1] =	stream.indirect.gather [hbm4b:s4+s15], $0x10, s13, s15, $0xb8;
	[tilespmem:$0x1D000] =	vst v63  }
0x147: {  	_ =	swait.ge [sflag:s7], $0x2000  }
0x148: {  	[sflag:s7] =	ssyncset.done $0x0  }
0x149: {  	[sflag:s7] =	ssyncadd.s32 $0xFFFFE000  }
0x14a: {  	[spmem:s1] =	stream.indirect.scatter.add.f32 [tilespmem:s25], [sflag:$0x3], $0x10, s17, s15, $0xb8;
	[tilespmem:$0x1D000] =	vst v63  }
0x14b: {  	_ =	swait.ge [sflag:s11], $0x2000  }
0x14c: {  	s18 =	simm.s32 $0x100;
	s12 =	simm.s32 $0x80;
	[sflag:s11] =	ssyncset.done $0x0  }
.LBB2_8:
0x14d: {  	s26 =	sadd.s32 s12, s23  }
0x14e: {  	[sflag:s11] =	ssyncadd.s32 $0xFFFFE000;
	s28 =	smov.u32 s18;
	s24 =	sadd.s32 $0x80, s18  }
0x14f: {  	[tilespmem:s16], [sflag:$0x3] =	stream.linear.gather [hbm4b:s26+s2], $0x200, $0x38;
	[tilespmem:$0x1D000] =	vst v63  }
0x150: {  	p0 =	sne.s32 s18, $0x3000;
	_ =	swait.ge [sflag:s11], $0x200  }
0x151: {  	s18 =	sadd.s32 s12, s19;
	[sflag:s11] =	ssyncset.done $0x0  }
0x152: {  	s26 =	sadd.s32 $0x40, s18;
	[sflag:s11] =	ssyncadd.s32 $0xFFFFFE00  }
0x153: {  	[tilespmem:s17], [sflag:$0x3] =	stream.linear.gather [hbm4b:s26+s2], $0x200, $0x38;
	[tilespmem:$0x1D000] =	vst v63  }
0x154: {  	_ =	swait.ge [sflag:s11], $0x200  }
0x155: {  	[sflag:s11] =	ssyncset.done $0x0  }
0x156: {  	[sflag:s11] =	ssyncadd.s32 $0xFFFFFE00  }
0x157: {  	[tilespmem:s25], [sflag:$0x2] =	stream.indirect.gather [hbm4b:s4+s15], $0x10, s16, s15, $0xb8;
	[tilespmem:$0x1D000] =	vst v63  }
0x158: {  	_ =	swait.ge [sflag:s6], $0x2000  }
0x159: {  	[sflag:s6] =	ssyncset.done $0x0  }
0x15a: {  	[sflag:s6] =	ssyncadd.s32 $0xFFFFE000  }
0x15b: {  	[spmem:s1] =	stream.indirect.scatter.add.f32 [tilespmem:s3], [sflag:$0x3], $0x10, s14, s15, $0xb8;
	[tilespmem:$0x1D000] =	vst v63  }
0x15c: {  	_ =	swait.ge [sflag:s11], $0x2000  }
0x15d: {  	[sflag:s11] =	ssyncset.done $0x0  }
0x15e: {  	s26 =	sadd.s32 s12, s22;
	s12 =	smov.u32 s28;
	[sflag:s11] =	ssyncadd.s32 $0xFFFFE000  }
0x15f: {  	[tilespmem:s13], [sflag:$0x3] =	stream.linear.gather [hbm4b:s26+s2], $0x200, $0x38;
	[tilespmem:$0x1D000] =	vst v63  }
0x160: {  	_ =	swait.ge [sflag:s11], $0x200  }
0x161: {  	[sflag:s11] =	ssyncset.done $0x0  }
0x162: {  	s18 =	sadd.s32 $0x80, s18;
	[sflag:s11] =	ssyncadd.s32 $0xFFFFFE00  }
0x163: {  	[tilespmem:s14], [sflag:$0x3] =	stream.linear.gather [hbm4b:s18+s2], $0x200, $0x38;
	[tilespmem:$0x1D000] =	vst v63  }
0x164: {  	_ =	swait.ge [sflag:s11], $0x200  }
0x165: {  	[sflag:s11] =	ssyncset.done $0x0  }
0x166: {  	[sflag:s11] =	ssyncadd.s32 $0xFFFFFE00  }
0x167: {  	[tilespmem:s3], [sflag:$0x1] =	stream.indirect.gather [hbm4b:s4+s15], $0x10, s13, s15, $0xb8;
	[tilespmem:$0x1D000] =	vst v63  }
0x168: {  	_ =	swait.ge [sflag:s7], $0x2000  }
.Ltmp3:
0x169: {  	[sflag:s7] =	ssyncset.done $0x0;
	(pc) =	sbr.rel @p0 .LBB2_8-.Ltmp3, $4  }
0x16a: {  	[sflag:s7] =	ssyncadd.s32 $0xFFFFE000  }
0x16b: {  	[spmem:s1] =	stream.indirect.scatter.add.f32 [tilespmem:s25], [sflag:$0x3], $0x10, s17, s15, $0xb8;
	[tilespmem:$0x1D000] =	vst v63  }
0x16c: {  	_ =	swait.ge [sflag:s11], $0x2000  }
0x16d: {  	s18 =	smov.u32 s24;
	[sflag:s11] =	ssyncset.done $0x0  }
0x16e: {  	s18 =	sadd.s32 s12, s23;
	[sflag:s11] =	ssyncadd.s32 $0xFFFFE000  }
0x16f: {  	[tilespmem:s16], [sflag:$0x3] =	stream.linear.gather [hbm4b:s18+s2], $0x200, $0x38;
	[tilespmem:$0x1D000] =	vst v63  }
0x170: {  	_ =	swait.ge [sflag:s11], $0x200  }
0x171: {  	s18 =	sadd.s32 s12, s19;
	[sflag:s11] =	ssyncset.done $0x0  }
0x172: {  	s24 =	sadd.s32 $0x40, s18;
	[sflag:s11] =	ssyncadd.s32 $0xFFFFFE00  }
0x173: {  	[tilespmem:s17], [sflag:$0x3] =	stream.linear.gather [hbm4b:s24+s2], $0x200, $0x38;
	[tilespmem:$0x1D000] =	vst v63  }
0x174: {  	_ =	swait.ge [sflag:s11], $0x200  }
0x175: {  	[sflag:s11] =	ssyncset.done $0x0  }
0x176: {  	[sflag:s11] =	ssyncadd.s32 $0xFFFFFE00  }
0x177: {  	[tilespmem:s25], [sflag:$0x2] =	stream.indirect.gather [hbm4b:s4+s15], $0x10, s16, s15, $0xb8;
	[tilespmem:$0x1D000] =	vst v63  }
0x178: {  	_ =	swait.ge [sflag:s6], $0x2000  }
0x179: {  	[sflag:s6] =	ssyncset.done $0x0  }
0x17a: {  	[sflag:s6] =	ssyncadd.s32 $0xFFFFE000  }
0x17b: {  	[spmem:s1] =	stream.indirect.scatter.add.f32 [tilespmem:s3], [sflag:$0x3], $0x10, s14, s15, $0xb8;
	[tilespmem:$0x1D000] =	vst v63  }
0x17c: {  	_ =	swait.ge [sflag:s11], $0x2000  }
0x17d: {  	[sflag:s11] =	ssyncset.done $0x0  }
0x17e: {  	s26 =	sadd.s32 s12, s22;
	[sflag:s11] =	ssyncadd.s32 $0xFFFFE000  }
0x17f: {  	[tilespmem:s13], [sflag:$0x3] =	stream.linear.gather [hbm4b:s26+s2], $0x200, $0x38;
	[tilespmem:$0x1D000] =	vst v63  }
0x180: {  	_ =	swait.ge [sflag:s11], $0x200  }
0x181: {  	[sflag:s11] =	ssyncset.done $0x0  }
0x182: {  	s18 =	sadd.s32 $0x80, s18;
	[sflag:s11] =	ssyncadd.s32 $0xFFFFFE00  }
0x183: {  	[tilespmem:s14], [sflag:$0x3] =	stream.linear.gather [hbm4b:s18+s2], $0x200, $0x38;
	[tilespmem:$0x1D000] =	vst v63  }
0x184: {  	_ =	swait.ge [sflag:s11], $0x200  }
0x185: {  	[sflag:s11] =	ssyncset.done $0x0  }
0x186: {  	[sflag:s11] =	ssyncadd.s32 $0xFFFFFE00  }
0x187: {  	[tilespmem:s3], [sflag:$0x1] =	stream.indirect.gather [hbm4b:s4+s15], $0x10, s13, s15, $0xb8;
	[tilespmem:$0x1D000] =	vst v63  }
0x188: {  	_ =	swait.ge [sflag:s7], $0x2000  }
0x189: {  	[sflag:s7] =	ssyncset.done $0x0  }
0x18a: {  	[sflag:s7] =	ssyncadd.s32 $0xFFFFE000  }
0x18b: {  	[spmem:s1] =	stream.indirect.scatter.add.f32 [tilespmem:s25], [sflag:$0x3], $0x10, s17, s15, $0xb8;
	[tilespmem:$0x1D000] =	vst v63  }
0x18c: {  	_ =	swait.ge [sflag:s11], $0x2000  }
0x18d: {  	[sflag:s11] =	ssyncset.done $0x0  }
0x18e: {  	s24 =	rddreg [dreg:$0xb];
	[sflag:s11] =	ssyncadd.s32 $0xFFFFE000  }
0x18f: {  	[tilespmem:s16], [sflag:$0x3] =	stream.linear.gather [hbm4b:s24+s2], $0x200, $0x38;
	[tilespmem:$0x1D000] =	vst v63  }
0x190: {  	_ =	swait.ge [sflag:s11], $0x200  }
0x191: {  	[sflag:s11] =	ssyncset.done $0x0  }
0x192: {  	s26 =	rddreg [dreg:$0xd];
	[sflag:s11] =	ssyncadd.s32 $0xFFFFFE00  }
0x193: {  	[tilespmem:s17], [sflag:$0x3] =	stream.linear.gather [hbm4b:s26+s2], $0x200, $0x38;
	[tilespmem:$0x1D000] =	vst v63  }
0x194: {  	_ =	swait.ge [sflag:s11], $0x200  }
0x195: {  	[sflag:s11] =	ssyncset.done $0x0  }
0x196: {  	[sflag:s11] =	ssyncadd.s32 $0xFFFFFE00  }
0x197: {  	[tilespmem:s25], [sflag:$0x2] =	stream.indirect.gather [hbm4b:s4+s15], $0x10, s16, s15, $0xb8;
	[tilespmem:$0x1D000] =	vst v63  }
0x198: {  	_ =	swait.ge [sflag:s6], $0x2000  }
0x199: {  	[sflag:s6] =	ssyncset.done $0x0  }
0x19a: {  	[sflag:s6] =	ssyncadd.s32 $0xFFFFE000  }
0x19b: {  	[spmem:s1] =	stream.indirect.scatter.add.f32 [tilespmem:s3], [sflag:$0x3], $0x10, s14, s15, $0xb8;
	[tilespmem:$0x1D000] =	vst v63  }
0x19c: {  	_ =	swait.ge [sflag:s11], $0x2000  }
0x19d: {  	[sflag:s11] =	ssyncset.done $0x0  }
0x19e: {  	[sflag:s11] =	ssyncadd.s32 $0xFFFFE000  }
0x19f: {  	_ =	swait.ge [sflag:s7], $0x2000  }
0x1a0: {  	[sflag:s7] =	ssyncset.done $0x0  }
0x1a1: {  	[sflag:s7] =	ssyncadd.s32 $0xFFFFE000  }
0x1a2: {  	[spmem:s1] =	stream.indirect.scatter.add.f32 [tilespmem:s25], [sflag:$0x3], $0x10, s17, s15, $0xb8;
	[tilespmem:$0x1D000] =	vst v63  }
0x1a3: {  	_ =	swait.ge [sflag:s11], $0x2000  }
0x1a4: {  	[sflag:s11] =	ssyncset.done $0x0  }
0x1a5: {  	[sflag:s11] =	ssyncadd.s32 $0xFFFFE000  }
0x1a6: {  	[bflag:$0x0] =	sbarrier.arrive $0xFFFF  }
0x1a7: {  	s24 =	simm.s32 $0x8;
	s18 =	rddreg [dreg:$0xa]  }
0x1a8: {  	[hbm:s18@s24], [sflag:s9] =	dma.strided [spmem:s10@s7], $0x3100, s6, $0x2   }
0x1a9: {  	_ =	swait.ge [sflag:s11], $0x3100  }
0x1aa: {  	s8 =	sadd.s32 $0x1, s8;
	s26 =	rddreg [dreg:$0xf]  }
0x1ab: {  	p0 =	sne.s32 s8, s26  }
.Ltmp4:
0x1ac: {  	_ = 	snop;
	(pc) =	sbr.rel @p0 .LBB2_1-.Ltmp4, $4  }
0x1ad: {  	[sflag:s11] =	ssyncset.done $0x0  }
0x1ae: {  	[sflag:s11] =	ssyncadd.s32 $0xFFFFCF00  }
0x1af: {  	[bflag:$0x0] =	sbarrier.arrive $0xFFFF  }
0x1b0: {  	s28 =	smov.u32 s30;
	s26 =	smov.u32 s29  }
0x1b1: {  	_ =	sfence.sel $0x180000  }
0x1b2: {  	[bflag:$0x0] =	sbarrier.arrive $0xFFFF  }
0x1b3: {  	_ =	strace $0x90000050  }
0x1b4: {  	s0 =	stileid.u32;
	[bflag:$0x2] =	sbarrier.arrive $0xFFFF  }
0x1b5: {  	p0 =	sne.s32 s0, $0x0;
	s0 =	rddreg [dreg:$0x2]  }
0x1b6: {  	s0 =	sadd.s32 @!p0 $0x100000, s0  }
0x1b7: {  	[sflag:s0] =	ssyncadd.tile.s32 @!p0 $0x1;
	_ =	shalt  }
.Lfunc_end2:
_tile_overlayer_lowered:
.L_overlay_start_2:
0x1b8: {  	(tag) =	ssettag $0x2  }
0x1b9: {  	s0 =	rddreg [dreg:$0x0];
	s2 =	stileid.u32  }
0x1ba: {  	s1 =	rddreg [dreg:$0x1];
	p0 =	sne.s32 s2, $0x0  }
0x1bb: {  	s3 =	rddreg [dreg:$0x2];
	[bflag:$0x3] =	sbarrier.arrive $0xFFFF;
	s2 =	simm.s32 @!p0 $0x1C03  }
0x1bc: {  	[timem:s3], [sflag:s2] =	dma.local @!p0 [hbm:s0], s1  }
0x1bd: {  	s0 =	simm.s32 @!p0 $0x3  }
0x1be: {  	_ =	swait.ge @!p0 [sflag:s0], s1  }
0x1bf: {  	s1 =	ssub.s32 @!p0 $0x0, s1;
	[sflag:s0] =	ssyncset.done @!p0 $0x0  }
0x1c0: {  	[sflag:s0] =	ssyncadd.s32 @!p0 s1  }
0x1c1: {  	[bflag:$0x3] =	sbarrier.arrive $0xFFFF  }
0x1c2: {  	_ =	shalt  }

// kernel: kernel.24.cloned.1.call-start
scs
__scs_entry_jumppad:
0x0: {  	(pc) =	sbr.rel $0x88, $3  }
0x1: {  	(tag) =	ssettag $0x0;
	lr =	simm.s32 $0x1  }
0x2: {  	[smem:$0x3F96] =	sst lr;
	_ =	strace $0xD0000000  }
0x3: {  	_ = 	snop  }
0x4: {  	_ = 	snop  }
0x5: {  	_ = 	snop  }
0x6: {  	_ = 	snop  }
0x7: {  	_ = 	snop  }
__scs_overlays_trampoline_lowered:
0x8: {  	[smem:$0x3FA5] =	sst s0  }
0x9: {  	[smem:$0x3FA6] =	sst s1  }
0xa: {  	[smem:$0x3FA7] =	sst s2  }
0xb: {  	[smem:$0x3FA8] =	sst s3  }
0xc: {  	[smem:$0x3FA9] =	sst s4  }
0xd: {  	[smem:$0x3FAA] =	sst s5  }
0xe: {  	[smem:$0x3FAB] =	sst s6  }
0xf: {  	[smem:$0x3FAC] =	sst s7  }
0x10: {  	[smem:$0x3FAD] =	sst s8  }
0x11: {  	[smem:$0x3FAE] =	sst s9;
	s0 =	simm.s32 @!p0 $0x0  }
0x12: {  	s1 =	sld [smem:$0x3F94];
	s0 =	simm.s32 @p0 $0x1  }
0x13: {  	[smem:$0x3FAF] =	sst s0;
	s0 =	simm.s32 @!p1 $0x0  }
0x14: {  	s2 =	sld [smem:$0x3F93];
	s0 =	simm.s32 @p1 $0x1  }
0x15: {  	[smem:$0x3FB0] =	sst s0;
	s0 =	simm.s32 @!p2 $0x0  }
0x16: {  	s3 =	sld [smem:$0x3FDB];
	s0 =	simm.s32 @p2 $0x1  }
0x17: {  	s4 =	simm.s32 $0x1BF5;
	[smem:$0x3FB2] =	sst s0  }
0x18: {  	s0 =	sld [smem:$0x3F95];
	_ =	swait.ge [sflag:s4], $0x0  }
0x19: {  	s7 =	sld [smem:$0x3F96]  }
0x1a: {  	s8 =	sadd.s32 $0xFFFFE003, lr  }
0x1b: {  	s9 =	sadd.s32 $0xFFFFFEF7, lr;
	s5 =	simm.s32 $0xFFFFFFFF;
	p2 =	slt.u32 s8, $0xFFFFF086  }
0x1c: {  	p1 =	slt.u32 s9, $0xF7A;
	s5 =	simm.s32 @!p2 $0x0  }
0x1d: {  	s5 =	simm.s32 @p1 $0x1;
	p0 =	seq.s32 s7, s2  }
0x1e: {  	s7 =	smul.u32 @!p0 $0xF7A, s2;
	p2 =	seq.s32 @!p0 s5, $0x0  }
0x1f: {  	s9 =	smul.u32 $0xF7A, s1;
	s8 =	simm.s32 @!p0 $0x1BF5;
	p2 =	por !p2, p0  }
0x20: {  	[sflag:s8] =	ssyncset.s32 @!p0 $0xFFFFF086;
	s6 =	sadd.s32 @!p0 s3, s7;
	s7 =	simm.s32 @!p0 $0x108  }
0x21: {  	s3 =	sadd.s32 s3, s9;
	s6 =	sadd.s32 @!p0 $0x88, s6;
	s7 =	simm.s32 @p2 $0x1082  }
0x22: {  	[simem:s7], [sflag:s8] =	dma.local @!p0 [hbm:s6], $0xF7A  }
0x23: {  	s9 =	sor.u32 $0xD0000000, s2;
	s6 =	simm.s32 $0x108;
	_ =	swait.ge @!p0 [sflag:s8], $0x0  }
0x24: {  	s3 =	sadd.s32 $0x88, s3;
	s6 =	simm.s32 @!p1 $0x1082;
	[sflag:s4] =	ssyncset.s32 $0xFFFFF086  }
0x25: {  	[simem:s6], [sflag:s4] =	dma.local [hbm:s3], $0xF7A  }
0x26: {  	[smem:$0x3F96] =	sst s1;
	(tag) =	ssettag s2;
	_ =	strace s9  }
0x27: {  	s1 =	sld [smem:$0x3FA6]  }
0x28: {  	s2 =	sld [smem:$0x3FA7]  }
0x29: {  	s4 =	sld [smem:$0x3FA9]  }
0x2a: {  	p0 =	seq.s32 s5, $0x0;
	s5 =	sld [smem:$0x3FAA]  }
0x2b: {  	s6 =	sld [smem:$0x3FAB]  }
0x2c: {  	s7 =	sld [smem:$0x3FAC]  }
0x2d: {  	s3 =	simm.s32 $0x108;
	s8 =	sld [smem:$0x3FAD]  }
0x2e: {  	s3 =	simm.s32 @!p0 $0x1082;
	s9 =	sld [smem:$0x3FAE]  }
0x2f: {  	lr =	sadd.s32 s0, s3;
	s0 =	sld [smem:$0x3FA5]  }
0x30: {  	s3 =	sld [smem:$0x3FA8]  }
0x31: {  	[smem:$0x3FB1] =	sst s10  }
0x32: {  	s10 =	sld [smem:$0x3FAF];
	_ =	sdelay $0x3  }
0x33: {  	p0 =	seq.s32 s10, $0x1;
	s10 =	sld [smem:$0x3FB1];
	_ =	sdelay $0x3  }
0x34: {  	[smem:$0x3FB1] =	sst s10  }
0x35: {  	s10 =	sld [smem:$0x3FB0];
	_ =	sdelay $0x3  }
0x36: {  	p1 =	seq.s32 s10, $0x1;
	s10 =	sld [smem:$0x3FB1];
	_ =	sdelay $0x3  }
0x37: {  	[smem:$0x3FB1] =	sst s10  }
0x38: {  	s10 =	sld [smem:$0x3FB2]  }
0x39: {  	_ = 	snop;
	(pc) =	sbr.ind lr, $3  }
0x3a: {  	_ = 	snop  }
0x3b: {  	_ = 	snop  }
0x3c: {  	p2 =	seq.s32 s10, $0x1;
	s10 =	sld [smem:$0x3FB1]  }
0x3d: {  	_ =	shalt  }
0x3e: {  	_ =	shalt  }
0x3f: {  	_ =	shalt  }
0x40: {  	_ =	shalt  }
0x41: {  	_ =	shalt  }
0x42: {  	_ =	shalt  }
0x43: {  	_ =	shalt  }
0x44: {  	_ =	shalt  }
0x45: {  	_ =	shalt  }
0x46: {  	_ =	shalt  }
0x47: {  	_ =	shalt  }
0x48: {  	_ =	shalt  }
0x49: {  	_ =	shalt  }
0x4a: {  	_ =	shalt  }
0x4b: {  	_ =	shalt  }
0x4c: {  	_ =	shalt  }
0x4d: {  	_ =	shalt  }
0x4e: {  	_ =	shalt  }
0x4f: {  	_ =	shalt  }
0x50: {  	_ =	shalt  }
0x51: {  	_ =	shalt  }
0x52: {  	_ =	shalt  }
0x53: {  	_ =	shalt  }
0x54: {  	_ =	shalt  }
0x55: {  	_ =	shalt  }
0x56: {  	_ =	shalt  }
0x57: {  	_ =	shalt  }
0x58: {  	_ =	shalt  }
0x59: {  	_ =	shalt  }
0x5a: {  	_ =	shalt  }
0x5b: {  	_ =	shalt  }
0x5c: {  	_ =	shalt  }
0x5d: {  	_ =	shalt  }
0x5e: {  	_ =	shalt  }
0x5f: {  	_ =	shalt  }
0x60: {  	_ =	shalt  }
0x61: {  	_ =	shalt  }
0x62: {  	_ =	shalt  }
0x63: {  	_ =	shalt  }
0x64: {  	_ =	shalt  }
0x65: {  	_ =	shalt  }
0x66: {  	_ =	shalt  }
0x67: {  	_ =	shalt  }
0x68: {  	_ =	shalt  }
0x69: {  	_ =	shalt  }
0x6a: {  	_ =	shalt  }
0x6b: {  	_ =	shalt  }
0x6c: {  	_ =	shalt  }
0x6d: {  	_ =	shalt  }
0x6e: {  	_ =	shalt  }
0x6f: {  	_ =	shalt  }
0x70: {  	_ =	shalt  }
0x71: {  	_ =	shalt  }
0x72: {  	_ =	shalt  }
0x73: {  	_ =	shalt  }
0x74: {  	_ =	shalt  }
0x75: {  	_ =	shalt  }
0x76: {  	_ =	shalt  }
0x77: {  	_ =	shalt  }
0x78: {  	_ =	shalt  }
0x79: {  	_ =	shalt  }
0x7a: {  	_ =	shalt  }
0x7b: {  	_ =	shalt  }
0x7c: {  	_ =	shalt  }
0x7d: {  	_ =	shalt  }
0x7e: {  	_ =	shalt  }
0x7f: {  	_ =	shalt  }
0x80: {  	_ =	shalt  }
0x81: {  	_ =	shalt  }
0x82: {  	_ =	shalt  }
0x83: {  	_ =	shalt  }
0x84: {  	_ =	shalt  }
0x85: {  	_ =	shalt  }
0x86: {  	_ =	shalt  }
0x87: {  	_ =	shalt  }
.Lfunc_end0:
.L_simem_size_0:
called_computation.4_lowered:
.L_overlay_start_0:
0x88: {  	s2 =	sld [smem:$0x3FD9]  }
0x89: {  	s3 =	sld [smem:$0x3FFE];
	_ =	sdelay $0x1  }
0x8a: {  	s1 =	srdreg.scid  }
0x8b: {  	s0 =	sand.u32 $0x1, s1  }
0x8c: {  	s16 =	sshll.u32 s0, $0xA;
	s2 =	sadd.s32 s3, s2  }
0x8d: {  	s2 =	sadd.s32 s2, s16  }
0x8e: {  	[smem:$0x3FBD] =	sst s2  }
0x8f: {  	_ = 	snop  }
0x90: {  	(tm) =	ssettm $0x1  }
0x91: {  	s17 =	sld [smem:$0x3FFB];
	_ =	sdelay $0x3  }
0x92: {  	_ =	strace s17  }
0x93: {  	s2 =	sld [smem:$0x3FFC];
	_ =	sdelay $0x3  }
0x94: {  	_ =	strace s2  }
0x95: {  	s2 =	sld [smem:$0x3FFD];
	_ =	sdelay $0x3  }
0x96: {  	_ =	strace s2  }
0x97: {  	_ =	strace $0x8FFFFFFF  }
0x98: {  	s18 =	sld [smem:$0x3FDB];
	_ =	sdelay $0x1  }
0x99: {  	s19 =	simm.s32 $_scs_section_size  }
0x9a: {  	s4 =	simm.s32 $_size__tile_overlayer_lowered;
	s5 =	simm.s32 $_tile_overlayer_lowered  }
0x9b: {  	s22 =	simm.s32 $0x1BFF;
	s21 =	sshll.u32 s5, $0x1;
	s2 =	sadd.s32 s19, s18  }
0x9c: {  	s6 =	simm.s32 $0x0;
	s20 =	sshll.u32 s4, $0x1;
	s4 =	sadd.s32 s21, s2  }
0x9d: {  	[timem:s6], [sflag:s22] =	dma.local [hbm:s4], s20  }
0x9e: {  	_ =	swait.ge [sflag:s22], s20  }
0x9f: {  	s3 =	ssub.s32 $0x0, s20;
	[sflag:s22] =	ssyncset.done $0x0  }
0xa0: {  	[sflag:s22] =	ssyncadd.s32 s3;
	_ =	sdelay $0x1  }
0xa1: {  	s23 =	simm.s32 $0x1B8B  }
0xa2: {  	_ =	swait.ge [sflag:s23], $0x1  }
0xa3: {  	[sflag:s23] =	ssyncset.done $0x0  }
0xa4: {  	s25 =	simm.s32 $0x1B8E;
	s24 =	sld [smem:$0x3FFE];
	[sflag:s23] =	ssyncadd.s32 $0xFFFFFFFF  }
0xa5: {  	s26 =	simm.s32 $execute0_lowered;
	[smem:$0x3FD2] =	sst s25  }
0xa6: {  	s4 =	sshll.u32 s26, $0x1;
	_ =	strace $0x80000052;
	[dreg:$0x1] =	wrdreg $0xFFFFFFFF  }
0xa7: {  	s28 =	simm.s32 $_size_execute0_lowered;
	s2 =	sadd.s32 s2, s4;
	[dreg:$0x0] =	wrdreg $0x0  }
0xa8: {  	s4 =	sshll.u32 s28, $0x1;
	[dreg:$0x2] =	wrdreg s2  }
0xa9: {  	[dreg:$0x3] =	wrdreg s4  }
0xaa: {  	[dreg:$0x4] =	wrdreg $0xC0  }
0xab: {  	_ =	task [dreg:s6], $0x5FFFF  }
0xac: {  	[dreg:$0x1] =	wrdreg $0xFFFFFFFF  }
0xad: {  	[dreg:$0x0] =	wrdreg $0x60  }
0xae: {  	[dreg:$0x2] =	wrdreg s24  }
0xaf: {  	[dreg:$0x3] =	wrdreg $0x0  }
0xb0: {  	[dreg:$0x4] =	wrdreg $0x9  }
0xb1: {  	_ =	task.clear_ibuf [dreg:s6], $0x5FFFF;
	_ =	strace $0x90000052  }
0xb2: {  	s29 =	simm.s32 $0x9;
	_ =	strace $0x80000054  }
0xb3: {  	_ =	swait.ge [sflag:s29], $0x1  }
0xb4: {  	[sflag:s29] =	ssyncadd.s32 $0xFFFFFFFF  }
0xb5: {  	_ =	strace $0x90000054  }
0xb6: {  	_ =	sfence  }
0xb7: {  	s30 =	sld [smem:$0x0];
	_ =	sdelay $0x2  }
0xb8: {  	s31 =	sshll.u32 s1, $0xD;
	s1 =	sshrl.u32 s1, $0x2  }
0xb9: {  	s3 =	sand.u32 $0x4000, s31;
	s1 =	sadd.s32 s1, s30  }
0xba: {  	s0 =	sor.u32 s3, s0;
	s1 =	sshll.u32 s1, $0x11  }
0xbb: {  	s0 =	sor.u32 s1, s0  }
0xbc: {  	s0 =	sadd.s32 $0x8F2B, s0  }
0xbd: {  	[sflag:s0] =	ssyncadd.remote.s32 $0x1  }
0xbe: {  	_ =	sfence.sel $0xFFFF  }
0xbf: {  	[dreg:$0x0] =	wrdreg $0xFFFFFFFF;
	(pc) =	sbr.abs _section_cstart, $3  }
0xc0: {  	[dreg:$0x1] =	wrdreg $0xFFFFFFFF  }
0xc1: {  	_ =	task.clear_ibuf [dreg:s6], $0x2FFFF;
	_ =	strace $0x9FFFFFFF  }
0xc2: {  	(tm) =	ssettm $0x7FFFFFFF  }
0xc3: {  	_ =	shalt  }
tec
execute0_lowered:
.L_overlay_start_1:
0x0: {  	(tag) =	ssettag $0x1  }
0x1: {  	s0 =	rddreg [dreg:$0x0]  }
0x2: {  	s2 =	rddreg [dreg:$0x1]  }
0x3: {  	s1 =	srdreg.scid;
	s11 =	stileid.u32;
	s3 =	simm.s32 $0x0  }
0x4: {  	s18 =	simm.s32 $0x5080;
	s19 =	simm.s32 $0x3;
	s20 =	simm.s32 $0x1880  }
0x5: {  	s21 =	simm.s32 $0x3480;
	s22 =	simm.s32 $0xE00;
	s23 =	simm.s32 $0x2680  }
0x6: {  	s28 =	simm.s32 $0x2;
	s29 =	simm.s32 $0x0;
	s1 =	sand.u32 $0x1, s1  }
0x7: {  	s7 =	smul.u32 $0x1880, s11;
	[smem:$0x7FF] =	sst s3;
	s5 =	sadd.s32 $0x1C0E00, s0  }
0x8: {  	s4 =	sadd.s32 $0x32C00, s0;
	s6 =	smul.u32 $0x18800, s1;
	_ =	strace $0x80000053  }
0x9: {  	s8 =	sshll.u32 s1, $0x4;
	s24 =	ssub.s32 $0x2, s1;
	s1 =	smul.u32 $0xC4000, s1  }
0xa: {  	s8 =	sor.u32 s11, s8;
	s25 =	sshrl.u32 s24, $0x1;
	s11 =	smul.u32 $0xC400, s11  }
0xb: {  	s9 =	sadd.s32 s7, s6;
	s6 =	sadd.s32 $0x1C00, s0;
	s10 =	smul.u32 $0xC400, s8  }
0xc: {  	s7 =	sadd.s32 s7, s2;
	s12 =	ssub.s32 s24, s25;
	s24 =	simm.s32 $0x4280  }
0xd: {  	s25 =	simm.s32 $0x5E80;
	s9 =	sshrl.u32 s9, $0x3;
	s26 =	sadd.s32 $0xE00, s7  }
0xe: {  	s1 =	sadd.s32 s11, s1;
	s12 =	smax.u32 s12, $0x1;
	s0 =	sadd.s32 s9, s0  }
0xf: {  	[dreg:$0x3] =	wrdreg s26;
	s13 =	sshrl.u32 s10, $0x3;
	s14 =	sadd.s32 $0xE00, s1  }
0x10: {  	s15 =	sadd.s32 $0x1C00, s1;
	s26 =	simm.s32 $0x1;
	s30 =	sadd.s32 s5, s13  }
0x11: {  	s10 =	sadd.s32 s6, s13;
	s11 =	sadd.s32 $0x35E00, s0;
	s31 =	sadd.s32 $0x16C0, s13  }
0x12: {  	s17 =	sshrl.u32 s14, $0x3;
	[dreg:$0x4] =	wrdreg s30;
	s13 =	sadd.s32 s5, s31  }
0x13: {  	v0 =	vimm.f32 $0.0e+00;
	s14 =	sadd.s32 s6, s31;
	s16 =	sadd.s32 s17, s6;
	s17 =	sadd.s32 s17, s5  }
.LBB2_1:
0x14: {  	s0 =	simm.s32 $0x40;
	s1 =	simm.s32 $0x0  }
.LBB2_2:
0x15: {  	p0 =	sne.s32 s0, $0x37C0;
	[tilespmem:s1+$0x5080] =	vst v0;
	s1 =	smov.u32 s0;
	s0 =	sadd.s32 $0x40, s0  }
.Ltmp0:
0x16: {  	(pc) =	sbr.rel @p0 .LBB2_2-.Ltmp0, $2  }
0x17: {  	_ =	sdelay $0x2  }
0x18: {  	s1 =	sshra.s32 s1, $0x2  }
0x19: {  	[tilespmem:s1+$0x5080] =	vst v0  }
0x1a: {  	[spmem:s7] =	stream.linear.scatter [tilespmem:s18], [sflag:$0x3], $0xE00, $0x38;
	[tilespmem:$0x6C80] =	vst v63  }
0x1b: {  	_ =	swait.ge [sflag:s19], $0xE00  }
0x1c: {  	[sflag:s19] =	ssyncset.done $0x0  }
0x1d: {  	s0 =	rddreg [dreg:$0x3];
	[sflag:s19] =	ssyncadd.s32 $0xFFFFF200  }
0x1e: {  	[spmem:s0] =	stream.linear.scatter [tilespmem:s18], [sflag:$0x3], $0xA80, $0x38;
	[tilespmem:$0x6C80] =	vst v63  }
0x1f: {  	_ =	swait.ge [sflag:s19], $0xA80  }
0x20: {  	[sflag:s19] =	ssyncset.done $0x0  }
0x21: {  	[sflag:s19] =	ssyncadd.s32 $0xFFFFF580  }
0x22: {  	[bflag:$0x0] =	sbarrier.arrive $0xFFFF  }
0x23: {  	s9 =	simm.s32 $0x0;
	s8 =	rddreg [dreg:$0x4]  }
0x24: {  	[tilespmem:s20], [sflag:$0x3] =	stream.linear.gather [hbm4b:s8+s9], $0xE00, $0x38;
	[tilespmem:$0x6C80] =	vst v63  }
0x25: {  	_ =	swait.ge [sflag:s19], $0xE00  }
0x26: {  	[sflag:s19] =	ssyncset.done $0x0  }
0x27: {  	[sflag:s19] =	ssyncadd.s32 $0xFFFFF200  }
0x28: {  	[tilespmem:s21], [sflag:$0x3] =	stream.linear.gather [hbm4b:s10+s9], $0xE00, $0x38;
	[tilespmem:$0x6C80] =	vst v63  }
0x29: {  	_ =	swait.ge [sflag:s19], $0xE00  }
0x2a: {  	[sflag:s19] =	ssyncset.done $0x0  }
0x2b: {  	[sflag:s19] =	ssyncadd.s32 $0xFFFFF200  }
0x2c: {  	[tilespmem:s18], [sflag:$0x1] =	stream.indirect.gather [hbm4b:s4+s22], $0x1, s20, s22, $0xb8;
	[tilespmem:$0x6C80] =	vst v63  }
0x2d: {  	s9 =	sadd.s32 $0x0, s17  }
0x2e: {  	[tilespmem:s23], [sflag:$0x3] =	stream.linear.gather [hbm4b:s9+s3], $0xE00, $0x38;
	[tilespmem:$0x6C80] =	vst v63  }
0x2f: {  	_ =	swait.ge [sflag:s19], $0xE00  }
0x30: {  	[sflag:s19] =	ssyncset.done $0x0  }
0x31: {  	s1 =	sadd.s32 $0x0, s16;
	[sflag:s19] =	ssyncadd.s32 $0xFFFFF200  }
0x32: {  	[tilespmem:s24], [sflag:$0x3] =	stream.linear.gather [hbm4b:s1+s3], $0xE00, $0x38;
	[tilespmem:$0x6C80] =	vst v63  }
0x33: {  	_ =	swait.ge [sflag:s19], $0xE00  }
0x34: {  	[sflag:s19] =	ssyncset.done $0x0  }
0x35: {  	[sflag:s19] =	ssyncadd.s32 $0xFFFFF200  }
0x36: {  	[tilespmem:s25], [sflag:$0x2] =	stream.indirect.gather [hbm4b:s4+s22], $0x1, s23, s22, $0xb8;
	[tilespmem:$0x6C80] =	vst v63  }
0x37: {  	_ =	swait.ge [sflag:s26], $0xE00  }
0x38: {  	[sflag:s26] =	ssyncset.done $0x0  }
0x39: {  	[sflag:s26] =	ssyncadd.s32 $0xFFFFF200  }
0x3a: {  	[spmem:s2] =	stream.indirect.scatter.add.f32 [tilespmem:s18], [sflag:$0x3], $0x1, s21, s22, $0xb8;
	[tilespmem:$0x6C80] =	vst v63  }
0x3b: {  	_ =	swait.ge [sflag:s19], $0xE00  }
0x3c: {  	s8 =	sshrl.u32 s15, $0x3;
	[sflag:s19] =	ssyncset.done $0x0  }
0x3d: {  	s9 =	sadd.s32 s5, s8;
	[sflag:s19] =	ssyncadd.s32 $0xFFFFF200  }
0x3e: {  	[tilespmem:s20], [sflag:$0x3] =	stream.linear.gather [hbm4b:s9+s3], $0xE00, $0x38;
	[tilespmem:$0x6C80] =	vst v63  }
0x3f: {  	_ =	swait.ge [sflag:s19], $0xE00  }
0x40: {  	[sflag:s19] =	ssyncset.done $0x0  }
0x41: {  	s0 =	sadd.s32 s6, s8;
	[sflag:s19] =	ssyncadd.s32 $0xFFFFF200  }
0x42: {  	[tilespmem:s21], [sflag:$0x3] =	stream.linear.gather [hbm4b:s0+s3], $0xE00, $0x38;
	[tilespmem:$0x6C80] =	vst v63  }
0x43: {  	_ =	swait.ge [sflag:s19], $0xE00  }
0x44: {  	[sflag:s19] =	ssyncset.done $0x0  }
0x45: {  	[sflag:s19] =	ssyncadd.s32 $0xFFFFF200  }
0x46: {  	[tilespmem:s18], [sflag:$0x1] =	stream.indirect.gather [hbm4b:s4+s22], $0x1, s20, s22, $0xb8;
	[tilespmem:$0x6C80] =	vst v63  }
0x47: {  	_ =	swait.ge [sflag:s28], $0xE00  }
0x48: {  	[sflag:s28] =	ssyncset.done $0x0  }
0x49: {  	[sflag:s28] =	ssyncadd.s32 $0xFFFFF200  }
0x4a: {  	[spmem:s2] =	stream.indirect.scatter.add.f32 [tilespmem:s25], [sflag:$0x3], $0x1, s24, s22, $0xb8;
	[tilespmem:$0x6C80] =	vst v63  }
0x4b: {  	s31 =	simm.s32 $0x380;
	_ =	swait.ge [sflag:s19], $0xE00  }
0x4c: {  	s30 =	sadd.s32 $0x1C00, s15;
	s0 =	simm.s32 $0x700;
	[sflag:s19] =	ssyncset.done $0x0  }
.LBB2_4:
0x4d: {  	s8 =	sadd.s32 s31, s17  }
0x4e: {  	[sflag:s19] =	ssyncadd.s32 $0xFFFFF200;
	s9 =	smov.u32 s0;
	s1 =	sadd.s32 $0x380, s0  }
0x4f: {  	[tilespmem:s23], [sflag:$0x3] =	stream.linear.gather [hbm4b:s8+s3], $0xE00, $0x38;
	[tilespmem:$0x6C80] =	vst v63  }
0x50: {  	p0 =	sne.s32 s0, $0x1180;
	_ =	swait.ge [sflag:s19], $0xE00  }
0x51: {  	[sflag:s19] =	ssyncset.done $0x0  }
0x52: {  	s0 =	sadd.s32 s31, s16;
	s31 =	smov.u32 s9;
	[sflag:s19] =	ssyncadd.s32 $0xFFFFF200  }
0x53: {  	[tilespmem:s24], [sflag:$0x3] =	stream.linear.gather [hbm4b:s0+s3], $0xE00, $0x38;
	[tilespmem:$0x6C80] =	vst v63  }
0x54: {  	_ =	swait.ge [sflag:s19], $0xE00  }
0x55: {  	[sflag:s19] =	ssyncset.done $0x0  }
0x56: {  	[sflag:s19] =	ssyncadd.s32 $0xFFFFF200  }
0x57: {  	[tilespmem:s25], [sflag:$0x2] =	stream.indirect.gather [hbm4b:s4+s22], $0x1, s23, s22, $0xb8;
	[tilespmem:$0x6C80] =	vst v63  }
0x58: {  	_ =	swait.ge [sflag:s26], $0xE00  }
0x59: {  	[sflag:s26] =	ssyncset.done $0x0  }
0x5a: {  	[sflag:s26] =	ssyncadd.s32 $0xFFFFF200  }
0x5b: {  	[spmem:s2] =	stream.indirect.scatter.add.f32 [tilespmem:s18], [sflag:$0x3], $0x1, s21, s22, $0xb8;
	[tilespmem:$0x6C80] =	vst v63  }
0x5c: {  	_ =	swait.ge [sflag:s19], $0xE00  }
0x5d: {  	s0 =	sshrl.u32 s30, $0x3;
	[sflag:s19] =	ssyncset.done $0x0  }
0x5e: {  	s8 =	sadd.s32 s5, s0;
	[sflag:s19] =	ssyncadd.s32 $0xFFFFF200  }
0x5f: {  	[tilespmem:s20], [sflag:$0x3] =	stream.linear.gather [hbm4b:s8+s3], $0xE00, $0x38;
	[tilespmem:$0x6C80] =	vst v63  }
0x60: {  	_ =	swait.ge [sflag:s19], $0xE00  }
0x61: {  	[sflag:s19] =	ssyncset.done $0x0  }
0x62: {  	s0 =	sadd.s32 s6, s0;
	[sflag:s19] =	ssyncadd.s32 $0xFFFFF200  }
0x63: {  	[tilespmem:s21], [sflag:$0x3] =	stream.linear.gather [hbm4b:s0+s3], $0xE00, $0x38;
	[tilespmem:$0x6C80] =	vst v63  }
0x64: {  	_ =	swait.ge [sflag:s19], $0xE00  }
0x65: {  	[sflag:s19] =	ssyncset.done $0x0  }
0x66: {  	[sflag:s19] =	ssyncadd.s32 $0xFFFFF200  }
0x67: {  	[tilespmem:s18], [sflag:$0x1] =	stream.indirect.gather [hbm4b:s4+s22], $0x1, s20, s22, $0xb8;
	[tilespmem:$0x6C80] =	vst v63  }
0x68: {  	_ =	swait.ge [sflag:s28], $0xE00  }
.Ltmp1:
0x69: {  	[sflag:s28] =	ssyncset.done $0x0;
	(pc) =	sbr.rel @p0 .LBB2_4-.Ltmp1, $4  }
0x6a: {  	[sflag:s28] =	ssyncadd.s32 $0xFFFFF200  }
0x6b: {  	[spmem:s2] =	stream.indirect.scatter.add.f32 [tilespmem:s25], [sflag:$0x3], $0x1, s24, s22, $0xb8;
	[tilespmem:$0x6C80] =	vst v63  }
0x6c: {  	_ =	swait.ge [sflag:s19], $0xE00  }
0x6d: {  	s30 =	sadd.s32 $0x1C00, s30;
	s0 =	smov.u32 s1;
	[sflag:s19] =	ssyncset.done $0x0  }
0x6e: {  	s0 =	sadd.s32 s31, s17;
	[sflag:s19] =	ssyncadd.s32 $0xFFFFF200  }
0x6f: {  	[tilespmem:s23], [sflag:$0x3] =	stream.linear.gather [hbm4b:s0+s3], $0xE00, $0x38;
	[tilespmem:$0x6C80] =	vst v63  }
0x70: {  	_ =	swait.ge [sflag:s19], $0xE00  }
0x71: {  	[sflag:s19] =	ssyncset.done $0x0  }
0x72: {  	s8 =	sadd.s32 s31, s16;
	[sflag:s19] =	ssyncadd.s32 $0xFFFFF200  }
0x73: {  	[tilespmem:s24], [sflag:$0x3] =	stream.linear.gather [hbm4b:s8+s3], $0xE00, $0x38;
	[tilespmem:$0x6C80] =	vst v63  }
0x74: {  	_ =	swait.ge [sflag:s19], $0xE00  }
0x75: {  	[sflag:s19] =	ssyncset.done $0x0  }
0x76: {  	[sflag:s19] =	ssyncadd.s32 $0xFFFFF200  }
0x77: {  	[tilespmem:s25], [sflag:$0x2] =	stream.indirect.gather [hbm4b:s4+s22], $0x1, s23, s22, $0xb8;
	[tilespmem:$0x6C80] =	vst v63  }
0x78: {  	_ =	swait.ge [sflag:s26], $0xE00  }
0x79: {  	[sflag:s26] =	ssyncset.done $0x0  }
0x7a: {  	[sflag:s26] =	ssyncadd.s32 $0xFFFFF200  }
0x7b: {  	[spmem:s2] =	stream.indirect.scatter.add.f32 [tilespmem:s18], [sflag:$0x3], $0x1, s21, s22, $0xb8;
	[tilespmem:$0x6C80] =	vst v63  }
0x7c: {  	_ =	swait.ge [sflag:s19], $0xE00  }
0x7d: {  	s9 =	sshrl.u32 s30, $0x3;
	[sflag:s19] =	ssyncset.done $0x0  }
0x7e: {  	s1 =	sadd.s32 s5, s9;
	[sflag:s19] =	ssyncadd.s32 $0xFFFFF200  }
0x7f: {  	[tilespmem:s20], [sflag:$0x3] =	stream.linear.gather [hbm4b:s1+s3], $0xE00, $0x38;
	[tilespmem:$0x6C80] =	vst v63  }
0x80: {  	_ =	swait.ge [sflag:s19], $0xE00  }
0x81: {  	[sflag:s19] =	ssyncset.done $0x0  }
0x82: {  	s0 =	sadd.s32 s6, s9;
	[sflag:s19] =	ssyncadd.s32 $0xFFFFF200  }
0x83: {  	[tilespmem:s21], [sflag:$0x3] =	stream.linear.gather [hbm4b:s0+s3], $0xE00, $0x38;
	[tilespmem:$0x6C80] =	vst v63  }
0x84: {  	_ =	swait.ge [sflag:s19], $0xE00  }
0x85: {  	[sflag:s19] =	ssyncset.done $0x0  }
0x86: {  	[sflag:s19] =	ssyncadd.s32 $0xFFFFF200  }
0x87: {  	[tilespmem:s18], [sflag:$0x1] =	stream.indirect.gather [hbm4b:s4+s22], $0x1, s20, s22, $0xb8;
	[tilespmem:$0x6C80] =	vst v63  }
0x88: {  	_ =	swait.ge [sflag:s28], $0xE00  }
0x89: {  	[sflag:s28] =	ssyncset.done $0x0  }
0x8a: {  	[sflag:s28] =	ssyncadd.s32 $0xFFFFF200  }
0x8b: {  	[spmem:s2] =	stream.indirect.scatter.add.f32 [tilespmem:s25], [sflag:$0x3], $0x1, s24, s22, $0xb8;
	[tilespmem:$0x6C80] =	vst v63  }
0x8c: {  	_ =	swait.ge [sflag:s19], $0xE00  }
0x8d: {  	[sflag:s19] =	ssyncset.done $0x0  }
0x8e: {  	[sflag:s19] =	ssyncadd.s32 $0xFFFFF200  }
0x8f: {  	[tilespmem:s23], [sflag:$0x3] =	stream.linear.gather [hbm4b:s13+s3], $0xE00, $0x38;
	[tilespmem:$0x6C80] =	vst v63  }
0x90: {  	_ =	swait.ge [sflag:s19], $0xE00  }
0x91: {  	[sflag:s19] =	ssyncset.done $0x0  }
0x92: {  	[sflag:s19] =	ssyncadd.s32 $0xFFFFF200  }
0x93: {  	[tilespmem:s24], [sflag:$0x3] =	stream.linear.gather [hbm4b:s14+s3], $0xE00, $0x38;
	[tilespmem:$0x6C80] =	vst v63  }
0x94: {  	_ =	swait.ge [sflag:s19], $0xE00  }
0x95: {  	[sflag:s19] =	ssyncset.done $0x0  }
0x96: {  	[sflag:s19] =	ssyncadd.s32 $0xFFFFF200  }
0x97: {  	[tilespmem:s25], [sflag:$0x2] =	stream.indirect.gather [hbm4b:s4+s22], $0x1, s23, s22, $0xb8;
	[tilespmem:$0x6C80] =	vst v63  }
0x98: {  	_ =	swait.ge [sflag:s26], $0xE00  }
0x99: {  	[sflag:s26] =	ssyncset.done $0x0  }
0x9a: {  	[sflag:s26] =	ssyncadd.s32 $0xFFFFF200  }
0x9b: {  	[spmem:s2] =	stream.indirect.scatter.add.f32 [tilespmem:s18], [sflag:$0x3], $0x1, s21, s22, $0xb8;
	[tilespmem:$0x6C80] =	vst v63  }
0x9c: {  	_ =	swait.ge [sflag:s19], $0xE00  }
0x9d: {  	[sflag:s19] =	ssyncset.done $0x0  }
0x9e: {  	[sflag:s19] =	ssyncadd.s32 $0xFFFFF200  }
0x9f: {  	_ =	swait.ge [sflag:s28], $0xE00  }
0xa0: {  	[sflag:s28] =	ssyncset.done $0x0  }
0xa1: {  	[sflag:s28] =	ssyncadd.s32 $0xFFFFF200  }
0xa2: {  	[spmem:s2] =	stream.indirect.scatter.add.f32 [tilespmem:s25], [sflag:$0x3], $0x1, s24, s22, $0xb8;
	[tilespmem:$0x6C80] =	vst v63  }
0xa3: {  	s30 =	stileid.u32;
	_ =	swait.ge [sflag:s19], $0xE00  }
0xa4: {  	s31 =	sshrl.u32 s7, $0x3;
	s29 =	sadd.s32 $0x1, s29;
	[sflag:s19] =	ssyncset.done $0x0  }
0xa5: {  	p0 =	sne.s32 s29, s12;
	s0 =	sshll.u32 s30, $0x6;
	[sflag:s19] =	ssyncadd.s32 $0xFFFFF200  }
.Ltmp2:
0xa6: {  	s0 =	sor.u32 $0x1C03, s0;
	[bflag:$0x0] =	sbarrier.arrive $0xFFFF;
	(pc) =	sbr.rel @p0 .LBB2_1-.Ltmp2, $4  }
0xa7: {  	[hbm:s11], [sflag:s0] =	dma.local [spmem:s31], $0x310  }
0xa8: {  	_ =	swait.ge [sflag:s19], $0x310  }
0xa9: {  	[sflag:s19] =	ssyncset.done $0x0  }
0xaa: {  	[sflag:s19] =	ssyncadd.s32 $0xFFFFFCF0  }
0xab: {  	_ =	sfence.sel $0x180000  }
0xac: {  	[bflag:$0x0] =	sbarrier.arrive $0xFFFF  }
0xad: {  	_ =	strace $0x90000053  }
0xae: {  	s0 =	stileid.u32;
	[bflag:$0x2] =	sbarrier.arrive $0xFFFF  }
0xaf: {  	p0 =	sne.s32 s0, $0x0;
	s0 =	rddreg [dreg:$0x2]  }
0xb0: {  	s0 =	sadd.s32 @!p0 $0x100000, s0  }
0xb1: {  	[sflag:s0] =	ssyncadd.tile.s32 @!p0 $0x1;
	_ =	shalt  }
.Lfunc_end2:
_tile_overlayer_lowered:
.L_overlay_start_2:
0xb2: {  	(tag) =	ssettag $0x2  }
0xb3: {  	s0 =	rddreg [dreg:$0x0];
	s2 =	stileid.u32  }
0xb4: {  	s1 =	rddreg [dreg:$0x1];
	p0 =	sne.s32 s2, $0x0  }
0xb5: {  	s3 =	rddreg [dreg:$0x2];
	[bflag:$0x3] =	sbarrier.arrive $0xFFFF;
	s2 =	simm.s32 @!p0 $0x1C03  }
0xb6: {  	[timem:s3], [sflag:s2] =	dma.local @!p0 [hbm:s0], s1  }
0xb7: {  	s0 =	simm.s32 @!p0 $0x3  }
0xb8: {  	_ =	swait.ge @!p0 [sflag:s0], s1  }
0xb9: {  	s1 =	ssub.s32 @!p0 $0x0, s1;
	[sflag:s0] =	ssyncset.done @!p0 $0x0  }
0xba: {  	[sflag:s0] =	ssyncadd.s32 @!p0 s1  }
0xbb: {  	[bflag:$0x3] =	sbarrier.arrive $0xFFFF  }
0xbc: {  	_ =	shalt  }

</sc_bundles>
